<compile_context>
chip_gen: v7x
topology: tpu7x:2x2x1
jax: 0.10.2.dev20260603
libtpu: 0.0.44.dev20260713+nightly
codegen_flags: <defaults>
</compile_context>

<pallas_src>
import functools

import jax
import jax.numpy as jnp
from jax import lax
from jax.experimental import pallas as pl
from jax.experimental.pallas import tpu as pltpu
from jax.experimental.pallas import tpu_sc as plsc

_INFO = plsc.get_sparse_core_info()
_NC = _INFO.num_cores
_NS = _INFO.num_subcores
_L = _INFO.num_lanes
_NW = _NC * _NS


def _make_glove_kernel(B, V, D):
  BW = B // _NW
  CHUNK = 128
  NCH = BW // CHUNK
  NG = CHUNK // _L
  SLICE = 63

  mesh = plsc.VectorSubcoreMesh(core_axis_name="c", subcore_axis_name="s")

  @functools.partial(
      pl.kernel,
      mesh=mesh,
      out_type=jax.ShapeDtypeStruct((B,), jnp.float32),
      compiler_params=pltpu.CompilerParams(
          needs_layout_passes=False, use_tc_tiling_on_sc=False),
      scratch_types=[
          pltpu.VMEM((BW,), jnp.int32),
          pltpu.VMEM((BW,), jnp.int32),
          pltpu.VMEM((BW, D), jnp.bfloat16),
          pltpu.VMEM((BW, D), jnp.bfloat16),
          pltpu.VMEM_SHARED((V, D), jnp.bfloat16),
          pltpu.VMEM_SHARED((V, D), jnp.bfloat16),
          pltpu.VMEM((V, 1), jnp.float32),
          pltpu.VMEM((V, 1), jnp.float32),
          pltpu.VMEM((_L, _L + 1), jnp.float32),
          pltpu.VMEM((BW,), jnp.float32),
          pltpu.SemaphoreType.DMA,
          pltpu.SemaphoreType.DMA,
          pltpu.SemaphoreType.DMA,
      ],
  )
  def glove(center_hbm, context_hbm, cw_hbm, cb_hbm, xw_hbm, xb_hbm,
            out_hbm, idx_c, idx_x, rows_c, rows_x, cw_sp, xw_sp,
            cb_v, xb_v, tscr, out_v, sem_c, sem_x, sem_b):
    sid = lax.axis_index("s")
    wid = sid * _NC + lax.axis_index("c")
    base = wid * BW

    off = jnp.minimum(sid * SLICE, V - SLICE)
    stage_c = pltpu.async_copy(
        cw_hbm.at[pl.ds(off, SLICE), :], cw_sp.at[pl.ds(off, SLICE), :],
        sem_b)
    stage_x = pltpu.async_copy(
        xw_hbm.at[pl.ds(off, SLICE), :], xw_sp.at[pl.ds(off, SLICE), :],
        sem_b)
    bias_c = pltpu.async_copy(cb_hbm, cb_v, sem_b)
    bias_x = pltpu.async_copy(xb_hbm, xb_v, sem_b)

    pltpu.sync_copy(center_hbm.at[pl.ds(base, BW)], idx_c)
    pltpu.sync_copy(context_hbm.at[pl.ds(base, BW)], idx_x)

    stage_c.wait()
    stage_x.wait()
    bias_c.wait()
    bias_x.wait()
    plsc.subcore_barrier()

    copies = []
    for j in range(NCH):
      copies.append(pltpu.async_copy(
          cw_sp.at[idx_c.at[pl.ds(j * CHUNK, CHUNK)]],
          rows_c.at[pl.ds(j * CHUNK, CHUNK), :], sem_c))
      copies.append(pltpu.async_copy(
          xw_sp.at[idx_x.at[pl.ds(j * CHUNK, CHUNK)]],
          rows_x.at[pl.ds(j * CHUNK, CHUNK), :], sem_x))

    iot = lax.iota(jnp.int32, _L)
    zero = jnp.zeros((_L,), jnp.int32)

    for j in range(NCH):
      copies[2 * j].wait()
      copies[2 * j + 1].wait()

      def group(g, _, j=j):
        rbase = j * CHUNK + g * _L
        svecs = []
        for i in range(_L):
          row = rbase + i
          c0a, c0b = plsc.unpack(rows_c[row, pl.ds(0, 2 * _L)],
                                 format=plsc.PackFormat.INTERLEAVED)
          x0a, x0b = plsc.unpack(rows_x[row, pl.ds(0, 2 * _L)],
                                 format=plsc.PackFormat.INTERLEAVED)
          c1a, c1b = plsc.unpack(rows_c[row, pl.ds(2 * _L, 2 * _L)],
                                 format=plsc.PackFormat.INTERLEAVED)
          x1a, x1b = plsc.unpack(rows_x[row, pl.ds(2 * _L, 2 * _L)],
                                 format=plsc.PackFormat.INTERLEAVED)
          s0 = c0a * x0a + c0b * x0b
          s1 = c1a * x1a + c1b * x1b
          svecs.append(s0 + s1)
        for i in range(_L):
          tscr[i, pl.ds(0, _L)] = svecs[i]
        ci = idx_c[pl.ds(rbase, _L)]
        xi = idx_x[pl.ds(rbase, _L)]
        acc = (plsc.load_gather(cb_v, [ci, zero])
               + plsc.load_gather(xb_v, [xi, zero]))
        for l in range(_L):
          col = plsc.load_gather(
              tscr, [iot, jnp.full((_L,), l, jnp.int32)])
          acc = acc + col
        out_v[pl.ds(rbase, _L)] = acc
        return _

      lax.fori_loop(0, NG, group, 0)

    pltpu.sync_copy(out_v, out_hbm.at[pl.ds(base, BW)])

  return glove


@jax.jit
def kernel(center, context, center_weight, center_bias, context_weight,
           context_bias):
  B = center.shape[0]
  V, D = center_weight.shape
  glove = _make_glove_kernel(B, V, D)
  return glove(center.astype(jnp.int32), context.astype(jnp.int32),
               center_weight.astype(jnp.bfloat16), center_bias,
               context_weight.astype(jnp.bfloat16), context_bias)

# --- scband reference (transcript-rebuilt; emitter-appended) ---
"""Pipeline reference for scband-glove-53996328845901 (READ-ONLY COPY).

The authoritative reference and input builder live on the scoring server;
editing this copy changes nothing except your own understanding.
"""

import jax, jax.numpy as jnp
import numpy as np

V = 1000
D = 64
B = 16384

def setup_inputs(seed: int = 0) -> dict:
    key = jax.random.key(seed)
    ks = jax.random.split(key, 6)
    center = jax.random.randint(ks[0], (B,), 0, V)
    context = jax.random.randint(ks[1], (B,), 0, V)
    center_weight = jax.random.normal(ks[2], (V, D), dtype=jnp.float32)
    center_bias = jax.random.normal(ks[3], (V, 1), dtype=jnp.float32)
    context_weight = jax.random.normal(ks[4], (V, D), dtype=jnp.float32)
    context_bias = jax.random.normal(ks[5], (V, 1), dtype=jnp.float32)
    return {
        'center': center,
        'context': context,
        'center_weight': center_weight,
        'center_bias': center_bias,
        'context_weight': context_weight,
        'context_bias': context_bias,
    }

def reference(center, context, center_weight, center_bias, context_weight, context_bias):
    # center_embedding(center).unsqueeze(1) @ context_embedding(context).unsqueeze(-1)
    # == rowwise dot product of the gathered embeddings
    ce = jnp.take(center_weight, center, axis=0)          # [B, D]
    xe = jnp.take(context_weight, context, axis=0)        # [B, D]
    prediction = jnp.sum(ce * xe, axis=-1)                # bmm([B,1,D],[B,D,1]).squeeze() -> [B]
    prediction = prediction + jnp.take(context_bias, context, axis=0)[:, 0] \
                            + jnp.take(center_bias, center, axis=0)[:, 0]
    return prediction

if __name__ == "__main__":
    import jax
    _d = setup_inputs()
    print(jax.jit(kernel)(*tuple(_d.values())))

</pallas_src>

<mosaic_0001>
#map = affine_map<(d0, d1) -> (0)>
#map1 = affine_map<(d0, d1) -> (0, 0)>
module attributes {stable_mosaic.version = 14 : i64} {
  func.func @glove(%arg0: i32, %arg1: i32, %arg2: memref<16384xi32, #tpu.memory_space<hbm>>, %arg3: memref<16384xi32, #tpu.memory_space<hbm>>, %arg4: memref<1000x64xbf16, #tpu.memory_space<hbm>>, %arg5: memref<1000x1xf32, #tpu.memory_space<hbm>>, %arg6: memref<1000x64xbf16, #tpu.memory_space<hbm>>, %arg7: memref<1000x1xf32, #tpu.memory_space<hbm>>, %arg8: memref<16384xf32, #tpu.memory_space<hbm>>, %arg9: memref<512xi32, #tpu.memory_space<vmem>>, %arg10: memref<512xi32, #tpu.memory_space<vmem>>, %arg11: memref<512x64xbf16, #tpu.memory_space<vmem>>, %arg12: memref<512x64xbf16, #tpu.memory_space<vmem>>, %arg13: memref<1000x64xbf16, #tpu.memory_space<vmem_shared>>, %arg14: memref<1000x64xbf16, #tpu.memory_space<vmem_shared>>, %arg15: memref<1000x1xf32, #tpu.memory_space<vmem>>, %arg16: memref<1000x1xf32, #tpu.memory_space<vmem>>, %arg17: memref<16x17xf32, #tpu.memory_space<vmem>>, %arg18: memref<512xf32, #tpu.memory_space<vmem>>, %arg19: memref<!tpu.dma_semaphore, #tpu.memory_space<semaphore_mem>>, %arg20: memref<!tpu.dma_semaphore, #tpu.memory_space<semaphore_mem>>, %arg21: memref<!tpu.dma_semaphore, #tpu.memory_space<semaphore_mem>>) attributes {dimension_semantics = [#tpu.dimension_semantics<core_parallel>, #tpu.dimension_semantics<subcore_parallel>], iteration_bounds = array<i64: 2, 16>, scalar_prefetch = 0 : i64, scratch_operands = 13 : i64, tpu.core_type = #tpu.core_type<sc_vector_subcore>, window_params = [{transform_indices = #map}, {transform_indices = #map}, {transform_indices = #map1}, {transform_indices = #map1}, {transform_indices = #map1}, {transform_indices = #map1}, {transform_indices = #map}]} {
    %mul3A = arith.constant 2 : i32
    %mul3A_0 = arith.muli %arg1, %mul3A : i32
    %add3A = arith.addi %mul3A_0, %arg0 : i32
    %mul3A_1 = arith.constant 512 : i32
    %mul3A_2 = arith.muli %add3A, %mul3A_1 : i32
    %mul3A_3 = arith.constant 63 : i32
    %mul3A_4 = arith.muli %arg1, %mul3A_3 : i32
    %min3A = arith.constant 937 : i32
    %min3A_5 = arith.minsi %mul3A_4, %min3A : i32
    %dma_start3A = arith.constant 0 : i32
    %dma_start3A_6 = tpu.memref_slice %arg13[%min3A_5, %dma_start3A] : memref<1000x64xbf16, #tpu.memory_space<vmem_shared>> -> memref<63x64xbf16, #tpu.memory_space<vmem_shared>>
    %dma_start3A_7 = arith.constant 0 : i32
    %dma_start3A_8 = tpu.memref_slice %arg4[%min3A_5, %dma_start3A_7] : memref<1000x64xbf16, #tpu.memory_space<hbm>> -> memref<63x64xbf16, #tpu.memory_space<hbm>>
    tpu.enqueue_dma source(%dma_start3A_8 : memref<63x64xbf16, #tpu.memory_space<hbm>>) target(%dma_start3A_6 : memref<63x64xbf16, #tpu.memory_space<vmem_shared>>) target_semaphore(%arg21 : memref<!tpu.dma_semaphore, #tpu.memory_space<semaphore_mem>>)
    %dma_start3A_9 = arith.constant 0 : i32
    %dma_start3A_10 = tpu.memref_slice %arg14[%min3A_5, %dma_start3A_9] : memref<1000x64xbf16, #tpu.memory_space<vmem_shared>> -> memref<63x64xbf16, #tpu.memory_space<vmem_shared>>
    %dma_start3A_11 = arith.constant 0 : i32
    %dma_start3A_12 = tpu.memref_slice %arg6[%min3A_5, %dma_start3A_11] : memref<1000x64xbf16, #tpu.memory_space<hbm>> -> memref<63x64xbf16, #tpu.memory_space<hbm>>
    tpu.enqueue_dma source(%dma_start3A_12 : memref<63x64xbf16, #tpu.memory_space<hbm>>) target(%dma_start3A_10 : memref<63x64xbf16, #tpu.memory_space<vmem_shared>>) target_semaphore(%arg21 : memref<!tpu.dma_semaphore, #tpu.memory_space<semaphore_mem>>)
    tpu.enqueue_dma source(%arg5 : memref<1000x1xf32, #tpu.memory_space<hbm>>) target(%arg15 : memref<1000x1xf32, #tpu.memory_space<vmem>>) target_semaphore(%arg21 : memref<!tpu.dma_semaphore, #tpu.memory_space<semaphore_mem>>)
    tpu.enqueue_dma source(%arg7 : memref<1000x1xf32, #tpu.memory_space<hbm>>) target(%arg16 : memref<1000x1xf32, #tpu.memory_space<vmem>>) target_semaphore(%arg21 : memref<!tpu.dma_semaphore, #tpu.memory_space<semaphore_mem>>)
    "tpu.region"() ({
      %run_scoped3A = tpu.sem_alloc : memref<!tpu.dma_semaphore, #tpu.memory_space<semaphore_mem>>
      %dma_start3A_172 = tpu.memref_slice %arg2[%mul3A_2] : memref<16384xi32, #tpu.memory_space<hbm>> -> memref<512xi32, #tpu.memory_space<hbm>>
      %dma_start3A_173 = tpu.memref_slice %arg2[%mul3A_2] : memref<16384xi32, #tpu.memory_space<hbm>> -> memref<512xi32, #tpu.memory_space<hbm>>
      tpu.enqueue_dma source(%dma_start3A_173 : memref<512xi32, #tpu.memory_space<hbm>>) target(%arg9 : memref<512xi32, #tpu.memory_space<vmem>>) target_semaphore(%run_scoped3A : memref<!tpu.dma_semaphore, #tpu.memory_space<semaphore_mem>>)
      %dma_wait3A_174 = tpu.memref_slice %arg2[%mul3A_2] : memref<16384xi32, #tpu.memory_space<hbm>> -> memref<512xi32, #tpu.memory_space<hbm>>
      %dma_wait3A_175 = tpu.memref_slice %arg2[%mul3A_2] : memref<16384xi32, #tpu.memory_space<hbm>> -> memref<512xi32, #tpu.memory_space<hbm>>
      tpu.wait_dma2 semaphore(%run_scoped3A : memref<!tpu.dma_semaphore, #tpu.memory_space<semaphore_mem>>) src(%dma_wait3A_175 : memref<512xi32, #tpu.memory_space<hbm>>) dst(%arg9 : memref<512xi32, #tpu.memory_space<vmem>>)
      tpu.yield
    }) : () -> ()
    "tpu.region"() ({
      %run_scoped3A = tpu.sem_alloc : memref<!tpu.dma_semaphore, #tpu.memory_space<semaphore_mem>>
      %dma_start3A_172 = tpu.memref_slice %arg3[%mul3A_2] : memref<16384xi32, #tpu.memory_space<hbm>> -> memref<512xi32, #tpu.memory_space<hbm>>
      %dma_start3A_173 = tpu.memref_slice %arg3[%mul3A_2] : memref<16384xi32, #tpu.memory_space<hbm>> -> memref<512xi32, #tpu.memory_space<hbm>>
      tpu.enqueue_dma source(%dma_start3A_173 : memref<512xi32, #tpu.memory_space<hbm>>) target(%arg10 : memref<512xi32, #tpu.memory_space<vmem>>) target_semaphore(%run_scoped3A : memref<!tpu.dma_semaphore, #tpu.memory_space<semaphore_mem>>)
      %dma_wait3A_174 = tpu.memref_slice %arg3[%mul3A_2] : memref<16384xi32, #tpu.memory_space<hbm>> -> memref<512xi32, #tpu.memory_space<hbm>>
      %dma_wait3A_175 = tpu.memref_slice %arg3[%mul3A_2] : memref<16384xi32, #tpu.memory_space<hbm>> -> memref<512xi32, #tpu.memory_space<hbm>>
      tpu.wait_dma2 semaphore(%run_scoped3A : memref<!tpu.dma_semaphore, #tpu.memory_space<semaphore_mem>>) src(%dma_wait3A_175 : memref<512xi32, #tpu.memory_space<hbm>>) dst(%arg10 : memref<512xi32, #tpu.memory_space<vmem>>)
      tpu.yield
    }) : () -> ()
    %dma_wait3A = arith.constant 0 : i32
    %dma_wait3A_13 = tpu.memref_slice %arg13[%min3A_5, %dma_wait3A] : memref<1000x64xbf16, #tpu.memory_space<vmem_shared>> -> memref<63x64xbf16, #tpu.memory_space<vmem_shared>>
    %dma_wait3A_14 = arith.constant 0 : i32
    %dma_wait3A_15 = tpu.memref_slice %arg4[%min3A_5, %dma_wait3A_14] : memref<1000x64xbf16, #tpu.memory_space<hbm>> -> memref<63x64xbf16, #tpu.memory_space<hbm>>
    tpu.wait_dma2 semaphore(%arg21 : memref<!tpu.dma_semaphore, #tpu.memory_space<semaphore_mem>>) src(%dma_wait3A_15 : memref<63x64xbf16, #tpu.memory_space<hbm>>) dst(%dma_wait3A_13 : memref<63x64xbf16, #tpu.memory_space<vmem_shared>>)
    %dma_wait3A_16 = arith.constant 0 : i32
    %dma_wait3A_17 = tpu.memref_slice %arg14[%min3A_5, %dma_wait3A_16] : memref<1000x64xbf16, #tpu.memory_space<vmem_shared>> -> memref<63x64xbf16, #tpu.memory_space<vmem_shared>>
    %dma_wait3A_18 = arith.constant 0 : i32
    %dma_wait3A_19 = tpu.memref_slice %arg6[%min3A_5, %dma_wait3A_18] : memref<1000x64xbf16, #tpu.memory_space<hbm>> -> memref<63x64xbf16, #tpu.memory_space<hbm>>
    tpu.wait_dma2 semaphore(%arg21 : memref<!tpu.dma_semaphore, #tpu.memory_space<semaphore_mem>>) src(%dma_wait3A_19 : memref<63x64xbf16, #tpu.memory_space<hbm>>) dst(%dma_wait3A_17 : memref<63x64xbf16, #tpu.memory_space<vmem_shared>>)
    tpu.wait_dma2 semaphore(%arg21 : memref<!tpu.dma_semaphore, #tpu.memory_space<semaphore_mem>>) src(%arg5 : memref<1000x1xf32, #tpu.memory_space<hbm>>) dst(%arg15 : memref<1000x1xf32, #tpu.memory_space<vmem>>)
    tpu.wait_dma2 semaphore(%arg21 : memref<!tpu.dma_semaphore, #tpu.memory_space<semaphore_mem>>) src(%arg7 : memref<1000x1xf32, #tpu.memory_space<hbm>>) dst(%arg16 : memref<1000x1xf32, #tpu.memory_space<vmem>>)
    %barrier3A = arith.constant 0 : index
    tpu.barrier barrier_id(%barrier3A)
    %dma_start3A_20 = arith.constant 0 : i32
    %dma_start3A_21 = arith.constant 0 : i32
    %dma_start3A_22 = tpu.memref_slice %arg11[%dma_start3A_20, %dma_start3A_21] : memref<512x64xbf16, #tpu.memory_space<vmem>> -> memref<128x64xbf16, #tpu.memory_space<vmem>>
    %dma_start3A_23 = arith.constant 0 : i32
    %dma_start3A_24 = tpu.memref_slice %arg9[%dma_start3A_23] : memref<512xi32, #tpu.memory_space<vmem>> -> memref<128xi32, #tpu.memory_space<vmem>>
    %dma_start3A_25 = arith.constant 0 : i32
    %dma_start3A_26 = arith.constant 0 : i32
    %dma_start3A_27 = tpu.memref_slice %arg13[%dma_start3A_25, %dma_start3A_26] : memref<1000x64xbf16, #tpu.memory_space<vmem_shared>> -> memref<1000x64xbf16, #tpu.memory_space<vmem_shared>>
    tpu.enqueue_indirect_dma source(%dma_start3A_27 : memref<1000x64xbf16, #tpu.memory_space<vmem_shared>>) target(%dma_start3A_22 : memref<128x64xbf16, #tpu.memory_space<vmem>>) offsets(%dma_start3A_24 : memref<128xi32, #tpu.memory_space<vmem>>) semaphore(%arg19 : memref<!tpu.dma_semaphore, #tpu.memory_space<semaphore_mem>>)
    %dma_start3A_28 = arith.constant 0 : i32
    %dma_start3A_29 = arith.constant 0 : i32
    %dma_start3A_30 = tpu.memref_slice %arg12[%dma_start3A_28, %dma_start3A_29] : memref<512x64xbf16, #tpu.memory_space<vmem>> -> memref<128x64xbf16, #tpu.memory_space<vmem>>
    %dma_start3A_31 = arith.constant 0 : i32
    %dma_start3A_32 = tpu.memref_slice %arg10[%dma_start3A_31] : memref<512xi32, #tpu.memory_space<vmem>> -> memref<128xi32, #tpu.memory_space<vmem>>
    %dma_start3A_33 = arith.constant 0 : i32
    %dma_start3A_34 = arith.constant 0 : i32
    %dma_start3A_35 = tpu.memref_slice %arg14[%dma_start3A_33, %dma_start3A_34] : memref<1000x64xbf16, #tpu.memory_space<vmem_shared>> -> memref<1000x64xbf16, #tpu.memory_space<vmem_shared>>
    tpu.enqueue_indirect_dma source(%dma_start3A_35 : memref<1000x64xbf16, #tpu.memory_space<vmem_shared>>) target(%dma_start3A_30 : memref<128x64xbf16, #tpu.memory_space<vmem>>) offsets(%dma_start3A_32 : memref<128xi32, #tpu.memory_space<vmem>>) semaphore(%arg20 : memref<!tpu.dma_semaphore, #tpu.memory_space<semaphore_mem>>)
    %dma_start3A_36 = arith.constant 128 : i32
    %dma_start3A_37 = arith.constant 0 : i32
    %dma_start3A_38 = tpu.memref_slice %arg11[%dma_start3A_36, %dma_start3A_37] : memref<512x64xbf16, #tpu.memory_space<vmem>> -> memref<128x64xbf16, #tpu.memory_space<vmem>>
    %dma_start3A_39 = arith.constant 128 : i32
    %dma_start3A_40 = tpu.memref_slice %arg9[%dma_start3A_39] : memref<512xi32, #tpu.memory_space<vmem>> -> memref<128xi32, #tpu.memory_space<vmem>>
    %dma_start3A_41 = arith.constant 0 : i32
    %dma_start3A_42 = arith.constant 0 : i32
    %dma_start3A_43 = tpu.memref_slice %arg13[%dma_start3A_41, %dma_start3A_42] : memref<1000x64xbf16, #tpu.memory_space<vmem_shared>> -> memref<1000x64xbf16, #tpu.memory_space<vmem_shared>>
    tpu.enqueue_indirect_dma source(%dma_start3A_43 : memref<1000x64xbf16, #tpu.memory_space<vmem_shared>>) target(%dma_start3A_38 : memref<128x64xbf16, #tpu.memory_space<vmem>>) offsets(%dma_start3A_40 : memref<128xi32, #tpu.memory_space<vmem>>) semaphore(%arg19 : memref<!tpu.dma_semaphore, #tpu.memory_space<semaphore_mem>>)
    %dma_start3A_44 = arith.constant 128 : i32
    %dma_start3A_45 = arith.constant 0 : i32
    %dma_start3A_46 = tpu.memref_slice %arg12[%dma_start3A_44, %dma_start3A_45] : memref<512x64xbf16, #tpu.memory_space<vmem>> -> memref<128x64xbf16, #tpu.memory_space<vmem>>
    %dma_start3A_47 = arith.constant 128 : i32
    %dma_start3A_48 = tpu.memref_slice %arg10[%dma_start3A_47] : memref<512xi32, #tpu.memory_space<vmem>> -> memref<128xi32, #tpu.memory_space<vmem>>
    %dma_start3A_49 = arith.constant 0 : i32
    %dma_start3A_50 = arith.constant 0 : i32
    %dma_start3A_51 = tpu.memref_slice %arg14[%dma_start3A_49, %dma_start3A_50] : memref<1000x64xbf16, #tpu.memory_space<vmem_shared>> -> memref<1000x64xbf16, #tpu.memory_space<vmem_shared>>
    tpu.enqueue_indirect_dma source(%dma_start3A_51 : memref<1000x64xbf16, #tpu.memory_space<vmem_shared>>) target(%dma_start3A_46 : memref<128x64xbf16, #tpu.memory_space<vmem>>) offsets(%dma_start3A_48 : memref<128xi32, #tpu.memory_space<vmem>>) semaphore(%arg20 : memref<!tpu.dma_semaphore, #tpu.memory_space<semaphore_mem>>)
    %dma_start3A_52 = arith.constant 256 : i32
    %dma_start3A_53 = arith.constant 0 : i32
    %dma_start3A_54 = tpu.memref_slice %arg11[%dma_start3A_52, %dma_start3A_53] : memref<512x64xbf16, #tpu.memory_space<vmem>> -> memref<128x64xbf16, #tpu.memory_space<vmem>>
    %dma_start3A_55 = arith.constant 256 : i32
    %dma_start3A_56 = tpu.memref_slice %arg9[%dma_start3A_55] : memref<512xi32, #tpu.memory_space<vmem>> -> memref<128xi32, #tpu.memory_space<vmem>>
    %dma_start3A_57 = arith.constant 0 : i32
    %dma_start3A_58 = arith.constant 0 : i32
    %dma_start3A_59 = tpu.memref_slice %arg13[%dma_start3A_57, %dma_start3A_58] : memref<1000x64xbf16, #tpu.memory_space<vmem_shared>> -> memref<1000x64xbf16, #tpu.memory_space<vmem_shared>>
    tpu.enqueue_indirect_dma source(%dma_start3A_59 : memref<1000x64xbf16, #tpu.memory_space<vmem_shared>>) target(%dma_start3A_54 : memref<128x64xbf16, #tpu.memory_space<vmem>>) offsets(%dma_start3A_56 : memref<128xi32, #tpu.memory_space<vmem>>) semaphore(%arg19 : memref<!tpu.dma_semaphore, #tpu.memory_space<semaphore_mem>>)
    %dma_start3A_60 = arith.constant 256 : i32
    %dma_start3A_61 = arith.constant 0 : i32
    %dma_start3A_62 = tpu.memref_slice %arg12[%dma_start3A_60, %dma_start3A_61] : memref<512x64xbf16, #tpu.memory_space<vmem>> -> memref<128x64xbf16, #tpu.memory_space<vmem>>
    %dma_start3A_63 = arith.constant 256 : i32
    %dma_start3A_64 = tpu.memref_slice %arg10[%dma_start3A_63] : memref<512xi32, #tpu.memory_space<vmem>> -> memref<128xi32, #tpu.memory_space<vmem>>
    %dma_start3A_65 = arith.constant 0 : i32
    %dma_start3A_66 = arith.constant 0 : i32
    %dma_start3A_67 = tpu.memref_slice %arg14[%dma_start3A_65, %dma_start3A_66] : memref<1000x64xbf16, #tpu.memory_space<vmem_shared>> -> memref<1000x64xbf16, #tpu.memory_space<vmem_shared>>
    tpu.enqueue_indirect_dma source(%dma_start3A_67 : memref<1000x64xbf16, #tpu.memory_space<vmem_shared>>) target(%dma_start3A_62 : memref<128x64xbf16, #tpu.memory_space<vmem>>) offsets(%dma_start3A_64 : memref<128xi32, #tpu.memory_space<vmem>>) semaphore(%arg20 : memref<!tpu.dma_semaphore, #tpu.memory_space<semaphore_mem>>)
    %dma_start3A_68 = arith.constant 384 : i32
    %dma_start3A_69 = arith.constant 0 : i32
    %dma_start3A_70 = tpu.memref_slice %arg11[%dma_start3A_68, %dma_start3A_69] : memref<512x64xbf16, #tpu.memory_space<vmem>> -> memref<128x64xbf16, #tpu.memory_space<vmem>>
    %dma_start3A_71 = arith.constant 384 : i32
    %dma_start3A_72 = tpu.memref_slice %arg9[%dma_start3A_71] : memref<512xi32, #tpu.memory_space<vmem>> -> memref<128xi32, #tpu.memory_space<vmem>>
    %dma_start3A_73 = arith.constant 0 : i32
    %dma_start3A_74 = arith.constant 0 : i32
    %dma_start3A_75 = tpu.memref_slice %arg13[%dma_start3A_73, %dma_start3A_74] : memref<1000x64xbf16, #tpu.memory_space<vmem_shared>> -> memref<1000x64xbf16, #tpu.memory_space<vmem_shared>>
    tpu.enqueue_indirect_dma source(%dma_start3A_75 : memref<1000x64xbf16, #tpu.memory_space<vmem_shared>>) target(%dma_start3A_70 : memref<128x64xbf16, #tpu.memory_space<vmem>>) offsets(%dma_start3A_72 : memref<128xi32, #tpu.memory_space<vmem>>) semaphore(%arg19 : memref<!tpu.dma_semaphore, #tpu.memory_space<semaphore_mem>>)
    %dma_start3A_76 = arith.constant 384 : i32
    %dma_start3A_77 = arith.constant 0 : i32
    %dma_start3A_78 = tpu.memref_slice %arg12[%dma_start3A_76, %dma_start3A_77] : memref<512x64xbf16, #tpu.memory_space<vmem>> -> memref<128x64xbf16, #tpu.memory_space<vmem>>
    %dma_start3A_79 = arith.constant 384 : i32
    %dma_start3A_80 = tpu.memref_slice %arg10[%dma_start3A_79] : memref<512xi32, #tpu.memory_space<vmem>> -> memref<128xi32, #tpu.memory_space<vmem>>
    %dma_start3A_81 = arith.constant 0 : i32
    %dma_start3A_82 = arith.constant 0 : i32
    %dma_start3A_83 = tpu.memref_slice %arg14[%dma_start3A_81, %dma_start3A_82] : memref<1000x64xbf16, #tpu.memory_space<vmem_shared>> -> memref<1000x64xbf16, #tpu.memory_space<vmem_shared>>
    tpu.enqueue_indirect_dma source(%dma_start3A_83 : memref<1000x64xbf16, #tpu.memory_space<vmem_shared>>) target(%dma_start3A_78 : memref<128x64xbf16, #tpu.memory_space<vmem>>) offsets(%dma_start3A_80 : memref<128xi32, #tpu.memory_space<vmem>>) semaphore(%arg20 : memref<!tpu.dma_semaphore, #tpu.memory_space<semaphore_mem>>)
    %iota3A = tpu.iota {dimensions = array<i32: 0>} : vector<16xi32>
    %broadcast_in_dim3A = arith.constant 0 : i32
    %broadcast_in_dim3A_84 = vector.broadcast %broadcast_in_dim3A : i32 to vector<16xi32>
    %dma_wait3A_85 = arith.constant 0 : i32
    %dma_wait3A_86 = arith.constant 0 : i32
    %dma_wait3A_87 = tpu.memref_slice %arg11[%dma_wait3A_85, %dma_wait3A_86] : memref<512x64xbf16, #tpu.memory_space<vmem>> -> memref<128x64xbf16, #tpu.memory_space<vmem>>
    %dma_wait3A_88 = arith.constant 0 : i32
    %dma_wait3A_89 = tpu.memref_slice %arg9[%dma_wait3A_88] : memref<512xi32, #tpu.memory_space<vmem>> -> memref<128xi32, #tpu.memory_space<vmem>>
    %dma_wait3A_90 = arith.constant 0 : i32
    %dma_wait3A_91 = arith.constant 0 : i32
    %dma_wait3A_92 = tpu.memref_slice %arg13[%dma_wait3A_90, %dma_wait3A_91] : memref<1000x64xbf16, #tpu.memory_space<vmem_shared>> -> memref<1000x64xbf16, #tpu.memory_space<vmem_shared>>
    tpu.wait_indirect_dma semaphore(%arg19 : memref<!tpu.dma_semaphore, #tpu.memory_space<semaphore_mem>>) src(%dma_wait3A_92 : memref<1000x64xbf16, #tpu.memory_space<vmem_shared>>) dst(%dma_wait3A_87 : memref<128x64xbf16, #tpu.memory_space<vmem>>)
    %dma_wait3A_93 = arith.constant 0 : i32
    %dma_wait3A_94 = arith.constant 0 : i32
    %dma_wait3A_95 = tpu.memref_slice %arg12[%dma_wait3A_93, %dma_wait3A_94] : memref<512x64xbf16, #tpu.memory_space<vmem>> -> memref<128x64xbf16, #tpu.memory_space<vmem>>
    %dma_wait3A_96 = arith.constant 0 : i32
    %dma_wait3A_97 = tpu.memref_slice %arg10[%dma_wait3A_96] : memref<512xi32, #tpu.memory_space<vmem>> -> memref<128xi32, #tpu.memory_space<vmem>>
    %dma_wait3A_98 = arith.constant 0 : i32
    %dma_wait3A_99 = arith.constant 0 : i32
    %dma_wait3A_100 = tpu.memref_slice %arg14[%dma_wait3A_98, %dma_wait3A_99] : memref<1000x64xbf16, #tpu.memory_space<vmem_shared>> -> memref<1000x64xbf16, #tpu.memory_space<vmem_shared>>
    tpu.wait_indirect_dma semaphore(%arg20 : memref<!tpu.dma_semaphore, #tpu.memory_space<semaphore_mem>>) src(%dma_wait3A_100 : memref<1000x64xbf16, #tpu.memory_space<vmem_shared>>) dst(%dma_wait3A_95 : memref<128x64xbf16, #tpu.memory_space<vmem>>)
    %scan3A = arith.constant 0 : i32
    %scan3A_101 = arith.constant 0 : i32
    %scan3A_102 = arith.constant 8 : i32
    %scan3A_103 = arith.addi %scan3A_101, %scan3A_102 : i32
    %scan3A_104 = arith.constant 1 : i32
    scf.for %scan3A_172 = %scan3A_101 to %scan3A_103 step %scan3A_104  : i32 {
      %mul3A_173 = arith.constant 16 : i32
      %mul3A_174 = arith.muli %scan3A_172, %mul3A_173 : i32
      %add3A_175 = arith.constant 0 : i32
      %add3A_176 = arith.addi %add3A_175, %mul3A_174 : i32
      %add3A_177 = arith.constant 0 : i32
      %add3A_178 = arith.addi %add3A_176, %add3A_177 : i32
      %get3A = arith.index_cast %add3A_178 : i32 to index
      %get3A_179 = arith.constant 0 : index
      %get3A_180 = tpu.vector_load %arg11[%get3A, %get3A_179] {strides = array<i32>} : memref<512x64xbf16, #tpu.memory_space<vmem>>, vector<32xbf16>,
      %unpack3A = tpu.unpack_subelements %get3A_180, 0 {pack_format = #tpu.pack_format<interleaved>} : vector<32xbf16> -> vector<16xf32>
      %unpack3A_181 = tpu.unpack_subelements %get3A_180, 1 {pack_format = #tpu.pack_format<interleaved>} : vector<32xbf16> -> vector<16xf32>
      %get3A_182 = arith.index_cast %add3A_178 : i32 to index
      %get3A_183 = arith.constant 0 : index
      %get3A_184 = tpu.vector_load %arg12[%get3A_182, %get3A_183] {strides = array<i32>} : memref<512x64xbf16, #tpu.memory_space<vmem>>, vector<32xbf16>,
      %unpack3A_185 = tpu.unpack_subelements %get3A_184, 0 {pack_format = #tpu.pack_format<interleaved>} : vector<32xbf16> -> vector<16xf32>
      %unpack3A_186 = tpu.unpack_subelements %get3A_184, 1 {pack_format = #tpu.pack_format<interleaved>} : vector<32xbf16> -> vector<16xf32>
      %get3A_187 = arith.index_cast %add3A_178 : i32 to index
      %get3A_188 = arith.constant 32 : index
      %get3A_189 = tpu.vector_load %arg11[%get3A_187, %get3A_188] {strides = array<i32>} : memref<512x64xbf16, #tpu.memory_space<vmem>>, vector<32xbf16>,
      %unpack3A_190 = tpu.unpack_subelements %get3A_189, 0 {pack_format = #tpu.pack_format<interleaved>} : vector<32xbf16> -> vector<16xf32>
      %unpack3A_191 = tpu.unpack_subelements %get3A_189, 1 {pack_format = #tpu.pack_format<interleaved>} : vector<32xbf16> -> vector<16xf32>
      %get3A_192 = arith.index_cast %add3A_178 : i32 to index
      %get3A_193 = arith.constant 32 : index
      %get3A_194 = tpu.vector_load %arg12[%get3A_192, %get3A_193] {strides = array<i32>} : memref<512x64xbf16, #tpu.memory_space<vmem>>, vector<32xbf16>,
      %unpack3A_195 = tpu.unpack_subelements %get3A_194, 0 {pack_format = #tpu.pack_format<interleaved>} : vector<32xbf16> -> vector<16xf32>
      %unpack3A_196 = tpu.unpack_subelements %get3A_194, 1 {pack_format = #tpu.pack_format<interleaved>} : vector<32xbf16> -> vector<16xf32>
      %mul3A_197 = arith.mulf %unpack3A, %unpack3A_185 : vector<16xf32>
      %mul3A_198 = arith.mulf %unpack3A_181, %unpack3A_186 : vector<16xf32>
      %add3A_199 = arith.addf %mul3A_197, %mul3A_198 : vector<16xf32>
      %mul3A_200 = arith.mulf %unpack3A_190, %unpack3A_195 : vector<16xf32>
      %mul3A_201 = arith.mulf %unpack3A_191, %unpack3A_196 : vector<16xf32>
      %add3A_202 = arith.addf %mul3A_200, %mul3A_201 : vector<16xf32>
      %add3A_203 = arith.addf %add3A_199, %add3A_202 : vector<16xf32>
      %add3A_204 = arith.constant 1 : i32
      %add3A_205 = arith.addi %add3A_176, %add3A_204 : i32
      %get3A_206 = arith.index_cast %add3A_205 : i32 to index
      %get3A_207 = arith.constant 0 : index
      %get3A_208 = tpu.vector_load %arg11[%get3A_206, %get3A_207] {strides = array<i32>} : memref<512x64xbf16, #tpu.memory_space<vmem>>, vector<32xbf16>,
      %unpack3A_209 = tpu.unpack_subelements %get3A_208, 0 {pack_format = #tpu.pack_format<interleaved>} : vector<32xbf16> -> vector<16xf32>
      %unpack3A_210 = tpu.unpack_subelements %get3A_208, 1 {pack_format = #tpu.pack_format<interleaved>} : vector<32xbf16> -> vector<16xf32>
      %get3A_211 = arith.index_cast %add3A_205 : i32 to index
      %get3A_212 = arith.constant 0 : index
      %get3A_213 = tpu.vector_load %arg12[%get3A_211, %get3A_212] {strides = array<i32>} : memref<512x64xbf16, #tpu.memory_space<vmem>>, vector<32xbf16>,
      %unpack3A_214 = tpu.unpack_subelements %get3A_213, 0 {pack_format = #tpu.pack_format<interleaved>} : vector<32xbf16> -> vector<16xf32>
      %unpack3A_215 = tpu.unpack_subelements %get3A_213, 1 {pack_format = #tpu.pack_format<interleaved>} : vector<32xbf16> -> vector<16xf32>
      %get3A_216 = arith.index_cast %add3A_205 : i32 to index
      %get3A_217 = arith.constant 32 : index
      %get3A_218 = tpu.vector_load %arg11[%get3A_216, %get3A_217] {strides = array<i32>} : memref<512x64xbf16, #tpu.memory_space<vmem>>, vector<32xbf16>,
      %unpack3A_219 = tpu.unpack_subelements %get3A_218, 0 {pack_format = #tpu.pack_format<interleaved>} : vector<32xbf16> -> vector<16xf32>
      %unpack3A_220 = tpu.unpack_subelements %get3A_218, 1 {pack_format = #tpu.pack_format<interleaved>} : vector<32xbf16> -> vector<16xf32>
      %get3A_221 = arith.index_cast %add3A_205 : i32 to index
      %get3A_222 = arith.constant 32 : index
      %get3A_223 = tpu.vector_load %arg12[%get3A_221, %get3A_222] {strides = array<i32>} : memref<512x64xbf16, #tpu.memory_space<vmem>>, vector<32xbf16>,
      %unpack3A_224 = tpu.unpack_subelements %get3A_223, 0 {pack_format = #tpu.pack_format<interleaved>} : vector<32xbf16> -> vector<16xf32>
      %unpack3A_225 = tpu.unpack_subelements %get3A_223, 1 {pack_format = #tpu.pack_format<interleaved>} : vector<32xbf16> -> vector<16xf32>
      %mul3A_226 = arith.mulf %unpack3A_209, %unpack3A_214 : vector<16xf32>
      %mul3A_227 = arith.mulf %unpack3A_210, %unpack3A_215 : vector<16xf32>
      %add3A_228 = arith.addf %mul3A_226, %mul3A_227 : vector<16xf32>
      %mul3A_229 = arith.mulf %unpack3A_219, %unpack3A_224 : vector<16xf32>
      %mul3A_230 = arith.mulf %unpack3A_220, %unpack3A_225 : vector<16xf32>
      %add3A_231 = arith.addf %mul3A_229, %mul3A_230 : vector<16xf32>
      %add3A_232 = arith.addf %add3A_228, %add3A_231 : vector<16xf32>
      %add3A_233 = arith.constant 2 : i32
      %add3A_234 = arith.addi %add3A_176, %add3A_233 : i32
      %get3A_235 = arith.index_cast %add3A_234 : i32 to index
      %get3A_236 = arith.constant 0 : index
      %get3A_237 = tpu.vector_load %arg11[%get3A_235, %get3A_236] {strides = array<i32>} : memref<512x64xbf16, #tpu.memory_space<vmem>>, vector<32xbf16>,
      %unpack3A_238 = tpu.unpack_subelements %get3A_237, 0 {pack_format = #tpu.pack_format<interleaved>} : vector<32xbf16> -> vector<16xf32>
      %unpack3A_239 = tpu.unpack_subelements %get3A_237, 1 {pack_format = #tpu.pack_format<interleaved>} : vector<32xbf16> -> vector<16xf32>
      %get3A_240 = arith.index_cast %add3A_234 : i32 to index
      %get3A_241 = arith.constant 0 : index
      %get3A_242 = tpu.vector_load %arg12[%get3A_240, %get3A_241] {strides = array<i32>} : memref<512x64xbf16, #tpu.memory_space<vmem>>, vector<32xbf16>,
      %unpack3A_243 = tpu.unpack_subelements %get3A_242, 0 {pack_format = #tpu.pack_format<interleaved>} : vector<32xbf16> -> vector<16xf32>
      %unpack3A_244 = tpu.unpack_subelements %get3A_242, 1 {pack_format = #tpu.pack_format<interleaved>} : vector<32xbf16> -> vector<16xf32>
      %get3A_245 = arith.index_cast %add3A_234 : i32 to index
      %get3A_246 = arith.constant 32 : index
      %get3A_247 = tpu.vector_load %arg11[%get3A_245, %get3A_246] {strides = array<i32>} : memref<512x64xbf16, #tpu.memory_space<vmem>>, vector<32xbf16>,
      %unpack3A_248 = tpu.unpack_subelements %get3A_247, 0 {pack_format = #tpu.pack_format<interleaved>} : vector<32xbf16> -> vector<16xf32>
      %unpack3A_249 = tpu.unpack_subelements %get3A_247, 1 {pack_format = #tpu.pack_format<interleaved>} : vector<32xbf16> -> vector<16xf32>
      %get3A_250 = arith.index_cast %add3A_234 : i32 to index
      %get3A_251 = arith.constant 32 : index
      %get3A_252 = tpu.vector_load %arg12[%get3A_250, %get3A_251] {strides = array<i32>} : memref<512x64xbf16, #tpu.memory_space<vmem>>, vector<32xbf16>,
      %unpack3A_253 = tpu.unpack_subelements %get3A_252, 0 {pack_format = #tpu.pack_format<interleaved>} : vector<32xbf16> -> vector<16xf32>
      %unpack3A_254 = tpu.unpack_subelements %get3A_252, 1 {pack_format = #tpu.pack_format<interleaved>} : vector<32xbf16> -> vector<16xf32>
      %mul3A_255 = arith.mulf %unpack3A_238, %unpack3A_243 : vector<16xf32>
      %mul3A_256 = arith.mulf %unpack3A_239, %unpack3A_244 : vector<16xf32>
      %add3A_257 = arith.addf %mul3A_255, %mul3A_256 : vector<16xf32>
      %mul3A_258 = arith.mulf %unpack3A_248, %unpack3A_253 : vector<16xf32>
      %mul3A_259 = arith.mulf %unpack3A_249, %unpack3A_254 : vector<16xf32>
      %add3A_260 = arith.addf %mul3A_258, %mul3A_259 : vector<16xf32>
      %add3A_261 = arith.addf %add3A_257, %add3A_260 : vector<16xf32>
      %add3A_262 = arith.constant 3 : i32
      %add3A_263 = arith.addi %add3A_176, %add3A_262 : i32
      %get3A_264 = arith.index_cast %add3A_263 : i32 to index
      %get3A_265 = arith.constant 0 : index
      %get3A_266 = tpu.vector_load %arg11[%get3A_264, %get3A_265] {strides = array<i32>} : memref<512x64xbf16, #tpu.memory_space<vmem>>, vector<32xbf16>,
      %unpack3A_267 = tpu.unpack_subelements %get3A_266, 0 {pack_format = #tpu.pack_format<interleaved>} : vector<32xbf16> -> vector<16xf32>
      %unpack3A_268 = tpu.unpack_subelements %get3A_266, 1 {pack_format = #tpu.pack_format<interleaved>} : vector<32xbf16> -> vector<16xf32>
      %get3A_269 = arith.index_cast %add3A_263 : i32 to index
      %get3A_270 = arith.constant 0 : index
      %get3A_271 = tpu.vector_load %arg12[%get3A_269, %get3A_270] {strides = array<i32>} : memref<512x64xbf16, #tpu.memory_space<vmem>>, vector<32xbf16>,
      %unpack3A_272 = tpu.unpack_subelements %get3A_271, 0 {pack_format = #tpu.pack_format<interleaved>} : vector<32xbf16> -> vector<16xf32>
      %unpack3A_273 = tpu.unpack_subelements %get3A_271, 1 {pack_format = #tpu.pack_format<interleaved>} : vector<32xbf16> -> vector<16xf32>
      %get3A_274 = arith.index_cast %add3A_263 : i32 to index
      %get3A_275 = arith.constant 32 : index
      %get3A_276 = tpu.vector_load %arg11[%get3A_274, %get3A_275] {strides = array<i32>} : memref<512x64xbf16, #tpu.memory_space<vmem>>, vector<32xbf16>,
      %unpack3A_277 = tpu.unpack_subelements %get3A_276, 0 {pack_format = #tpu.pack_format<interleaved>} : vector<32xbf16> -> vector<16xf32>
      %unpack3A_278 = tpu.unpack_subelements %get3A_276, 1 {pack_format = #tpu.pack_format<interleaved>} : vector<32xbf16> -> vector<16xf32>
      %get3A_279 = arith.index_cast %add3A_263 : i32 to index
      %get3A_280 = arith.constant 32 : index
      %get3A_281 = tpu.vector_load %arg12[%get3A_279, %get3A_280] {strides = array<i32>} : memref<512x64xbf16, #tpu.memory_space<vmem>>, vector<32xbf16>,
      %unpack3A_282 = tpu.unpack_subelements %get3A_281, 0 {pack_format = #tpu.pack_format<interleaved>} : vector<32xbf16> -> vector<16xf32>
      %unpack3A_283 = tpu.unpack_subelements %get3A_281, 1 {pack_format = #tpu.pack_format<interleaved>} : vector<32xbf16> -> vector<16xf32>
      %mul3A_284 = arith.mulf %unpack3A_267, %unpack3A_272 : vector<16xf32>
      %mul3A_285 = arith.mulf %unpack3A_268, %unpack3A_273 : vector<16xf32>
      %add3A_286 = arith.addf %mul3A_284, %mul3A_285 : vector<16xf32>
      %mul3A_287 = arith.mulf %unpack3A_277, %unpack3A_282 : vector<16xf32>
      %mul3A_288 = arith.mulf %unpack3A_278, %unpack3A_283 : vector<16xf32>
      %add3A_289 = arith.addf %mul3A_287, %mul3A_288 : vector<16xf32>
      %add3A_290 = arith.addf %add3A_286, %add3A_289 : vector<16xf32>
      %add3A_291 = arith.constant 4 : i32
      %add3A_292 = arith.addi %add3A_176, %add3A_291 : i32
      %get3A_293 = arith.index_cast %add3A_292 : i32 to index
      %get3A_294 = arith.constant 0 : index
      %get3A_295 = tpu.vector_load %arg11[%get3A_293, %get3A_294] {strides = array<i32>} : memref<512x64xbf16, #tpu.memory_space<vmem>>, vector<32xbf16>,
      %unpack3A_296 = tpu.unpack_subelements %get3A_295, 0 {pack_format = #tpu.pack_format<interleaved>} : vector<32xbf16> -> vector<16xf32>
      %unpack3A_297 = tpu.unpack_subelements %get3A_295, 1 {pack_format = #tpu.pack_format<interleaved>} : vector<32xbf16> -> vector<16xf32>
      %get3A_298 = arith.index_cast %add3A_292 : i32 to index
      %get3A_299 = arith.constant 0 : index
      %get3A_300 = tpu.vector_load %arg12[%get3A_298, %get3A_299] {strides = array<i32>} : memref<512x64xbf16, #tpu.memory_space<vmem>>, vector<32xbf16>,
      %unpack3A_301 = tpu.unpack_subelements %get3A_300, 0 {pack_format = #tpu.pack_format<interleaved>} : vector<32xbf16> -> vector<16xf32>
      %unpack3A_302 = tpu.unpack_subelements %get3A_300, 1 {pack_format = #tpu.pack_format<interleaved>} : vector<32xbf16> -> vector<16xf32>
      %get3A_303 = arith.index_cast %add3A_292 : i32 to index
      %get3A_304 = arith.constant 32 : index
      %get3A_305 = tpu.vector_load %arg11[%get3A_303, %get3A_304] {strides = array<i32>} : memref<512x64xbf16, #tpu.memory_space<vmem>>, vector<32xbf16>,
      %unpack3A_306 = tpu.unpack_subelements %get3A_305, 0 {pack_format = #tpu.pack_format<interleaved>} : vector<32xbf16> -> vector<16xf32>
      %unpack3A_307 = tpu.unpack_subelements %get3A_305, 1 {pack_format = #tpu.pack_format<interleaved>} : vector<32xbf16> -> vector<16xf32>
      %get3A_308 = arith.index_cast %add3A_292 : i32 to index
      %get3A_309 = arith.constant 32 : index
      %get3A_310 = tpu.vector_load %arg12[%get3A_308, %get3A_309] {strides = array<i32>} : memref<512x64xbf16, #tpu.memory_space<vmem>>, vector<32xbf16>,
      %unpack3A_311 = tpu.unpack_subelements %get3A_310, 0 {pack_format = #tpu.pack_format<interleaved>} : vector<32xbf16> -> vector<16xf32>
      %unpack3A_312 = tpu.unpack_subelements %get3A_310, 1 {pack_format = #tpu.pack_format<interleaved>} : vector<32xbf16> -> vector<16xf32>
      %mul3A_313 = arith.mulf %unpack3A_296, %unpack3A_301 : vector<16xf32>
      %mul3A_314 = arith.mulf %unpack3A_297, %unpack3A_302 : vector<16xf32>
      %add3A_315 = arith.addf %mul3A_313, %mul3A_314 : vector<16xf32>
      %mul3A_316 = arith.mulf %unpack3A_306, %unpack3A_311 : vector<16xf32>
      %mul3A_317 = arith.mulf %unpack3A_307, %unpack3A_312 : vector<16xf32>
      %add3A_318 = arith.addf %mul3A_316, %mul3A_317 : vector<16xf32>
      %add3A_319 = arith.addf %add3A_315, %add3A_318 : vector<16xf32>
      %add3A_320 = arith.constant 5 : i32
      %add3A_321 = arith.addi %add3A_176, %add3A_320 : i32
      %get3A_322 = arith.index_cast %add3A_321 : i32 to index
      %get3A_323 = arith.constant 0 : index
      %get3A_324 = tpu.vector_load %arg11[%get3A_322, %get3A_323] {strides = array<i32>} : memref<512x64xbf16, #tpu.memory_space<vmem>>, vector<32xbf16>,
      %unpack3A_325 = tpu.unpack_subelements %get3A_324, 0 {pack_format = #tpu.pack_format<interleaved>} : vector<32xbf16> -> vector<16xf32>
      %unpack3A_326 = tpu.unpack_subelements %get3A_324, 1 {pack_format = #tpu.pack_format<interleaved>} : vector<32xbf16> -> vector<16xf32>
      %get3A_327 = arith.index_cast %add3A_321 : i32 to index
      %get3A_328 = arith.constant 0 : index
      %get3A_329 = tpu.vector_load %arg12[%get3A_327, %get3A_328] {strides = array<i32>} : memref<512x64xbf16, #tpu.memory_space<vmem>>, vector<32xbf16>,
      %unpack3A_330 = tpu.unpack_subelements %get3A_329, 0 {pack_format = #tpu.pack_format<interleaved>} : vector<32xbf16> -> vector<16xf32>
      %unpack3A_331 = tpu.unpack_subelements %get3A_329, 1 {pack_format = #tpu.pack_format<interleaved>} : vector<32xbf16> -> vector<16xf32>
      %get3A_332 = arith.index_cast %add3A_321 : i32 to index
      %get3A_333 = arith.constant 32 : index
      %get3A_334 = tpu.vector_load %arg11[%get3A_332, %get3A_333] {strides = array<i32>} : memref<512x64xbf16, #tpu.memory_space<vmem>>, vector<32xbf16>,
      %unpack3A_335 = tpu.unpack_subelements %get3A_334, 0 {pack_format = #tpu.pack_format<interleaved>} : vector<32xbf16> -> vector<16xf32>
      %unpack3A_336 = tpu.unpack_subelements %get3A_334, 1 {pack_format = #tpu.pack_format<interleaved>} : vector<32xbf16> -> vector<16xf32>
      %get3A_337 = arith.index_cast %add3A_321 : i32 to index
      %get3A_338 = arith.constant 32 : index
      %get3A_339 = tpu.vector_load %arg12[%get3A_337, %get3A_338] {strides = array<i32>} : memref<512x64xbf16, #tpu.memory_space<vmem>>, vector<32xbf16>,
      %unpack3A_340 = tpu.unpack_subelements %get3A_339, 0 {pack_format = #tpu.pack_format<interleaved>} : vector<32xbf16> -> vector<16xf32>
      %unpack3A_341 = tpu.unpack_subelements %get3A_339, 1 {pack_format = #tpu.pack_format<interleaved>} : vector<32xbf16> -> vector<16xf32>
      %mul3A_342 = arith.mulf %unpack3A_325, %unpack3A_330 : vector<16xf32>
      %mul3A_343 = arith.mulf %unpack3A_326, %unpack3A_331 : vector<16xf32>
      %add3A_344 = arith.addf %mul3A_342, %mul3A_343 : vector<16xf32>
      %mul3A_345 = arith.mulf %unpack3A_335, %unpack3A_340 : vector<16xf32>
      %mul3A_346 = arith.mulf %unpack3A_336, %unpack3A_341 : vector<16xf32>
      %add3A_347 = arith.addf %mul3A_345, %mul3A_346 : vector<16xf32>
      %add3A_348 = arith.addf %add3A_344, %add3A_347 : vector<16xf32>
      %add3A_349 = arith.constant 6 : i32
      %add3A_350 = arith.addi %add3A_176, %add3A_349 : i32
      %get3A_351 = arith.index_cast %add3A_350 : i32 to index
      %get3A_352 = arith.constant 0 : index
      %get3A_353 = tpu.vector_load %arg11[%get3A_351, %get3A_352] {strides = array<i32>} : memref<512x64xbf16, #tpu.memory_space<vmem>>, vector<32xbf16>,
      %unpack3A_354 = tpu.unpack_subelements %get3A_353, 0 {pack_format = #tpu.pack_format<interleaved>} : vector<32xbf16> -> vector<16xf32>
      %unpack3A_355 = tpu.unpack_subelements %get3A_353, 1 {pack_format = #tpu.pack_format<interleaved>} : vector<32xbf16> -> vector<16xf32>
      %get3A_356 = arith.index_cast %add3A_350 : i32 to index
      %get3A_357 = arith.constant 0 : index
      %get3A_358 = tpu.vector_load %arg12[%get3A_356, %get3A_357] {strides = array<i32>} : memref<512x64xbf16, #tpu.memory_space<vmem>>, vector<32xbf16>,
      %unpack3A_359 = tpu.unpack_subelements %get3A_358, 0 {pack_format = #tpu.pack_format<interleaved>} : vector<32xbf16> -> vector<16xf32>
      %unpack3A_360 = tpu.unpack_subelements %get3A_358, 1 {pack_format = #tpu.pack_format<interleaved>} : vector<32xbf16> -> vector<16xf32>
      %get3A_361 = arith.index_cast %add3A_350 : i32 to index
      %get3A_362 = arith.constant 32 : index
      %get3A_363 = tpu.vector_load %arg11[%get3A_361, %get3A_362] {strides = array<i32>} : memref<512x64xbf16, #tpu.memory_space<vmem>>, vector<32xbf16>,
      %unpack3A_364 = tpu.unpack_subelements %get3A_363, 0 {pack_format = #tpu.pack_format<interleaved>} : vector<32xbf16> -> vector<16xf32>
      %unpack3A_365 = tpu.unpack_subelements %get3A_363, 1 {pack_format = #tpu.pack_format<interleaved>} : vector<32xbf16> -> vector<16xf32>
      %get3A_366 = arith.index_cast %add3A_350 : i32 to index
      %get3A_367 = arith.constant 32 : index
      %get3A_368 = tpu.vector_load %arg12[%get3A_366, %get3A_367] {strides = array<i32>} : memref<512x64xbf16, #tpu.memory_space<vmem>>, vector<32xbf16>,
      %unpack3A_369 = tpu.unpack_subelements %get3A_368, 0 {pack_format = #tpu.pack_format<interleaved>} : vector<32xbf16> -> vector<16xf32>
      %unpack3A_370 = tpu.unpack_subelements %get3A_368, 1 {pack_format = #tpu.pack_format<interleaved>} : vector<32xbf16> -> vector<16xf32>
      %mul3A_371 = arith.mulf %unpack3A_354, %unpack3A_359 : vector<16xf32>
      %mul3A_372 = arith.mulf %unpack3A_355, %unpack3A_360 : vector<16xf32>
      %add3A_373 = arith.addf %mul3A_371, %mul3A_372 : vector<16xf32>
      %mul3A_374 = arith.mulf %unpack3A_364, %unpack3A_369 : vector<16xf32>
      %mul3A_375 = arith.mulf %unpack3A_365, %unpack3A_370 : vector<16xf32>
      %add3A_376 = arith.addf %mul3A_374, %mul3A_375 : vector<16xf32>
      %add3A_377 = arith.addf %add3A_373, %add3A_376 : vector<16xf32>
      %add3A_378 = arith.constant 7 : i32
      %add3A_379 = arith.addi %add3A_176, %add3A_378 : i32
      %get3A_380 = arith.index_cast %add3A_379 : i32 to index
      %get3A_381 = arith.constant 0 : index
      %get3A_382 = tpu.vector_load %arg11[%get3A_380, %get3A_381] {strides = array<i32>} : memref<512x64xbf16, #tpu.memory_space<vmem>>, vector<32xbf16>,
      %unpack3A_383 = tpu.unpack_subelements %get3A_382, 0 {pack_format = #tpu.pack_format<interleaved>} : vector<32xbf16> -> vector<16xf32>
      %unpack3A_384 = tpu.unpack_subelements %get3A_382, 1 {pack_format = #tpu.pack_format<interleaved>} : vector<32xbf16> -> vector<16xf32>
      %get3A_385 = arith.index_cast %add3A_379 : i32 to index
      %get3A_386 = arith.constant 0 : index
      %get3A_387 = tpu.vector_load %arg12[%get3A_385, %get3A_386] {strides = array<i32>} : memref<512x64xbf16, #tpu.memory_space<vmem>>, vector<32xbf16>,
      %unpack3A_388 = tpu.unpack_subelements %get3A_387, 0 {pack_format = #tpu.pack_format<interleaved>} : vector<32xbf16> -> vector<16xf32>
      %unpack3A_389 = tpu.unpack_subelements %get3A_387, 1 {pack_format = #tpu.pack_format<interleaved>} : vector<32xbf16> -> vector<16xf32>
      %get3A_390 = arith.index_cast %add3A_379 : i32 to index
      %get3A_391 = arith.constant 32 : index
      %get3A_392 = tpu.vector_load %arg11[%get3A_390, %get3A_391] {strides = array<i32>} : memref<512x64xbf16, #tpu.memory_space<vmem>>, vector<32xbf16>,
      %unpack3A_393 = tpu.unpack_subelements %get3A_392, 0 {pack_format = #tpu.pack_format<interleaved>} : vector<32xbf16> -> vector<16xf32>
      %unpack3A_394 = tpu.unpack_subelements %get3A_392, 1 {pack_format = #tpu.pack_format<interleaved>} : vector<32xbf16> -> vector<16xf32>
      %get3A_395 = arith.index_cast %add3A_379 : i32 to index
      %get3A_396 = arith.constant 32 : index
      %get3A_397 = tpu.vector_load %arg12[%get3A_395, %get3A_396] {strides = array<i32>} : memref<512x64xbf16, #tpu.memory_space<vmem>>, vector<32xbf16>,
      %unpack3A_398 = tpu.unpack_subelements %get3A_397, 0 {pack_format = #tpu.pack_format<interleaved>} : vector<32xbf16> -> vector<16xf32>
      %unpack3A_399 = tpu.unpack_subelements %get3A_397, 1 {pack_format = #tpu.pack_format<interleaved>} : vector<32xbf16> -> vector<16xf32>
      %mul3A_400 = arith.mulf %unpack3A_383, %unpack3A_388 : vector<16xf32>
      %mul3A_401 = arith.mulf %unpack3A_384, %unpack3A_389 : vector<16xf32>
      %add3A_402 = arith.addf %mul3A_400, %mul3A_401 : vector<16xf32>
      %mul3A_403 = arith.mulf %unpack3A_393, %unpack3A_398 : vector<16xf32>
      %mul3A_404 = arith.mulf %unpack3A_394, %unpack3A_399 : vector<16xf32>
      %add3A_405 = arith.addf %mul3A_403, %mul3A_404 : vector<16xf32>
      %add3A_406 = arith.addf %add3A_402, %add3A_405 : vector<16xf32>
      %add3A_407 = arith.constant 8 : i32
      %add3A_408 = arith.addi %add3A_176, %add3A_407 : i32
      %get3A_409 = arith.index_cast %add3A_408 : i32 to index
      %get3A_410 = arith.constant 0 : index
      %get3A_411 = tpu.vector_load %arg11[%get3A_409, %get3A_410] {strides = array<i32>} : memref<512x64xbf16, #tpu.memory_space<vmem>>, vector<32xbf16>,
      %unpack3A_412 = tpu.unpack_subelements %get3A_411, 0 {pack_format = #tpu.pack_format<interleaved>} : vector<32xbf16> -> vector<16xf32>
      %unpack3A_413 = tpu.unpack_subelements %get3A_411, 1 {pack_format = #tpu.pack_format<interleaved>} : vector<32xbf16> -> vector<16xf32>
      %get3A_414 = arith.index_cast %add3A_408 : i32 to index
      %get3A_415 = arith.constant 0 : index
      %get3A_416 = tpu.vector_load %arg12[%get3A_414, %get3A_415] {strides = array<i32>} : memref<512x64xbf16, #tpu.memory_space<vmem>>, vector<32xbf16>,
      %unpack3A_417 = tpu.unpack_subelements %get3A_416, 0 {pack_format = #tpu.pack_format<interleaved>} : vector<32xbf16> -> vector<16xf32>
      %unpack3A_418 = tpu.unpack_subelements %get3A_416, 1 {pack_format = #tpu.pack_format<interleaved>} : vector<32xbf16> -> vector<16xf32>
      %get3A_419 = arith.index_cast %add3A_408 : i32 to index
      %get3A_420 = arith.constant 32 : index
      %get3A_421 = tpu.vector_load %arg11[%get3A_419, %get3A_420] {strides = array<i32>} : memref<512x64xbf16, #tpu.memory_space<vmem>>, vector<32xbf16>,
      %unpack3A_422 = tpu.unpack_subelements %get3A_421, 0 {pack_format = #tpu.pack_format<interleaved>} : vector<32xbf16> -> vector<16xf32>
      %unpack3A_423 = tpu.unpack_subelements %get3A_421, 1 {pack_format = #tpu.pack_format<interleaved>} : vector<32xbf16> -> vector<16xf32>
      %get3A_424 = arith.index_cast %add3A_408 : i32 to index
      %get3A_425 = arith.constant 32 : index
      %get3A_426 = tpu.vector_load %arg12[%get3A_424, %get3A_425] {strides = array<i32>} : memref<512x64xbf16, #tpu.memory_space<vmem>>, vector<32xbf16>,
      %unpack3A_427 = tpu.unpack_subelements %get3A_426, 0 {pack_format = #tpu.pack_format<interleaved>} : vector<32xbf16> -> vector<16xf32>
      %unpack3A_428 = tpu.unpack_subelements %get3A_426, 1 {pack_format = #tpu.pack_format<interleaved>} : vector<32xbf16> -> vector<16xf32>
      %mul3A_429 = arith.mulf %unpack3A_412, %unpack3A_417 : vector<16xf32>
      %mul3A_430 = arith.mulf %unpack3A_413, %unpack3A_418 : vector<16xf32>
      %add3A_431 = arith.addf %mul3A_429, %mul3A_430 : vector<16xf32>
      %mul3A_432 = arith.mulf %unpack3A_422, %unpack3A_427 : vector<16xf32>
      %mul3A_433 = arith.mulf %unpack3A_423, %unpack3A_428 : vector<16xf32>
      %add3A_434 = arith.addf %mul3A_432, %mul3A_433 : vector<16xf32>
      %add3A_435 = arith.addf %add3A_431, %add3A_434 : vector<16xf32>
      %add3A_436 = arith.constant 9 : i32
      %add3A_437 = arith.addi %add3A_176, %add3A_436 : i32
      %get3A_438 = arith.index_cast %add3A_437 : i32 to index
      %get3A_439 = arith.constant 0 : index
      %get3A_440 = tpu.vector_load %arg11[%get3A_438, %get3A_439] {strides = array<i32>} : memref<512x64xbf16, #tpu.memory_space<vmem>>, vector<32xbf16>,
      %unpack3A_441 = tpu.unpack_subelements %get3A_440, 0 {pack_format = #tpu.pack_format<interleaved>} : vector<32xbf16> -> vector<16xf32>
      %unpack3A_442 = tpu.unpack_subelements %get3A_440, 1 {pack_format = #tpu.pack_format<interleaved>} : vector<32xbf16> -> vector<16xf32>
      %get3A_443 = arith.index_cast %add3A_437 : i32 to index
      %get3A_444 = arith.constant 0 : index
      %get3A_445 = tpu.vector_load %arg12[%get3A_443, %get3A_444] {strides = array<i32>} : memref<512x64xbf16, #tpu.memory_space<vmem>>, vector<32xbf16>,
      %unpack3A_446 = tpu.unpack_subelements %get3A_445, 0 {pack_format = #tpu.pack_format<interleaved>} : vector<32xbf16> -> vector<16xf32>
      %unpack3A_447 = tpu.unpack_subelements %get3A_445, 1 {pack_format = #tpu.pack_format<interleaved>} : vector<32xbf16> -> vector<16xf32>
      %get3A_448 = arith.index_cast %add3A_437 : i32 to index
      %get3A_449 = arith.constant 32 : index
      %get3A_450 = tpu.vector_load %arg11[%get3A_448, %get3A_449] {strides = array<i32>} : memref<512x64xbf16, #tpu.memory_space<vmem>>, vector<32xbf16>,
      %unpack3A_451 = tpu.unpack_subelements %get3A_450, 0 {pack_format = #tpu.pack_format<interleaved>} : vector<32xbf16> -> vector<16xf32>
      %unpack3A_452 = tpu.unpack_subelements %get3A_450, 1 {pack_format = #tpu.pack_format<interleaved>} : vector<32xbf16> -> vector<16xf32>
      %get3A_453 = arith.index_cast %add3A_437 : i32 to index
      %get3A_454 = arith.constant 32 : index
      %get3A_455 = tpu.vector_load %arg12[%get3A_453, %get3A_454] {strides = array<i32>} : memref<512x64xbf16, #tpu.memory_space<vmem>>, vector<32xbf16>,
      %unpack3A_456 = tpu.unpack_subelements %get3A_455, 0 {pack_format = #tpu.pack_format<interleaved>} : vector<32xbf16> -> vector<16xf32>
      %unpack3A_457 = tpu.unpack_subelements %get3A_455, 1 {pack_format = #tpu.pack_format<interleaved>} : vector<32xbf16> -> vector<16xf32>
      %mul3A_458 = arith.mulf %unpack3A_441, %unpack3A_446 : vector<16xf32>
      %mul3A_459 = arith.mulf %unpack3A_442, %unpack3A_447 : vector<16xf32>
      %add3A_460 = arith.addf %mul3A_458, %mul3A_459 : vector<16xf32>
      %mul3A_461 = arith.mulf %unpack3A_451, %unpack3A_456 : vector<16xf32>
      %mul3A_462 = arith.mulf %unpack3A_452, %unpack3A_457 : vector<16xf32>
      %add3A_463 = arith.addf %mul3A_461, %mul3A_462 : vector<16xf32>
      %add3A_464 = arith.addf %add3A_460, %add3A_463 : vector<16xf32>
      %add3A_465 = arith.constant 10 : i32
      %add3A_466 = arith.addi %add3A_176, %add3A_465 : i32
      %get3A_467 = arith.index_cast %add3A_466 : i32 to index
      %get3A_468 = arith.constant 0 : index
      %get3A_469 = tpu.vector_load %arg11[%get3A_467, %get3A_468] {strides = array<i32>} : memref<512x64xbf16, #tpu.memory_space<vmem>>, vector<32xbf16>,
      %unpack3A_470 = tpu.unpack_subelements %get3A_469, 0 {pack_format = #tpu.pack_format<interleaved>} : vector<32xbf16> -> vector<16xf32>
      %unpack3A_471 = tpu.unpack_subelements %get3A_469, 1 {pack_format = #tpu.pack_format<interleaved>} : vector<32xbf16> -> vector<16xf32>
      %get3A_472 = arith.index_cast %add3A_466 : i32 to index
      %get3A_473 = arith.constant 0 : index
      %get3A_474 = tpu.vector_load %arg12[%get3A_472, %get3A_473] {strides = array<i32>} : memref<512x64xbf16, #tpu.memory_space<vmem>>, vector<32xbf16>,
      %unpack3A_475 = tpu.unpack_subelements %get3A_474, 0 {pack_format = #tpu.pack_format<interleaved>} : vector<32xbf16> -> vector<16xf32>
      %unpack3A_476 = tpu.unpack_subelements %get3A_474, 1 {pack_format = #tpu.pack_format<interleaved>} : vector<32xbf16> -> vector<16xf32>
      %get3A_477 = arith.index_cast %add3A_466 : i32 to index
      %get3A_478 = arith.constant 32 : index
      %get3A_479 = tpu.vector_load %arg11[%get3A_477, %get3A_478] {strides = array<i32>} : memref<512x64xbf16, #tpu.memory_space<vmem>>, vector<32xbf16>,
      %unpack3A_480 = tpu.unpack_subelements %get3A_479, 0 {pack_format = #tpu.pack_format<interleaved>} : vector<32xbf16> -> vector<16xf32>
      %unpack3A_481 = tpu.unpack_subelements %get3A_479, 1 {pack_format = #tpu.pack_format<interleaved>} : vector<32xbf16> -> vector<16xf32>
      %get3A_482 = arith.index_cast %add3A_466 : i32 to index
      %get3A_483 = arith.constant 32 : index
      %get3A_484 = tpu.vector_load %arg12[%get3A_482, %get3A_483] {strides = array<i32>} : memref<512x64xbf16, #tpu.memory_space<vmem>>, vector<32xbf16>,
      %unpack3A_485 = tpu.unpack_subelements %get3A_484, 0 {pack_format = #tpu.pack_format<interleaved>} : vector<32xbf16> -> vector<16xf32>
      %unpack3A_486 = tpu.unpack_subelements %get3A_484, 1 {pack_format = #tpu.pack_format<interleaved>} : vector<32xbf16> -> vector<16xf32>
      %mul3A_487 = arith.mulf %unpack3A_470, %unpack3A_475 : vector<16xf32>
      %mul3A_488 = arith.mulf %unpack3A_471, %unpack3A_476 : vector<16xf32>
      %add3A_489 = arith.addf %mul3A_487, %mul3A_488 : vector<16xf32>
      %mul3A_490 = arith.mulf %unpack3A_480, %unpack3A_485 : vector<16xf32>
      %mul3A_491 = arith.mulf %unpack3A_481, %unpack3A_486 : vector<16xf32>
      %add3A_492 = arith.addf %mul3A_490, %mul3A_491 : vector<16xf32>
      %add3A_493 = arith.addf %add3A_489, %add3A_492 : vector<16xf32>
      %add3A_494 = arith.constant 11 : i32
      %add3A_495 = arith.addi %add3A_176, %add3A_494 : i32
      %get3A_496 = arith.index_cast %add3A_495 : i32 to index
      %get3A_497 = arith.constant 0 : index
      %get3A_498 = tpu.vector_load %arg11[%get3A_496, %get3A_497] {strides = array<i32>} : memref<512x64xbf16, #tpu.memory_space<vmem>>, vector<32xbf16>,
      %unpack3A_499 = tpu.unpack_subelements %get3A_498, 0 {pack_format = #tpu.pack_format<interleaved>} : vector<32xbf16> -> vector<16xf32>
      %unpack3A_500 = tpu.unpack_subelements %get3A_498, 1 {pack_format = #tpu.pack_format<interleaved>} : vector<32xbf16> -> vector<16xf32>
      %get3A_501 = arith.index_cast %add3A_495 : i32 to index
      %get3A_502 = arith.constant 0 : index
      %get3A_503 = tpu.vector_load %arg12[%get3A_501, %get3A_502] {strides = array<i32>} : memref<512x64xbf16, #tpu.memory_space<vmem>>, vector<32xbf16>,
      %unpack3A_504 = tpu.unpack_subelements %get3A_503, 0 {pack_format = #tpu.pack_format<interleaved>} : vector<32xbf16> -> vector<16xf32>
      %unpack3A_505 = tpu.unpack_subelements %get3A_503, 1 {pack_format = #tpu.pack_format<interleaved>} : vector<32xbf16> -> vector<16xf32>
      %get3A_506 = arith.index_cast %add3A_495 : i32 to index
      %get3A_507 = arith.constant 32 : index
      %get3A_508 = tpu.vector_load %arg11[%get3A_506, %get3A_507] {strides = array<i32>} : memref<512x64xbf16, #tpu.memory_space<vmem>>, vector<32xbf16>,
      %unpack3A_509 = tpu.unpack_subelements %get3A_508, 0 {pack_format = #tpu.pack_format<interleaved>} : vector<32xbf16> -> vector<16xf32>
      %unpack3A_510 = tpu.unpack_subelements %get3A_508, 1 {pack_format = #tpu.pack_format<interleaved>} : vector<32xbf16> -> vector<16xf32>
      %get3A_511 = arith.index_cast %add3A_495 : i32 to index
      %get3A_512 = arith.constant 32 : index
      %get3A_513 = tpu.vector_load %arg12[%get3A_511, %get3A_512] {strides = array<i32>} : memref<512x64xbf16, #tpu.memory_space<vmem>>, vector<32xbf16>,
      %unpack3A_514 = tpu.unpack_subelements %get3A_513, 0 {pack_format = #tpu.pack_format<interleaved>} : vector<32xbf16> -> vector<16xf32>
      %unpack3A_515 = tpu.unpack_subelements %get3A_513, 1 {pack_format = #tpu.pack_format<interleaved>} : vector<32xbf16> -> vector<16xf32>
      %mul3A_516 = arith.mulf %unpack3A_499, %unpack3A_504 : vector<16xf32>
      %mul3A_517 = arith.mulf %unpack3A_500, %unpack3A_505 : vector<16xf32>
      %add3A_518 = arith.addf %mul3A_516, %mul3A_517 : vector<16xf32>
      %mul3A_519 = arith.mulf %unpack3A_509, %unpack3A_514 : vector<16xf32>
      %mul3A_520 = arith.mulf %unpack3A_510, %unpack3A_515 : vector<16xf32>
      %add3A_521 = arith.addf %mul3A_519, %mul3A_520 : vector<16xf32>
      %add3A_522 = arith.addf %add3A_518, %add3A_521 : vector<16xf32>
      %add3A_523 = arith.constant 12 : i32
      %add3A_524 = arith.addi %add3A_176, %add3A_523 : i32
      %get3A_525 = arith.index_cast %add3A_524 : i32 to index
      %get3A_526 = arith.constant 0 : index
      %get3A_527 = tpu.vector_load %arg11[%get3A_525, %get3A_526] {strides = array<i32>} : memref<512x64xbf16, #tpu.memory_space<vmem>>, vector<32xbf16>,
      %unpack3A_528 = tpu.unpack_subelements %get3A_527, 0 {pack_format = #tpu.pack_format<interleaved>} : vector<32xbf16> -> vector<16xf32>
      %unpack3A_529 = tpu.unpack_subelements %get3A_527, 1 {pack_format = #tpu.pack_format<interleaved>} : vector<32xbf16> -> vector<16xf32>
      %get3A_530 = arith.index_cast %add3A_524 : i32 to index
      %get3A_531 = arith.constant 0 : index
      %get3A_532 = tpu.vector_load %arg12[%get3A_530, %get3A_531] {strides = array<i32>} : memref<512x64xbf16, #tpu.memory_space<vmem>>, vector<32xbf16>,
      %unpack3A_533 = tpu.unpack_subelements %get3A_532, 0 {pack_format = #tpu.pack_format<interleaved>} : vector<32xbf16> -> vector<16xf32>
      %unpack3A_534 = tpu.unpack_subelements %get3A_532, 1 {pack_format = #tpu.pack_format<interleaved>} : vector<32xbf16> -> vector<16xf32>
      %get3A_535 = arith.index_cast %add3A_524 : i32 to index
      %get3A_536 = arith.constant 32 : index
      %get3A_537 = tpu.vector_load %arg11[%get3A_535, %get3A_536] {strides = array<i32>} : memref<512x64xbf16, #tpu.memory_space<vmem>>, vector<32xbf16>,
      %unpack3A_538 = tpu.unpack_subelements %get3A_537, 0 {pack_format = #tpu.pack_format<interleaved>} : vector<32xbf16> -> vector<16xf32>
      %unpack3A_539 = tpu.unpack_subelements %get3A_537, 1 {pack_format = #tpu.pack_format<interleaved>} : vector<32xbf16> -> vector<16xf32>
      %get3A_540 = arith.index_cast %add3A_524 : i32 to index
      %get3A_541 = arith.constant 32 : index
      %get3A_542 = tpu.vector_load %arg12[%get3A_540, %get3A_541] {strides = array<i32>} : memref<512x64xbf16, #tpu.memory_space<vmem>>, vector<32xbf16>,
      %unpack3A_543 = tpu.unpack_subelements %get3A_542, 0 {pack_format = #tpu.pack_format<interleaved>} : vector<32xbf16> -> vector<16xf32>
      %unpack3A_544 = tpu.unpack_subelements %get3A_542, 1 {pack_format = #tpu.pack_format<interleaved>} : vector<32xbf16> -> vector<16xf32>
      %mul3A_545 = arith.mulf %unpack3A_528, %unpack3A_533 : vector<16xf32>
      %mul3A_546 = arith.mulf %unpack3A_529, %unpack3A_534 : vector<16xf32>
      %add3A_547 = arith.addf %mul3A_545, %mul3A_546 : vector<16xf32>
      %mul3A_548 = arith.mulf %unpack3A_538, %unpack3A_543 : vector<16xf32>
      %mul3A_549 = arith.mulf %unpack3A_539, %unpack3A_544 : vector<16xf32>
      %add3A_550 = arith.addf %mul3A_548, %mul3A_549 : vector<16xf32>
      %add3A_551 = arith.addf %add3A_547, %add3A_550 : vector<16xf32>
      %add3A_552 = arith.constant 13 : i32
      %add3A_553 = arith.addi %add3A_176, %add3A_552 : i32
      %get3A_554 = arith.index_cast %add3A_553 : i32 to index
      %get3A_555 = arith.constant 0 : index
      %get3A_556 = tpu.vector_load %arg11[%get3A_554, %get3A_555] {strides = array<i32>} : memref<512x64xbf16, #tpu.memory_space<vmem>>, vector<32xbf16>,
      %unpack3A_557 = tpu.unpack_subelements %get3A_556, 0 {pack_format = #tpu.pack_format<interleaved>} : vector<32xbf16> -> vector<16xf32>
      %unpack3A_558 = tpu.unpack_subelements %get3A_556, 1 {pack_format = #tpu.pack_format<interleaved>} : vector<32xbf16> -> vector<16xf32>
      %get3A_559 = arith.index_cast %add3A_553 : i32 to index
      %get3A_560 = arith.constant 0 : index
      %get3A_561 = tpu.vector_load %arg12[%get3A_559, %get3A_560] {strides = array<i32>} : memref<512x64xbf16, #tpu.memory_space<vmem>>, vector<32xbf16>,
      %unpack3A_562 = tpu.unpack_subelements %get3A_561, 0 {pack_format = #tpu.pack_format<interleaved>} : vector<32xbf16> -> vector<16xf32>
      %unpack3A_563 = tpu.unpack_subelements %get3A_561, 1 {pack_format = #tpu.pack_format<interleaved>} : vector<32xbf16> -> vector<16xf32>
      %get3A_564 = arith.index_cast %add3A_553 : i32 to index
      %get3A_565 = arith.constant 32 : index
      %get3A_566 = tpu.vector_load %arg11[%get3A_564, %get3A_565] {strides = array<i32>} : memref<512x64xbf16, #tpu.memory_space<vmem>>, vector<32xbf16>,
      %unpack3A_567 = tpu.unpack_subelements %get3A_566, 0 {pack_format = #tpu.pack_format<interleaved>} : vector<32xbf16> -> vector<16xf32>
      %unpack3A_568 = tpu.unpack_subelements %get3A_566, 1 {pack_format = #tpu.pack_format<interleaved>} : vector<32xbf16> -> vector<16xf32>
      %get3A_569 = arith.index_cast %add3A_553 : i32 to index
      %get3A_570 = arith.constant 32 : index
      %get3A_571 = tpu.vector_load %arg12[%get3A_569, %get3A_570] {strides = array<i32>} : memref<512x64xbf16, #tpu.memory_space<vmem>>, vector<32xbf16>,
      %unpack3A_572 = tpu.unpack_subelements %get3A_571, 0 {pack_format = #tpu.pack_format<interleaved>} : vector<32xbf16> -> vector<16xf32>
      %unpack3A_573 = tpu.unpack_subelements %get3A_571, 1 {pack_format = #tpu.pack_format<interleaved>} : vector<32xbf16> -> vector<16xf32>
      %mul3A_574 = arith.mulf %unpack3A_557, %unpack3A_562 : vector<16xf32>
      %mul3A_575 = arith.mulf %unpack3A_558, %unpack3A_563 : vector<16xf32>
      %add3A_576 = arith.addf %mul3A_574, %mul3A_575 : vector<16xf32>
      %mul3A_577 = arith.mulf %unpack3A_567, %unpack3A_572 : vector<16xf32>
      %mul3A_578 = arith.mulf %unpack3A_568, %unpack3A_573 : vector<16xf32>
      %add3A_579 = arith.addf %mul3A_577, %mul3A_578 : vector<16xf32>
      %add3A_580 = arith.addf %add3A_576, %add3A_579 : vector<16xf32>
      %add3A_581 = arith.constant 14 : i32
      %add3A_582 = arith.addi %add3A_176, %add3A_581 : i32
      %get3A_583 = arith.index_cast %add3A_582 : i32 to index
      %get3A_584 = arith.constant 0 : index
      %get3A_585 = tpu.vector_load %arg11[%get3A_583, %get3A_584] {strides = array<i32>} : memref<512x64xbf16, #tpu.memory_space<vmem>>, vector<32xbf16>,
      %unpack3A_586 = tpu.unpack_subelements %get3A_585, 0 {pack_format = #tpu.pack_format<interleaved>} : vector<32xbf16> -> vector<16xf32>
      %unpack3A_587 = tpu.unpack_subelements %get3A_585, 1 {pack_format = #tpu.pack_format<interleaved>} : vector<32xbf16> -> vector<16xf32>
      %get3A_588 = arith.index_cast %add3A_582 : i32 to index
      %get3A_589 = arith.constant 0 : index
      %get3A_590 = tpu.vector_load %arg12[%get3A_588, %get3A_589] {strides = array<i32>} : memref<512x64xbf16, #tpu.memory_space<vmem>>, vector<32xbf16>,
      %unpack3A_591 = tpu.unpack_subelements %get3A_590, 0 {pack_format = #tpu.pack_format<interleaved>} : vector<32xbf16> -> vector<16xf32>
      %unpack3A_592 = tpu.unpack_subelements %get3A_590, 1 {pack_format = #tpu.pack_format<interleaved>} : vector<32xbf16> -> vector<16xf32>
      %get3A_593 = arith.index_cast %add3A_582 : i32 to index
      %get3A_594 = arith.constant 32 : index
      %get3A_595 = tpu.vector_load %arg11[%get3A_593, %get3A_594] {strides = array<i32>} : memref<512x64xbf16, #tpu.memory_space<vmem>>, vector<32xbf16>,
      %unpack3A_596 = tpu.unpack_subelements %get3A_595, 0 {pack_format = #tpu.pack_format<interleaved>} : vector<32xbf16> -> vector<16xf32>
      %unpack3A_597 = tpu.unpack_subelements %get3A_595, 1 {pack_format = #tpu.pack_format<interleaved>} : vector<32xbf16> -> vector<16xf32>
      %get3A_598 = arith.index_cast %add3A_582 : i32 to index
      %get3A_599 = arith.constant 32 : index
      %get3A_600 = tpu.vector_load %arg12[%get3A_598, %get3A_599] {strides = array<i32>} : memref<512x64xbf16, #tpu.memory_space<vmem>>, vector<32xbf16>,
      %unpack3A_601 = tpu.unpack_subelements %get3A_600, 0 {pack_format = #tpu.pack_format<interleaved>} : vector<32xbf16> -> vector<16xf32>
      %unpack3A_602 = tpu.unpack_subelements %get3A_600, 1 {pack_format = #tpu.pack_format<interleaved>} : vector<32xbf16> -> vector<16xf32>
      %mul3A_603 = arith.mulf %unpack3A_586, %unpack3A_591 : vector<16xf32>
      %mul3A_604 = arith.mulf %unpack3A_587, %unpack3A_592 : vector<16xf32>
      %add3A_605 = arith.addf %mul3A_603, %mul3A_604 : vector<16xf32>
      %mul3A_606 = arith.mulf %unpack3A_596, %unpack3A_601 : vector<16xf32>
      %mul3A_607 = arith.mulf %unpack3A_597, %unpack3A_602 : vector<16xf32>
      %add3A_608 = arith.addf %mul3A_606, %mul3A_607 : vector<16xf32>
      %add3A_609 = arith.addf %add3A_605, %add3A_608 : vector<16xf32>
      %add3A_610 = arith.constant 15 : i32
      %add3A_611 = arith.addi %add3A_176, %add3A_610 : i32
      %get3A_612 = arith.index_cast %add3A_611 : i32 to index
      %get3A_613 = arith.constant 0 : index
      %get3A_614 = tpu.vector_load %arg11[%get3A_612, %get3A_613] {strides = array<i32>} : memref<512x64xbf16, #tpu.memory_space<vmem>>, vector<32xbf16>,
      %unpack3A_615 = tpu.unpack_subelements %get3A_614, 0 {pack_format = #tpu.pack_format<interleaved>} : vector<32xbf16> -> vector<16xf32>
      %unpack3A_616 = tpu.unpack_subelements %get3A_614, 1 {pack_format = #tpu.pack_format<interleaved>} : vector<32xbf16> -> vector<16xf32>
      %get3A_617 = arith.index_cast %add3A_611 : i32 to index
      %get3A_618 = arith.constant 0 : index
      %get3A_619 = tpu.vector_load %arg12[%get3A_617, %get3A_618] {strides = array<i32>} : memref<512x64xbf16, #tpu.memory_space<vmem>>, vector<32xbf16>,
      %unpack3A_620 = tpu.unpack_subelements %get3A_619, 0 {pack_format = #tpu.pack_format<interleaved>} : vector<32xbf16> -> vector<16xf32>
      %unpack3A_621 = tpu.unpack_subelements %get3A_619, 1 {pack_format = #tpu.pack_format<interleaved>} : vector<32xbf16> -> vector<16xf32>
      %get3A_622 = arith.index_cast %add3A_611 : i32 to index
      %get3A_623 = arith.constant 32 : index
      %get3A_624 = tpu.vector_load %arg11[%get3A_622, %get3A_623] {strides = array<i32>} : memref<512x64xbf16, #tpu.memory_space<vmem>>, vector<32xbf16>,
      %unpack3A_625 = tpu.unpack_subelements %get3A_624, 0 {pack_format = #tpu.pack_format<interleaved>} : vector<32xbf16> -> vector<16xf32>
      %unpack3A_626 = tpu.unpack_subelements %get3A_624, 1 {pack_format = #tpu.pack_format<interleaved>} : vector<32xbf16> -> vector<16xf32>
      %get3A_627 = arith.index_cast %add3A_611 : i32 to index
      %get3A_628 = arith.constant 32 : index
      %get3A_629 = tpu.vector_load %arg12[%get3A_627, %get3A_628] {strides = array<i32>} : memref<512x64xbf16, #tpu.memory_space<vmem>>, vector<32xbf16>,
      %unpack3A_630 = tpu.unpack_subelements %get3A_629, 0 {pack_format = #tpu.pack_format<interleaved>} : vector<32xbf16> -> vector<16xf32>
      %unpack3A_631 = tpu.unpack_subelements %get3A_629, 1 {pack_format = #tpu.pack_format<interleaved>} : vector<32xbf16> -> vector<16xf32>
      %mul3A_632 = arith.mulf %unpack3A_615, %unpack3A_620 : vector<16xf32>
      %mul3A_633 = arith.mulf %unpack3A_616, %unpack3A_621 : vector<16xf32>
      %add3A_634 = arith.addf %mul3A_632, %mul3A_633 : vector<16xf32>
      %mul3A_635 = arith.mulf %unpack3A_625, %unpack3A_630 : vector<16xf32>
      %mul3A_636 = arith.mulf %unpack3A_626, %unpack3A_631 : vector<16xf32>
      %add3A_637 = arith.addf %mul3A_635, %mul3A_636 : vector<16xf32>
      %add3A_638 = arith.addf %add3A_634, %add3A_637 : vector<16xf32>
      %swap3A = arith.constant 0 : i32
      %swap3A_639 = arith.index_cast %swap3A : i32 to index
      %swap3A_640 = arith.constant 0 : index
      %swap3A_641 = tpu.vector_load %arg17[%swap3A_639, %swap3A_640] {strides = array<i32>} : memref<16x17xf32, #tpu.memory_space<vmem>>, vector<16xf32>,
      tpu.vector_store %arg17[%swap3A_639, %swap3A_640], %add3A_203 {strides = array<i32>} : memref<16x17xf32, #tpu.memory_space<vmem>>, vector<16xf32>,
      %swap3A_642 = arith.constant 1 : i32
      %swap3A_643 = arith.index_cast %swap3A_642 : i32 to index
      %swap3A_644 = arith.constant 0 : index
      %swap3A_645 = tpu.vector_load %arg17[%swap3A_643, %swap3A_644] {strides = array<i32>} : memref<16x17xf32, #tpu.memory_space<vmem>>, vector<16xf32>,
      tpu.vector_store %arg17[%swap3A_643, %swap3A_644], %add3A_232 {strides = array<i32>} : memref<16x17xf32, #tpu.memory_space<vmem>>, vector<16xf32>,
      %swap3A_646 = arith.constant 2 : i32
      %swap3A_647 = arith.index_cast %swap3A_646 : i32 to index
      %swap3A_648 = arith.constant 0 : index
      %swap3A_649 = tpu.vector_load %arg17[%swap3A_647, %swap3A_648] {strides = array<i32>} : memref<16x17xf32, #tpu.memory_space<vmem>>, vector<16xf32>,
      tpu.vector_store %arg17[%swap3A_647, %swap3A_648], %add3A_261 {strides = array<i32>} : memref<16x17xf32, #tpu.memory_space<vmem>>, vector<16xf32>,
      %swap3A_650 = arith.constant 3 : i32
      %swap3A_651 = arith.index_cast %swap3A_650 : i32 to index
      %swap3A_652 = arith.constant 0 : index
      %swap3A_653 = tpu.vector_load %arg17[%swap3A_651, %swap3A_652] {strides = array<i32>} : memref<16x17xf32, #tpu.memory_space<vmem>>, vector<16xf32>,
      tpu.vector_store %arg17[%swap3A_651, %swap3A_652], %add3A_290 {strides = array<i32>} : memref<16x17xf32, #tpu.memory_space<vmem>>, vector<16xf32>,
      %swap3A_654 = arith.constant 4 : i32
      %swap3A_655 = arith.index_cast %swap3A_654 : i32 to index
      %swap3A_656 = arith.constant 0 : index
      %swap3A_657 = tpu.vector_load %arg17[%swap3A_655, %swap3A_656] {strides = array<i32>} : memref<16x17xf32, #tpu.memory_space<vmem>>, vector<16xf32>,
      tpu.vector_store %arg17[%swap3A_655, %swap3A_656], %add3A_319 {strides = array<i32>} : memref<16x17xf32, #tpu.memory_space<vmem>>, vector<16xf32>,
      %swap3A_658 = arith.constant 5 : i32
      %swap3A_659 = arith.index_cast %swap3A_658 : i32 to index
      %swap3A_660 = arith.constant 0 : index
      %swap3A_661 = tpu.vector_load %arg17[%swap3A_659, %swap3A_660] {strides = array<i32>} : memref<16x17xf32, #tpu.memory_space<vmem>>, vector<16xf32>,
      tpu.vector_store %arg17[%swap3A_659, %swap3A_660], %add3A_348 {strides = array<i32>} : memref<16x17xf32, #tpu.memory_space<vmem>>, vector<16xf32>,
      %swap3A_662 = arith.constant 6 : i32
      %swap3A_663 = arith.index_cast %swap3A_662 : i32 to index
      %swap3A_664 = arith.constant 0 : index
      %swap3A_665 = tpu.vector_load %arg17[%swap3A_663, %swap3A_664] {strides = array<i32>} : memref<16x17xf32, #tpu.memory_space<vmem>>, vector<16xf32>,
      tpu.vector_store %arg17[%swap3A_663, %swap3A_664], %add3A_377 {strides = array<i32>} : memref<16x17xf32, #tpu.memory_space<vmem>>, vector<16xf32>,
      %swap3A_666 = arith.constant 7 : i32
      %swap3A_667 = arith.index_cast %swap3A_666 : i32 to index
      %swap3A_668 = arith.constant 0 : index
      %swap3A_669 = tpu.vector_load %arg17[%swap3A_667, %swap3A_668] {strides = array<i32>} : memref<16x17xf32, #tpu.memory_space<vmem>>, vector<16xf32>,
      tpu.vector_store %arg17[%swap3A_667, %swap3A_668], %add3A_406 {strides = array<i32>} : memref<16x17xf32, #tpu.memory_space<vmem>>, vector<16xf32>,
      %swap3A_670 = arith.constant 8 : i32
      %swap3A_671 = arith.index_cast %swap3A_670 : i32 to index
      %swap3A_672 = arith.constant 0 : index
      %swap3A_673 = tpu.vector_load %arg17[%swap3A_671, %swap3A_672] {strides = array<i32>} : memref<16x17xf32, #tpu.memory_space<vmem>>, vector<16xf32>,
      tpu.vector_store %arg17[%swap3A_671, %swap3A_672], %add3A_435 {strides = array<i32>} : memref<16x17xf32, #tpu.memory_space<vmem>>, vector<16xf32>,
      %swap3A_674 = arith.constant 9 : i32
      %swap3A_675 = arith.index_cast %swap3A_674 : i32 to index
      %swap3A_676 = arith.constant 0 : index
      %swap3A_677 = tpu.vector_load %arg17[%swap3A_675, %swap3A_676] {strides = array<i32>} : memref<16x17xf32, #tpu.memory_space<vmem>>, vector<16xf32>,
      tpu.vector_store %arg17[%swap3A_675, %swap3A_676], %add3A_464 {strides = array<i32>} : memref<16x17xf32, #tpu.memory_space<vmem>>, vector<16xf32>,
      %swap3A_678 = arith.constant 10 : i32
      %swap3A_679 = arith.index_cast %swap3A_678 : i32 to index
      %swap3A_680 = arith.constant 0 : index
      %swap3A_681 = tpu.vector_load %arg17[%swap3A_679, %swap3A_680] {strides = array<i32>} : memref<16x17xf32, #tpu.memory_space<vmem>>, vector<16xf32>,
      tpu.vector_store %arg17[%swap3A_679, %swap3A_680], %add3A_493 {strides = array<i32>} : memref<16x17xf32, #tpu.memory_space<vmem>>, vector<16xf32>,
      %swap3A_682 = arith.constant 11 : i32
      %swap3A_683 = arith.index_cast %swap3A_682 : i32 to index
      %swap3A_684 = arith.constant 0 : index
      %swap3A_685 = tpu.vector_load %arg17[%swap3A_683, %swap3A_684] {strides = array<i32>} : memref<16x17xf32, #tpu.memory_space<vmem>>, vector<16xf32>,
      tpu.vector_store %arg17[%swap3A_683, %swap3A_684], %add3A_522 {strides = array<i32>} : memref<16x17xf32, #tpu.memory_space<vmem>>, vector<16xf32>,
      %swap3A_686 = arith.constant 12 : i32
      %swap3A_687 = arith.index_cast %swap3A_686 : i32 to index
      %swap3A_688 = arith.constant 0 : index
      %swap3A_689 = tpu.vector_load %arg17[%swap3A_687, %swap3A_688] {strides = array<i32>} : memref<16x17xf32, #tpu.memory_space<vmem>>, vector<16xf32>,
      tpu.vector_store %arg17[%swap3A_687, %swap3A_688], %add3A_551 {strides = array<i32>} : memref<16x17xf32, #tpu.memory_space<vmem>>, vector<16xf32>,
      %swap3A_690 = arith.constant 13 : i32
      %swap3A_691 = arith.index_cast %swap3A_690 : i32 to index
      %swap3A_692 = arith.constant 0 : index
      %swap3A_693 = tpu.vector_load %arg17[%swap3A_691, %swap3A_692] {strides = array<i32>} : memref<16x17xf32, #tpu.memory_space<vmem>>, vector<16xf32>,
      tpu.vector_store %arg17[%swap3A_691, %swap3A_692], %add3A_580 {strides = array<i32>} : memref<16x17xf32, #tpu.memory_space<vmem>>, vector<16xf32>,
      %swap3A_694 = arith.constant 14 : i32
      %swap3A_695 = arith.index_cast %swap3A_694 : i32 to index
      %swap3A_696 = arith.constant 0 : index
      %swap3A_697 = tpu.vector_load %arg17[%swap3A_695, %swap3A_696] {strides = array<i32>} : memref<16x17xf32, #tpu.memory_space<vmem>>, vector<16xf32>,
      tpu.vector_store %arg17[%swap3A_695, %swap3A_696], %add3A_609 {strides = array<i32>} : memref<16x17xf32, #tpu.memory_space<vmem>>, vector<16xf32>,
      %swap3A_698 = arith.constant 15 : i32
      %swap3A_699 = arith.index_cast %swap3A_698 : i32 to index
      %swap3A_700 = arith.constant 0 : index
      %swap3A_701 = tpu.vector_load %arg17[%swap3A_699, %swap3A_700] {strides = array<i32>} : memref<16x17xf32, #tpu.memory_space<vmem>>, vector<16xf32>,
      tpu.vector_store %arg17[%swap3A_699, %swap3A_700], %add3A_638 {strides = array<i32>} : memref<16x17xf32, #tpu.memory_space<vmem>>, vector<16xf32>,
      %get3A_702 = arith.index_cast %add3A_176 : i32 to index
      %get3A_703 = tpu.vector_load %arg9[%get3A_702] {strides = array<i32>} : memref<512xi32, #tpu.memory_space<vmem>>, vector<16xi32>,
      %get3A_704 = arith.index_cast %add3A_176 : i32 to index
      %get3A_705 = tpu.vector_load %arg10[%get3A_704] {strides = array<i32>} : memref<512xi32, #tpu.memory_space<vmem>>, vector<16xi32>,
      %gather3A = tpu.vector_load_idx %arg15[%get3A_703, %broadcast_in_dim3A_84] : memref<1000x1xf32, #tpu.memory_space<vmem>>[vector<16xi32>, vector<16xi32>], vector<16xf32>,
      %gather3A_706 = tpu.vector_load_idx %arg16[%get3A_705, %broadcast_in_dim3A_84] : memref<1000x1xf32, #tpu.memory_space<vmem>>[vector<16xi32>, vector<16xi32>], vector<16xf32>,
      %add3A_707 = arith.addf %gather3A, %gather3A_706 : vector<16xf32>
      %broadcast_in_dim3A_708 = arith.constant 0 : i32
      %broadcast_in_dim3A_709 = vector.broadcast %broadcast_in_dim3A_708 : i32 to vector<16xi32>
      %gather3A_710 = tpu.vector_load_idx %arg17[%iota3A, %broadcast_in_dim3A_709] : memref<16x17xf32, #tpu.memory_space<vmem>>[vector<16xi32>, vector<16xi32>], vector<16xf32>,
      %add3A_711 = arith.addf %add3A_707, %gather3A_710 : vector<16xf32>
      %broadcast_in_dim3A_712 = arith.constant 1 : i32
      %broadcast_in_dim3A_713 = vector.broadcast %broadcast_in_dim3A_712 : i32 to vector<16xi32>
      %gather3A_714 = tpu.vector_load_idx %arg17[%iota3A, %broadcast_in_dim3A_713] : memref<16x17xf32, #tpu.memory_space<vmem>>[vector<16xi32>, vector<16xi32>], vector<16xf32>,
      %add3A_715 = arith.addf %add3A_711, %gather3A_714 : vector<16xf32>
      %broadcast_in_dim3A_716 = arith.constant 2 : i32
      %broadcast_in_dim3A_717 = vector.broadcast %broadcast_in_dim3A_716 : i32 to vector<16xi32>
      %gather3A_718 = tpu.vector_load_idx %arg17[%iota3A, %broadcast_in_dim3A_717] : memref<16x17xf32, #tpu.memory_space<vmem>>[vector<16xi32>, vector<16xi32>], vector<16xf32>,
      %add3A_719 = arith.addf %add3A_715, %gather3A_718 : vector<16xf32>
      %broadcast_in_dim3A_720 = arith.constant 3 : i32
      %broadcast_in_dim3A_721 = vector.broadcast %broadcast_in_dim3A_720 : i32 to vector<16xi32>
      %gather3A_722 = tpu.vector_load_idx %arg17[%iota3A, %broadcast_in_dim3A_721] : memref<16x17xf32, #tpu.memory_space<vmem>>[vector<16xi32>, vector<16xi32>], vector<16xf32>,
      %add3A_723 = arith.addf %add3A_719, %gather3A_722 : vector<16xf32>
      %broadcast_in_dim3A_724 = arith.constant 4 : i32
      %broadcast_in_dim3A_725 = vector.broadcast %broadcast_in_dim3A_724 : i32 to vector<16xi32>
      %gather3A_726 = tpu.vector_load_idx %arg17[%iota3A, %broadcast_in_dim3A_725] : memref<16x17xf32, #tpu.memory_space<vmem>>[vector<16xi32>, vector<16xi32>], vector<16xf32>,
      %add3A_727 = arith.addf %add3A_723, %gather3A_726 : vector<16xf32>
      %broadcast_in_dim3A_728 = arith.constant 5 : i32
      %broadcast_in_dim3A_729 = vector.broadcast %broadcast_in_dim3A_728 : i32 to vector<16xi32>
      %gather3A_730 = tpu.vector_load_idx %arg17[%iota3A, %broadcast_in_dim3A_729] : memref<16x17xf32, #tpu.memory_space<vmem>>[vector<16xi32>, vector<16xi32>], vector<16xf32>,
      %add3A_731 = arith.addf %add3A_727, %gather3A_730 : vector<16xf32>
      %broadcast_in_dim3A_732 = arith.constant 6 : i32
      %broadcast_in_dim3A_733 = vector.broadcast %broadcast_in_dim3A_732 : i32 to vector<16xi32>
      %gather3A_734 = tpu.vector_load_idx %arg17[%iota3A, %broadcast_in_dim3A_733] : memref<16x17xf32, #tpu.memory_space<vmem>>[vector<16xi32>, vector<16xi32>], vector<16xf32>,
      %add3A_735 = arith.addf %add3A_731, %gather3A_734 : vector<16xf32>
      %broadcast_in_dim3A_736 = arith.constant 7 : i32
      %broadcast_in_dim3A_737 = vector.broadcast %broadcast_in_dim3A_736 : i32 to vector<16xi32>
      %gather3A_738 = tpu.vector_load_idx %arg17[%iota3A, %broadcast_in_dim3A_737] : memref<16x17xf32, #tpu.memory_space<vmem>>[vector<16xi32>, vector<16xi32>], vector<16xf32>,
      %add3A_739 = arith.addf %add3A_735, %gather3A_738 : vector<16xf32>
      %broadcast_in_dim3A_740 = arith.constant 8 : i32
      %broadcast_in_dim3A_741 = vector.broadcast %broadcast_in_dim3A_740 : i32 to vector<16xi32>
      %gather3A_742 = tpu.vector_load_idx %arg17[%iota3A, %broadcast_in_dim3A_741] : memref<16x17xf32, #tpu.memory_space<vmem>>[vector<16xi32>, vector<16xi32>], vector<16xf32>,
      %add3A_743 = arith.addf %add3A_739, %gather3A_742 : vector<16xf32>
      %broadcast_in_dim3A_744 = arith.constant 9 : i32
      %broadcast_in_dim3A_745 = vector.broadcast %broadcast_in_dim3A_744 : i32 to vector<16xi32>
      %gather3A_746 = tpu.vector_load_idx %arg17[%iota3A, %broadcast_in_dim3A_745] : memref<16x17xf32, #tpu.memory_space<vmem>>[vector<16xi32>, vector<16xi32>], vector<16xf32>,
      %add3A_747 = arith.addf %add3A_743, %gather3A_746 : vector<16xf32>
      %broadcast_in_dim3A_748 = arith.constant 10 : i32
      %broadcast_in_dim3A_749 = vector.broadcast %broadcast_in_dim3A_748 : i32 to vector<16xi32>
      %gather3A_750 = tpu.vector_load_idx %arg17[%iota3A, %broadcast_in_dim3A_749] : memref<16x17xf32, #tpu.memory_space<vmem>>[vector<16xi32>, vector<16xi32>], vector<16xf32>,
      %add3A_751 = arith.addf %add3A_747, %gather3A_750 : vector<16xf32>
      %broadcast_in_dim3A_752 = arith.constant 11 : i32
      %broadcast_in_dim3A_753 = vector.broadcast %broadcast_in_dim3A_752 : i32 to vector<16xi32>
      %gather3A_754 = tpu.vector_load_idx %arg17[%iota3A, %broadcast_in_dim3A_753] : memref<16x17xf32, #tpu.memory_space<vmem>>[vector<16xi32>, vector<16xi32>], vector<16xf32>,
      %add3A_755 = arith.addf %add3A_751, %gather3A_754 : vector<16xf32>
      %broadcast_in_dim3A_756 = arith.constant 12 : i32
      %broadcast_in_dim3A_757 = vector.broadcast %broadcast_in_dim3A_756 : i32 to vector<16xi32>
      %gather3A_758 = tpu.vector_load_idx %arg17[%iota3A, %broadcast_in_dim3A_757] : memref<16x17xf32, #tpu.memory_space<vmem>>[vector<16xi32>, vector<16xi32>], vector<16xf32>,
      %add3A_759 = arith.addf %add3A_755, %gather3A_758 : vector<16xf32>
      %broadcast_in_dim3A_760 = arith.constant 13 : i32
      %broadcast_in_dim3A_761 = vector.broadcast %broadcast_in_dim3A_760 : i32 to vector<16xi32>
      %gather3A_762 = tpu.vector_load_idx %arg17[%iota3A, %broadcast_in_dim3A_761] : memref<16x17xf32, #tpu.memory_space<vmem>>[vector<16xi32>, vector<16xi32>], vector<16xf32>,
      %add3A_763 = arith.addf %add3A_759, %gather3A_762 : vector<16xf32>
      %broadcast_in_dim3A_764 = arith.constant 14 : i32
      %broadcast_in_dim3A_765 = vector.broadcast %broadcast_in_dim3A_764 : i32 to vector<16xi32>
      %gather3A_766 = tpu.vector_load_idx %arg17[%iota3A, %broadcast_in_dim3A_765] : memref<16x17xf32, #tpu.memory_space<vmem>>[vector<16xi32>, vector<16xi32>], vector<16xf32>,
      %add3A_767 = arith.addf %add3A_763, %gather3A_766 : vector<16xf32>
      %broadcast_in_dim3A_768 = arith.constant 15 : i32
      %broadcast_in_dim3A_769 = vector.broadcast %broadcast_in_dim3A_768 : i32 to vector<16xi32>
      %gather3A_770 = tpu.vector_load_idx %arg17[%iota3A, %broadcast_in_dim3A_769] : memref<16x17xf32, #tpu.memory_space<vmem>>[vector<16xi32>, vector<16xi32>], vector<16xf32>,
      %add3A_771 = arith.addf %add3A_767, %gather3A_770 : vector<16xf32>
      %swap3A_772 = arith.index_cast %add3A_176 : i32 to index
      %swap3A_773 = tpu.vector_load %arg18[%swap3A_772] {strides = array<i32>} : memref<512xf32, #tpu.memory_space<vmem>>, vector<16xf32>,
      tpu.vector_store %arg18[%swap3A_772], %add3A_771 {strides = array<i32>} : memref<512xf32, #tpu.memory_space<vmem>>, vector<16xf32>,
    }
    %scan3A_105 = arith.constant 8 : i32
    %dma_wait3A_106 = arith.constant 128 : i32
    %dma_wait3A_107 = arith.constant 0 : i32
    %dma_wait3A_108 = tpu.memref_slice %arg11[%dma_wait3A_106, %dma_wait3A_107] : memref<512x64xbf16, #tpu.memory_space<vmem>> -> memref<128x64xbf16, #tpu.memory_space<vmem>>
    %dma_wait3A_109 = arith.constant 128 : i32
    %dma_wait3A_110 = tpu.memref_slice %arg9[%dma_wait3A_109] : memref<512xi32, #tpu.memory_space<vmem>> -> memref<128xi32, #tpu.memory_space<vmem>>
    %dma_wait3A_111 = arith.constant 0 : i32
    %dma_wait3A_112 = arith.constant 0 : i32
    %dma_wait3A_113 = tpu.memref_slice %arg13[%dma_wait3A_111, %dma_wait3A_112] : memref<1000x64xbf16, #tpu.memory_space<vmem_shared>> -> memref<1000x64xbf16, #tpu.memory_space<vmem_shared>>
    tpu.wait_indirect_dma semaphore(%arg19 : memref<!tpu.dma_semaphore, #tpu.memory_space<semaphore_mem>>) src(%dma_wait3A_113 : memref<1000x64xbf16, #tpu.memory_space<vmem_shared>>) dst(%dma_wait3A_108 : memref<128x64xbf16, #tpu.memory_space<vmem>>)
    %dma_wait3A_114 = arith.constant 128 : i32
    %dma_wait3A_115 = arith.constant 0 : i32
    %dma_wait3A_116 = tpu.memref_slice %arg12[%dma_wait3A_114, %dma_wait3A_115] : memref<512x64xbf16, #tpu.memory_space<vmem>> -> memref<128x64xbf16, #tpu.memory_space<vmem>>
    %dma_wait3A_117 = arith.constant 128 : i32
    %dma_wait3A_118 = tpu.memref_slice %arg10[%dma_wait3A_117] : memref<512xi32, #tpu.memory_space<vmem>> -> memref<128xi32, #tpu.memory_space<vmem>>
    %dma_wait3A_119 = arith.constant 0 : i32
    %dma_wait3A_120 = arith.constant 0 : i32
    %dma_wait3A_121 = tpu.memref_slice %arg14[%dma_wait3A_119, %dma_wait3A_120] : memref<1000x64xbf16, #tpu.memory_space<vmem_shared>> -> memref<1000x64xbf16, #tpu.memory_space<vmem_shared>>
    tpu.wait_indirect_dma semaphore(%arg20 : memref<!tpu.dma_semaphore, #tpu.memory_space<semaphore_mem>>) src(%dma_wait3A_121 : memref<1000x64xbf16, #tpu.memory_space<vmem_shared>>) dst(%dma_wait3A_116 : memref<128x64xbf16, #tpu.memory_space<vmem>>)
    %scan3A_122 = arith.constant 0 : i32
    %scan3A_123 = arith.constant 0 : i32
    %scan3A_124 = arith.constant 8 : i32
    %scan3A_125 = arith.addi %scan3A_123, %scan3A_124 : i32
    %scan3A_126 = arith.constant 1 : i32
    scf.for %scan3A_172 = %scan3A_123 to %scan3A_125 step %scan3A_126  : i32 {
      %mul3A_173 = arith.constant 16 : i32
      %mul3A_174 = arith.muli %scan3A_172, %mul3A_173 : i32
      %add3A_175 = arith.constant 128 : i32
      %add3A_176 = arith.addi %add3A_175, %mul3A_174 : i32
      %add3A_177 = arith.constant 0 : i32
      %add3A_178 = arith.addi %add3A_176, %add3A_177 : i32
      %get3A = arith.index_cast %add3A_178 : i32 to index
      %get3A_179 = arith.constant 0 : index
      %get3A_180 = tpu.vector_load %arg11[%get3A, %get3A_179] {strides = array<i32>} : memref<512x64xbf16, #tpu.memory_space<vmem>>, vector<32xbf16>,
      %unpack3A = tpu.unpack_subelements %get3A_180, 0 {pack_format = #tpu.pack_format<interleaved>} : vector<32xbf16> -> vector<16xf32>
      %unpack3A_181 = tpu.unpack_subelements %get3A_180, 1 {pack_format = #tpu.pack_format<interleaved>} : vector<32xbf16> -> vector<16xf32>
      %get3A_182 = arith.index_cast %add3A_178 : i32 to index
      %get3A_183 = arith.constant 0 : index
      %get3A_184 = tpu.vector_load %arg12[%get3A_182, %get3A_183] {strides = array<i32>} : memref<512x64xbf16, #tpu.memory_space<vmem>>, vector<32xbf16>,
      %unpack3A_185 = tpu.unpack_subelements %get3A_184, 0 {pack_format = #tpu.pack_format<interleaved>} : vector<32xbf16> -> vector<16xf32>
      %unpack3A_186 = tpu.unpack_subelements %get3A_184, 1 {pack_format = #tpu.pack_format<interleaved>} : vector<32xbf16> -> vector<16xf32>
      %get3A_187 = arith.index_cast %add3A_178 : i32 to index
      %get3A_188 = arith.constant 32 : index
      %get3A_189 = tpu.vector_load %arg11[%get3A_187, %get3A_188] {strides = array<i32>} : memref<512x64xbf16, #tpu.memory_space<vmem>>, vector<32xbf16>,
      %unpack3A_190 = tpu.unpack_subelements %get3A_189, 0 {pack_format = #tpu.pack_format<interleaved>} : vector<32xbf16> -> vector<16xf32>
      %unpack3A_191 = tpu.unpack_subelements %get3A_189, 1 {pack_format = #tpu.pack_format<interleaved>} : vector<32xbf16> -> vector<16xf32>
      %get3A_192 = arith.index_cast %add3A_178 : i32 to index
      %get3A_193 = arith.constant 32 : index
      %get3A_194 = tpu.vector_load %arg12[%get3A_192, %get3A_193] {strides = array<i32>} : memref<512x64xbf16, #tpu.memory_space<vmem>>, vector<32xbf16>,
      %unpack3A_195 = tpu.unpack_subelements %get3A_194, 0 {pack_format = #tpu.pack_format<interleaved>} : vector<32xbf16> -> vector<16xf32>
      %unpack3A_196 = tpu.unpack_subelements %get3A_194, 1 {pack_format = #tpu.pack_format<interleaved>} : vector<32xbf16> -> vector<16xf32>
      %mul3A_197 = arith.mulf %unpack3A, %unpack3A_185 : vector<16xf32>
      %mul3A_198 = arith.mulf %unpack3A_181, %unpack3A_186 : vector<16xf32>
      %add3A_199 = arith.addf %mul3A_197, %mul3A_198 : vector<16xf32>
      %mul3A_200 = arith.mulf %unpack3A_190, %unpack3A_195 : vector<16xf32>
      %mul3A_201 = arith.mulf %unpack3A_191, %unpack3A_196 : vector<16xf32>
      %add3A_202 = arith.addf %mul3A_200, %mul3A_201 : vector<16xf32>
      %add3A_203 = arith.addf %add3A_199, %add3A_202 : vector<16xf32>
      %add3A_204 = arith.constant 1 : i32
      %add3A_205 = arith.addi %add3A_176, %add3A_204 : i32
      %get3A_206 = arith.index_cast %add3A_205 : i32 to index
      %get3A_207 = arith.constant 0 : index
      %get3A_208 = tpu.vector_load %arg11[%get3A_206, %get3A_207] {strides = array<i32>} : memref<512x64xbf16, #tpu.memory_space<vmem>>, vector<32xbf16>,
      %unpack3A_209 = tpu.unpack_subelements %get3A_208, 0 {pack_format = #tpu.pack_format<interleaved>} : vector<32xbf16> -> vector<16xf32>
      %unpack3A_210 = tpu.unpack_subelements %get3A_208, 1 {pack_format = #tpu.pack_format<interleaved>} : vector<32xbf16> -> vector<16xf32>
      %get3A_211 = arith.index_cast %add3A_205 : i32 to index
      %get3A_212 = arith.constant 0 : index
      %get3A_213 = tpu.vector_load %arg12[%get3A_211, %get3A_212] {strides = array<i32>} : memref<512x64xbf16, #tpu.memory_space<vmem>>, vector<32xbf16>,
      %unpack3A_214 = tpu.unpack_subelements %get3A_213, 0 {pack_format = #tpu.pack_format<interleaved>} : vector<32xbf16> -> vector<16xf32>
      %unpack3A_215 = tpu.unpack_subelements %get3A_213, 1 {pack_format = #tpu.pack_format<interleaved>} : vector<32xbf16> -> vector<16xf32>
      %get3A_216 = arith.index_cast %add3A_205 : i32 to index
      %get3A_217 = arith.constant 32 : index
      %get3A_218 = tpu.vector_load %arg11[%get3A_216, %get3A_217] {strides = array<i32>} : memref<512x64xbf16, #tpu.memory_space<vmem>>, vector<32xbf16>,
      %unpack3A_219 = tpu.unpack_subelements %get3A_218, 0 {pack_format = #tpu.pack_format<interleaved>} : vector<32xbf16> -> vector<16xf32>
      %unpack3A_220 = tpu.unpack_subelements %get3A_218, 1 {pack_format = #tpu.pack_format<interleaved>} : vector<32xbf16> -> vector<16xf32>
      %get3A_221 = arith.index_cast %add3A_205 : i32 to index
      %get3A_222 = arith.constant 32 : index
      %get3A_223 = tpu.vector_load %arg12[%get3A_221, %get3A_222] {strides = array<i32>} : memref<512x64xbf16, #tpu.memory_space<vmem>>, vector<32xbf16>,
      %unpack3A_224 = tpu.unpack_subelements %get3A_223, 0 {pack_format = #tpu.pack_format<interleaved>} : vector<32xbf16> -> vector<16xf32>
      %unpack3A_225 = tpu.unpack_subelements %get3A_223, 1 {pack_format = #tpu.pack_format<interleaved>} : vector<32xbf16> -> vector<16xf32>
      %mul3A_226 = arith.mulf %unpack3A_209, %unpack3A_214 : vector<16xf32>
      %mul3A_227 = arith.mulf %unpack3A_210, %unpack3A_215 : vector<16xf32>
      %add3A_228 = arith.addf %mul3A_226, %mul3A_227 : vector<16xf32>
      %mul3A_229 = arith.mulf %unpack3A_219, %unpack3A_224 : vector<16xf32>
      %mul3A_230 = arith.mulf %unpack3A_220, %unpack3A_225 : vector<16xf32>
      %add3A_231 = arith.addf %mul3A_229, %mul3A_230 : vector<16xf32>
      %add3A_232 = arith.addf %add3A_228, %add3A_231 : vector<16xf32>
      %add3A_233 = arith.constant 2 : i32
      %add3A_234 = arith.addi %add3A_176, %add3A_233 : i32
      %get3A_235 = arith.index_cast %add3A_234 : i32 to index
      %get3A_236 = arith.constant 0 : index
      %get3A_237 = tpu.vector_load %arg11[%get3A_235, %get3A_236] {strides = array<i32>} : memref<512x64xbf16, #tpu.memory_space<vmem>>, vector<32xbf16>,
      %unpack3A_238 = tpu.unpack_subelements %get3A_237, 0 {pack_format = #tpu.pack_format<interleaved>} : vector<32xbf16> -> vector<16xf32>
      %unpack3A_239 = tpu.unpack_subelements %get3A_237, 1 {pack_format = #tpu.pack_format<interleaved>} : vector<32xbf16> -> vector<16xf32>
      %get3A_240 = arith.index_cast %add3A_234 : i32 to index
      %get3A_241 = arith.constant 0 : index
      %get3A_242 = tpu.vector_load %arg12[%get3A_240, %get3A_241] {strides = array<i32>} : memref<512x64xbf16, #tpu.memory_space<vmem>>, vector<32xbf16>,
      %unpack3A_243 = tpu.unpack_subelements %get3A_242, 0 {pack_format = #tpu.pack_format<interleaved>} : vector<32xbf16> -> vector<16xf32>
      %unpack3A_244 = tpu.unpack_subelements %get3A_242, 1 {pack_format = #tpu.pack_format<interleaved>} : vector<32xbf16> -> vector<16xf32>
      %get3A_245 = arith.index_cast %add3A_234 : i32 to index
      %get3A_246 = arith.constant 32 : index
      %get3A_247 = tpu.vector_load %arg11[%get3A_245, %get3A_246] {strides = array<i32>} : memref<512x64xbf16, #tpu.memory_space<vmem>>, vector<32xbf16>,
      %unpack3A_248 = tpu.unpack_subelements %get3A_247, 0 {pack_format = #tpu.pack_format<interleaved>} : vector<32xbf16> -> vector<16xf32>
      %unpack3A_249 = tpu.unpack_subelements %get3A_247, 1 {pack_format = #tpu.pack_format<interleaved>} : vector<32xbf16> -> vector<16xf32>
      %get3A_250 = arith.index_cast %add3A_234 : i32 to index
      %get3A_251 = arith.constant 32 : index
      %get3A_252 = tpu.vector_load %arg12[%get3A_250, %get3A_251] {strides = array<i32>} : memref<512x64xbf16, #tpu.memory_space<vmem>>, vector<32xbf16>,
      %unpack3A_253 = tpu.unpack_subelements %get3A_252, 0 {pack_format = #tpu.pack_format<interleaved>} : vector<32xbf16> -> vector<16xf32>
      %unpack3A_254 = tpu.unpack_subelements %get3A_252, 1 {pack_format = #tpu.pack_format<interleaved>} : vector<32xbf16> -> vector<16xf32>
      %mul3A_255 = arith.mulf %unpack3A_238, %unpack3A_243 : vector<16xf32>
      %mul3A_256 = arith.mulf %unpack3A_239, %unpack3A_244 : vector<16xf32>
      %add3A_257 = arith.addf %mul3A_255, %mul3A_256 : vector<16xf32>
      %mul3A_258 = arith.mulf %unpack3A_248, %unpack3A_253 : vector<16xf32>
      %mul3A_259 = arith.mulf %unpack3A_249, %unpack3A_254 : vector<16xf32>
      %add3A_260 = arith.addf %mul3A_258, %mul3A_259 : vector<16xf32>
      %add3A_261 = arith.addf %add3A_257, %add3A_260 : vector<16xf32>
      %add3A_262 = arith.constant 3 : i32
      %add3A_263 = arith.addi %add3A_176, %add3A_262 : i32
      %get3A_264 = arith.index_cast %add3A_263 : i32 to index
      %get3A_265 = arith.constant 0 : index
      %get3A_266 = tpu.vector_load %arg11[%get3A_264, %get3A_265] {strides = array<i32>} : memref<512x64xbf16, #tpu.memory_space<vmem>>, vector<32xbf16>,
      %unpack3A_267 = tpu.unpack_subelements %get3A_266, 0 {pack_format = #tpu.pack_format<interleaved>} : vector<32xbf16> -> vector<16xf32>
      %unpack3A_268 = tpu.unpack_subelements %get3A_266, 1 {pack_format = #tpu.pack_format<interleaved>} : vector<32xbf16> -> vector<16xf32>
      %get3A_269 = arith.index_cast %add3A_263 : i32 to index
      %get3A_270 = arith.constant 0 : index
      %get3A_271 = tpu.vector_load %arg12[%get3A_269, %get3A_270] {strides = array<i32>} : memref<512x64xbf16, #tpu.memory_space<vmem>>, vector<32xbf16>,
      %unpack3A_272 = tpu.unpack_subelements %get3A_271, 0 {pack_format = #tpu.pack_format<interleaved>} : vector<32xbf16> -> vector<16xf32>
      %unpack3A_273 = tpu.unpack_subelements %get3A_271, 1 {pack_format = #tpu.pack_format<interleaved>} : vector<32xbf16> -> vector<16xf32>
      %get3A_274 = arith.index_cast %add3A_263 : i32 to index
      %get3A_275 = arith.constant 32 : index
      %get3A_276 = tpu.vector_load %arg11[%get3A_274, %get3A_275] {strides = array<i32>} : memref<512x64xbf16, #tpu.memory_space<vmem>>, vector<32xbf16>,
      %unpack3A_277 = tpu.unpack_subelements %get3A_276, 0 {pack_format = #tpu.pack_format<interleaved>} : vector<32xbf16> -> vector<16xf32>
      %unpack3A_278 = tpu.unpack_subelements %get3A_276, 1 {pack_format = #tpu.pack_format<interleaved>} : vector<32xbf16> -> vector<16xf32>
      %get3A_279 = arith.index_cast %add3A_263 : i32 to index
      %get3A_280 = arith.constant 32 : index
      %get3A_281 = tpu.vector_load %arg12[%get3A_279, %get3A_280] {strides = array<i32>} : memref<512x64xbf16, #tpu.memory_space<vmem>>, vector<32xbf16>,
      %unpack3A_282 = tpu.unpack_subelements %get3A_281, 0 {pack_format = #tpu.pack_format<interleaved>} : vector<32xbf16> -> vector<16xf32>
      %unpack3A_283 = tpu.unpack_subelements %get3A_281, 1 {pack_format = #tpu.pack_format<interleaved>} : vector<32xbf16> -> vector<16xf32>
      %mul3A_284 = arith.mulf %unpack3A_267, %unpack3A_272 : vector<16xf32>
      %mul3A_285 = arith.mulf %unpack3A_268, %unpack3A_273 : vector<16xf32>
      %add3A_286 = arith.addf %mul3A_284, %mul3A_285 : vector<16xf32>
      %mul3A_287 = arith.mulf %unpack3A_277, %unpack3A_282 : vector<16xf32>
      %mul3A_288 = arith.mulf %unpack3A_278, %unpack3A_283 : vector<16xf32>
      %add3A_289 = arith.addf %mul3A_287, %mul3A_288 : vector<16xf32>
      %add3A_290 = arith.addf %add3A_286, %add3A_289 : vector<16xf32>
      %add3A_291 = arith.constant 4 : i32
      %add3A_292 = arith.addi %add3A_176, %add3A_291 : i32
      %get3A_293 = arith.index_cast %add3A_292 : i32 to index
      %get3A_294 = arith.constant 0 : index
      %get3A_295 = tpu.vector_load %arg11[%get3A_293, %get3A_294] {strides = array<i32>} : memref<512x64xbf16, #tpu.memory_space<vmem>>, vector<32xbf16>,
      %unpack3A_296 = tpu.unpack_subelements %get3A_295, 0 {pack_format = #tpu.pack_format<interleaved>} : vector<32xbf16> -> vector<16xf32>
      %unpack3A_297 = tpu.unpack_subelements %get3A_295, 1 {pack_format = #tpu.pack_format<interleaved>} : vector<32xbf16> -> vector<16xf32>
      %get3A_298 = arith.index_cast %add3A_292 : i32 to index
      %get3A_299 = arith.constant 0 : index
      %get3A_300 = tpu.vector_load %arg12[%get3A_298, %get3A_299] {strides = array<i32>} : memref<512x64xbf16, #tpu.memory_space<vmem>>, vector<32xbf16>,
      %unpack3A_301 = tpu.unpack_subelements %get3A_300, 0 {pack_format = #tpu.pack_format<interleaved>} : vector<32xbf16> -> vector<16xf32>
      %unpack3A_302 = tpu.unpack_subelements %get3A_300, 1 {pack_format = #tpu.pack_format<interleaved>} : vector<32xbf16> -> vector<16xf32>
      %get3A_303 = arith.index_cast %add3A_292 : i32 to index
      %get3A_304 = arith.constant 32 : index
      %get3A_305 = tpu.vector_load %arg11[%get3A_303, %get3A_304] {strides = array<i32>} : memref<512x64xbf16, #tpu.memory_space<vmem>>, vector<32xbf16>,
      %unpack3A_306 = tpu.unpack_subelements %get3A_305, 0 {pack_format = #tpu.pack_format<interleaved>} : vector<32xbf16> -> vector<16xf32>
      %unpack3A_307 = tpu.unpack_subelements %get3A_305, 1 {pack_format = #tpu.pack_format<interleaved>} : vector<32xbf16> -> vector<16xf32>
      %get3A_308 = arith.index_cast %add3A_292 : i32 to index
      %get3A_309 = arith.constant 32 : index
      %get3A_310 = tpu.vector_load %arg12[%get3A_308, %get3A_309] {strides = array<i32>} : memref<512x64xbf16, #tpu.memory_space<vmem>>, vector<32xbf16>,
      %unpack3A_311 = tpu.unpack_subelements %get3A_310, 0 {pack_format = #tpu.pack_format<interleaved>} : vector<32xbf16> -> vector<16xf32>
      %unpack3A_312 = tpu.unpack_subelements %get3A_310, 1 {pack_format = #tpu.pack_format<interleaved>} : vector<32xbf16> -> vector<16xf32>
      %mul3A_313 = arith.mulf %unpack3A_296, %unpack3A_301 : vector<16xf32>
      %mul3A_314 = arith.mulf %unpack3A_297, %unpack3A_302 : vector<16xf32>
      %add3A_315 = arith.addf %mul3A_313, %mul3A_314 : vector<16xf32>
      %mul3A_316 = arith.mulf %unpack3A_306, %unpack3A_311 : vector<16xf32>
      %mul3A_317 = arith.mulf %unpack3A_307, %unpack3A_312 : vector<16xf32>
      %add3A_318 = arith.addf %mul3A_316, %mul3A_317 : vector<16xf32>
      %add3A_319 = arith.addf %add3A_315, %add3A_318 : vector<16xf32>
      %add3A_320 = arith.constant 5 : i32
      %add3A_321 = arith.addi %add3A_176, %add3A_320 : i32
      %get3A_322 = arith.index_cast %add3A_321 : i32 to index
      %get3A_323 = arith.constant 0 : index
      %get3A_324 = tpu.vector_load %arg11[%get3A_322, %get3A_323] {strides = array<i32>} : memref<512x64xbf16, #tpu.memory_space<vmem>>, vector<32xbf16>,
      %unpack3A_325 = tpu.unpack_subelements %get3A_324, 0 {pack_format = #tpu.pack_format<interleaved>} : vector<32xbf16> -> vector<16xf32>
      %unpack3A_326 = tpu.unpack_subelements %get3A_324, 1 {pack_format = #tpu.pack_format<interleaved>} : vector<32xbf16> -> vector<16xf32>
      %get3A_327 = arith.index_cast %add3A_321 : i32 to index
      %get3A_328 = arith.constant 0 : index
      %get3A_329 = tpu.vector_load %arg12[%get3A_327, %get3A_328] {strides = array<i32>} : memref<512x64xbf16, #tpu.memory_space<vmem>>, vector<32xbf16>,
      %unpack3A_330 = tpu.unpack_subelements %get3A_329, 0 {pack_format = #tpu.pack_format<interleaved>} : vector<32xbf16> -> vector<16xf32>
      %unpack3A_331 = tpu.unpack_subelements %get3A_329, 1 {pack_format = #tpu.pack_format<interleaved>} : vector<32xbf16> -> vector<16xf32>
      %get3A_332 = arith.index_cast %add3A_321 : i32 to index
      %get3A_333 = arith.constant 32 : index
      %get3A_334 = tpu.vector_load %arg11[%get3A_332, %get3A_333] {strides = array<i32>} : memref<512x64xbf16, #tpu.memory_space<vmem>>, vector<32xbf16>,
      %unpack3A_335 = tpu.unpack_subelements %get3A_334, 0 {pack_format = #tpu.pack_format<interleaved>} : vector<32xbf16> -> vector<16xf32>
      %unpack3A_336 = tpu.unpack_subelements %get3A_334, 1 {pack_format = #tpu.pack_format<interleaved>} : vector<32xbf16> -> vector<16xf32>
      %get3A_337 = arith.index_cast %add3A_321 : i32 to index
      %get3A_338 = arith.constant 32 : index
      %get3A_339 = tpu.vector_load %arg12[%get3A_337, %get3A_338] {strides = array<i32>} : memref<512x64xbf16, #tpu.memory_space<vmem>>, vector<32xbf16>,
      %unpack3A_340 = tpu.unpack_subelements %get3A_339, 0 {pack_format = #tpu.pack_format<interleaved>} : vector<32xbf16> -> vector<16xf32>
      %unpack3A_341 = tpu.unpack_subelements %get3A_339, 1 {pack_format = #tpu.pack_format<interleaved>} : vector<32xbf16> -> vector<16xf32>
      %mul3A_342 = arith.mulf %unpack3A_325, %unpack3A_330 : vector<16xf32>
      %mul3A_343 = arith.mulf %unpack3A_326, %unpack3A_331 : vector<16xf32>
      %add3A_344 = arith.addf %mul3A_342, %mul3A_343 : vector<16xf32>
      %mul3A_345 = arith.mulf %unpack3A_335, %unpack3A_340 : vector<16xf32>
      %mul3A_346 = arith.mulf %unpack3A_336, %unpack3A_341 : vector<16xf32>
      %add3A_347 = arith.addf %mul3A_345, %mul3A_346 : vector<16xf32>
      %add3A_348 = arith.addf %add3A_344, %add3A_347 : vector<16xf32>
      %add3A_349 = arith.constant 6 : i32
      %add3A_350 = arith.addi %add3A_176, %add3A_349 : i32
      %get3A_351 = arith.index_cast %add3A_350 : i32 to index
      %get3A_352 = arith.constant 0 : index
      %get3A_353 = tpu.vector_load %arg11[%get3A_351, %get3A_352] {strides = array<i32>} : memref<512x64xbf16, #tpu.memory_space<vmem>>, vector<32xbf16>,
      %unpack3A_354 = tpu.unpack_subelements %get3A_353, 0 {pack_format = #tpu.pack_format<interleaved>} : vector<32xbf16> -> vector<16xf32>
      %unpack3A_355 = tpu.unpack_subelements %get3A_353, 1 {pack_format = #tpu.pack_format<interleaved>} : vector<32xbf16> -> vector<16xf32>
      %get3A_356 = arith.index_cast %add3A_350 : i32 to index
      %get3A_357 = arith.constant 0 : index
      %get3A_358 = tpu.vector_load %arg12[%get3A_356, %get3A_357] {strides = array<i32>} : memref<512x64xbf16, #tpu.memory_space<vmem>>, vector<32xbf16>,
      %unpack3A_359 = tpu.unpack_subelements %get3A_358, 0 {pack_format = #tpu.pack_format<interleaved>} : vector<32xbf16> -> vector<16xf32>
      %unpack3A_360 = tpu.unpack_subelements %get3A_358, 1 {pack_format = #tpu.pack_format<interleaved>} : vector<32xbf16> -> vector<16xf32>
      %get3A_361 = arith.index_cast %add3A_350 : i32 to index
      %get3A_362 = arith.constant 32 : index
      %get3A_363 = tpu.vector_load %arg11[%get3A_361, %get3A_362] {strides = array<i32>} : memref<512x64xbf16, #tpu.memory_space<vmem>>, vector<32xbf16>,
      %unpack3A_364 = tpu.unpack_subelements %get3A_363, 0 {pack_format = #tpu.pack_format<interleaved>} : vector<32xbf16> -> vector<16xf32>
      %unpack3A_365 = tpu.unpack_subelements %get3A_363, 1 {pack_format = #tpu.pack_format<interleaved>} : vector<32xbf16> -> vector<16xf32>
      %get3A_366 = arith.index_cast %add3A_350 : i32 to index
      %get3A_367 = arith.constant 32 : index
      %get3A_368 = tpu.vector_load %arg12[%get3A_366, %get3A_367] {strides = array<i32>} : memref<512x64xbf16, #tpu.memory_space<vmem>>, vector<32xbf16>,
      %unpack3A_369 = tpu.unpack_subelements %get3A_368, 0 {pack_format = #tpu.pack_format<interleaved>} : vector<32xbf16> -> vector<16xf32>
      %unpack3A_370 = tpu.unpack_subelements %get3A_368, 1 {pack_format = #tpu.pack_format<interleaved>} : vector<32xbf16> -> vector<16xf32>
      %mul3A_371 = arith.mulf %unpack3A_354, %unpack3A_359 : vector<16xf32>
      %mul3A_372 = arith.mulf %unpack3A_355, %unpack3A_360 : vector<16xf32>
      %add3A_373 = arith.addf %mul3A_371, %mul3A_372 : vector<16xf32>
      %mul3A_374 = arith.mulf %unpack3A_364, %unpack3A_369 : vector<16xf32>
      %mul3A_375 = arith.mulf %unpack3A_365, %unpack3A_370 : vector<16xf32>
      %add3A_376 = arith.addf %mul3A_374, %mul3A_375 : vector<16xf32>
      %add3A_377 = arith.addf %add3A_373, %add3A_376 : vector<16xf32>
      %add3A_378 = arith.constant 7 : i32
      %add3A_379 = arith.addi %add3A_176, %add3A_378 : i32
      %get3A_380 = arith.index_cast %add3A_379 : i32 to index
      %get3A_381 = arith.constant 0 : index
      %get3A_382 = tpu.vector_load %arg11[%get3A_380, %get3A_381] {strides = array<i32>} : memref<512x64xbf16, #tpu.memory_space<vmem>>, vector<32xbf16>,
      %unpack3A_383 = tpu.unpack_subelements %get3A_382, 0 {pack_format = #tpu.pack_format<interleaved>} : vector<32xbf16> -> vector<16xf32>
      %unpack3A_384 = tpu.unpack_subelements %get3A_382, 1 {pack_format = #tpu.pack_format<interleaved>} : vector<32xbf16> -> vector<16xf32>
      %get3A_385 = arith.index_cast %add3A_379 : i32 to index
      %get3A_386 = arith.constant 0 : index
      %get3A_387 = tpu.vector_load %arg12[%get3A_385, %get3A_386] {strides = array<i32>} : memref<512x64xbf16, #tpu.memory_space<vmem>>, vector<32xbf16>,
      %unpack3A_388 = tpu.unpack_subelements %get3A_387, 0 {pack_format = #tpu.pack_format<interleaved>} : vector<32xbf16> -> vector<16xf32>
      %unpack3A_389 = tpu.unpack_subelements %get3A_387, 1 {pack_format = #tpu.pack_format<interleaved>} : vector<32xbf16> -> vector<16xf32>
      %get3A_390 = arith.index_cast %add3A_379 : i32 to index
      %get3A_391 = arith.constant 32 : index
      %get3A_392 = tpu.vector_load %arg11[%get3A_390, %get3A_391] {strides = array<i32>} : memref<512x64xbf16, #tpu.memory_space<vmem>>, vector<32xbf16>,
      %unpack3A_393 = tpu.unpack_subelements %get3A_392, 0 {pack_format = #tpu.pack_format<interleaved>} : vector<32xbf16> -> vector<16xf32>
      %unpack3A_394 = tpu.unpack_subelements %get3A_392, 1 {pack_format = #tpu.pack_format<interleaved>} : vector<32xbf16> -> vector<16xf32>
      %get3A_395 = arith.index_cast %add3A_379 : i32 to index
      %get3A_396 = arith.constant 32 : index
      %get3A_397 = tpu.vector_load %arg12[%get3A_395, %get3A_396] {strides = array<i32>} : memref<512x64xbf16, #tpu.memory_space<vmem>>, vector<32xbf16>,
      %unpack3A_398 = tpu.unpack_subelements %get3A_397, 0 {pack_format = #tpu.pack_format<interleaved>} : vector<32xbf16> -> vector<16xf32>
      %unpack3A_399 = tpu.unpack_subelements %get3A_397, 1 {pack_format = #tpu.pack_format<interleaved>} : vector<32xbf16> -> vector<16xf32>
      %mul3A_400 = arith.mulf %unpack3A_383, %unpack3A_388 : vector<16xf32>
      %mul3A_401 = arith.mulf %unpack3A_384, %unpack3A_389 : vector<16xf32>
      %add3A_402 = arith.addf %mul3A_400, %mul3A_401 : vector<16xf32>
      %mul3A_403 = arith.mulf %unpack3A_393, %unpack3A_398 : vector<16xf32>
      %mul3A_404 = arith.mulf %unpack3A_394, %unpack3A_399 : vector<16xf32>
      %add3A_405 = arith.addf %mul3A_403, %mul3A_404 : vector<16xf32>
      %add3A_406 = arith.addf %add3A_402, %add3A_405 : vector<16xf32>
      %add3A_407 = arith.constant 8 : i32
      %add3A_408 = arith.addi %add3A_176, %add3A_407 : i32
      %get3A_409 = arith.index_cast %add3A_408 : i32 to index
      %get3A_410 = arith.constant 0 : index
      %get3A_411 = tpu.vector_load %arg11[%get3A_409, %get3A_410] {strides = array<i32>} : memref<512x64xbf16, #tpu.memory_space<vmem>>, vector<32xbf16>,
      %unpack3A_412 = tpu.unpack_subelements %get3A_411, 0 {pack_format = #tpu.pack_format<interleaved>} : vector<32xbf16> -> vector<16xf32>
      %unpack3A_413 = tpu.unpack_subelements %get3A_411, 1 {pack_format = #tpu.pack_format<interleaved>} : vector<32xbf16> -> vector<16xf32>
      %get3A_414 = arith.index_cast %add3A_408 : i32 to index
      %get3A_415 = arith.constant 0 : index
      %get3A_416 = tpu.vector_load %arg12[%get3A_414, %get3A_415] {strides = array<i32>} : memref<512x64xbf16, #tpu.memory_space<vmem>>, vector<32xbf16>,
      %unpack3A_417 = tpu.unpack_subelements %get3A_416, 0 {pack_format = #tpu.pack_format<interleaved>} : vector<32xbf16> -> vector<16xf32>
      %unpack3A_418 = tpu.unpack_subelements %get3A_416, 1 {pack_format = #tpu.pack_format<interleaved>} : vector<32xbf16> -> vector<16xf32>
      %get3A_419 = arith.index_cast %add3A_408 : i32 to index
      %get3A_420 = arith.constant 32 : index
      %get3A_421 = tpu.vector_load %arg11[%get3A_419, %get3A_420] {strides = array<i32>} : memref<512x64xbf16, #tpu.memory_space<vmem>>, vector<32xbf16>,
      %unpack3A_422 = tpu.unpack_subelements %get3A_421, 0 {pack_format = #tpu.pack_format<interleaved>} : vector<32xbf16> -> vector<16xf32>
      %unpack3A_423 = tpu.unpack_subelements %get3A_421, 1 {pack_format = #tpu.pack_format<interleaved>} : vector<32xbf16> -> vector<16xf32>
      %get3A_424 = arith.index_cast %add3A_408 : i32 to index
      %get3A_425 = arith.constant 32 : index
      %get3A_426 = tpu.vector_load %arg12[%get3A_424, %get3A_425] {strides = array<i32>} : memref<512x64xbf16, #tpu.memory_space<vmem>>, vector<32xbf16>,
      %unpack3A_427 = tpu.unpack_subelements %get3A_426, 0 {pack_format = #tpu.pack_format<interleaved>} : vector<32xbf16> -> vector<16xf32>
      %unpack3A_428 = tpu.unpack_subelements %get3A_426, 1 {pack_format = #tpu.pack_format<interleaved>} : vector<32xbf16> -> vector<16xf32>
      %mul3A_429 = arith.mulf %unpack3A_412, %unpack3A_417 : vector<16xf32>
      %mul3A_430 = arith.mulf %unpack3A_413, %unpack3A_418 : vector<16xf32>
      %add3A_431 = arith.addf %mul3A_429, %mul3A_430 : vector<16xf32>
      %mul3A_432 = arith.mulf %unpack3A_422, %unpack3A_427 : vector<16xf32>
      %mul3A_433 = arith.mulf %unpack3A_423, %unpack3A_428 : vector<16xf32>
      %add3A_434 = arith.addf %mul3A_432, %mul3A_433 : vector<16xf32>
      %add3A_435 = arith.addf %add3A_431, %add3A_434 : vector<16xf32>
      %add3A_436 = arith.constant 9 : i32
      %add3A_437 = arith.addi %add3A_176, %add3A_436 : i32
      %get3A_438 = arith.index_cast %add3A_437 : i32 to index
      %get3A_439 = arith.constant 0 : index
      %get3A_440 = tpu.vector_load %arg11[%get3A_438, %get3A_439] {strides = array<i32>} : memref<512x64xbf16, #tpu.memory_space<vmem>>, vector<32xbf16>,
      %unpack3A_441 = tpu.unpack_subelements %get3A_440, 0 {pack_format = #tpu.pack_format<interleaved>} : vector<32xbf16> -> vector<16xf32>
      %unpack3A_442 = tpu.unpack_subelements %get3A_440, 1 {pack_format = #tpu.pack_format<interleaved>} : vector<32xbf16> -> vector<16xf32>
      %get3A_443 = arith.index_cast %add3A_437 : i32 to index
      %get3A_444 = arith.constant 0 : index
      %get3A_445 = tpu.vector_load %arg12[%get3A_443, %get3A_444] {strides = array<i32>} : memref<512x64xbf16, #tpu.memory_space<vmem>>, vector<32xbf16>,
      %unpack3A_446 = tpu.unpack_subelements %get3A_445, 0 {pack_format = #tpu.pack_format<interleaved>} : vector<32xbf16> -> vector<16xf32>
      %unpack3A_447 = tpu.unpack_subelements %get3A_445, 1 {pack_format = #tpu.pack_format<interleaved>} : vector<32xbf16> -> vector<16xf32>
      %get3A_448 = arith.index_cast %add3A_437 : i32 to index
      %get3A_449 = arith.constant 32 : index
      %get3A_450 = tpu.vector_load %arg11[%get3A_448, %get3A_449] {strides = array<i32>} : memref<512x64xbf16, #tpu.memory_space<vmem>>, vector<32xbf16>,
      %unpack3A_451 = tpu.unpack_subelements %get3A_450, 0 {pack_format = #tpu.pack_format<interleaved>} : vector<32xbf16> -> vector<16xf32>
      %unpack3A_452 = tpu.unpack_subelements %get3A_450, 1 {pack_format = #tpu.pack_format<interleaved>} : vector<32xbf16> -> vector<16xf32>
      %get3A_453 = arith.index_cast %add3A_437 : i32 to index
      %get3A_454 = arith.constant 32 : index
      %get3A_455 = tpu.vector_load %arg12[%get3A_453, %get3A_454] {strides = array<i32>} : memref<512x64xbf16, #tpu.memory_space<vmem>>, vector<32xbf16>,
      %unpack3A_456 = tpu.unpack_subelements %get3A_455, 0 {pack_format = #tpu.pack_format<interleaved>} : vector<32xbf16> -> vector<16xf32>
      %unpack3A_457 = tpu.unpack_subelements %get3A_455, 1 {pack_format = #tpu.pack_format<interleaved>} : vector<32xbf16> -> vector<16xf32>
      %mul3A_458 = arith.mulf %unpack3A_441, %unpack3A_446 : vector<16xf32>
      %mul3A_459 = arith.mulf %unpack3A_442, %unpack3A_447 : vector<16xf32>
      %add3A_460 = arith.addf %mul3A_458, %mul3A_459 : vector<16xf32>
      %mul3A_461 = arith.mulf %unpack3A_451, %unpack3A_456 : vector<16xf32>
      %mul3A_462 = arith.mulf %unpack3A_452, %unpack3A_457 : vector<16xf32>
      %add3A_463 = arith.addf %mul3A_461, %mul3A_462 : vector<16xf32>
      %add3A_464 = arith.addf %add3A_460, %add3A_463 : vector<16xf32>
      %add3A_465 = arith.constant 10 : i32
      %add3A_466 = arith.addi %add3A_176, %add3A_465 : i32
      %get3A_467 = arith.index_cast %add3A_466 : i32 to index
      %get3A_468 = arith.constant 0 : index
      %get3A_469 = tpu.vector_load %arg11[%get3A_467, %get3A_468] {strides = array<i32>} : memref<512x64xbf16, #tpu.memory_space<vmem>>, vector<32xbf16>,
      %unpack3A_470 = tpu.unpack_subelements %get3A_469, 0 {pack_format = #tpu.pack_format<interleaved>} : vector<32xbf16> -> vector<16xf32>
      %unpack3A_471 = tpu.unpack_subelements %get3A_469, 1 {pack_format = #tpu.pack_format<interleaved>} : vector<32xbf16> -> vector<16xf32>
      %get3A_472 = arith.index_cast %add3A_466 : i32 to index
      %get3A_473 = arith.constant 0 : index
      %get3A_474 = tpu.vector_load %arg12[%get3A_472, %get3A_473] {strides = array<i32>} : memref<512x64xbf16, #tpu.memory_space<vmem>>, vector<32xbf16>,
      %unpack3A_475 = tpu.unpack_subelements %get3A_474, 0 {pack_format = #tpu.pack_format<interleaved>} : vector<32xbf16> -> vector<16xf32>
      %unpack3A_476 = tpu.unpack_subelements %get3A_474, 1 {pack_format = #tpu.pack_format<interleaved>} : vector<32xbf16> -> vector<16xf32>
      %get3A_477 = arith.index_cast %add3A_466 : i32 to index
      %get3A_478 = arith.constant 32 : index
      %get3A_479 = tpu.vector_load %arg11[%get3A_477, %get3A_478] {strides = array<i32>} : memref<512x64xbf16, #tpu.memory_space<vmem>>, vector<32xbf16>,
      %unpack3A_480 = tpu.unpack_subelements %get3A_479, 0 {pack_format = #tpu.pack_format<interleaved>} : vector<32xbf16> -> vector<16xf32>
      %unpack3A_481 = tpu.unpack_subelements %get3A_479, 1 {pack_format = #tpu.pack_format<interleaved>} : vector<32xbf16> -> vector<16xf32>
      %get3A_482 = arith.index_cast %add3A_466 : i32 to index
      %get3A_483 = arith.constant 32 : index
      %get3A_484 = tpu.vector_load %arg12[%get3A_482, %get3A_483] {strides = array<i32>} : memref<512x64xbf16, #tpu.memory_space<vmem>>, vector<32xbf16>,
      %unpack3A_485 = tpu.unpack_subelements %get3A_484, 0 {pack_format = #tpu.pack_format<interleaved>} : vector<32xbf16> -> vector<16xf32>
      %unpack3A_486 = tpu.unpack_subelements %get3A_484, 1 {pack_format = #tpu.pack_format<interleaved>} : vector<32xbf16> -> vector<16xf32>
      %mul3A_487 = arith.mulf %unpack3A_470, %unpack3A_475 : vector<16xf32>
      %mul3A_488 = arith.mulf %unpack3A_471, %unpack3A_476 : vector<16xf32>
      %add3A_489 = arith.addf %mul3A_487, %mul3A_488 : vector<16xf32>
      %mul3A_490 = arith.mulf %unpack3A_480, %unpack3A_485 : vector<16xf32>
      %mul3A_491 = arith.mulf %unpack3A_481, %unpack3A_486 : vector<16xf32>
      %add3A_492 = arith.addf %mul3A_490, %mul3A_491 : vector<16xf32>
      %add3A_493 = arith.addf %add3A_489, %add3A_492 : vector<16xf32>
      %add3A_494 = arith.constant 11 : i32
      %add3A_495 = arith.addi %add3A_176, %add3A_494 : i32
      %get3A_496 = arith.index_cast %add3A_495 : i32 to index
      %get3A_497 = arith.constant 0 : index
      %get3A_498 = tpu.vector_load %arg11[%get3A_496, %get3A_497] {strides = array<i32>} : memref<512x64xbf16, #tpu.memory_space<vmem>>, vector<32xbf16>,
      %unpack3A_499 = tpu.unpack_subelements %get3A_498, 0 {pack_format = #tpu.pack_format<interleaved>} : vector<32xbf16> -> vector<16xf32>
      %unpack3A_500 = tpu.unpack_subelements %get3A_498, 1 {pack_format = #tpu.pack_format<interleaved>} : vector<32xbf16> -> vector<16xf32>
      %get3A_501 = arith.index_cast %add3A_495 : i32 to index
      %get3A_502 = arith.constant 0 : index
      %get3A_503 = tpu.vector_load %arg12[%get3A_501, %get3A_502] {strides = array<i32>} : memref<512x64xbf16, #tpu.memory_space<vmem>>, vector<32xbf16>,
      %unpack3A_504 = tpu.unpack_subelements %get3A_503, 0 {pack_format = #tpu.pack_format<interleaved>} : vector<32xbf16> -> vector<16xf32>
      %unpack3A_505 = tpu.unpack_subelements %get3A_503, 1 {pack_format = #tpu.pack_format<interleaved>} : vector<32xbf16> -> vector<16xf32>
      %get3A_506 = arith.index_cast %add3A_495 : i32 to index
      %get3A_507 = arith.constant 32 : index
      %get3A_508 = tpu.vector_load %arg11[%get3A_506, %get3A_507] {strides = array<i32>} : memref<512x64xbf16, #tpu.memory_space<vmem>>, vector<32xbf16>,
      %unpack3A_509 = tpu.unpack_subelements %get3A_508, 0 {pack_format = #tpu.pack_format<interleaved>} : vector<32xbf16> -> vector<16xf32>
      %unpack3A_510 = tpu.unpack_subelements %get3A_508, 1 {pack_format = #tpu.pack_format<interleaved>} : vector<32xbf16> -> vector<16xf32>
      %get3A_511 = arith.index_cast %add3A_495 : i32 to index
      %get3A_512 = arith.constant 32 : index
      %get3A_513 = tpu.vector_load %arg12[%get3A_511, %get3A_512] {strides = array<i32>} : memref<512x64xbf16, #tpu.memory_space<vmem>>, vector<32xbf16>,
      %unpack3A_514 = tpu.unpack_subelements %get3A_513, 0 {pack_format = #tpu.pack_format<interleaved>} : vector<32xbf16> -> vector<16xf32>
      %unpack3A_515 = tpu.unpack_subelements %get3A_513, 1 {pack_format = #tpu.pack_format<interleaved>} : vector<32xbf16> -> vector<16xf32>
      %mul3A_516 = arith.mulf %unpack3A_499, %unpack3A_504 : vector<16xf32>
      %mul3A_517 = arith.mulf %unpack3A_500, %unpack3A_505 : vector<16xf32>
      %add3A_518 = arith.addf %mul3A_516, %mul3A_517 : vector<16xf32>
      %mul3A_519 = arith.mulf %unpack3A_509, %unpack3A_514 : vector<16xf32>
      %mul3A_520 = arith.mulf %unpack3A_510, %unpack3A_515 : vector<16xf32>
      %add3A_521 = arith.addf %mul3A_519, %mul3A_520 : vector<16xf32>
      %add3A_522 = arith.addf %add3A_518, %add3A_521 : vector<16xf32>
      %add3A_523 = arith.constant 12 : i32
      %add3A_524 = arith.addi %add3A_176, %add3A_523 : i32
      %get3A_525 = arith.index_cast %add3A_524 : i32 to index
      %get3A_526 = arith.constant 0 : index
      %get3A_527 = tpu.vector_load %arg11[%get3A_525, %get3A_526] {strides = array<i32>} : memref<512x64xbf16, #tpu.memory_space<vmem>>, vector<32xbf16>,
      %unpack3A_528 = tpu.unpack_subelements %get3A_527, 0 {pack_format = #tpu.pack_format<interleaved>} : vector<32xbf16> -> vector<16xf32>
      %unpack3A_529 = tpu.unpack_subelements %get3A_527, 1 {pack_format = #tpu.pack_format<interleaved>} : vector<32xbf16> -> vector<16xf32>
      %get3A_530 = arith.index_cast %add3A_524 : i32 to index
      %get3A_531 = arith.constant 0 : index
      %get3A_532 = tpu.vector_load %arg12[%get3A_530, %get3A_531] {strides = array<i32>} : memref<512x64xbf16, #tpu.memory_space<vmem>>, vector<32xbf16>,
      %unpack3A_533 = tpu.unpack_subelements %get3A_532, 0 {pack_format = #tpu.pack_format<interleaved>} : vector<32xbf16> -> vector<16xf32>
      %unpack3A_534 = tpu.unpack_subelements %get3A_532, 1 {pack_format = #tpu.pack_format<interleaved>} : vector<32xbf16> -> vector<16xf32>
      %get3A_535 = arith.index_cast %add3A_524 : i32 to index
      %get3A_536 = arith.constant 32 : index
      %get3A_537 = tpu.vector_load %arg11[%get3A_535, %get3A_536] {strides = array<i32>} : memref<512x64xbf16, #tpu.memory_space<vmem>>, vector<32xbf16>,
      %unpack3A_538 = tpu.unpack_subelements %get3A_537, 0 {pack_format = #tpu.pack_format<interleaved>} : vector<32xbf16> -> vector<16xf32>
      %unpack3A_539 = tpu.unpack_subelements %get3A_537, 1 {pack_format = #tpu.pack_format<interleaved>} : vector<32xbf16> -> vector<16xf32>
      %get3A_540 = arith.index_cast %add3A_524 : i32 to index
      %get3A_541 = arith.constant 32 : index
      %get3A_542 = tpu.vector_load %arg12[%get3A_540, %get3A_541] {strides = array<i32>} : memref<512x64xbf16, #tpu.memory_space<vmem>>, vector<32xbf16>,
      %unpack3A_543 = tpu.unpack_subelements %get3A_542, 0 {pack_format = #tpu.pack_format<interleaved>} : vector<32xbf16> -> vector<16xf32>
      %unpack3A_544 = tpu.unpack_subelements %get3A_542, 1 {pack_format = #tpu.pack_format<interleaved>} : vector<32xbf16> -> vector<16xf32>
      %mul3A_545 = arith.mulf %unpack3A_528, %unpack3A_533 : vector<16xf32>
      %mul3A_546 = arith.mulf %unpack3A_529, %unpack3A_534 : vector<16xf32>
      %add3A_547 = arith.addf %mul3A_545, %mul3A_546 : vector<16xf32>
      %mul3A_548 = arith.mulf %unpack3A_538, %unpack3A_543 : vector<16xf32>
      %mul3A_549 = arith.mulf %unpack3A_539, %unpack3A_544 : vector<16xf32>
      %add3A_550 = arith.addf %mul3A_548, %mul3A_549 : vector<16xf32>
      %add3A_551 = arith.addf %add3A_547, %add3A_550 : vector<16xf32>
      %add3A_552 = arith.constant 13 : i32
      %add3A_553 = arith.addi %add3A_176, %add3A_552 : i32
      %get3A_554 = arith.index_cast %add3A_553 : i32 to index
      %get3A_555 = arith.constant 0 : index
      %get3A_556 = tpu.vector_load %arg11[%get3A_554, %get3A_555] {strides = array<i32>} : memref<512x64xbf16, #tpu.memory_space<vmem>>, vector<32xbf16>,
      %unpack3A_557 = tpu.unpack_subelements %get3A_556, 0 {pack_format = #tpu.pack_format<interleaved>} : vector<32xbf16> -> vector<16xf32>
      %unpack3A_558 = tpu.unpack_subelements %get3A_556, 1 {pack_format = #tpu.pack_format<interleaved>} : vector<32xbf16> -> vector<16xf32>
      %get3A_559 = arith.index_cast %add3A_553 : i32 to index
      %get3A_560 = arith.constant 0 : index
      %get3A_561 = tpu.vector_load %arg12[%get3A_559, %get3A_560] {strides = array<i32>} : memref<512x64xbf16, #tpu.memory_space<vmem>>, vector<32xbf16>,
      %unpack3A_562 = tpu.unpack_subelements %get3A_561, 0 {pack_format = #tpu.pack_format<interleaved>} : vector<32xbf16> -> vector<16xf32>
      %unpack3A_563 = tpu.unpack_subelements %get3A_561, 1 {pack_format = #tpu.pack_format<interleaved>} : vector<32xbf16> -> vector<16xf32>
      %get3A_564 = arith.index_cast %add3A_553 : i32 to index
      %get3A_565 = arith.constant 32 : index
      %get3A_566 = tpu.vector_load %arg11[%get3A_564, %get3A_565] {strides = array<i32>} : memref<512x64xbf16, #tpu.memory_space<vmem>>, vector<32xbf16>,
      %unpack3A_567 = tpu.unpack_subelements %get3A_566, 0 {pack_format = #tpu.pack_format<interleaved>} : vector<32xbf16> -> vector<16xf32>
      %unpack3A_568 = tpu.unpack_subelements %get3A_566, 1 {pack_format = #tpu.pack_format<interleaved>} : vector<32xbf16> -> vector<16xf32>
      %get3A_569 = arith.index_cast %add3A_553 : i32 to index
      %get3A_570 = arith.constant 32 : index
      %get3A_571 = tpu.vector_load %arg12[%get3A_569, %get3A_570] {strides = array<i32>} : memref<512x64xbf16, #tpu.memory_space<vmem>>, vector<32xbf16>,
      %unpack3A_572 = tpu.unpack_subelements %get3A_571, 0 {pack_format = #tpu.pack_format<interleaved>} : vector<32xbf16> -> vector<16xf32>
      %unpack3A_573 = tpu.unpack_subelements %get3A_571, 1 {pack_format = #tpu.pack_format<interleaved>} : vector<32xbf16> -> vector<16xf32>
      %mul3A_574 = arith.mulf %unpack3A_557, %unpack3A_562 : vector<16xf32>
      %mul3A_575 = arith.mulf %unpack3A_558, %unpack3A_563 : vector<16xf32>
      %add3A_576 = arith.addf %mul3A_574, %mul3A_575 : vector<16xf32>
      %mul3A_577 = arith.mulf %unpack3A_567, %unpack3A_572 : vector<16xf32>
      %mul3A_578 = arith.mulf %unpack3A_568, %unpack3A_573 : vector<16xf32>
      %add3A_579 = arith.addf %mul3A_577, %mul3A_578 : vector<16xf32>
      %add3A_580 = arith.addf %add3A_576, %add3A_579 : vector<16xf32>
      %add3A_581 = arith.constant 14 : i32
      %add3A_582 = arith.addi %add3A_176, %add3A_581 : i32
      %get3A_583 = arith.index_cast %add3A_582 : i32 to index
      %get3A_584 = arith.constant 0 : index
      %get3A_585 = tpu.vector_load %arg11[%get3A_583, %get3A_584] {strides = array<i32>} : memref<512x64xbf16, #tpu.memory_space<vmem>>, vector<32xbf16>,
      %unpack3A_586 = tpu.unpack_subelements %get3A_585, 0 {pack_format = #tpu.pack_format<interleaved>} : vector<32xbf16> -> vector<16xf32>
      %unpack3A_587 = tpu.unpack_subelements %get3A_585, 1 {pack_format = #tpu.pack_format<interleaved>} : vector<32xbf16> -> vector<16xf32>
      %get3A_588 = arith.index_cast %add3A_582 : i32 to index
      %get3A_589 = arith.constant 0 : index
      %get3A_590 = tpu.vector_load %arg12[%get3A_588, %get3A_589] {strides = array<i32>} : memref<512x64xbf16, #tpu.memory_space<vmem>>, vector<32xbf16>,
      %unpack3A_591 = tpu.unpack_subelements %get3A_590, 0 {pack_format = #tpu.pack_format<interleaved>} : vector<32xbf16> -> vector<16xf32>
      %unpack3A_592 = tpu.unpack_subelements %get3A_590, 1 {pack_format = #tpu.pack_format<interleaved>} : vector<32xbf16> -> vector<16xf32>
      %get3A_593 = arith.index_cast %add3A_582 : i32 to index
      %get3A_594 = arith.constant 32 : index
      %get3A_595 = tpu.vector_load %arg11[%get3A_593, %get3A_594] {strides = array<i32>} : memref<512x64xbf16, #tpu.memory_space<vmem>>, vector<32xbf16>,
      %unpack3A_596 = tpu.unpack_subelements %get3A_595, 0 {pack_format = #tpu.pack_format<interleaved>} : vector<32xbf16> -> vector<16xf32>
      %unpack3A_597 = tpu.unpack_subelements %get3A_595, 1 {pack_format = #tpu.pack_format<interleaved>} : vector<32xbf16> -> vector<16xf32>
      %get3A_598 = arith.index_cast %add3A_582 : i32 to index
      %get3A_599 = arith.constant 32 : index
      %get3A_600 = tpu.vector_load %arg12[%get3A_598, %get3A_599] {strides = array<i32>} : memref<512x64xbf16, #tpu.memory_space<vmem>>, vector<32xbf16>,
      %unpack3A_601 = tpu.unpack_subelements %get3A_600, 0 {pack_format = #tpu.pack_format<interleaved>} : vector<32xbf16> -> vector<16xf32>
      %unpack3A_602 = tpu.unpack_subelements %get3A_600, 1 {pack_format = #tpu.pack_format<interleaved>} : vector<32xbf16> -> vector<16xf32>
      %mul3A_603 = arith.mulf %unpack3A_586, %unpack3A_591 : vector<16xf32>
      %mul3A_604 = arith.mulf %unpack3A_587, %unpack3A_592 : vector<16xf32>
      %add3A_605 = arith.addf %mul3A_603, %mul3A_604 : vector<16xf32>
      %mul3A_606 = arith.mulf %unpack3A_596, %unpack3A_601 : vector<16xf32>
      %mul3A_607 = arith.mulf %unpack3A_597, %unpack3A_602 : vector<16xf32>
      %add3A_608 = arith.addf %mul3A_606, %mul3A_607 : vector<16xf32>
      %add3A_609 = arith.addf %add3A_605, %add3A_608 : vector<16xf32>
      %add3A_610 = arith.constant 15 : i32
      %add3A_611 = arith.addi %add3A_176, %add3A_610 : i32
      %get3A_612 = arith.index_cast %add3A_611 : i32 to index
      %get3A_613 = arith.constant 0 : index
      %get3A_614 = tpu.vector_load %arg11[%get3A_612, %get3A_613] {strides = array<i32>} : memref<512x64xbf16, #tpu.memory_space<vmem>>, vector<32xbf16>,
      %unpack3A_615 = tpu.unpack_subelements %get3A_614, 0 {pack_format = #tpu.pack_format<interleaved>} : vector<32xbf16> -> vector<16xf32>
      %unpack3A_616 = tpu.unpack_subelements %get3A_614, 1 {pack_format = #tpu.pack_format<interleaved>} : vector<32xbf16> -> vector<16xf32>
      %get3A_617 = arith.index_cast %add3A_611 : i32 to index
      %get3A_618 = arith.constant 0 : index
      %get3A_619 = tpu.vector_load %arg12[%get3A_617, %get3A_618] {strides = array<i32>} : memref<512x64xbf16, #tpu.memory_space<vmem>>, vector<32xbf16>,
      %unpack3A_620 = tpu.unpack_subelements %get3A_619, 0 {pack_format = #tpu.pack_format<interleaved>} : vector<32xbf16> -> vector<16xf32>
      %unpack3A_621 = tpu.unpack_subelements %get3A_619, 1 {pack_format = #tpu.pack_format<interleaved>} : vector<32xbf16> -> vector<16xf32>
      %get3A_622 = arith.index_cast %add3A_611 : i32 to index
      %get3A_623 = arith.constant 32 : index
      %get3A_624 = tpu.vector_load %arg11[%get3A_622, %get3A_623] {strides = array<i32>} : memref<512x64xbf16, #tpu.memory_space<vmem>>, vector<32xbf16>,
      %unpack3A_625 = tpu.unpack_subelements %get3A_624, 0 {pack_format = #tpu.pack_format<interleaved>} : vector<32xbf16> -> vector<16xf32>
      %unpack3A_626 = tpu.unpack_subelements %get3A_624, 1 {pack_format = #tpu.pack_format<interleaved>} : vector<32xbf16> -> vector<16xf32>
      %get3A_627 = arith.index_cast %add3A_611 : i32 to index
      %get3A_628 = arith.constant 32 : index
      %get3A_629 = tpu.vector_load %arg12[%get3A_627, %get3A_628] {strides = array<i32>} : memref<512x64xbf16, #tpu.memory_space<vmem>>, vector<32xbf16>,
      %unpack3A_630 = tpu.unpack_subelements %get3A_629, 0 {pack_format = #tpu.pack_format<interleaved>} : vector<32xbf16> -> vector<16xf32>
      %unpack3A_631 = tpu.unpack_subelements %get3A_629, 1 {pack_format = #tpu.pack_format<interleaved>} : vector<32xbf16> -> vector<16xf32>
      %mul3A_632 = arith.mulf %unpack3A_615, %unpack3A_620 : vector<16xf32>
      %mul3A_633 = arith.mulf %unpack3A_616, %unpack3A_621 : vector<16xf32>
      %add3A_634 = arith.addf %mul3A_632, %mul3A_633 : vector<16xf32>
      %mul3A_635 = arith.mulf %unpack3A_625, %unpack3A_630 : vector<16xf32>
      %mul3A_636 = arith.mulf %unpack3A_626, %unpack3A_631 : vector<16xf32>
      %add3A_637 = arith.addf %mul3A_635, %mul3A_636 : vector<16xf32>
      %add3A_638 = arith.addf %add3A_634, %add3A_637 : vector<16xf32>
      %swap3A = arith.constant 0 : i32
      %swap3A_639 = arith.index_cast %swap3A : i32 to index
      %swap3A_640 = arith.constant 0 : index
      %swap3A_641 = tpu.vector_load %arg17[%swap3A_639, %swap3A_640] {strides = array<i32>} : memref<16x17xf32, #tpu.memory_space<vmem>>, vector<16xf32>,
      tpu.vector_store %arg17[%swap3A_639, %swap3A_640], %add3A_203 {strides = array<i32>} : memref<16x17xf32, #tpu.memory_space<vmem>>, vector<16xf32>,
      %swap3A_642 = arith.constant 1 : i32
      %swap3A_643 = arith.index_cast %swap3A_642 : i32 to index
      %swap3A_644 = arith.constant 0 : index
      %swap3A_645 = tpu.vector_load %arg17[%swap3A_643, %swap3A_644] {strides = array<i32>} : memref<16x17xf32, #tpu.memory_space<vmem>>, vector<16xf32>,
      tpu.vector_store %arg17[%swap3A_643, %swap3A_644], %add3A_232 {strides = array<i32>} : memref<16x17xf32, #tpu.memory_space<vmem>>, vector<16xf32>,
      %swap3A_646 = arith.constant 2 : i32
      %swap3A_647 = arith.index_cast %swap3A_646 : i32 to index
      %swap3A_648 = arith.constant 0 : index
      %swap3A_649 = tpu.vector_load %arg17[%swap3A_647, %swap3A_648] {strides = array<i32>} : memref<16x17xf32, #tpu.memory_space<vmem>>, vector<16xf32>,
      tpu.vector_store %arg17[%swap3A_647, %swap3A_648], %add3A_261 {strides = array<i32>} : memref<16x17xf32, #tpu.memory_space<vmem>>, vector<16xf32>,
      %swap3A_650 = arith.constant 3 : i32
      %swap3A_651 = arith.index_cast %swap3A_650 : i32 to index
      %swap3A_652 = arith.constant 0 : index
      %swap3A_653 = tpu.vector_load %arg17[%swap3A_651, %swap3A_652] {strides = array<i32>} : memref<16x17xf32, #tpu.memory_space<vmem>>, vector<16xf32>,
      tpu.vector_store %arg17[%swap3A_651, %swap3A_652], %add3A_290 {strides = array<i32>} : memref<16x17xf32, #tpu.memory_space<vmem>>, vector<16xf32>,
      %swap3A_654 = arith.constant 4 : i32
      %swap3A_655 = arith.index_cast %swap3A_654 : i32 to index
      %swap3A_656 = arith.constant 0 : index
      %swap3A_657 = tpu.vector_load %arg17[%swap3A_655, %swap3A_656] {strides = array<i32>} : memref<16x17xf32, #tpu.memory_space<vmem>>, vector<16xf32>,
      tpu.vector_store %arg17[%swap3A_655, %swap3A_656], %add3A_319 {strides = array<i32>} : memref<16x17xf32, #tpu.memory_space<vmem>>, vector<16xf32>,
      %swap3A_658 = arith.constant 5 : i32
      %swap3A_659 = arith.index_cast %swap3A_658 : i32 to index
      %swap3A_660 = arith.constant 0 : index
      %swap3A_661 = tpu.vector_load %arg17[%swap3A_659, %swap3A_660] {strides = array<i32>} : memref<16x17xf32, #tpu.memory_space<vmem>>, vector<16xf32>,
      tpu.vector_store %arg17[%swap3A_659, %swap3A_660], %add3A_348 {strides = array<i32>} : memref<16x17xf32, #tpu.memory_space<vmem>>, vector<16xf32>,
      %swap3A_662 = arith.constant 6 : i32
      %swap3A_663 = arith.index_cast %swap3A_662 : i32 to index
      %swap3A_664 = arith.constant 0 : index
      %swap3A_665 = tpu.vector_load %arg17[%swap3A_663, %swap3A_664] {strides = array<i32>} : memref<16x17xf32, #tpu.memory_space<vmem>>, vector<16xf32>,
      tpu.vector_store %arg17[%swap3A_663, %swap3A_664], %add3A_377 {strides = array<i32>} : memref<16x17xf32, #tpu.memory_space<vmem>>, vector<16xf32>,
      %swap3A_666 = arith.constant 7 : i32
      %swap3A_667 = arith.index_cast %swap3A_666 : i32 to index
      %swap3A_668 = arith.constant 0 : index
      %swap3A_669 = tpu.vector_load %arg17[%swap3A_667, %swap3A_668] {strides = array<i32>} : memref<16x17xf32, #tpu.memory_space<vmem>>, vector<16xf32>,
      tpu.vector_store %arg17[%swap3A_667, %swap3A_668], %add3A_406 {strides = array<i32>} : memref<16x17xf32, #tpu.memory_space<vmem>>, vector<16xf32>,
      %swap3A_670 = arith.constant 8 : i32
      %swap3A_671 = arith.index_cast %swap3A_670 : i32 to index
      %swap3A_672 = arith.constant 0 : index
      %swap3A_673 = tpu.vector_load %arg17[%swap3A_671, %swap3A_672] {strides = array<i32>} : memref<16x17xf32, #tpu.memory_space<vmem>>, vector<16xf32>,
      tpu.vector_store %arg17[%swap3A_671, %swap3A_672], %add3A_435 {strides = array<i32>} : memref<16x17xf32, #tpu.memory_space<vmem>>, vector<16xf32>,
      %swap3A_674 = arith.constant 9 : i32
      %swap3A_675 = arith.index_cast %swap3A_674 : i32 to index
      %swap3A_676 = arith.constant 0 : index
      %swap3A_677 = tpu.vector_load %arg17[%swap3A_675, %swap3A_676] {strides = array<i32>} : memref<16x17xf32, #tpu.memory_space<vmem>>, vector<16xf32>,
      tpu.vector_store %arg17[%swap3A_675, %swap3A_676], %add3A_464 {strides = array<i32>} : memref<16x17xf32, #tpu.memory_space<vmem>>, vector<16xf32>,
      %swap3A_678 = arith.constant 10 : i32
      %swap3A_679 = arith.index_cast %swap3A_678 : i32 to index
      %swap3A_680 = arith.constant 0 : index
      %swap3A_681 = tpu.vector_load %arg17[%swap3A_679, %swap3A_680] {strides = array<i32>} : memref<16x17xf32, #tpu.memory_space<vmem>>, vector<16xf32>,
      tpu.vector_store %arg17[%swap3A_679, %swap3A_680], %add3A_493 {strides = array<i32>} : memref<16x17xf32, #tpu.memory_space<vmem>>, vector<16xf32>,
      %swap3A_682 = arith.constant 11 : i32
      %swap3A_683 = arith.index_cast %swap3A_682 : i32 to index
      %swap3A_684 = arith.constant 0 : index
      %swap3A_685 = tpu.vector_load %arg17[%swap3A_683, %swap3A_684] {strides = array<i32>} : memref<16x17xf32, #tpu.memory_space<vmem>>, vector<16xf32>,
      tpu.vector_store %arg17[%swap3A_683, %swap3A_684], %add3A_522 {strides = array<i32>} : memref<16x17xf32, #tpu.memory_space<vmem>>, vector<16xf32>,
      %swap3A_686 = arith.constant 12 : i32
      %swap3A_687 = arith.index_cast %swap3A_686 : i32 to index
      %swap3A_688 = arith.constant 0 : index
      %swap3A_689 = tpu.vector_load %arg17[%swap3A_687, %swap3A_688] {strides = array<i32>} : memref<16x17xf32, #tpu.memory_space<vmem>>, vector<16xf32>,
      tpu.vector_store %arg17[%swap3A_687, %swap3A_688], %add3A_551 {strides = array<i32>} : memref<16x17xf32, #tpu.memory_space<vmem>>, vector<16xf32>,
      %swap3A_690 = arith.constant 13 : i32
      %swap3A_691 = arith.index_cast %swap3A_690 : i32 to index
      %swap3A_692 = arith.constant 0 : index
      %swap3A_693 = tpu.vector_load %arg17[%swap3A_691, %swap3A_692] {strides = array<i32>} : memref<16x17xf32, #tpu.memory_space<vmem>>, vector<16xf32>,
      tpu.vector_store %arg17[%swap3A_691, %swap3A_692], %add3A_580 {strides = array<i32>} : memref<16x17xf32, #tpu.memory_space<vmem>>, vector<16xf32>,
      %swap3A_694 = arith.constant 14 : i32
      %swap3A_695 = arith.index_cast %swap3A_694 : i32 to index
      %swap3A_696 = arith.constant 0 : index
      %swap3A_697 = tpu.vector_load %arg17[%swap3A_695, %swap3A_696] {strides = array<i32>} : memref<16x17xf32, #tpu.memory_space<vmem>>, vector<16xf32>,
      tpu.vector_store %arg17[%swap3A_695, %swap3A_696], %add3A_609 {strides = array<i32>} : memref<16x17xf32, #tpu.memory_space<vmem>>, vector<16xf32>,
      %swap3A_698 = arith.constant 15 : i32
      %swap3A_699 = arith.index_cast %swap3A_698 : i32 to index
      %swap3A_700 = arith.constant 0 : index
      %swap3A_701 = tpu.vector_load %arg17[%swap3A_699, %swap3A_700] {strides = array<i32>} : memref<16x17xf32, #tpu.memory_space<vmem>>, vector<16xf32>,
      tpu.vector_store %arg17[%swap3A_699, %swap3A_700], %add3A_638 {strides = array<i32>} : memref<16x17xf32, #tpu.memory_space<vmem>>, vector<16xf32>,
      %get3A_702 = arith.index_cast %add3A_176 : i32 to index
      %get3A_703 = tpu.vector_load %arg9[%get3A_702] {strides = array<i32>} : memref<512xi32, #tpu.memory_space<vmem>>, vector<16xi32>,
      %get3A_704 = arith.index_cast %add3A_176 : i32 to index
      %get3A_705 = tpu.vector_load %arg10[%get3A_704] {strides = array<i32>} : memref<512xi32, #tpu.memory_space<vmem>>, vector<16xi32>,
      %gather3A = tpu.vector_load_idx %arg15[%get3A_703, %broadcast_in_dim3A_84] : memref<1000x1xf32, #tpu.memory_space<vmem>>[vector<16xi32>, vector<16xi32>], vector<16xf32>,
      %gather3A_706 = tpu.vector_load_idx %arg16[%get3A_705, %broadcast_in_dim3A_84] : memref<1000x1xf32, #tpu.memory_space<vmem>>[vector<16xi32>, vector<16xi32>], vector<16xf32>,
      %add3A_707 = arith.addf %gather3A, %gather3A_706 : vector<16xf32>
      %broadcast_in_dim3A_708 = arith.constant 0 : i32
      %broadcast_in_dim3A_709 = vector.broadcast %broadcast_in_dim3A_708 : i32 to vector<16xi32>
      %gather3A_710 = tpu.vector_load_idx %arg17[%iota3A, %broadcast_in_dim3A_709] : memref<16x17xf32, #tpu.memory_space<vmem>>[vector<16xi32>, vector<16xi32>], vector<16xf32>,
      %add3A_711 = arith.addf %add3A_707, %gather3A_710 : vector<16xf32>
      %broadcast_in_dim3A_712 = arith.constant 1 : i32
      %broadcast_in_dim3A_713 = vector.broadcast %broadcast_in_dim3A_712 : i32 to vector<16xi32>
      %gather3A_714 = tpu.vector_load_idx %arg17[%iota3A, %broadcast_in_dim3A_713] : memref<16x17xf32, #tpu.memory_space<vmem>>[vector<16xi32>, vector<16xi32>], vector<16xf32>,
      %add3A_715 = arith.addf %add3A_711, %gather3A_714 : vector<16xf32>
      %broadcast_in_dim3A_716 = arith.constant 2 : i32
      %broadcast_in_dim3A_717 = vector.broadcast %broadcast_in_dim3A_716 : i32 to vector<16xi32>
      %gather3A_718 = tpu.vector_load_idx %arg17[%iota3A, %broadcast_in_dim3A_717] : memref<16x17xf32, #tpu.memory_space<vmem>>[vector<16xi32>, vector<16xi32>], vector<16xf32>,
      %add3A_719 = arith.addf %add3A_715, %gather3A_718 : vector<16xf32>
      %broadcast_in_dim3A_720 = arith.constant 3 : i32
      %broadcast_in_dim3A_721 = vector.broadcast %broadcast_in_dim3A_720 : i32 to vector<16xi32>
      %gather3A_722 = tpu.vector_load_idx %arg17[%iota3A, %broadcast_in_dim3A_721] : memref<16x17xf32, #tpu.memory_space<vmem>>[vector<16xi32>, vector<16xi32>], vector<16xf32>,
      %add3A_723 = arith.addf %add3A_719, %gather3A_722 : vector<16xf32>
      %broadcast_in_dim3A_724 = arith.constant 4 : i32
      %broadcast_in_dim3A_725 = vector.broadcast %broadcast_in_dim3A_724 : i32 to vector<16xi32>
      %gather3A_726 = tpu.vector_load_idx %arg17[%iota3A, %broadcast_in_dim3A_725] : memref<16x17xf32, #tpu.memory_space<vmem>>[vector<16xi32>, vector<16xi32>], vector<16xf32>,
      %add3A_727 = arith.addf %add3A_723, %gather3A_726 : vector<16xf32>
      %broadcast_in_dim3A_728 = arith.constant 5 : i32
      %broadcast_in_dim3A_729 = vector.broadcast %broadcast_in_dim3A_728 : i32 to vector<16xi32>
      %gather3A_730 = tpu.vector_load_idx %arg17[%iota3A, %broadcast_in_dim3A_729] : memref<16x17xf32, #tpu.memory_space<vmem>>[vector<16xi32>, vector<16xi32>], vector<16xf32>,
      %add3A_731 = arith.addf %add3A_727, %gather3A_730 : vector<16xf32>
      %broadcast_in_dim3A_732 = arith.constant 6 : i32
      %broadcast_in_dim3A_733 = vector.broadcast %broadcast_in_dim3A_732 : i32 to vector<16xi32>
      %gather3A_734 = tpu.vector_load_idx %arg17[%iota3A, %broadcast_in_dim3A_733] : memref<16x17xf32, #tpu.memory_space<vmem>>[vector<16xi32>, vector<16xi32>], vector<16xf32>,
      %add3A_735 = arith.addf %add3A_731, %gather3A_734 : vector<16xf32>
      %broadcast_in_dim3A_736 = arith.constant 7 : i32
      %broadcast_in_dim3A_737 = vector.broadcast %broadcast_in_dim3A_736 : i32 to vector<16xi32>
      %gather3A_738 = tpu.vector_load_idx %arg17[%iota3A, %broadcast_in_dim3A_737] : memref<16x17xf32, #tpu.memory_space<vmem>>[vector<16xi32>, vector<16xi32>], vector<16xf32>,
      %add3A_739 = arith.addf %add3A_735, %gather3A_738 : vector<16xf32>
      %broadcast_in_dim3A_740 = arith.constant 8 : i32
      %broadcast_in_dim3A_741 = vector.broadcast %broadcast_in_dim3A_740 : i32 to vector<16xi32>
      %gather3A_742 = tpu.vector_load_idx %arg17[%iota3A, %broadcast_in_dim3A_741] : memref<16x17xf32, #tpu.memory_space<vmem>>[vector<16xi32>, vector<16xi32>], vector<16xf32>,
      %add3A_743 = arith.addf %add3A_739, %gather3A_742 : vector<16xf32>
      %broadcast_in_dim3A_744 = arith.constant 9 : i32
      %broadcast_in_dim3A_745 = vector.broadcast %broadcast_in_dim3A_744 : i32 to vector<16xi32>
      %gather3A_746 = tpu.vector_load_idx %arg17[%iota3A, %broadcast_in_dim3A_745] : memref<16x17xf32, #tpu.memory_space<vmem>>[vector<16xi32>, vector<16xi32>], vector<16xf32>,
      %add3A_747 = arith.addf %add3A_743, %gather3A_746 : vector<16xf32>
      %broadcast_in_dim3A_748 = arith.constant 10 : i32
      %broadcast_in_dim3A_749 = vector.broadcast %broadcast_in_dim3A_748 : i32 to vector<16xi32>
      %gather3A_750 = tpu.vector_load_idx %arg17[%iota3A, %broadcast_in_dim3A_749] : memref<16x17xf32, #tpu.memory_space<vmem>>[vector<16xi32>, vector<16xi32>], vector<16xf32>,
      %add3A_751 = arith.addf %add3A_747, %gather3A_750 : vector<16xf32>
      %broadcast_in_dim3A_752 = arith.constant 11 : i32
      %broadcast_in_dim3A_753 = vector.broadcast %broadcast_in_dim3A_752 : i32 to vector<16xi32>
      %gather3A_754 = tpu.vector_load_idx %arg17[%iota3A, %broadcast_in_dim3A_753] : memref<16x17xf32, #tpu.memory_space<vmem>>[vector<16xi32>, vector<16xi32>], vector<16xf32>,
      %add3A_755 = arith.addf %add3A_751, %gather3A_754 : vector<16xf32>
      %broadcast_in_dim3A_756 = arith.constant 12 : i32
      %broadcast_in_dim3A_757 = vector.broadcast %broadcast_in_dim3A_756 : i32 to vector<16xi32>
      %gather3A_758 = tpu.vector_load_idx %arg17[%iota3A, %broadcast_in_dim3A_757] : memref<16x17xf32, #tpu.memory_space<vmem>>[vector<16xi32>, vector<16xi32>], vector<16xf32>,
      %add3A_759 = arith.addf %add3A_755, %gather3A_758 : vector<16xf32>
      %broadcast_in_dim3A_760 = arith.constant 13 : i32
      %broadcast_in_dim3A_761 = vector.broadcast %broadcast_in_dim3A_760 : i32 to vector<16xi32>
      %gather3A_762 = tpu.vector_load_idx %arg17[%iota3A, %broadcast_in_dim3A_761] : memref<16x17xf32, #tpu.memory_space<vmem>>[vector<16xi32>, vector<16xi32>], vector<16xf32>,
      %add3A_763 = arith.addf %add3A_759, %gather3A_762 : vector<16xf32>
      %broadcast_in_dim3A_764 = arith.constant 14 : i32
      %broadcast_in_dim3A_765 = vector.broadcast %broadcast_in_dim3A_764 : i32 to vector<16xi32>
      %gather3A_766 = tpu.vector_load_idx %arg17[%iota3A, %broadcast_in_dim3A_765] : memref<16x17xf32, #tpu.memory_space<vmem>>[vector<16xi32>, vector<16xi32>], vector<16xf32>,
      %add3A_767 = arith.addf %add3A_763, %gather3A_766 : vector<16xf32>
      %broadcast_in_dim3A_768 = arith.constant 15 : i32
      %broadcast_in_dim3A_769 = vector.broadcast %broadcast_in_dim3A_768 : i32 to vector<16xi32>
      %gather3A_770 = tpu.vector_load_idx %arg17[%iota3A, %broadcast_in_dim3A_769] : memref<16x17xf32, #tpu.memory_space<vmem>>[vector<16xi32>, vector<16xi32>], vector<16xf32>,
      %add3A_771 = arith.addf %add3A_767, %gather3A_770 : vector<16xf32>
      %swap3A_772 = arith.index_cast %add3A_176 : i32 to index
      %swap3A_773 = tpu.vector_load %arg18[%swap3A_772] {strides = array<i32>} : memref<512xf32, #tpu.memory_space<vmem>>, vector<16xf32>,
      tpu.vector_store %arg18[%swap3A_772], %add3A_771 {strides = array<i32>} : memref<512xf32, #tpu.memory_space<vmem>>, vector<16xf32>,
    }
    %scan3A_127 = arith.constant 8 : i32
    %dma_wait3A_128 = arith.constant 256 : i32
    %dma_wait3A_129 = arith.constant 0 : i32
    %dma_wait3A_130 = tpu.memref_slice %arg11[%dma_wait3A_128, %dma_wait3A_129] : memref<512x64xbf16, #tpu.memory_space<vmem>> -> memref<128x64xbf16, #tpu.memory_space<vmem>>
    %dma_wait3A_131 = arith.constant 256 : i32
    %dma_wait3A_132 = tpu.memref_slice %arg9[%dma_wait3A_131] : memref<512xi32, #tpu.memory_space<vmem>> -> memref<128xi32, #tpu.memory_space<vmem>>
    %dma_wait3A_133 = arith.constant 0 : i32
    %dma_wait3A_134 = arith.constant 0 : i32
    %dma_wait3A_135 = tpu.memref_slice %arg13[%dma_wait3A_133, %dma_wait3A_134] : memref<1000x64xbf16, #tpu.memory_space<vmem_shared>> -> memref<1000x64xbf16, #tpu.memory_space<vmem_shared>>
    tpu.wait_indirect_dma semaphore(%arg19 : memref<!tpu.dma_semaphore, #tpu.memory_space<semaphore_mem>>) src(%dma_wait3A_135 : memref<1000x64xbf16, #tpu.memory_space<vmem_shared>>) dst(%dma_wait3A_130 : memref<128x64xbf16, #tpu.memory_space<vmem>>)
    %dma_wait3A_136 = arith.constant 256 : i32
    %dma_wait3A_137 = arith.constant 0 : i32
    %dma_wait3A_138 = tpu.memref_slice %arg12[%dma_wait3A_136, %dma_wait3A_137] : memref<512x64xbf16, #tpu.memory_space<vmem>> -> memref<128x64xbf16, #tpu.memory_space<vmem>>
    %dma_wait3A_139 = arith.constant 256 : i32
    %dma_wait3A_140 = tpu.memref_slice %arg10[%dma_wait3A_139] : memref<512xi32, #tpu.memory_space<vmem>> -> memref<128xi32, #tpu.memory_space<vmem>>
    %dma_wait3A_141 = arith.constant 0 : i32
    %dma_wait3A_142 = arith.constant 0 : i32
    %dma_wait3A_143 = tpu.memref_slice %arg14[%dma_wait3A_141, %dma_wait3A_142] : memref<1000x64xbf16, #tpu.memory_space<vmem_shared>> -> memref<1000x64xbf16, #tpu.memory_space<vmem_shared>>
    tpu.wait_indirect_dma semaphore(%arg20 : memref<!tpu.dma_semaphore, #tpu.memory_space<semaphore_mem>>) src(%dma_wait3A_143 : memref<1000x64xbf16, #tpu.memory_space<vmem_shared>>) dst(%dma_wait3A_138 : memref<128x64xbf16, #tpu.memory_space<vmem>>)
    %scan3A_144 = arith.constant 0 : i32
    %scan3A_145 = arith.constant 0 : i32
    %scan3A_146 = arith.constant 8 : i32
    %scan3A_147 = arith.addi %scan3A_145, %scan3A_146 : i32
    %scan3A_148 = arith.constant 1 : i32
    scf.for %scan3A_172 = %scan3A_145 to %scan3A_147 step %scan3A_148  : i32 {
      %mul3A_173 = arith.constant 16 : i32
      %mul3A_174 = arith.muli %scan3A_172, %mul3A_173 : i32
      %add3A_175 = arith.constant 256 : i32
      %add3A_176 = arith.addi %add3A_175, %mul3A_174 : i32
      %add3A_177 = arith.constant 0 : i32
      %add3A_178 = arith.addi %add3A_176, %add3A_177 : i32
      %get3A = arith.index_cast %add3A_178 : i32 to index
      %get3A_179 = arith.constant 0 : index
      %get3A_180 = tpu.vector_load %arg11[%get3A, %get3A_179] {strides = array<i32>} : memref<512x64xbf16, #tpu.memory_space<vmem>>, vector<32xbf16>,
      %unpack3A = tpu.unpack_subelements %get3A_180, 0 {pack_format = #tpu.pack_format<interleaved>} : vector<32xbf16> -> vector<16xf32>
      %unpack3A_181 = tpu.unpack_subelements %get3A_180, 1 {pack_format = #tpu.pack_format<interleaved>} : vector<32xbf16> -> vector<16xf32>
      %get3A_182 = arith.index_cast %add3A_178 : i32 to index
      %get3A_183 = arith.constant 0 : index
      %get3A_184 = tpu.vector_load %arg12[%get3A_182, %get3A_183] {strides = array<i32>} : memref<512x64xbf16, #tpu.memory_space<vmem>>, vector<32xbf16>,
      %unpack3A_185 = tpu.unpack_subelements %get3A_184, 0 {pack_format = #tpu.pack_format<interleaved>} : vector<32xbf16> -> vector<16xf32>
      %unpack3A_186 = tpu.unpack_subelements %get3A_184, 1 {pack_format = #tpu.pack_format<interleaved>} : vector<32xbf16> -> vector<16xf32>
      %get3A_187 = arith.index_cast %add3A_178 : i32 to index
      %get3A_188 = arith.constant 32 : index
      %get3A_189 = tpu.vector_load %arg11[%get3A_187, %get3A_188] {strides = array<i32>} : memref<512x64xbf16, #tpu.memory_space<vmem>>, vector<32xbf16>,
      %unpack3A_190 = tpu.unpack_subelements %get3A_189, 0 {pack_format = #tpu.pack_format<interleaved>} : vector<32xbf16> -> vector<16xf32>
      %unpack3A_191 = tpu.unpack_subelements %get3A_189, 1 {pack_format = #tpu.pack_format<interleaved>} : vector<32xbf16> -> vector<16xf32>
      %get3A_192 = arith.index_cast %add3A_178 : i32 to index
      %get3A_193 = arith.constant 32 : index
      %get3A_194 = tpu.vector_load %arg12[%get3A_192, %get3A_193] {strides = array<i32>} : memref<512x64xbf16, #tpu.memory_space<vmem>>, vector<32xbf16>,
      %unpack3A_195 = tpu.unpack_subelements %get3A_194, 0 {pack_format = #tpu.pack_format<interleaved>} : vector<32xbf16> -> vector<16xf32>
      %unpack3A_196 = tpu.unpack_subelements %get3A_194, 1 {pack_format = #tpu.pack_format<interleaved>} : vector<32xbf16> -> vector<16xf32>
      %mul3A_197 = arith.mulf %unpack3A, %unpack3A_185 : vector<16xf32>
      %mul3A_198 = arith.mulf %unpack3A_181, %unpack3A_186 : vector<16xf32>
      %add3A_199 = arith.addf %mul3A_197, %mul3A_198 : vector<16xf32>
      %mul3A_200 = arith.mulf %unpack3A_190, %unpack3A_195 : vector<16xf32>
      %mul3A_201 = arith.mulf %unpack3A_191, %unpack3A_196 : vector<16xf32>
      %add3A_202 = arith.addf %mul3A_200, %mul3A_201 : vector<16xf32>
      %add3A_203 = arith.addf %add3A_199, %add3A_202 : vector<16xf32>
      %add3A_204 = arith.constant 1 : i32
      %add3A_205 = arith.addi %add3A_176, %add3A_204 : i32
      %get3A_206 = arith.index_cast %add3A_205 : i32 to index
      %get3A_207 = arith.constant 0 : index
      %get3A_208 = tpu.vector_load %arg11[%get3A_206, %get3A_207] {strides = array<i32>} : memref<512x64xbf16, #tpu.memory_space<vmem>>, vector<32xbf16>,
      %unpack3A_209 = tpu.unpack_subelements %get3A_208, 0 {pack_format = #tpu.pack_format<interleaved>} : vector<32xbf16> -> vector<16xf32>
      %unpack3A_210 = tpu.unpack_subelements %get3A_208, 1 {pack_format = #tpu.pack_format<interleaved>} : vector<32xbf16> -> vector<16xf32>
      %get3A_211 = arith.index_cast %add3A_205 : i32 to index
      %get3A_212 = arith.constant 0 : index
      %get3A_213 = tpu.vector_load %arg12[%get3A_211, %get3A_212] {strides = array<i32>} : memref<512x64xbf16, #tpu.memory_space<vmem>>, vector<32xbf16>,
      %unpack3A_214 = tpu.unpack_subelements %get3A_213, 0 {pack_format = #tpu.pack_format<interleaved>} : vector<32xbf16> -> vector<16xf32>
      %unpack3A_215 = tpu.unpack_subelements %get3A_213, 1 {pack_format = #tpu.pack_format<interleaved>} : vector<32xbf16> -> vector<16xf32>
      %get3A_216 = arith.index_cast %add3A_205 : i32 to index
      %get3A_217 = arith.constant 32 : index
      %get3A_218 = tpu.vector_load %arg11[%get3A_216, %get3A_217] {strides = array<i32>} : memref<512x64xbf16, #tpu.memory_space<vmem>>, vector<32xbf16>,
      %unpack3A_219 = tpu.unpack_subelements %get3A_218, 0 {pack_format = #tpu.pack_format<interleaved>} : vector<32xbf16> -> vector<16xf32>
      %unpack3A_220 = tpu.unpack_subelements %get3A_218, 1 {pack_format = #tpu.pack_format<interleaved>} : vector<32xbf16> -> vector<16xf32>
      %get3A_221 = arith.index_cast %add3A_205 : i32 to index
      %get3A_222 = arith.constant 32 : index
      %get3A_223 = tpu.vector_load %arg12[%get3A_221, %get3A_222] {strides = array<i32>} : memref<512x64xbf16, #tpu.memory_space<vmem>>, vector<32xbf16>,
      %unpack3A_224 = tpu.unpack_subelements %get3A_223, 0 {pack_format = #tpu.pack_format<interleaved>} : vector<32xbf16> -> vector<16xf32>
      %unpack3A_225 = tpu.unpack_subelements %get3A_223, 1 {pack_format = #tpu.pack_format<interleaved>} : vector<32xbf16> -> vector<16xf32>
      %mul3A_226 = arith.mulf %unpack3A_209, %unpack3A_214 : vector<16xf32>
      %mul3A_227 = arith.mulf %unpack3A_210, %unpack3A_215 : vector<16xf32>
      %add3A_228 = arith.addf %mul3A_226, %mul3A_227 : vector<16xf32>
      %mul3A_229 = arith.mulf %unpack3A_219, %unpack3A_224 : vector<16xf32>
      %mul3A_230 = arith.mulf %unpack3A_220, %unpack3A_225 : vector<16xf32>
      %add3A_231 = arith.addf %mul3A_229, %mul3A_230 : vector<16xf32>
      %add3A_232 = arith.addf %add3A_228, %add3A_231 : vector<16xf32>
      %add3A_233 = arith.constant 2 : i32
      %add3A_234 = arith.addi %add3A_176, %add3A_233 : i32
      %get3A_235 = arith.index_cast %add3A_234 : i32 to index
      %get3A_236 = arith.constant 0 : index
      %get3A_237 = tpu.vector_load %arg11[%get3A_235, %get3A_236] {strides = array<i32>} : memref<512x64xbf16, #tpu.memory_space<vmem>>, vector<32xbf16>,
      %unpack3A_238 = tpu.unpack_subelements %get3A_237, 0 {pack_format = #tpu.pack_format<interleaved>} : vector<32xbf16> -> vector<16xf32>
      %unpack3A_239 = tpu.unpack_subelements %get3A_237, 1 {pack_format = #tpu.pack_format<interleaved>} : vector<32xbf16> -> vector<16xf32>
      %get3A_240 = arith.index_cast %add3A_234 : i32 to index
      %get3A_241 = arith.constant 0 : index
      %get3A_242 = tpu.vector_load %arg12[%get3A_240, %get3A_241] {strides = array<i32>} : memref<512x64xbf16, #tpu.memory_space<vmem>>, vector<32xbf16>,
      %unpack3A_243 = tpu.unpack_subelements %get3A_242, 0 {pack_format = #tpu.pack_format<interleaved>} : vector<32xbf16> -> vector<16xf32>
      %unpack3A_244 = tpu.unpack_subelements %get3A_242, 1 {pack_format = #tpu.pack_format<interleaved>} : vector<32xbf16> -> vector<16xf32>
      %get3A_245 = arith.index_cast %add3A_234 : i32 to index
      %get3A_246 = arith.constant 32 : index
      %get3A_247 = tpu.vector_load %arg11[%get3A_245, %get3A_246] {strides = array<i32>} : memref<512x64xbf16, #tpu.memory_space<vmem>>, vector<32xbf16>,
      %unpack3A_248 = tpu.unpack_subelements %get3A_247, 0 {pack_format = #tpu.pack_format<interleaved>} : vector<32xbf16> -> vector<16xf32>
      %unpack3A_249 = tpu.unpack_subelements %get3A_247, 1 {pack_format = #tpu.pack_format<interleaved>} : vector<32xbf16> -> vector<16xf32>
      %get3A_250 = arith.index_cast %add3A_234 : i32 to index
      %get3A_251 = arith.constant 32 : index
      %get3A_252 = tpu.vector_load %arg12[%get3A_250, %get3A_251] {strides = array<i32>} : memref<512x64xbf16, #tpu.memory_space<vmem>>, vector<32xbf16>,
      %unpack3A_253 = tpu.unpack_subelements %get3A_252, 0 {pack_format = #tpu.pack_format<interleaved>} : vector<32xbf16> -> vector<16xf32>
      %unpack3A_254 = tpu.unpack_subelements %get3A_252, 1 {pack_format = #tpu.pack_format<interleaved>} : vector<32xbf16> -> vector<16xf32>
      %mul3A_255 = arith.mulf %unpack3A_238, %unpack3A_243 : vector<16xf32>
      %mul3A_256 = arith.mulf %unpack3A_239, %unpack3A_244 : vector<16xf32>
      %add3A_257 = arith.addf %mul3A_255, %mul3A_256 : vector<16xf32>
      %mul3A_258 = arith.mulf %unpack3A_248, %unpack3A_253 : vector<16xf32>
      %mul3A_259 = arith.mulf %unpack3A_249, %unpack3A_254 : vector<16xf32>
      %add3A_260 = arith.addf %mul3A_258, %mul3A_259 : vector<16xf32>
      %add3A_261 = arith.addf %add3A_257, %add3A_260 : vector<16xf32>
      %add3A_262 = arith.constant 3 : i32
      %add3A_263 = arith.addi %add3A_176, %add3A_262 : i32
      %get3A_264 = arith.index_cast %add3A_263 : i32 to index
      %get3A_265 = arith.constant 0 : index
      %get3A_266 = tpu.vector_load %arg11[%get3A_264, %get3A_265] {strides = array<i32>} : memref<512x64xbf16, #tpu.memory_space<vmem>>, vector<32xbf16>,
      %unpack3A_267 = tpu.unpack_subelements %get3A_266, 0 {pack_format = #tpu.pack_format<interleaved>} : vector<32xbf16> -> vector<16xf32>
      %unpack3A_268 = tpu.unpack_subelements %get3A_266, 1 {pack_format = #tpu.pack_format<interleaved>} : vector<32xbf16> -> vector<16xf32>
      %get3A_269 = arith.index_cast %add3A_263 : i32 to index
      %get3A_270 = arith.constant 0 : index
      %get3A_271 = tpu.vector_load %arg12[%get3A_269, %get3A_270] {strides = array<i32>} : memref<512x64xbf16, #tpu.memory_space<vmem>>, vector<32xbf16>,
      %unpack3A_272 = tpu.unpack_subelements %get3A_271, 0 {pack_format = #tpu.pack_format<interleaved>} : vector<32xbf16> -> vector<16xf32>
      %unpack3A_273 = tpu.unpack_subelements %get3A_271, 1 {pack_format = #tpu.pack_format<interleaved>} : vector<32xbf16> -> vector<16xf32>
      %get3A_274 = arith.index_cast %add3A_263 : i32 to index
      %get3A_275 = arith.constant 32 : index
      %get3A_276 = tpu.vector_load %arg11[%get3A_274, %get3A_275] {strides = array<i32>} : memref<512x64xbf16, #tpu.memory_space<vmem>>, vector<32xbf16>,
      %unpack3A_277 = tpu.unpack_subelements %get3A_276, 0 {pack_format = #tpu.pack_format<interleaved>} : vector<32xbf16> -> vector<16xf32>
      %unpack3A_278 = tpu.unpack_subelements %get3A_276, 1 {pack_format = #tpu.pack_format<interleaved>} : vector<32xbf16> -> vector<16xf32>
      %get3A_279 = arith.index_cast %add3A_263 : i32 to index
      %get3A_280 = arith.constant 32 : index
      %get3A_281 = tpu.vector_load %arg12[%get3A_279, %get3A_280] {strides = array<i32>} : memref<512x64xbf16, #tpu.memory_space<vmem>>, vector<32xbf16>,
      %unpack3A_282 = tpu.unpack_subelements %get3A_281, 0 {pack_format = #tpu.pack_format<interleaved>} : vector<32xbf16> -> vector<16xf32>
      %unpack3A_283 = tpu.unpack_subelements %get3A_281, 1 {pack_format = #tpu.pack_format<interleaved>} : vector<32xbf16> -> vector<16xf32>
      %mul3A_284 = arith.mulf %unpack3A_267, %unpack3A_272 : vector<16xf32>
      %mul3A_285 = arith.mulf %unpack3A_268, %unpack3A_273 : vector<16xf32>
      %add3A_286 = arith.addf %mul3A_284, %mul3A_285 : vector<16xf32>
      %mul3A_287 = arith.mulf %unpack3A_277, %unpack3A_282 : vector<16xf32>
      %mul3A_288 = arith.mulf %unpack3A_278, %unpack3A_283 : vector<16xf32>
      %add3A_289 = arith.addf %mul3A_287, %mul3A_288 : vector<16xf32>
      %add3A_290 = arith.addf %add3A_286, %add3A_289 : vector<16xf32>
      %add3A_291 = arith.constant 4 : i32
      %add3A_292 = arith.addi %add3A_176, %add3A_291 : i32
      %get3A_293 = arith.index_cast %add3A_292 : i32 to index
      %get3A_294 = arith.constant 0 : index
      %get3A_295 = tpu.vector_load %arg11[%get3A_293, %get3A_294] {strides = array<i32>} : memref<512x64xbf16, #tpu.memory_space<vmem>>, vector<32xbf16>,
      %unpack3A_296 = tpu.unpack_subelements %get3A_295, 0 {pack_format = #tpu.pack_format<interleaved>} : vector<32xbf16> -> vector<16xf32>
      %unpack3A_297 = tpu.unpack_subelements %get3A_295, 1 {pack_format = #tpu.pack_format<interleaved>} : vector<32xbf16> -> vector<16xf32>
      %get3A_298 = arith.index_cast %add3A_292 : i32 to index
      %get3A_299 = arith.constant 0 : index
      %get3A_300 = tpu.vector_load %arg12[%get3A_298, %get3A_299] {strides = array<i32>} : memref<512x64xbf16, #tpu.memory_space<vmem>>, vector<32xbf16>,
      %unpack3A_301 = tpu.unpack_subelements %get3A_300, 0 {pack_format = #tpu.pack_format<interleaved>} : vector<32xbf16> -> vector<16xf32>
      %unpack3A_302 = tpu.unpack_subelements %get3A_300, 1 {pack_format = #tpu.pack_format<interleaved>} : vector<32xbf16> -> vector<16xf32>
      %get3A_303 = arith.index_cast %add3A_292 : i32 to index
      %get3A_304 = arith.constant 32 : index
      %get3A_305 = tpu.vector_load %arg11[%get3A_303, %get3A_304] {strides = array<i32>} : memref<512x64xbf16, #tpu.memory_space<vmem>>, vector<32xbf16>,
      %unpack3A_306 = tpu.unpack_subelements %get3A_305, 0 {pack_format = #tpu.pack_format<interleaved>} : vector<32xbf16> -> vector<16xf32>
      %unpack3A_307 = tpu.unpack_subelements %get3A_305, 1 {pack_format = #tpu.pack_format<interleaved>} : vector<32xbf16> -> vector<16xf32>
      %get3A_308 = arith.index_cast %add3A_292 : i32 to index
      %get3A_309 = arith.constant 32 : index
      %get3A_310 = tpu.vector_load %arg12[%get3A_308, %get3A_309] {strides = array<i32>} : memref<512x64xbf16, #tpu.memory_space<vmem>>, vector<32xbf16>,
      %unpack3A_311 = tpu.unpack_subelements %get3A_310, 0 {pack_format = #tpu.pack_format<interleaved>} : vector<32xbf16> -> vector<16xf32>
      %unpack3A_312 = tpu.unpack_subelements %get3A_310, 1 {pack_format = #tpu.pack_format<interleaved>} : vector<32xbf16> -> vector<16xf32>
      %mul3A_313 = arith.mulf %unpack3A_296, %unpack3A_301 : vector<16xf32>
      %mul3A_314 = arith.mulf %unpack3A_297, %unpack3A_302 : vector<16xf32>
      %add3A_315 = arith.addf %mul3A_313, %mul3A_314 : vector<16xf32>
      %mul3A_316 = arith.mulf %unpack3A_306, %unpack3A_311 : vector<16xf32>
      %mul3A_317 = arith.mulf %unpack3A_307, %unpack3A_312 : vector<16xf32>
      %add3A_318 = arith.addf %mul3A_316, %mul3A_317 : vector<16xf32>
      %add3A_319 = arith.addf %add3A_315, %add3A_318 : vector<16xf32>
      %add3A_320 = arith.constant 5 : i32
      %add3A_321 = arith.addi %add3A_176, %add3A_320 : i32
      %get3A_322 = arith.index_cast %add3A_321 : i32 to index
      %get3A_323 = arith.constant 0 : index
      %get3A_324 = tpu.vector_load %arg11[%get3A_322, %get3A_323] {strides = array<i32>} : memref<512x64xbf16, #tpu.memory_space<vmem>>, vector<32xbf16>,
      %unpack3A_325 = tpu.unpack_subelements %get3A_324, 0 {pack_format = #tpu.pack_format<interleaved>} : vector<32xbf16> -> vector<16xf32>
      %unpack3A_326 = tpu.unpack_subelements %get3A_324, 1 {pack_format = #tpu.pack_format<interleaved>} : vector<32xbf16> -> vector<16xf32>
      %get3A_327 = arith.index_cast %add3A_321 : i32 to index
      %get3A_328 = arith.constant 0 : index
      %get3A_329 = tpu.vector_load %arg12[%get3A_327, %get3A_328] {strides = array<i32>} : memref<512x64xbf16, #tpu.memory_space<vmem>>, vector<32xbf16>,
      %unpack3A_330 = tpu.unpack_subelements %get3A_329, 0 {pack_format = #tpu.pack_format<interleaved>} : vector<32xbf16> -> vector<16xf32>
      %unpack3A_331 = tpu.unpack_subelements %get3A_329, 1 {pack_format = #tpu.pack_format<interleaved>} : vector<32xbf16> -> vector<16xf32>
      %get3A_332 = arith.index_cast %add3A_321 : i32 to index
      %get3A_333 = arith.constant 32 : index
      %get3A_334 = tpu.vector_load %arg11[%get3A_332, %get3A_333] {strides = array<i32>} : memref<512x64xbf16, #tpu.memory_space<vmem>>, vector<32xbf16>,
      %unpack3A_335 = tpu.unpack_subelements %get3A_334, 0 {pack_format = #tpu.pack_format<interleaved>} : vector<32xbf16> -> vector<16xf32>
      %unpack3A_336 = tpu.unpack_subelements %get3A_334, 1 {pack_format = #tpu.pack_format<interleaved>} : vector<32xbf16> -> vector<16xf32>
      %get3A_337 = arith.index_cast %add3A_321 : i32 to index
      %get3A_338 = arith.constant 32 : index
      %get3A_339 = tpu.vector_load %arg12[%get3A_337, %get3A_338] {strides = array<i32>} : memref<512x64xbf16, #tpu.memory_space<vmem>>, vector<32xbf16>,
      %unpack3A_340 = tpu.unpack_subelements %get3A_339, 0 {pack_format = #tpu.pack_format<interleaved>} : vector<32xbf16> -> vector<16xf32>
      %unpack3A_341 = tpu.unpack_subelements %get3A_339, 1 {pack_format = #tpu.pack_format<interleaved>} : vector<32xbf16> -> vector<16xf32>
      %mul3A_342 = arith.mulf %unpack3A_325, %unpack3A_330 : vector<16xf32>
      %mul3A_343 = arith.mulf %unpack3A_326, %unpack3A_331 : vector<16xf32>
      %add3A_344 = arith.addf %mul3A_342, %mul3A_343 : vector<16xf32>
      %mul3A_345 = arith.mulf %unpack3A_335, %unpack3A_340 : vector<16xf32>
      %mul3A_346 = arith.mulf %unpack3A_336, %unpack3A_341 : vector<16xf32>
      %add3A_347 = arith.addf %mul3A_345, %mul3A_346 : vector<16xf32>
      %add3A_348 = arith.addf %add3A_344, %add3A_347 : vector<16xf32>
      %add3A_349 = arith.constant 6 : i32
      %add3A_350 = arith.addi %add3A_176, %add3A_349 : i32
      %get3A_351 = arith.index_cast %add3A_350 : i32 to index
      %get3A_352 = arith.constant 0 : index
      %get3A_353 = tpu.vector_load %arg11[%get3A_351, %get3A_352] {strides = array<i32>} : memref<512x64xbf16, #tpu.memory_space<vmem>>, vector<32xbf16>,
      %unpack3A_354 = tpu.unpack_subelements %get3A_353, 0 {pack_format = #tpu.pack_format<interleaved>} : vector<32xbf16> -> vector<16xf32>
      %unpack3A_355 = tpu.unpack_subelements %get3A_353, 1 {pack_format = #tpu.pack_format<interleaved>} : vector<32xbf16> -> vector<16xf32>
      %get3A_356 = arith.index_cast %add3A_350 : i32 to index
      %get3A_357 = arith.constant 0 : index
      %get3A_358 = tpu.vector_load %arg12[%get3A_356, %get3A_357] {strides = array<i32>} : memref<512x64xbf16, #tpu.memory_space<vmem>>, vector<32xbf16>,
      %unpack3A_359 = tpu.unpack_subelements %get3A_358, 0 {pack_format = #tpu.pack_format<interleaved>} : vector<32xbf16> -> vector<16xf32>
      %unpack3A_360 = tpu.unpack_subelements %get3A_358, 1 {pack_format = #tpu.pack_format<interleaved>} : vector<32xbf16> -> vector<16xf32>
      %get3A_361 = arith.index_cast %add3A_350 : i32 to index
      %get3A_362 = arith.constant 32 : index
      %get3A_363 = tpu.vector_load %arg11[%get3A_361, %get3A_362] {strides = array<i32>} : memref<512x64xbf16, #tpu.memory_space<vmem>>, vector<32xbf16>,
      %unpack3A_364 = tpu.unpack_subelements %get3A_363, 0 {pack_format = #tpu.pack_format<interleaved>} : vector<32xbf16> -> vector<16xf32>
      %unpack3A_365 = tpu.unpack_subelements %get3A_363, 1 {pack_format = #tpu.pack_format<interleaved>} : vector<32xbf16> -> vector<16xf32>
      %get3A_366 = arith.index_cast %add3A_350 : i32 to index
      %get3A_367 = arith.constant 32 : index
      %get3A_368 = tpu.vector_load %arg12[%get3A_366, %get3A_367] {strides = array<i32>} : memref<512x64xbf16, #tpu.memory_space<vmem>>, vector<32xbf16>,
      %unpack3A_369 = tpu.unpack_subelements %get3A_368, 0 {pack_format = #tpu.pack_format<interleaved>} : vector<32xbf16> -> vector<16xf32>
      %unpack3A_370 = tpu.unpack_subelements %get3A_368, 1 {pack_format = #tpu.pack_format<interleaved>} : vector<32xbf16> -> vector<16xf32>
      %mul3A_371 = arith.mulf %unpack3A_354, %unpack3A_359 : vector<16xf32>
      %mul3A_372 = arith.mulf %unpack3A_355, %unpack3A_360 : vector<16xf32>
      %add3A_373 = arith.addf %mul3A_371, %mul3A_372 : vector<16xf32>
      %mul3A_374 = arith.mulf %unpack3A_364, %unpack3A_369 : vector<16xf32>
      %mul3A_375 = arith.mulf %unpack3A_365, %unpack3A_370 : vector<16xf32>
      %add3A_376 = arith.addf %mul3A_374, %mul3A_375 : vector<16xf32>
      %add3A_377 = arith.addf %add3A_373, %add3A_376 : vector<16xf32>
      %add3A_378 = arith.constant 7 : i32
      %add3A_379 = arith.addi %add3A_176, %add3A_378 : i32
      %get3A_380 = arith.index_cast %add3A_379 : i32 to index
      %get3A_381 = arith.constant 0 : index
      %get3A_382 = tpu.vector_load %arg11[%get3A_380, %get3A_381] {strides = array<i32>} : memref<512x64xbf16, #tpu.memory_space<vmem>>, vector<32xbf16>,
      %unpack3A_383 = tpu.unpack_subelements %get3A_382, 0 {pack_format = #tpu.pack_format<interleaved>} : vector<32xbf16> -> vector<16xf32>
      %unpack3A_384 = tpu.unpack_subelements %get3A_382, 1 {pack_format = #tpu.pack_format<interleaved>} : vector<32xbf16> -> vector<16xf32>
      %get3A_385 = arith.index_cast %add3A_379 : i32 to index
      %get3A_386 = arith.constant 0 : index
      %get3A_387 = tpu.vector_load %arg12[%get3A_385, %get3A_386] {strides = array<i32>} : memref<512x64xbf16, #tpu.memory_space<vmem>>, vector<32xbf16>,
      %unpack3A_388 = tpu.unpack_subelements %get3A_387, 0 {pack_format = #tpu.pack_format<interleaved>} : vector<32xbf16> -> vector<16xf32>
      %unpack3A_389 = tpu.unpack_subelements %get3A_387, 1 {pack_format = #tpu.pack_format<interleaved>} : vector<32xbf16> -> vector<16xf32>
      %get3A_390 = arith.index_cast %add3A_379 : i32 to index
      %get3A_391 = arith.constant 32 : index
      %get3A_392 = tpu.vector_load %arg11[%get3A_390, %get3A_391] {strides = array<i32>} : memref<512x64xbf16, #tpu.memory_space<vmem>>, vector<32xbf16>,
      %unpack3A_393 = tpu.unpack_subelements %get3A_392, 0 {pack_format = #tpu.pack_format<interleaved>} : vector<32xbf16> -> vector<16xf32>
      %unpack3A_394 = tpu.unpack_subelements %get3A_392, 1 {pack_format = #tpu.pack_format<interleaved>} : vector<32xbf16> -> vector<16xf32>
      %get3A_395 = arith.index_cast %add3A_379 : i32 to index
      %get3A_396 = arith.constant 32 : index
      %get3A_397 = tpu.vector_load %arg12[%get3A_395, %get3A_396] {strides = array<i32>} : memref<512x64xbf16, #tpu.memory_space<vmem>>, vector<32xbf16>,
      %unpack3A_398 = tpu.unpack_subelements %get3A_397, 0 {pack_format = #tpu.pack_format<interleaved>} : vector<32xbf16> -> vector<16xf32>
      %unpack3A_399 = tpu.unpack_subelements %get3A_397, 1 {pack_format = #tpu.pack_format<interleaved>} : vector<32xbf16> -> vector<16xf32>
      %mul3A_400 = arith.mulf %unpack3A_383, %unpack3A_388 : vector<16xf32>
      %mul3A_401 = arith.mulf %unpack3A_384, %unpack3A_389 : vector<16xf32>
      %add3A_402 = arith.addf %mul3A_400, %mul3A_401 : vector<16xf32>
      %mul3A_403 = arith.mulf %unpack3A_393, %unpack3A_398 : vector<16xf32>
      %mul3A_404 = arith.mulf %unpack3A_394, %unpack3A_399 : vector<16xf32>
      %add3A_405 = arith.addf %mul3A_403, %mul3A_404 : vector<16xf32>
      %add3A_406 = arith.addf %add3A_402, %add3A_405 : vector<16xf32>
      %add3A_407 = arith.constant 8 : i32
      %add3A_408 = arith.addi %add3A_176, %add3A_407 : i32
      %get3A_409 = arith.index_cast %add3A_408 : i32 to index
      %get3A_410 = arith.constant 0 : index
      %get3A_411 = tpu.vector_load %arg11[%get3A_409, %get3A_410] {strides = array<i32>} : memref<512x64xbf16, #tpu.memory_space<vmem>>, vector<32xbf16>,
      %unpack3A_412 = tpu.unpack_subelements %get3A_411, 0 {pack_format = #tpu.pack_format<interleaved>} : vector<32xbf16> -> vector<16xf32>
      %unpack3A_413 = tpu.unpack_subelements %get3A_411, 1 {pack_format = #tpu.pack_format<interleaved>} : vector<32xbf16> -> vector<16xf32>
      %get3A_414 = arith.index_cast %add3A_408 : i32 to index
      %get3A_415 = arith.constant 0 : index
      %get3A_416 = tpu.vector_load %arg12[%get3A_414, %get3A_415] {strides = array<i32>} : memref<512x64xbf16, #tpu.memory_space<vmem>>, vector<32xbf16>,
      %unpack3A_417 = tpu.unpack_subelements %get3A_416, 0 {pack_format = #tpu.pack_format<interleaved>} : vector<32xbf16> -> vector<16xf32>
      %unpack3A_418 = tpu.unpack_subelements %get3A_416, 1 {pack_format = #tpu.pack_format<interleaved>} : vector<32xbf16> -> vector<16xf32>
      %get3A_419 = arith.index_cast %add3A_408 : i32 to index
      %get3A_420 = arith.constant 32 : index
      %get3A_421 = tpu.vector_load %arg11[%get3A_419, %get3A_420] {strides = array<i32>} : memref<512x64xbf16, #tpu.memory_space<vmem>>, vector<32xbf16>,
      %unpack3A_422 = tpu.unpack_subelements %get3A_421, 0 {pack_format = #tpu.pack_format<interleaved>} : vector<32xbf16> -> vector<16xf32>
      %unpack3A_423 = tpu.unpack_subelements %get3A_421, 1 {pack_format = #tpu.pack_format<interleaved>} : vector<32xbf16> -> vector<16xf32>
      %get3A_424 = arith.index_cast %add3A_408 : i32 to index
      %get3A_425 = arith.constant 32 : index
      %get3A_426 = tpu.vector_load %arg12[%get3A_424, %get3A_425] {strides = array<i32>} : memref<512x64xbf16, #tpu.memory_space<vmem>>, vector<32xbf16>,
      %unpack3A_427 = tpu.unpack_subelements %get3A_426, 0 {pack_format = #tpu.pack_format<interleaved>} : vector<32xbf16> -> vector<16xf32>
      %unpack3A_428 = tpu.unpack_subelements %get3A_426, 1 {pack_format = #tpu.pack_format<interleaved>} : vector<32xbf16> -> vector<16xf32>
      %mul3A_429 = arith.mulf %unpack3A_412, %unpack3A_417 : vector<16xf32>
      %mul3A_430 = arith.mulf %unpack3A_413, %unpack3A_418 : vector<16xf32>
      %add3A_431 = arith.addf %mul3A_429, %mul3A_430 : vector<16xf32>
      %mul3A_432 = arith.mulf %unpack3A_422, %unpack3A_427 : vector<16xf32>
      %mul3A_433 = arith.mulf %unpack3A_423, %unpack3A_428 : vector<16xf32>
      %add3A_434 = arith.addf %mul3A_432, %mul3A_433 : vector<16xf32>
      %add3A_435 = arith.addf %add3A_431, %add3A_434 : vector<16xf32>
      %add3A_436 = arith.constant 9 : i32
      %add3A_437 = arith.addi %add3A_176, %add3A_436 : i32
      %get3A_438 = arith.index_cast %add3A_437 : i32 to index
      %get3A_439 = arith.constant 0 : index
      %get3A_440 = tpu.vector_load %arg11[%get3A_438, %get3A_439] {strides = array<i32>} : memref<512x64xbf16, #tpu.memory_space<vmem>>, vector<32xbf16>,
      %unpack3A_441 = tpu.unpack_subelements %get3A_440, 0 {pack_format = #tpu.pack_format<interleaved>} : vector<32xbf16> -> vector<16xf32>
      %unpack3A_442 = tpu.unpack_subelements %get3A_440, 1 {pack_format = #tpu.pack_format<interleaved>} : vector<32xbf16> -> vector<16xf32>
      %get3A_443 = arith.index_cast %add3A_437 : i32 to index
      %get3A_444 = arith.constant 0 : index
      %get3A_445 = tpu.vector_load %arg12[%get3A_443, %get3A_444] {strides = array<i32>} : memref<512x64xbf16, #tpu.memory_space<vmem>>, vector<32xbf16>,
      %unpack3A_446 = tpu.unpack_subelements %get3A_445, 0 {pack_format = #tpu.pack_format<interleaved>} : vector<32xbf16> -> vector<16xf32>
      %unpack3A_447 = tpu.unpack_subelements %get3A_445, 1 {pack_format = #tpu.pack_format<interleaved>} : vector<32xbf16> -> vector<16xf32>
      %get3A_448 = arith.index_cast %add3A_437 : i32 to index
      %get3A_449 = arith.constant 32 : index
      %get3A_450 = tpu.vector_load %arg11[%get3A_448, %get3A_449] {strides = array<i32>} : memref<512x64xbf16, #tpu.memory_space<vmem>>, vector<32xbf16>,
      %unpack3A_451 = tpu.unpack_subelements %get3A_450, 0 {pack_format = #tpu.pack_format<interleaved>} : vector<32xbf16> -> vector<16xf32>
      %unpack3A_452 = tpu.unpack_subelements %get3A_450, 1 {pack_format = #tpu.pack_format<interleaved>} : vector<32xbf16> -> vector<16xf32>
      %get3A_453 = arith.index_cast %add3A_437 : i32 to index
      %get3A_454 = arith.constant 32 : index
      %get3A_455 = tpu.vector_load %arg12[%get3A_453, %get3A_454] {strides = array<i32>} : memref<512x64xbf16, #tpu.memory_space<vmem>>, vector<32xbf16>,
      %unpack3A_456 = tpu.unpack_subelements %get3A_455, 0 {pack_format = #tpu.pack_format<interleaved>} : vector<32xbf16> -> vector<16xf32>
      %unpack3A_457 = tpu.unpack_subelements %get3A_455, 1 {pack_format = #tpu.pack_format<interleaved>} : vector<32xbf16> -> vector<16xf32>
      %mul3A_458 = arith.mulf %unpack3A_441, %unpack3A_446 : vector<16xf32>
      %mul3A_459 = arith.mulf %unpack3A_442, %unpack3A_447 : vector<16xf32>
      %add3A_460 = arith.addf %mul3A_458, %mul3A_459 : vector<16xf32>
      %mul3A_461 = arith.mulf %unpack3A_451, %unpack3A_456 : vector<16xf32>
      %mul3A_462 = arith.mulf %unpack3A_452, %unpack3A_457 : vector<16xf32>
      %add3A_463 = arith.addf %mul3A_461, %mul3A_462 : vector<16xf32>
      %add3A_464 = arith.addf %add3A_460, %add3A_463 : vector<16xf32>
      %add3A_465 = arith.constant 10 : i32
      %add3A_466 = arith.addi %add3A_176, %add3A_465 : i32
      %get3A_467 = arith.index_cast %add3A_466 : i32 to index
      %get3A_468 = arith.constant 0 : index
      %get3A_469 = tpu.vector_load %arg11[%get3A_467, %get3A_468] {strides = array<i32>} : memref<512x64xbf16, #tpu.memory_space<vmem>>, vector<32xbf16>,
      %unpack3A_470 = tpu.unpack_subelements %get3A_469, 0 {pack_format = #tpu.pack_format<interleaved>} : vector<32xbf16> -> vector<16xf32>
      %unpack3A_471 = tpu.unpack_subelements %get3A_469, 1 {pack_format = #tpu.pack_format<interleaved>} : vector<32xbf16> -> vector<16xf32>
      %get3A_472 = arith.index_cast %add3A_466 : i32 to index
      %get3A_473 = arith.constant 0 : index
      %get3A_474 = tpu.vector_load %arg12[%get3A_472, %get3A_473] {strides = array<i32>} : memref<512x64xbf16, #tpu.memory_space<vmem>>, vector<32xbf16>,
      %unpack3A_475 = tpu.unpack_subelements %get3A_474, 0 {pack_format = #tpu.pack_format<interleaved>} : vector<32xbf16> -> vector<16xf32>
      %unpack3A_476 = tpu.unpack_subelements %get3A_474, 1 {pack_format = #tpu.pack_format<interleaved>} : vector<32xbf16> -> vector<16xf32>
      %get3A_477 = arith.index_cast %add3A_466 : i32 to index
      %get3A_478 = arith.constant 32 : index
      %get3A_479 = tpu.vector_load %arg11[%get3A_477, %get3A_478] {strides = array<i32>} : memref<512x64xbf16, #tpu.memory_space<vmem>>, vector<32xbf16>,
      %unpack3A_480 = tpu.unpack_subelements %get3A_479, 0 {pack_format = #tpu.pack_format<interleaved>} : vector<32xbf16> -> vector<16xf32>
      %unpack3A_481 = tpu.unpack_subelements %get3A_479, 1 {pack_format = #tpu.pack_format<interleaved>} : vector<32xbf16> -> vector<16xf32>
      %get3A_482 = arith.index_cast %add3A_466 : i32 to index
      %get3A_483 = arith.constant 32 : index
      %get3A_484 = tpu.vector_load %arg12[%get3A_482, %get3A_483] {strides = array<i32>} : memref<512x64xbf16, #tpu.memory_space<vmem>>, vector<32xbf16>,
      %unpack3A_485 = tpu.unpack_subelements %get3A_484, 0 {pack_format = #tpu.pack_format<interleaved>} : vector<32xbf16> -> vector<16xf32>
      %unpack3A_486 = tpu.unpack_subelements %get3A_484, 1 {pack_format = #tpu.pack_format<interleaved>} : vector<32xbf16> -> vector<16xf32>
      %mul3A_487 = arith.mulf %unpack3A_470, %unpack3A_475 : vector<16xf32>
      %mul3A_488 = arith.mulf %unpack3A_471, %unpack3A_476 : vector<16xf32>
      %add3A_489 = arith.addf %mul3A_487, %mul3A_488 : vector<16xf32>
      %mul3A_490 = arith.mulf %unpack3A_480, %unpack3A_485 : vector<16xf32>
      %mul3A_491 = arith.mulf %unpack3A_481, %unpack3A_486 : vector<16xf32>
      %add3A_492 = arith.addf %mul3A_490, %mul3A_491 : vector<16xf32>
      %add3A_493 = arith.addf %add3A_489, %add3A_492 : vector<16xf32>
      %add3A_494 = arith.constant 11 : i32
      %add3A_495 = arith.addi %add3A_176, %add3A_494 : i32
      %get3A_496 = arith.index_cast %add3A_495 : i32 to index
      %get3A_497 = arith.constant 0 : index
      %get3A_498 = tpu.vector_load %arg11[%get3A_496, %get3A_497] {strides = array<i32>} : memref<512x64xbf16, #tpu.memory_space<vmem>>, vector<32xbf16>,
      %unpack3A_499 = tpu.unpack_subelements %get3A_498, 0 {pack_format = #tpu.pack_format<interleaved>} : vector<32xbf16> -> vector<16xf32>
      %unpack3A_500 = tpu.unpack_subelements %get3A_498, 1 {pack_format = #tpu.pack_format<interleaved>} : vector<32xbf16> -> vector<16xf32>
      %get3A_501 = arith.index_cast %add3A_495 : i32 to index
      %get3A_502 = arith.constant 0 : index
      %get3A_503 = tpu.vector_load %arg12[%get3A_501, %get3A_502] {strides = array<i32>} : memref<512x64xbf16, #tpu.memory_space<vmem>>, vector<32xbf16>,
      %unpack3A_504 = tpu.unpack_subelements %get3A_503, 0 {pack_format = #tpu.pack_format<interleaved>} : vector<32xbf16> -> vector<16xf32>
      %unpack3A_505 = tpu.unpack_subelements %get3A_503, 1 {pack_format = #tpu.pack_format<interleaved>} : vector<32xbf16> -> vector<16xf32>
      %get3A_506 = arith.index_cast %add3A_495 : i32 to index
      %get3A_507 = arith.constant 32 : index
      %get3A_508 = tpu.vector_load %arg11[%get3A_506, %get3A_507] {strides = array<i32>} : memref<512x64xbf16, #tpu.memory_space<vmem>>, vector<32xbf16>,
      %unpack3A_509 = tpu.unpack_subelements %get3A_508, 0 {pack_format = #tpu.pack_format<interleaved>} : vector<32xbf16> -> vector<16xf32>
      %unpack3A_510 = tpu.unpack_subelements %get3A_508, 1 {pack_format = #tpu.pack_format<interleaved>} : vector<32xbf16> -> vector<16xf32>
      %get3A_511 = arith.index_cast %add3A_495 : i32 to index
      %get3A_512 = arith.constant 32 : index
      %get3A_513 = tpu.vector_load %arg12[%get3A_511, %get3A_512] {strides = array<i32>} : memref<512x64xbf16, #tpu.memory_space<vmem>>, vector<32xbf16>,
      %unpack3A_514 = tpu.unpack_subelements %get3A_513, 0 {pack_format = #tpu.pack_format<interleaved>} : vector<32xbf16> -> vector<16xf32>
      %unpack3A_515 = tpu.unpack_subelements %get3A_513, 1 {pack_format = #tpu.pack_format<interleaved>} : vector<32xbf16> -> vector<16xf32>
      %mul3A_516 = arith.mulf %unpack3A_499, %unpack3A_504 : vector<16xf32>
      %mul3A_517 = arith.mulf %unpack3A_500, %unpack3A_505 : vector<16xf32>
      %add3A_518 = arith.addf %mul3A_516, %mul3A_517 : vector<16xf32>
      %mul3A_519 = arith.mulf %unpack3A_509, %unpack3A_514 : vector<16xf32>
      %mul3A_520 = arith.mulf %unpack3A_510, %unpack3A_515 : vector<16xf32>
      %add3A_521 = arith.addf %mul3A_519, %mul3A_520 : vector<16xf32>
      %add3A_522 = arith.addf %add3A_518, %add3A_521 : vector<16xf32>
      %add3A_523 = arith.constant 12 : i32
      %add3A_524 = arith.addi %add3A_176, %add3A_523 : i32
      %get3A_525 = arith.index_cast %add3A_524 : i32 to index
      %get3A_526 = arith.constant 0 : index
      %get3A_527 = tpu.vector_load %arg11[%get3A_525, %get3A_526] {strides = array<i32>} : memref<512x64xbf16, #tpu.memory_space<vmem>>, vector<32xbf16>,
      %unpack3A_528 = tpu.unpack_subelements %get3A_527, 0 {pack_format = #tpu.pack_format<interleaved>} : vector<32xbf16> -> vector<16xf32>
      %unpack3A_529 = tpu.unpack_subelements %get3A_527, 1 {pack_format = #tpu.pack_format<interleaved>} : vector<32xbf16> -> vector<16xf32>
      %get3A_530 = arith.index_cast %add3A_524 : i32 to index
      %get3A_531 = arith.constant 0 : index
      %get3A_532 = tpu.vector_load %arg12[%get3A_530, %get3A_531] {strides = array<i32>} : memref<512x64xbf16, #tpu.memory_space<vmem>>, vector<32xbf16>,
      %unpack3A_533 = tpu.unpack_subelements %get3A_532, 0 {pack_format = #tpu.pack_format<interleaved>} : vector<32xbf16> -> vector<16xf32>
      %unpack3A_534 = tpu.unpack_subelements %get3A_532, 1 {pack_format = #tpu.pack_format<interleaved>} : vector<32xbf16> -> vector<16xf32>
      %get3A_535 = arith.index_cast %add3A_524 : i32 to index
      %get3A_536 = arith.constant 32 : index
      %get3A_537 = tpu.vector_load %arg11[%get3A_535, %get3A_536] {strides = array<i32>} : memref<512x64xbf16, #tpu.memory_space<vmem>>, vector<32xbf16>,
      %unpack3A_538 = tpu.unpack_subelements %get3A_537, 0 {pack_format = #tpu.pack_format<interleaved>} : vector<32xbf16> -> vector<16xf32>
      %unpack3A_539 = tpu.unpack_subelements %get3A_537, 1 {pack_format = #tpu.pack_format<interleaved>} : vector<32xbf16> -> vector<16xf32>
      %get3A_540 = arith.index_cast %add3A_524 : i32 to index
      %get3A_541 = arith.constant 32 : index
      %get3A_542 = tpu.vector_load %arg12[%get3A_540, %get3A_541] {strides = array<i32>} : memref<512x64xbf16, #tpu.memory_space<vmem>>, vector<32xbf16>,
      %unpack3A_543 = tpu.unpack_subelements %get3A_542, 0 {pack_format = #tpu.pack_format<interleaved>} : vector<32xbf16> -> vector<16xf32>
      %unpack3A_544 = tpu.unpack_subelements %get3A_542, 1 {pack_format = #tpu.pack_format<interleaved>} : vector<32xbf16> -> vector<16xf32>
      %mul3A_545 = arith.mulf %unpack3A_528, %unpack3A_533 : vector<16xf32>
      %mul3A_546 = arith.mulf %unpack3A_529, %unpack3A_534 : vector<16xf32>
      %add3A_547 = arith.addf %mul3A_545, %mul3A_546 : vector<16xf32>
      %mul3A_548 = arith.mulf %unpack3A_538, %unpack3A_543 : vector<16xf32>
      %mul3A_549 = arith.mulf %unpack3A_539, %unpack3A_544 : vector<16xf32>
      %add3A_550 = arith.addf %mul3A_548, %mul3A_549 : vector<16xf32>
      %add3A_551 = arith.addf %add3A_547, %add3A_550 : vector<16xf32>
      %add3A_552 = arith.constant 13 : i32
      %add3A_553 = arith.addi %add3A_176, %add3A_552 : i32
      %get3A_554 = arith.index_cast %add3A_553 : i32 to index
      %get3A_555 = arith.constant 0 : index
      %get3A_556 = tpu.vector_load %arg11[%get3A_554, %get3A_555] {strides = array<i32>} : memref<512x64xbf16, #tpu.memory_space<vmem>>, vector<32xbf16>,
      %unpack3A_557 = tpu.unpack_subelements %get3A_556, 0 {pack_format = #tpu.pack_format<interleaved>} : vector<32xbf16> -> vector<16xf32>
      %unpack3A_558 = tpu.unpack_subelements %get3A_556, 1 {pack_format = #tpu.pack_format<interleaved>} : vector<32xbf16> -> vector<16xf32>
      %get3A_559 = arith.index_cast %add3A_553 : i32 to index
      %get3A_560 = arith.constant 0 : index
      %get3A_561 = tpu.vector_load %arg12[%get3A_559, %get3A_560] {strides = array<i32>} : memref<512x64xbf16, #tpu.memory_space<vmem>>, vector<32xbf16>,
      %unpack3A_562 = tpu.unpack_subelements %get3A_561, 0 {pack_format = #tpu.pack_format<interleaved>} : vector<32xbf16> -> vector<16xf32>
      %unpack3A_563 = tpu.unpack_subelements %get3A_561, 1 {pack_format = #tpu.pack_format<interleaved>} : vector<32xbf16> -> vector<16xf32>
      %get3A_564 = arith.index_cast %add3A_553 : i32 to index
      %get3A_565 = arith.constant 32 : index
      %get3A_566 = tpu.vector_load %arg11[%get3A_564, %get3A_565] {strides = array<i32>} : memref<512x64xbf16, #tpu.memory_space<vmem>>, vector<32xbf16>,
      %unpack3A_567 = tpu.unpack_subelements %get3A_566, 0 {pack_format = #tpu.pack_format<interleaved>} : vector<32xbf16> -> vector<16xf32>
      %unpack3A_568 = tpu.unpack_subelements %get3A_566, 1 {pack_format = #tpu.pack_format<interleaved>} : vector<32xbf16> -> vector<16xf32>
      %get3A_569 = arith.index_cast %add3A_553 : i32 to index
      %get3A_570 = arith.constant 32 : index
      %get3A_571 = tpu.vector_load %arg12[%get3A_569, %get3A_570] {strides = array<i32>} : memref<512x64xbf16, #tpu.memory_space<vmem>>, vector<32xbf16>,
      %unpack3A_572 = tpu.unpack_subelements %get3A_571, 0 {pack_format = #tpu.pack_format<interleaved>} : vector<32xbf16> -> vector<16xf32>
      %unpack3A_573 = tpu.unpack_subelements %get3A_571, 1 {pack_format = #tpu.pack_format<interleaved>} : vector<32xbf16> -> vector<16xf32>
      %mul3A_574 = arith.mulf %unpack3A_557, %unpack3A_562 : vector<16xf32>
      %mul3A_575 = arith.mulf %unpack3A_558, %unpack3A_563 : vector<16xf32>
      %add3A_576 = arith.addf %mul3A_574, %mul3A_575 : vector<16xf32>
      %mul3A_577 = arith.mulf %unpack3A_567, %unpack3A_572 : vector<16xf32>
      %mul3A_578 = arith.mulf %unpack3A_568, %unpack3A_573 : vector<16xf32>
      %add3A_579 = arith.addf %mul3A_577, %mul3A_578 : vector<16xf32>
      %add3A_580 = arith.addf %add3A_576, %add3A_579 : vector<16xf32>
      %add3A_581 = arith.constant 14 : i32
      %add3A_582 = arith.addi %add3A_176, %add3A_581 : i32
      %get3A_583 = arith.index_cast %add3A_582 : i32 to index
      %get3A_584 = arith.constant 0 : index
      %get3A_585 = tpu.vector_load %arg11[%get3A_583, %get3A_584] {strides = array<i32>} : memref<512x64xbf16, #tpu.memory_space<vmem>>, vector<32xbf16>,
      %unpack3A_586 = tpu.unpack_subelements %get3A_585, 0 {pack_format = #tpu.pack_format<interleaved>} : vector<32xbf16> -> vector<16xf32>
      %unpack3A_587 = tpu.unpack_subelements %get3A_585, 1 {pack_format = #tpu.pack_format<interleaved>} : vector<32xbf16> -> vector<16xf32>
      %get3A_588 = arith.index_cast %add3A_582 : i32 to index
      %get3A_589 = arith.constant 0 : index
      %get3A_590 = tpu.vector_load %arg12[%get3A_588, %get3A_589] {strides = array<i32>} : memref<512x64xbf16, #tpu.memory_space<vmem>>, vector<32xbf16>,
      %unpack3A_591 = tpu.unpack_subelements %get3A_590, 0 {pack_format = #tpu.pack_format<interleaved>} : vector<32xbf16> -> vector<16xf32>
      %unpack3A_592 = tpu.unpack_subelements %get3A_590, 1 {pack_format = #tpu.pack_format<interleaved>} : vector<32xbf16> -> vector<16xf32>
      %get3A_593 = arith.index_cast %add3A_582 : i32 to index
      %get3A_594 = arith.constant 32 : index
      %get3A_595 = tpu.vector_load %arg11[%get3A_593, %get3A_594] {strides = array<i32>} : memref<512x64xbf16, #tpu.memory_space<vmem>>, vector<32xbf16>,
      %unpack3A_596 = tpu.unpack_subelements %get3A_595, 0 {pack_format = #tpu.pack_format<interleaved>} : vector<32xbf16> -> vector<16xf32>
      %unpack3A_597 = tpu.unpack_subelements %get3A_595, 1 {pack_format = #tpu.pack_format<interleaved>} : vector<32xbf16> -> vector<16xf32>
      %get3A_598 = arith.index_cast %add3A_582 : i32 to index
      %get3A_599 = arith.constant 32 : index
      %get3A_600 = tpu.vector_load %arg12[%get3A_598, %get3A_599] {strides = array<i32>} : memref<512x64xbf16, #tpu.memory_space<vmem>>, vector<32xbf16>,
      %unpack3A_601 = tpu.unpack_subelements %get3A_600, 0 {pack_format = #tpu.pack_format<interleaved>} : vector<32xbf16> -> vector<16xf32>
      %unpack3A_602 = tpu.unpack_subelements %get3A_600, 1 {pack_format = #tpu.pack_format<interleaved>} : vector<32xbf16> -> vector<16xf32>
      %mul3A_603 = arith.mulf %unpack3A_586, %unpack3A_591 : vector<16xf32>
      %mul3A_604 = arith.mulf %unpack3A_587, %unpack3A_592 : vector<16xf32>
      %add3A_605 = arith.addf %mul3A_603, %mul3A_604 : vector<16xf32>
      %mul3A_606 = arith.mulf %unpack3A_596, %unpack3A_601 : vector<16xf32>
      %mul3A_607 = arith.mulf %unpack3A_597, %unpack3A_602 : vector<16xf32>
      %add3A_608 = arith.addf %mul3A_606, %mul3A_607 : vector<16xf32>
      %add3A_609 = arith.addf %add3A_605, %add3A_608 : vector<16xf32>
      %add3A_610 = arith.constant 15 : i32
      %add3A_611 = arith.addi %add3A_176, %add3A_610 : i32
      %get3A_612 = arith.index_cast %add3A_611 : i32 to index
      %get3A_613 = arith.constant 0 : index
      %get3A_614 = tpu.vector_load %arg11[%get3A_612, %get3A_613] {strides = array<i32>} : memref<512x64xbf16, #tpu.memory_space<vmem>>, vector<32xbf16>,
      %unpack3A_615 = tpu.unpack_subelements %get3A_614, 0 {pack_format = #tpu.pack_format<interleaved>} : vector<32xbf16> -> vector<16xf32>
      %unpack3A_616 = tpu.unpack_subelements %get3A_614, 1 {pack_format = #tpu.pack_format<interleaved>} : vector<32xbf16> -> vector<16xf32>
      %get3A_617 = arith.index_cast %add3A_611 : i32 to index
      %get3A_618 = arith.constant 0 : index
      %get3A_619 = tpu.vector_load %arg12[%get3A_617, %get3A_618] {strides = array<i32>} : memref<512x64xbf16, #tpu.memory_space<vmem>>, vector<32xbf16>,
      %unpack3A_620 = tpu.unpack_subelements %get3A_619, 0 {pack_format = #tpu.pack_format<interleaved>} : vector<32xbf16> -> vector<16xf32>
      %unpack3A_621 = tpu.unpack_subelements %get3A_619, 1 {pack_format = #tpu.pack_format<interleaved>} : vector<32xbf16> -> vector<16xf32>
      %get3A_622 = arith.index_cast %add3A_611 : i32 to index
      %get3A_623 = arith.constant 32 : index
      %get3A_624 = tpu.vector_load %arg11[%get3A_622, %get3A_623] {strides = array<i32>} : memref<512x64xbf16, #tpu.memory_space<vmem>>, vector<32xbf16>,
      %unpack3A_625 = tpu.unpack_subelements %get3A_624, 0 {pack_format = #tpu.pack_format<interleaved>} : vector<32xbf16> -> vector<16xf32>
      %unpack3A_626 = tpu.unpack_subelements %get3A_624, 1 {pack_format = #tpu.pack_format<interleaved>} : vector<32xbf16> -> vector<16xf32>
      %get3A_627 = arith.index_cast %add3A_611 : i32 to index
      %get3A_628 = arith.constant 32 : index
      %get3A_629 = tpu.vector_load %arg12[%get3A_627, %get3A_628] {strides = array<i32>} : memref<512x64xbf16, #tpu.memory_space<vmem>>, vector<32xbf16>,
      %unpack3A_630 = tpu.unpack_subelements %get3A_629, 0 {pack_format = #tpu.pack_format<interleaved>} : vector<32xbf16> -> vector<16xf32>
      %unpack3A_631 = tpu.unpack_subelements %get3A_629, 1 {pack_format = #tpu.pack_format<interleaved>} : vector<32xbf16> -> vector<16xf32>
      %mul3A_632 = arith.mulf %unpack3A_615, %unpack3A_620 : vector<16xf32>
      %mul3A_633 = arith.mulf %unpack3A_616, %unpack3A_621 : vector<16xf32>
      %add3A_634 = arith.addf %mul3A_632, %mul3A_633 : vector<16xf32>
      %mul3A_635 = arith.mulf %unpack3A_625, %unpack3A_630 : vector<16xf32>
      %mul3A_636 = arith.mulf %unpack3A_626, %unpack3A_631 : vector<16xf32>
      %add3A_637 = arith.addf %mul3A_635, %mul3A_636 : vector<16xf32>
      %add3A_638 = arith.addf %add3A_634, %add3A_637 : vector<16xf32>
      %swap3A = arith.constant 0 : i32
      %swap3A_639 = arith.index_cast %swap3A : i32 to index
      %swap3A_640 = arith.constant 0 : index
      %swap3A_641 = tpu.vector_load %arg17[%swap3A_639, %swap3A_640] {strides = array<i32>} : memref<16x17xf32, #tpu.memory_space<vmem>>, vector<16xf32>,
      tpu.vector_store %arg17[%swap3A_639, %swap3A_640], %add3A_203 {strides = array<i32>} : memref<16x17xf32, #tpu.memory_space<vmem>>, vector<16xf32>,
      %swap3A_642 = arith.constant 1 : i32
      %swap3A_643 = arith.index_cast %swap3A_642 : i32 to index
      %swap3A_644 = arith.constant 0 : index
      %swap3A_645 = tpu.vector_load %arg17[%swap3A_643, %swap3A_644] {strides = array<i32>} : memref<16x17xf32, #tpu.memory_space<vmem>>, vector<16xf32>,
      tpu.vector_store %arg17[%swap3A_643, %swap3A_644], %add3A_232 {strides = array<i32>} : memref<16x17xf32, #tpu.memory_space<vmem>>, vector<16xf32>,
      %swap3A_646 = arith.constant 2 : i32
      %swap3A_647 = arith.index_cast %swap3A_646 : i32 to index
      %swap3A_648 = arith.constant 0 : index
      %swap3A_649 = tpu.vector_load %arg17[%swap3A_647, %swap3A_648] {strides = array<i32>} : memref<16x17xf32, #tpu.memory_space<vmem>>, vector<16xf32>,
      tpu.vector_store %arg17[%swap3A_647, %swap3A_648], %add3A_261 {strides = array<i32>} : memref<16x17xf32, #tpu.memory_space<vmem>>, vector<16xf32>,
      %swap3A_650 = arith.constant 3 : i32
      %swap3A_651 = arith.index_cast %swap3A_650 : i32 to index
      %swap3A_652 = arith.constant 0 : index
      %swap3A_653 = tpu.vector_load %arg17[%swap3A_651, %swap3A_652] {strides = array<i32>} : memref<16x17xf32, #tpu.memory_space<vmem>>, vector<16xf32>,
      tpu.vector_store %arg17[%swap3A_651, %swap3A_652], %add3A_290 {strides = array<i32>} : memref<16x17xf32, #tpu.memory_space<vmem>>, vector<16xf32>,
      %swap3A_654 = arith.constant 4 : i32
      %swap3A_655 = arith.index_cast %swap3A_654 : i32 to index
      %swap3A_656 = arith.constant 0 : index
      %swap3A_657 = tpu.vector_load %arg17[%swap3A_655, %swap3A_656] {strides = array<i32>} : memref<16x17xf32, #tpu.memory_space<vmem>>, vector<16xf32>,
      tpu.vector_store %arg17[%swap3A_655, %swap3A_656], %add3A_319 {strides = array<i32>} : memref<16x17xf32, #tpu.memory_space<vmem>>, vector<16xf32>,
      %swap3A_658 = arith.constant 5 : i32
      %swap3A_659 = arith.index_cast %swap3A_658 : i32 to index
      %swap3A_660 = arith.constant 0 : index
      %swap3A_661 = tpu.vector_load %arg17[%swap3A_659, %swap3A_660] {strides = array<i32>} : memref<16x17xf32, #tpu.memory_space<vmem>>, vector<16xf32>,
      tpu.vector_store %arg17[%swap3A_659, %swap3A_660], %add3A_348 {strides = array<i32>} : memref<16x17xf32, #tpu.memory_space<vmem>>, vector<16xf32>,
      %swap3A_662 = arith.constant 6 : i32
      %swap3A_663 = arith.index_cast %swap3A_662 : i32 to index
      %swap3A_664 = arith.constant 0 : index
      %swap3A_665 = tpu.vector_load %arg17[%swap3A_663, %swap3A_664] {strides = array<i32>} : memref<16x17xf32, #tpu.memory_space<vmem>>, vector<16xf32>,
      tpu.vector_store %arg17[%swap3A_663, %swap3A_664], %add3A_377 {strides = array<i32>} : memref<16x17xf32, #tpu.memory_space<vmem>>, vector<16xf32>,
      %swap3A_666 = arith.constant 7 : i32
      %swap3A_667 = arith.index_cast %swap3A_666 : i32 to index
      %swap3A_668 = arith.constant 0 : index
      %swap3A_669 = tpu.vector_load %arg17[%swap3A_667, %swap3A_668] {strides = array<i32>} : memref<16x17xf32, #tpu.memory_space<vmem>>, vector<16xf32>,
      tpu.vector_store %arg17[%swap3A_667, %swap3A_668], %add3A_406 {strides = array<i32>} : memref<16x17xf32, #tpu.memory_space<vmem>>, vector<16xf32>,
      %swap3A_670 = arith.constant 8 : i32
      %swap3A_671 = arith.index_cast %swap3A_670 : i32 to index
      %swap3A_672 = arith.constant 0 : index
      %swap3A_673 = tpu.vector_load %arg17[%swap3A_671, %swap3A_672] {strides = array<i32>} : memref<16x17xf32, #tpu.memory_space<vmem>>, vector<16xf32>,
      tpu.vector_store %arg17[%swap3A_671, %swap3A_672], %add3A_435 {strides = array<i32>} : memref<16x17xf32, #tpu.memory_space<vmem>>, vector<16xf32>,
      %swap3A_674 = arith.constant 9 : i32
      %swap3A_675 = arith.index_cast %swap3A_674 : i32 to index
      %swap3A_676 = arith.constant 0 : index
      %swap3A_677 = tpu.vector_load %arg17[%swap3A_675, %swap3A_676] {strides = array<i32>} : memref<16x17xf32, #tpu.memory_space<vmem>>, vector<16xf32>,
      tpu.vector_store %arg17[%swap3A_675, %swap3A_676], %add3A_464 {strides = array<i32>} : memref<16x17xf32, #tpu.memory_space<vmem>>, vector<16xf32>,
      %swap3A_678 = arith.constant 10 : i32
      %swap3A_679 = arith.index_cast %swap3A_678 : i32 to index
      %swap3A_680 = arith.constant 0 : index
      %swap3A_681 = tpu.vector_load %arg17[%swap3A_679, %swap3A_680] {strides = array<i32>} : memref<16x17xf32, #tpu.memory_space<vmem>>, vector<16xf32>,
      tpu.vector_store %arg17[%swap3A_679, %swap3A_680], %add3A_493 {strides = array<i32>} : memref<16x17xf32, #tpu.memory_space<vmem>>, vector<16xf32>,
      %swap3A_682 = arith.constant 11 : i32
      %swap3A_683 = arith.index_cast %swap3A_682 : i32 to index
      %swap3A_684 = arith.constant 0 : index
      %swap3A_685 = tpu.vector_load %arg17[%swap3A_683, %swap3A_684] {strides = array<i32>} : memref<16x17xf32, #tpu.memory_space<vmem>>, vector<16xf32>,
      tpu.vector_store %arg17[%swap3A_683, %swap3A_684], %add3A_522 {strides = array<i32>} : memref<16x17xf32, #tpu.memory_space<vmem>>, vector<16xf32>,
      %swap3A_686 = arith.constant 12 : i32
      %swap3A_687 = arith.index_cast %swap3A_686 : i32 to index
      %swap3A_688 = arith.constant 0 : index
      %swap3A_689 = tpu.vector_load %arg17[%swap3A_687, %swap3A_688] {strides = array<i32>} : memref<16x17xf32, #tpu.memory_space<vmem>>, vector<16xf32>,
      tpu.vector_store %arg17[%swap3A_687, %swap3A_688], %add3A_551 {strides = array<i32>} : memref<16x17xf32, #tpu.memory_space<vmem>>, vector<16xf32>,
      %swap3A_690 = arith.constant 13 : i32
      %swap3A_691 = arith.index_cast %swap3A_690 : i32 to index
      %swap3A_692 = arith.constant 0 : index
      %swap3A_693 = tpu.vector_load %arg17[%swap3A_691, %swap3A_692] {strides = array<i32>} : memref<16x17xf32, #tpu.memory_space<vmem>>, vector<16xf32>,
      tpu.vector_store %arg17[%swap3A_691, %swap3A_692], %add3A_580 {strides = array<i32>} : memref<16x17xf32, #tpu.memory_space<vmem>>, vector<16xf32>,
      %swap3A_694 = arith.constant 14 : i32
      %swap3A_695 = arith.index_cast %swap3A_694 : i32 to index
      %swap3A_696 = arith.constant 0 : index
      %swap3A_697 = tpu.vector_load %arg17[%swap3A_695, %swap3A_696] {strides = array<i32>} : memref<16x17xf32, #tpu.memory_space<vmem>>, vector<16xf32>,
      tpu.vector_store %arg17[%swap3A_695, %swap3A_696], %add3A_609 {strides = array<i32>} : memref<16x17xf32, #tpu.memory_space<vmem>>, vector<16xf32>,
      %swap3A_698 = arith.constant 15 : i32
      %swap3A_699 = arith.index_cast %swap3A_698 : i32 to index
      %swap3A_700 = arith.constant 0 : index
      %swap3A_701 = tpu.vector_load %arg17[%swap3A_699, %swap3A_700] {strides = array<i32>} : memref<16x17xf32, #tpu.memory_space<vmem>>, vector<16xf32>,
      tpu.vector_store %arg17[%swap3A_699, %swap3A_700], %add3A_638 {strides = array<i32>} : memref<16x17xf32, #tpu.memory_space<vmem>>, vector<16xf32>,
      %get3A_702 = arith.index_cast %add3A_176 : i32 to index
      %get3A_703 = tpu.vector_load %arg9[%get3A_702] {strides = array<i32>} : memref<512xi32, #tpu.memory_space<vmem>>, vector<16xi32>,
      %get3A_704 = arith.index_cast %add3A_176 : i32 to index
      %get3A_705 = tpu.vector_load %arg10[%get3A_704] {strides = array<i32>} : memref<512xi32, #tpu.memory_space<vmem>>, vector<16xi32>,
      %gather3A = tpu.vector_load_idx %arg15[%get3A_703, %broadcast_in_dim3A_84] : memref<1000x1xf32, #tpu.memory_space<vmem>>[vector<16xi32>, vector<16xi32>], vector<16xf32>,
      %gather3A_706 = tpu.vector_load_idx %arg16[%get3A_705, %broadcast_in_dim3A_84] : memref<1000x1xf32, #tpu.memory_space<vmem>>[vector<16xi32>, vector<16xi32>], vector<16xf32>,
      %add3A_707 = arith.addf %gather3A, %gather3A_706 : vector<16xf32>
      %broadcast_in_dim3A_708 = arith.constant 0 : i32
      %broadcast_in_dim3A_709 = vector.broadcast %broadcast_in_dim3A_708 : i32 to vector<16xi32>
      %gather3A_710 = tpu.vector_load_idx %arg17[%iota3A, %broadcast_in_dim3A_709] : memref<16x17xf32, #tpu.memory_space<vmem>>[vector<16xi32>, vector<16xi32>], vector<16xf32>,
      %add3A_711 = arith.addf %add3A_707, %gather3A_710 : vector<16xf32>
      %broadcast_in_dim3A_712 = arith.constant 1 : i32
      %broadcast_in_dim3A_713 = vector.broadcast %broadcast_in_dim3A_712 : i32 to vector<16xi32>
      %gather3A_714 = tpu.vector_load_idx %arg17[%iota3A, %broadcast_in_dim3A_713] : memref<16x17xf32, #tpu.memory_space<vmem>>[vector<16xi32>, vector<16xi32>], vector<16xf32>,
      %add3A_715 = arith.addf %add3A_711, %gather3A_714 : vector<16xf32>
      %broadcast_in_dim3A_716 = arith.constant 2 : i32
      %broadcast_in_dim3A_717 = vector.broadcast %broadcast_in_dim3A_716 : i32 to vector<16xi32>
      %gather3A_718 = tpu.vector_load_idx %arg17[%iota3A, %broadcast_in_dim3A_717] : memref<16x17xf32, #tpu.memory_space<vmem>>[vector<16xi32>, vector<16xi32>], vector<16xf32>,
      %add3A_719 = arith.addf %add3A_715, %gather3A_718 : vector<16xf32>
      %broadcast_in_dim3A_720 = arith.constant 3 : i32
      %broadcast_in_dim3A_721 = vector.broadcast %broadcast_in_dim3A_720 : i32 to vector<16xi32>
      %gather3A_722 = tpu.vector_load_idx %arg17[%iota3A, %broadcast_in_dim3A_721] : memref<16x17xf32, #tpu.memory_space<vmem>>[vector<16xi32>, vector<16xi32>], vector<16xf32>,
      %add3A_723 = arith.addf %add3A_719, %gather3A_722 : vector<16xf32>
      %broadcast_in_dim3A_724 = arith.constant 4 : i32
      %broadcast_in_dim3A_725 = vector.broadcast %broadcast_in_dim3A_724 : i32 to vector<16xi32>
      %gather3A_726 = tpu.vector_load_idx %arg17[%iota3A, %broadcast_in_dim3A_725] : memref<16x17xf32, #tpu.memory_space<vmem>>[vector<16xi32>, vector<16xi32>], vector<16xf32>,
      %add3A_727 = arith.addf %add3A_723, %gather3A_726 : vector<16xf32>
      %broadcast_in_dim3A_728 = arith.constant 5 : i32
      %broadcast_in_dim3A_729 = vector.broadcast %broadcast_in_dim3A_728 : i32 to vector<16xi32>
      %gather3A_730 = tpu.vector_load_idx %arg17[%iota3A, %broadcast_in_dim3A_729] : memref<16x17xf32, #tpu.memory_space<vmem>>[vector<16xi32>, vector<16xi32>], vector<16xf32>,
      %add3A_731 = arith.addf %add3A_727, %gather3A_730 : vector<16xf32>
      %broadcast_in_dim3A_732 = arith.constant 6 : i32
      %broadcast_in_dim3A_733 = vector.broadcast %broadcast_in_dim3A_732 : i32 to vector<16xi32>
      %gather3A_734 = tpu.vector_load_idx %arg17[%iota3A, %broadcast_in_dim3A_733] : memref<16x17xf32, #tpu.memory_space<vmem>>[vector<16xi32>, vector<16xi32>], vector<16xf32>,
      %add3A_735 = arith.addf %add3A_731, %gather3A_734 : vector<16xf32>
      %broadcast_in_dim3A_736 = arith.constant 7 : i32
      %broadcast_in_dim3A_737 = vector.broadcast %broadcast_in_dim3A_736 : i32 to vector<16xi32>
      %gather3A_738 = tpu.vector_load_idx %arg17[%iota3A, %broadcast_in_dim3A_737] : memref<16x17xf32, #tpu.memory_space<vmem>>[vector<16xi32>, vector<16xi32>], vector<16xf32>,
      %add3A_739 = arith.addf %add3A_735, %gather3A_738 : vector<16xf32>
      %broadcast_in_dim3A_740 = arith.constant 8 : i32
      %broadcast_in_dim3A_741 = vector.broadcast %broadcast_in_dim3A_740 : i32 to vector<16xi32>
      %gather3A_742 = tpu.vector_load_idx %arg17[%iota3A, %broadcast_in_dim3A_741] : memref<16x17xf32, #tpu.memory_space<vmem>>[vector<16xi32>, vector<16xi32>], vector<16xf32>,
      %add3A_743 = arith.addf %add3A_739, %gather3A_742 : vector<16xf32>
      %broadcast_in_dim3A_744 = arith.constant 9 : i32
      %broadcast_in_dim3A_745 = vector.broadcast %broadcast_in_dim3A_744 : i32 to vector<16xi32>
      %gather3A_746 = tpu.vector_load_idx %arg17[%iota3A, %broadcast_in_dim3A_745] : memref<16x17xf32, #tpu.memory_space<vmem>>[vector<16xi32>, vector<16xi32>], vector<16xf32>,
      %add3A_747 = arith.addf %add3A_743, %gather3A_746 : vector<16xf32>
      %broadcast_in_dim3A_748 = arith.constant 10 : i32
      %broadcast_in_dim3A_749 = vector.broadcast %broadcast_in_dim3A_748 : i32 to vector<16xi32>
      %gather3A_750 = tpu.vector_load_idx %arg17[%iota3A, %broadcast_in_dim3A_749] : memref<16x17xf32, #tpu.memory_space<vmem>>[vector<16xi32>, vector<16xi32>], vector<16xf32>,
      %add3A_751 = arith.addf %add3A_747, %gather3A_750 : vector<16xf32>
      %broadcast_in_dim3A_752 = arith.constant 11 : i32
      %broadcast_in_dim3A_753 = vector.broadcast %broadcast_in_dim3A_752 : i32 to vector<16xi32>
      %gather3A_754 = tpu.vector_load_idx %arg17[%iota3A, %broadcast_in_dim3A_753] : memref<16x17xf32, #tpu.memory_space<vmem>>[vector<16xi32>, vector<16xi32>], vector<16xf32>,
      %add3A_755 = arith.addf %add3A_751, %gather3A_754 : vector<16xf32>
      %broadcast_in_dim3A_756 = arith.constant 12 : i32
      %broadcast_in_dim3A_757 = vector.broadcast %broadcast_in_dim3A_756 : i32 to vector<16xi32>
      %gather3A_758 = tpu.vector_load_idx %arg17[%iota3A, %broadcast_in_dim3A_757] : memref<16x17xf32, #tpu.memory_space<vmem>>[vector<16xi32>, vector<16xi32>], vector<16xf32>,
      %add3A_759 = arith.addf %add3A_755, %gather3A_758 : vector<16xf32>
      %broadcast_in_dim3A_760 = arith.constant 13 : i32
      %broadcast_in_dim3A_761 = vector.broadcast %broadcast_in_dim3A_760 : i32 to vector<16xi32>
      %gather3A_762 = tpu.vector_load_idx %arg17[%iota3A, %broadcast_in_dim3A_761] : memref<16x17xf32, #tpu.memory_space<vmem>>[vector<16xi32>, vector<16xi32>], vector<16xf32>,
      %add3A_763 = arith.addf %add3A_759, %gather3A_762 : vector<16xf32>
      %broadcast_in_dim3A_764 = arith.constant 14 : i32
      %broadcast_in_dim3A_765 = vector.broadcast %broadcast_in_dim3A_764 : i32 to vector<16xi32>
      %gather3A_766 = tpu.vector_load_idx %arg17[%iota3A, %broadcast_in_dim3A_765] : memref<16x17xf32, #tpu.memory_space<vmem>>[vector<16xi32>, vector<16xi32>], vector<16xf32>,
      %add3A_767 = arith.addf %add3A_763, %gather3A_766 : vector<16xf32>
      %broadcast_in_dim3A_768 = arith.constant 15 : i32
      %broadcast_in_dim3A_769 = vector.broadcast %broadcast_in_dim3A_768 : i32 to vector<16xi32>
      %gather3A_770 = tpu.vector_load_idx %arg17[%iota3A, %broadcast_in_dim3A_769] : memref<16x17xf32, #tpu.memory_space<vmem>>[vector<16xi32>, vector<16xi32>], vector<16xf32>,
      %add3A_771 = arith.addf %add3A_767, %gather3A_770 : vector<16xf32>
      %swap3A_772 = arith.index_cast %add3A_176 : i32 to index
      %swap3A_773 = tpu.vector_load %arg18[%swap3A_772] {strides = array<i32>} : memref<512xf32, #tpu.memory_space<vmem>>, vector<16xf32>,
      tpu.vector_store %arg18[%swap3A_772], %add3A_771 {strides = array<i32>} : memref<512xf32, #tpu.memory_space<vmem>>, vector<16xf32>,
    }
    %scan3A_149 = arith.constant 8 : i32
    %dma_wait3A_150 = arith.constant 384 : i32
    %dma_wait3A_151 = arith.constant 0 : i32
    %dma_wait3A_152 = tpu.memref_slice %arg11[%dma_wait3A_150, %dma_wait3A_151] : memref<512x64xbf16, #tpu.memory_space<vmem>> -> memref<128x64xbf16, #tpu.memory_space<vmem>>
    %dma_wait3A_153 = arith.constant 384 : i32
    %dma_wait3A_154 = tpu.memref_slice %arg9[%dma_wait3A_153] : memref<512xi32, #tpu.memory_space<vmem>> -> memref<128xi32, #tpu.memory_space<vmem>>
    %dma_wait3A_155 = arith.constant 0 : i32
    %dma_wait3A_156 = arith.constant 0 : i32
    %dma_wait3A_157 = tpu.memref_slice %arg13[%dma_wait3A_155, %dma_wait3A_156] : memref<1000x64xbf16, #tpu.memory_space<vmem_shared>> -> memref<1000x64xbf16, #tpu.memory_space<vmem_shared>>
    tpu.wait_indirect_dma semaphore(%arg19 : memref<!tpu.dma_semaphore, #tpu.memory_space<semaphore_mem>>) src(%dma_wait3A_157 : memref<1000x64xbf16, #tpu.memory_space<vmem_shared>>) dst(%dma_wait3A_152 : memref<128x64xbf16, #tpu.memory_space<vmem>>)
    %dma_wait3A_158 = arith.constant 384 : i32
    %dma_wait3A_159 = arith.constant 0 : i32
    %dma_wait3A_160 = tpu.memref_slice %arg12[%dma_wait3A_158, %dma_wait3A_159] : memref<512x64xbf16, #tpu.memory_space<vmem>> -> memref<128x64xbf16, #tpu.memory_space<vmem>>
    %dma_wait3A_161 = arith.constant 384 : i32
    %dma_wait3A_162 = tpu.memref_slice %arg10[%dma_wait3A_161] : memref<512xi32, #tpu.memory_space<vmem>> -> memref<128xi32, #tpu.memory_space<vmem>>
    %dma_wait3A_163 = arith.constant 0 : i32
    %dma_wait3A_164 = arith.constant 0 : i32
    %dma_wait3A_165 = tpu.memref_slice %arg14[%dma_wait3A_163, %dma_wait3A_164] : memref<1000x64xbf16, #tpu.memory_space<vmem_shared>> -> memref<1000x64xbf16, #tpu.memory_space<vmem_shared>>
    tpu.wait_indirect_dma semaphore(%arg20 : memref<!tpu.dma_semaphore, #tpu.memory_space<semaphore_mem>>) src(%dma_wait3A_165 : memref<1000x64xbf16, #tpu.memory_space<vmem_shared>>) dst(%dma_wait3A_160 : memref<128x64xbf16, #tpu.memory_space<vmem>>)
    %scan3A_166 = arith.constant 0 : i32
    %scan3A_167 = arith.constant 0 : i32
    %scan3A_168 = arith.constant 8 : i32
    %scan3A_169 = arith.addi %scan3A_167, %scan3A_168 : i32
    %scan3A_170 = arith.constant 1 : i32
    scf.for %scan3A_172 = %scan3A_167 to %scan3A_169 step %scan3A_170  : i32 {
      %mul3A_173 = arith.constant 16 : i32
      %mul3A_174 = arith.muli %scan3A_172, %mul3A_173 : i32
      %add3A_175 = arith.constant 384 : i32
      %add3A_176 = arith.addi %add3A_175, %mul3A_174 : i32
      %add3A_177 = arith.constant 0 : i32
      %add3A_178 = arith.addi %add3A_176, %add3A_177 : i32
      %get3A = arith.index_cast %add3A_178 : i32 to index
      %get3A_179 = arith.constant 0 : index
      %get3A_180 = tpu.vector_load %arg11[%get3A, %get3A_179] {strides = array<i32>} : memref<512x64xbf16, #tpu.memory_space<vmem>>, vector<32xbf16>,
      %unpack3A = tpu.unpack_subelements %get3A_180, 0 {pack_format = #tpu.pack_format<interleaved>} : vector<32xbf16> -> vector<16xf32>
      %unpack3A_181 = tpu.unpack_subelements %get3A_180, 1 {pack_format = #tpu.pack_format<interleaved>} : vector<32xbf16> -> vector<16xf32>
      %get3A_182 = arith.index_cast %add3A_178 : i32 to index
      %get3A_183 = arith.constant 0 : index
      %get3A_184 = tpu.vector_load %arg12[%get3A_182, %get3A_183] {strides = array<i32>} : memref<512x64xbf16, #tpu.memory_space<vmem>>, vector<32xbf16>,
      %unpack3A_185 = tpu.unpack_subelements %get3A_184, 0 {pack_format = #tpu.pack_format<interleaved>} : vector<32xbf16> -> vector<16xf32>
      %unpack3A_186 = tpu.unpack_subelements %get3A_184, 1 {pack_format = #tpu.pack_format<interleaved>} : vector<32xbf16> -> vector<16xf32>
      %get3A_187 = arith.index_cast %add3A_178 : i32 to index
      %get3A_188 = arith.constant 32 : index
      %get3A_189 = tpu.vector_load %arg11[%get3A_187, %get3A_188] {strides = array<i32>} : memref<512x64xbf16, #tpu.memory_space<vmem>>, vector<32xbf16>,
      %unpack3A_190 = tpu.unpack_subelements %get3A_189, 0 {pack_format = #tpu.pack_format<interleaved>} : vector<32xbf16> -> vector<16xf32>
      %unpack3A_191 = tpu.unpack_subelements %get3A_189, 1 {pack_format = #tpu.pack_format<interleaved>} : vector<32xbf16> -> vector<16xf32>
      %get3A_192 = arith.index_cast %add3A_178 : i32 to index
      %get3A_193 = arith.constant 32 : index
      %get3A_194 = tpu.vector_load %arg12[%get3A_192, %get3A_193] {strides = array<i32>} : memref<512x64xbf16, #tpu.memory_space<vmem>>, vector<32xbf16>,
      %unpack3A_195 = tpu.unpack_subelements %get3A_194, 0 {pack_format = #tpu.pack_format<interleaved>} : vector<32xbf16> -> vector<16xf32>
      %unpack3A_196 = tpu.unpack_subelements %get3A_194, 1 {pack_format = #tpu.pack_format<interleaved>} : vector<32xbf16> -> vector<16xf32>
      %mul3A_197 = arith.mulf %unpack3A, %unpack3A_185 : vector<16xf32>
      %mul3A_198 = arith.mulf %unpack3A_181, %unpack3A_186 : vector<16xf32>
      %add3A_199 = arith.addf %mul3A_197, %mul3A_198 : vector<16xf32>
      %mul3A_200 = arith.mulf %unpack3A_190, %unpack3A_195 : vector<16xf32>
      %mul3A_201 = arith.mulf %unpack3A_191, %unpack3A_196 : vector<16xf32>
      %add3A_202 = arith.addf %mul3A_200, %mul3A_201 : vector<16xf32>
      %add3A_203 = arith.addf %add3A_199, %add3A_202 : vector<16xf32>
      %add3A_204 = arith.constant 1 : i32
      %add3A_205 = arith.addi %add3A_176, %add3A_204 : i32
      %get3A_206 = arith.index_cast %add3A_205 : i32 to index
      %get3A_207 = arith.constant 0 : index
      %get3A_208 = tpu.vector_load %arg11[%get3A_206, %get3A_207] {strides = array<i32>} : memref<512x64xbf16, #tpu.memory_space<vmem>>, vector<32xbf16>,
      %unpack3A_209 = tpu.unpack_subelements %get3A_208, 0 {pack_format = #tpu.pack_format<interleaved>} : vector<32xbf16> -> vector<16xf32>
      %unpack3A_210 = tpu.unpack_subelements %get3A_208, 1 {pack_format = #tpu.pack_format<interleaved>} : vector<32xbf16> -> vector<16xf32>
      %get3A_211 = arith.index_cast %add3A_205 : i32 to index
      %get3A_212 = arith.constant 0 : index
      %get3A_213 = tpu.vector_load %arg12[%get3A_211, %get3A_212] {strides = array<i32>} : memref<512x64xbf16, #tpu.memory_space<vmem>>, vector<32xbf16>,
      %unpack3A_214 = tpu.unpack_subelements %get3A_213, 0 {pack_format = #tpu.pack_format<interleaved>} : vector<32xbf16> -> vector<16xf32>
      %unpack3A_215 = tpu.unpack_subelements %get3A_213, 1 {pack_format = #tpu.pack_format<interleaved>} : vector<32xbf16> -> vector<16xf32>
      %get3A_216 = arith.index_cast %add3A_205 : i32 to index
      %get3A_217 = arith.constant 32 : index
      %get3A_218 = tpu.vector_load %arg11[%get3A_216, %get3A_217] {strides = array<i32>} : memref<512x64xbf16, #tpu.memory_space<vmem>>, vector<32xbf16>,
      %unpack3A_219 = tpu.unpack_subelements %get3A_218, 0 {pack_format = #tpu.pack_format<interleaved>} : vector<32xbf16> -> vector<16xf32>
      %unpack3A_220 = tpu.unpack_subelements %get3A_218, 1 {pack_format = #tpu.pack_format<interleaved>} : vector<32xbf16> -> vector<16xf32>
      %get3A_221 = arith.index_cast %add3A_205 : i32 to index
      %get3A_222 = arith.constant 32 : index
      %get3A_223 = tpu.vector_load %arg12[%get3A_221, %get3A_222] {strides = array<i32>} : memref<512x64xbf16, #tpu.memory_space<vmem>>, vector<32xbf16>,
      %unpack3A_224 = tpu.unpack_subelements %get3A_223, 0 {pack_format = #tpu.pack_format<interleaved>} : vector<32xbf16> -> vector<16xf32>
      %unpack3A_225 = tpu.unpack_subelements %get3A_223, 1 {pack_format = #tpu.pack_format<interleaved>} : vector<32xbf16> -> vector<16xf32>
      %mul3A_226 = arith.mulf %unpack3A_209, %unpack3A_214 : vector<16xf32>
      %mul3A_227 = arith.mulf %unpack3A_210, %unpack3A_215 : vector<16xf32>
      %add3A_228 = arith.addf %mul3A_226, %mul3A_227 : vector<16xf32>
      %mul3A_229 = arith.mulf %unpack3A_219, %unpack3A_224 : vector<16xf32>
      %mul3A_230 = arith.mulf %unpack3A_220, %unpack3A_225 : vector<16xf32>
      %add3A_231 = arith.addf %mul3A_229, %mul3A_230 : vector<16xf32>
      %add3A_232 = arith.addf %add3A_228, %add3A_231 : vector<16xf32>
      %add3A_233 = arith.constant 2 : i32
      %add3A_234 = arith.addi %add3A_176, %add3A_233 : i32
      %get3A_235 = arith.index_cast %add3A_234 : i32 to index
      %get3A_236 = arith.constant 0 : index
      %get3A_237 = tpu.vector_load %arg11[%get3A_235, %get3A_236] {strides = array<i32>} : memref<512x64xbf16, #tpu.memory_space<vmem>>, vector<32xbf16>,
      %unpack3A_238 = tpu.unpack_subelements %get3A_237, 0 {pack_format = #tpu.pack_format<interleaved>} : vector<32xbf16> -> vector<16xf32>
      %unpack3A_239 = tpu.unpack_subelements %get3A_237, 1 {pack_format = #tpu.pack_format<interleaved>} : vector<32xbf16> -> vector<16xf32>
      %get3A_240 = arith.index_cast %add3A_234 : i32 to index
      %get3A_241 = arith.constant 0 : index
      %get3A_242 = tpu.vector_load %arg12[%get3A_240, %get3A_241] {strides = array<i32>} : memref<512x64xbf16, #tpu.memory_space<vmem>>, vector<32xbf16>,
      %unpack3A_243 = tpu.unpack_subelements %get3A_242, 0 {pack_format = #tpu.pack_format<interleaved>} : vector<32xbf16> -> vector<16xf32>
      %unpack3A_244 = tpu.unpack_subelements %get3A_242, 1 {pack_format = #tpu.pack_format<interleaved>} : vector<32xbf16> -> vector<16xf32>
      %get3A_245 = arith.index_cast %add3A_234 : i32 to index
      %get3A_246 = arith.constant 32 : index
      %get3A_247 = tpu.vector_load %arg11[%get3A_245, %get3A_246] {strides = array<i32>} : memref<512x64xbf16, #tpu.memory_space<vmem>>, vector<32xbf16>,
      %unpack3A_248 = tpu.unpack_subelements %get3A_247, 0 {pack_format = #tpu.pack_format<interleaved>} : vector<32xbf16> -> vector<16xf32>
      %unpack3A_249 = tpu.unpack_subelements %get3A_247, 1 {pack_format = #tpu.pack_format<interleaved>} : vector<32xbf16> -> vector<16xf32>
      %get3A_250 = arith.index_cast %add3A_234 : i32 to index
      %get3A_251 = arith.constant 32 : index
      %get3A_252 = tpu.vector_load %arg12[%get3A_250, %get3A_251] {strides = array<i32>} : memref<512x64xbf16, #tpu.memory_space<vmem>>, vector<32xbf16>,
      %unpack3A_253 = tpu.unpack_subelements %get3A_252, 0 {pack_format = #tpu.pack_format<interleaved>} : vector<32xbf16> -> vector<16xf32>
      %unpack3A_254 = tpu.unpack_subelements %get3A_252, 1 {pack_format = #tpu.pack_format<interleaved>} : vector<32xbf16> -> vector<16xf32>
      %mul3A_255 = arith.mulf %unpack3A_238, %unpack3A_243 : vector<16xf32>
      %mul3A_256 = arith.mulf %unpack3A_239, %unpack3A_244 : vector<16xf32>
      %add3A_257 = arith.addf %mul3A_255, %mul3A_256 : vector<16xf32>
      %mul3A_258 = arith.mulf %unpack3A_248, %unpack3A_253 : vector<16xf32>
      %mul3A_259 = arith.mulf %unpack3A_249, %unpack3A_254 : vector<16xf32>
      %add3A_260 = arith.addf %mul3A_258, %mul3A_259 : vector<16xf32>
      %add3A_261 = arith.addf %add3A_257, %add3A_260 : vector<16xf32>
      %add3A_262 = arith.constant 3 : i32
      %add3A_263 = arith.addi %add3A_176, %add3A_262 : i32
      %get3A_264 = arith.index_cast %add3A_263 : i32 to index
      %get3A_265 = arith.constant 0 : index
      %get3A_266 = tpu.vector_load %arg11[%get3A_264, %get3A_265] {strides = array<i32>} : memref<512x64xbf16, #tpu.memory_space<vmem>>, vector<32xbf16>,
      %unpack3A_267 = tpu.unpack_subelements %get3A_266, 0 {pack_format = #tpu.pack_format<interleaved>} : vector<32xbf16> -> vector<16xf32>
      %unpack3A_268 = tpu.unpack_subelements %get3A_266, 1 {pack_format = #tpu.pack_format<interleaved>} : vector<32xbf16> -> vector<16xf32>
      %get3A_269 = arith.index_cast %add3A_263 : i32 to index
      %get3A_270 = arith.constant 0 : index
      %get3A_271 = tpu.vector_load %arg12[%get3A_269, %get3A_270] {strides = array<i32>} : memref<512x64xbf16, #tpu.memory_space<vmem>>, vector<32xbf16>,
      %unpack3A_272 = tpu.unpack_subelements %get3A_271, 0 {pack_format = #tpu.pack_format<interleaved>} : vector<32xbf16> -> vector<16xf32>
      %unpack3A_273 = tpu.unpack_subelements %get3A_271, 1 {pack_format = #tpu.pack_format<interleaved>} : vector<32xbf16> -> vector<16xf32>
      %get3A_274 = arith.index_cast %add3A_263 : i32 to index
      %get3A_275 = arith.constant 32 : index
      %get3A_276 = tpu.vector_load %arg11[%get3A_274, %get3A_275] {strides = array<i32>} : memref<512x64xbf16, #tpu.memory_space<vmem>>, vector<32xbf16>,
      %unpack3A_277 = tpu.unpack_subelements %get3A_276, 0 {pack_format = #tpu.pack_format<interleaved>} : vector<32xbf16> -> vector<16xf32>
      %unpack3A_278 = tpu.unpack_subelements %get3A_276, 1 {pack_format = #tpu.pack_format<interleaved>} : vector<32xbf16> -> vector<16xf32>
      %get3A_279 = arith.index_cast %add3A_263 : i32 to index
      %get3A_280 = arith.constant 32 : index
      %get3A_281 = tpu.vector_load %arg12[%get3A_279, %get3A_280] {strides = array<i32>} : memref<512x64xbf16, #tpu.memory_space<vmem>>, vector<32xbf16>,
      %unpack3A_282 = tpu.unpack_subelements %get3A_281, 0 {pack_format = #tpu.pack_format<interleaved>} : vector<32xbf16> -> vector<16xf32>
      %unpack3A_283 = tpu.unpack_subelements %get3A_281, 1 {pack_format = #tpu.pack_format<interleaved>} : vector<32xbf16> -> vector<16xf32>
      %mul3A_284 = arith.mulf %unpack3A_267, %unpack3A_272 : vector<16xf32>
      %mul3A_285 = arith.mulf %unpack3A_268, %unpack3A_273 : vector<16xf32>
      %add3A_286 = arith.addf %mul3A_284, %mul3A_285 : vector<16xf32>
      %mul3A_287 = arith.mulf %unpack3A_277, %unpack3A_282 : vector<16xf32>
      %mul3A_288 = arith.mulf %unpack3A_278, %unpack3A_283 : vector<16xf32>
      %add3A_289 = arith.addf %mul3A_287, %mul3A_288 : vector<16xf32>
      %add3A_290 = arith.addf %add3A_286, %add3A_289 : vector<16xf32>
      %add3A_291 = arith.constant 4 : i32
      %add3A_292 = arith.addi %add3A_176, %add3A_291 : i32
      %get3A_293 = arith.index_cast %add3A_292 : i32 to index
      %get3A_294 = arith.constant 0 : index
      %get3A_295 = tpu.vector_load %arg11[%get3A_293, %get3A_294] {strides = array<i32>} : memref<512x64xbf16, #tpu.memory_space<vmem>>, vector<32xbf16>,
      %unpack3A_296 = tpu.unpack_subelements %get3A_295, 0 {pack_format = #tpu.pack_format<interleaved>} : vector<32xbf16> -> vector<16xf32>
      %unpack3A_297 = tpu.unpack_subelements %get3A_295, 1 {pack_format = #tpu.pack_format<interleaved>} : vector<32xbf16> -> vector<16xf32>
      %get3A_298 = arith.index_cast %add3A_292 : i32 to index
      %get3A_299 = arith.constant 0 : index
      %get3A_300 = tpu.vector_load %arg12[%get3A_298, %get3A_299] {strides = array<i32>} : memref<512x64xbf16, #tpu.memory_space<vmem>>, vector<32xbf16>,
      %unpack3A_301 = tpu.unpack_subelements %get3A_300, 0 {pack_format = #tpu.pack_format<interleaved>} : vector<32xbf16> -> vector<16xf32>
      %unpack3A_302 = tpu.unpack_subelements %get3A_300, 1 {pack_format = #tpu.pack_format<interleaved>} : vector<32xbf16> -> vector<16xf32>
      %get3A_303 = arith.index_cast %add3A_292 : i32 to index
      %get3A_304 = arith.constant 32 : index
      %get3A_305 = tpu.vector_load %arg11[%get3A_303, %get3A_304] {strides = array<i32>} : memref<512x64xbf16, #tpu.memory_space<vmem>>, vector<32xbf16>,
      %unpack3A_306 = tpu.unpack_subelements %get3A_305, 0 {pack_format = #tpu.pack_format<interleaved>} : vector<32xbf16> -> vector<16xf32>
      %unpack3A_307 = tpu.unpack_subelements %get3A_305, 1 {pack_format = #tpu.pack_format<interleaved>} : vector<32xbf16> -> vector<16xf32>
      %get3A_308 = arith.index_cast %add3A_292 : i32 to index
      %get3A_309 = arith.constant 32 : index
      %get3A_310 = tpu.vector_load %arg12[%get3A_308, %get3A_309] {strides = array<i32>} : memref<512x64xbf16, #tpu.memory_space<vmem>>, vector<32xbf16>,
      %unpack3A_311 = tpu.unpack_subelements %get3A_310, 0 {pack_format = #tpu.pack_format<interleaved>} : vector<32xbf16> -> vector<16xf32>
      %unpack3A_312 = tpu.unpack_subelements %get3A_310, 1 {pack_format = #tpu.pack_format<interleaved>} : vector<32xbf16> -> vector<16xf32>
      %mul3A_313 = arith.mulf %unpack3A_296, %unpack3A_301 : vector<16xf32>
      %mul3A_314 = arith.mulf %unpack3A_297, %unpack3A_302 : vector<16xf32>
      %add3A_315 = arith.addf %mul3A_313, %mul3A_314 : vector<16xf32>
      %mul3A_316 = arith.mulf %unpack3A_306, %unpack3A_311 : vector<16xf32>
      %mul3A_317 = arith.mulf %unpack3A_307, %unpack3A_312 : vector<16xf32>
      %add3A_318 = arith.addf %mul3A_316, %mul3A_317 : vector<16xf32>
      %add3A_319 = arith.addf %add3A_315, %add3A_318 : vector<16xf32>
      %add3A_320 = arith.constant 5 : i32
      %add3A_321 = arith.addi %add3A_176, %add3A_320 : i32
      %get3A_322 = arith.index_cast %add3A_321 : i32 to index
      %get3A_323 = arith.constant 0 : index
      %get3A_324 = tpu.vector_load %arg11[%get3A_322, %get3A_323] {strides = array<i32>} : memref<512x64xbf16, #tpu.memory_space<vmem>>, vector<32xbf16>,
      %unpack3A_325 = tpu.unpack_subelements %get3A_324, 0 {pack_format = #tpu.pack_format<interleaved>} : vector<32xbf16> -> vector<16xf32>
      %unpack3A_326 = tpu.unpack_subelements %get3A_324, 1 {pack_format = #tpu.pack_format<interleaved>} : vector<32xbf16> -> vector<16xf32>
      %get3A_327 = arith.index_cast %add3A_321 : i32 to index
      %get3A_328 = arith.constant 0 : index
      %get3A_329 = tpu.vector_load %arg12[%get3A_327, %get3A_328] {strides = array<i32>} : memref<512x64xbf16, #tpu.memory_space<vmem>>, vector<32xbf16>,
      %unpack3A_330 = tpu.unpack_subelements %get3A_329, 0 {pack_format = #tpu.pack_format<interleaved>} : vector<32xbf16> -> vector<16xf32>
      %unpack3A_331 = tpu.unpack_subelements %get3A_329, 1 {pack_format = #tpu.pack_format<interleaved>} : vector<32xbf16> -> vector<16xf32>
      %get3A_332 = arith.index_cast %add3A_321 : i32 to index
      %get3A_333 = arith.constant 32 : index
      %get3A_334 = tpu.vector_load %arg11[%get3A_332, %get3A_333] {strides = array<i32>} : memref<512x64xbf16, #tpu.memory_space<vmem>>, vector<32xbf16>,
      %unpack3A_335 = tpu.unpack_subelements %get3A_334, 0 {pack_format = #tpu.pack_format<interleaved>} : vector<32xbf16> -> vector<16xf32>
      %unpack3A_336 = tpu.unpack_subelements %get3A_334, 1 {pack_format = #tpu.pack_format<interleaved>} : vector<32xbf16> -> vector<16xf32>
      %get3A_337 = arith.index_cast %add3A_321 : i32 to index
      %get3A_338 = arith.constant 32 : index
      %get3A_339 = tpu.vector_load %arg12[%get3A_337, %get3A_338] {strides = array<i32>} : memref<512x64xbf16, #tpu.memory_space<vmem>>, vector<32xbf16>,
      %unpack3A_340 = tpu.unpack_subelements %get3A_339, 0 {pack_format = #tpu.pack_format<interleaved>} : vector<32xbf16> -> vector<16xf32>
      %unpack3A_341 = tpu.unpack_subelements %get3A_339, 1 {pack_format = #tpu.pack_format<interleaved>} : vector<32xbf16> -> vector<16xf32>
      %mul3A_342 = arith.mulf %unpack3A_325, %unpack3A_330 : vector<16xf32>
      %mul3A_343 = arith.mulf %unpack3A_326, %unpack3A_331 : vector<16xf32>
      %add3A_344 = arith.addf %mul3A_342, %mul3A_343 : vector<16xf32>
      %mul3A_345 = arith.mulf %unpack3A_335, %unpack3A_340 : vector<16xf32>
      %mul3A_346 = arith.mulf %unpack3A_336, %unpack3A_341 : vector<16xf32>
      %add3A_347 = arith.addf %mul3A_345, %mul3A_346 : vector<16xf32>
      %add3A_348 = arith.addf %add3A_344, %add3A_347 : vector<16xf32>
      %add3A_349 = arith.constant 6 : i32
      %add3A_350 = arith.addi %add3A_176, %add3A_349 : i32
      %get3A_351 = arith.index_cast %add3A_350 : i32 to index
      %get3A_352 = arith.constant 0 : index
      %get3A_353 = tpu.vector_load %arg11[%get3A_351, %get3A_352] {strides = array<i32>} : memref<512x64xbf16, #tpu.memory_space<vmem>>, vector<32xbf16>,
      %unpack3A_354 = tpu.unpack_subelements %get3A_353, 0 {pack_format = #tpu.pack_format<interleaved>} : vector<32xbf16> -> vector<16xf32>
      %unpack3A_355 = tpu.unpack_subelements %get3A_353, 1 {pack_format = #tpu.pack_format<interleaved>} : vector<32xbf16> -> vector<16xf32>
      %get3A_356 = arith.index_cast %add3A_350 : i32 to index
      %get3A_357 = arith.constant 0 : index
      %get3A_358 = tpu.vector_load %arg12[%get3A_356, %get3A_357] {strides = array<i32>} : memref<512x64xbf16, #tpu.memory_space<vmem>>, vector<32xbf16>,
      %unpack3A_359 = tpu.unpack_subelements %get3A_358, 0 {pack_format = #tpu.pack_format<interleaved>} : vector<32xbf16> -> vector<16xf32>
      %unpack3A_360 = tpu.unpack_subelements %get3A_358, 1 {pack_format = #tpu.pack_format<interleaved>} : vector<32xbf16> -> vector<16xf32>
      %get3A_361 = arith.index_cast %add3A_350 : i32 to index
      %get3A_362 = arith.constant 32 : index
      %get3A_363 = tpu.vector_load %arg11[%get3A_361, %get3A_362] {strides = array<i32>} : memref<512x64xbf16, #tpu.memory_space<vmem>>, vector<32xbf16>,
      %unpack3A_364 = tpu.unpack_subelements %get3A_363, 0 {pack_format = #tpu.pack_format<interleaved>} : vector<32xbf16> -> vector<16xf32>
      %unpack3A_365 = tpu.unpack_subelements %get3A_363, 1 {pack_format = #tpu.pack_format<interleaved>} : vector<32xbf16> -> vector<16xf32>
      %get3A_366 = arith.index_cast %add3A_350 : i32 to index
      %get3A_367 = arith.constant 32 : index
      %get3A_368 = tpu.vector_load %arg12[%get3A_366, %get3A_367] {strides = array<i32>} : memref<512x64xbf16, #tpu.memory_space<vmem>>, vector<32xbf16>,
      %unpack3A_369 = tpu.unpack_subelements %get3A_368, 0 {pack_format = #tpu.pack_format<interleaved>} : vector<32xbf16> -> vector<16xf32>
      %unpack3A_370 = tpu.unpack_subelements %get3A_368, 1 {pack_format = #tpu.pack_format<interleaved>} : vector<32xbf16> -> vector<16xf32>
      %mul3A_371 = arith.mulf %unpack3A_354, %unpack3A_359 : vector<16xf32>
      %mul3A_372 = arith.mulf %unpack3A_355, %unpack3A_360 : vector<16xf32>
      %add3A_373 = arith.addf %mul3A_371, %mul3A_372 : vector<16xf32>
      %mul3A_374 = arith.mulf %unpack3A_364, %unpack3A_369 : vector<16xf32>
      %mul3A_375 = arith.mulf %unpack3A_365, %unpack3A_370 : vector<16xf32>
      %add3A_376 = arith.addf %mul3A_374, %mul3A_375 : vector<16xf32>
      %add3A_377 = arith.addf %add3A_373, %add3A_376 : vector<16xf32>
      %add3A_378 = arith.constant 7 : i32
      %add3A_379 = arith.addi %add3A_176, %add3A_378 : i32
      %get3A_380 = arith.index_cast %add3A_379 : i32 to index
      %get3A_381 = arith.constant 0 : index
      %get3A_382 = tpu.vector_load %arg11[%get3A_380, %get3A_381] {strides = array<i32>} : memref<512x64xbf16, #tpu.memory_space<vmem>>, vector<32xbf16>,
      %unpack3A_383 = tpu.unpack_subelements %get3A_382, 0 {pack_format = #tpu.pack_format<interleaved>} : vector<32xbf16> -> vector<16xf32>
      %unpack3A_384 = tpu.unpack_subelements %get3A_382, 1 {pack_format = #tpu.pack_format<interleaved>} : vector<32xbf16> -> vector<16xf32>
      %get3A_385 = arith.index_cast %add3A_379 : i32 to index
      %get3A_386 = arith.constant 0 : index
      %get3A_387 = tpu.vector_load %arg12[%get3A_385, %get3A_386] {strides = array<i32>} : memref<512x64xbf16, #tpu.memory_space<vmem>>, vector<32xbf16>,
      %unpack3A_388 = tpu.unpack_subelements %get3A_387, 0 {pack_format = #tpu.pack_format<interleaved>} : vector<32xbf16> -> vector<16xf32>
      %unpack3A_389 = tpu.unpack_subelements %get3A_387, 1 {pack_format = #tpu.pack_format<interleaved>} : vector<32xbf16> -> vector<16xf32>
      %get3A_390 = arith.index_cast %add3A_379 : i32 to index
      %get3A_391 = arith.constant 32 : index
      %get3A_392 = tpu.vector_load %arg11[%get3A_390, %get3A_391] {strides = array<i32>} : memref<512x64xbf16, #tpu.memory_space<vmem>>, vector<32xbf16>,
      %unpack3A_393 = tpu.unpack_subelements %get3A_392, 0 {pack_format = #tpu.pack_format<interleaved>} : vector<32xbf16> -> vector<16xf32>
      %unpack3A_394 = tpu.unpack_subelements %get3A_392, 1 {pack_format = #tpu.pack_format<interleaved>} : vector<32xbf16> -> vector<16xf32>
      %get3A_395 = arith.index_cast %add3A_379 : i32 to index
      %get3A_396 = arith.constant 32 : index
      %get3A_397 = tpu.vector_load %arg12[%get3A_395, %get3A_396] {strides = array<i32>} : memref<512x64xbf16, #tpu.memory_space<vmem>>, vector<32xbf16>,
      %unpack3A_398 = tpu.unpack_subelements %get3A_397, 0 {pack_format = #tpu.pack_format<interleaved>} : vector<32xbf16> -> vector<16xf32>
      %unpack3A_399 = tpu.unpack_subelements %get3A_397, 1 {pack_format = #tpu.pack_format<interleaved>} : vector<32xbf16> -> vector<16xf32>
      %mul3A_400 = arith.mulf %unpack3A_383, %unpack3A_388 : vector<16xf32>
      %mul3A_401 = arith.mulf %unpack3A_384, %unpack3A_389 : vector<16xf32>
      %add3A_402 = arith.addf %mul3A_400, %mul3A_401 : vector<16xf32>
      %mul3A_403 = arith.mulf %unpack3A_393, %unpack3A_398 : vector<16xf32>
      %mul3A_404 = arith.mulf %unpack3A_394, %unpack3A_399 : vector<16xf32>
      %add3A_405 = arith.addf %mul3A_403, %mul3A_404 : vector<16xf32>
      %add3A_406 = arith.addf %add3A_402, %add3A_405 : vector<16xf32>
      %add3A_407 = arith.constant 8 : i32
      %add3A_408 = arith.addi %add3A_176, %add3A_407 : i32
      %get3A_409 = arith.index_cast %add3A_408 : i32 to index
      %get3A_410 = arith.constant 0 : index
      %get3A_411 = tpu.vector_load %arg11[%get3A_409, %get3A_410] {strides = array<i32>} : memref<512x64xbf16, #tpu.memory_space<vmem>>, vector<32xbf16>,
      %unpack3A_412 = tpu.unpack_subelements %get3A_411, 0 {pack_format = #tpu.pack_format<interleaved>} : vector<32xbf16> -> vector<16xf32>
      %unpack3A_413 = tpu.unpack_subelements %get3A_411, 1 {pack_format = #tpu.pack_format<interleaved>} : vector<32xbf16> -> vector<16xf32>
      %get3A_414 = arith.index_cast %add3A_408 : i32 to index
      %get3A_415 = arith.constant 0 : index
      %get3A_416 = tpu.vector_load %arg12[%get3A_414, %get3A_415] {strides = array<i32>} : memref<512x64xbf16, #tpu.memory_space<vmem>>, vector<32xbf16>,
      %unpack3A_417 = tpu.unpack_subelements %get3A_416, 0 {pack_format = #tpu.pack_format<interleaved>} : vector<32xbf16> -> vector<16xf32>
      %unpack3A_418 = tpu.unpack_subelements %get3A_416, 1 {pack_format = #tpu.pack_format<interleaved>} : vector<32xbf16> -> vector<16xf32>
      %get3A_419 = arith.index_cast %add3A_408 : i32 to index
      %get3A_420 = arith.constant 32 : index
      %get3A_421 = tpu.vector_load %arg11[%get3A_419, %get3A_420] {strides = array<i32>} : memref<512x64xbf16, #tpu.memory_space<vmem>>, vector<32xbf16>,
      %unpack3A_422 = tpu.unpack_subelements %get3A_421, 0 {pack_format = #tpu.pack_format<interleaved>} : vector<32xbf16> -> vector<16xf32>
      %unpack3A_423 = tpu.unpack_subelements %get3A_421, 1 {pack_format = #tpu.pack_format<interleaved>} : vector<32xbf16> -> vector<16xf32>
      %get3A_424 = arith.index_cast %add3A_408 : i32 to index
      %get3A_425 = arith.constant 32 : index
      %get3A_426 = tpu.vector_load %arg12[%get3A_424, %get3A_425] {strides = array<i32>} : memref<512x64xbf16, #tpu.memory_space<vmem>>, vector<32xbf16>,
      %unpack3A_427 = tpu.unpack_subelements %get3A_426, 0 {pack_format = #tpu.pack_format<interleaved>} : vector<32xbf16> -> vector<16xf32>
      %unpack3A_428 = tpu.unpack_subelements %get3A_426, 1 {pack_format = #tpu.pack_format<interleaved>} : vector<32xbf16> -> vector<16xf32>
      %mul3A_429 = arith.mulf %unpack3A_412, %unpack3A_417 : vector<16xf32>
      %mul3A_430 = arith.mulf %unpack3A_413, %unpack3A_418 : vector<16xf32>
      %add3A_431 = arith.addf %mul3A_429, %mul3A_430 : vector<16xf32>
      %mul3A_432 = arith.mulf %unpack3A_422, %unpack3A_427 : vector<16xf32>
      %mul3A_433 = arith.mulf %unpack3A_423, %unpack3A_428 : vector<16xf32>
      %add3A_434 = arith.addf %mul3A_432, %mul3A_433 : vector<16xf32>
      %add3A_435 = arith.addf %add3A_431, %add3A_434 : vector<16xf32>
      %add3A_436 = arith.constant 9 : i32
      %add3A_437 = arith.addi %add3A_176, %add3A_436 : i32
      %get3A_438 = arith.index_cast %add3A_437 : i32 to index
      %get3A_439 = arith.constant 0 : index
      %get3A_440 = tpu.vector_load %arg11[%get3A_438, %get3A_439] {strides = array<i32>} : memref<512x64xbf16, #tpu.memory_space<vmem>>, vector<32xbf16>,
      %unpack3A_441 = tpu.unpack_subelements %get3A_440, 0 {pack_format = #tpu.pack_format<interleaved>} : vector<32xbf16> -> vector<16xf32>
      %unpack3A_442 = tpu.unpack_subelements %get3A_440, 1 {pack_format = #tpu.pack_format<interleaved>} : vector<32xbf16> -> vector<16xf32>
      %get3A_443 = arith.index_cast %add3A_437 : i32 to index
      %get3A_444 = arith.constant 0 : index
      %get3A_445 = tpu.vector_load %arg12[%get3A_443, %get3A_444] {strides = array<i32>} : memref<512x64xbf16, #tpu.memory_space<vmem>>, vector<32xbf16>,
      %unpack3A_446 = tpu.unpack_subelements %get3A_445, 0 {pack_format = #tpu.pack_format<interleaved>} : vector<32xbf16> -> vector<16xf32>
      %unpack3A_447 = tpu.unpack_subelements %get3A_445, 1 {pack_format = #tpu.pack_format<interleaved>} : vector<32xbf16> -> vector<16xf32>
      %get3A_448 = arith.index_cast %add3A_437 : i32 to index
      %get3A_449 = arith.constant 32 : index
      %get3A_450 = tpu.vector_load %arg11[%get3A_448, %get3A_449] {strides = array<i32>} : memref<512x64xbf16, #tpu.memory_space<vmem>>, vector<32xbf16>,
      %unpack3A_451 = tpu.unpack_subelements %get3A_450, 0 {pack_format = #tpu.pack_format<interleaved>} : vector<32xbf16> -> vector<16xf32>
      %unpack3A_452 = tpu.unpack_subelements %get3A_450, 1 {pack_format = #tpu.pack_format<interleaved>} : vector<32xbf16> -> vector<16xf32>
      %get3A_453 = arith.index_cast %add3A_437 : i32 to index
      %get3A_454 = arith.constant 32 : index
      %get3A_455 = tpu.vector_load %arg12[%get3A_453, %get3A_454] {strides = array<i32>} : memref<512x64xbf16, #tpu.memory_space<vmem>>, vector<32xbf16>,
      %unpack3A_456 = tpu.unpack_subelements %get3A_455, 0 {pack_format = #tpu.pack_format<interleaved>} : vector<32xbf16> -> vector<16xf32>
      %unpack3A_457 = tpu.unpack_subelements %get3A_455, 1 {pack_format = #tpu.pack_format<interleaved>} : vector<32xbf16> -> vector<16xf32>
      %mul3A_458 = arith.mulf %unpack3A_441, %unpack3A_446 : vector<16xf32>
      %mul3A_459 = arith.mulf %unpack3A_442, %unpack3A_447 : vector<16xf32>
      %add3A_460 = arith.addf %mul3A_458, %mul3A_459 : vector<16xf32>
      %mul3A_461 = arith.mulf %unpack3A_451, %unpack3A_456 : vector<16xf32>
      %mul3A_462 = arith.mulf %unpack3A_452, %unpack3A_457 : vector<16xf32>
      %add3A_463 = arith.addf %mul3A_461, %mul3A_462 : vector<16xf32>
      %add3A_464 = arith.addf %add3A_460, %add3A_463 : vector<16xf32>
      %add3A_465 = arith.constant 10 : i32
      %add3A_466 = arith.addi %add3A_176, %add3A_465 : i32
      %get3A_467 = arith.index_cast %add3A_466 : i32 to index
      %get3A_468 = arith.constant 0 : index
      %get3A_469 = tpu.vector_load %arg11[%get3A_467, %get3A_468] {strides = array<i32>} : memref<512x64xbf16, #tpu.memory_space<vmem>>, vector<32xbf16>,
      %unpack3A_470 = tpu.unpack_subelements %get3A_469, 0 {pack_format = #tpu.pack_format<interleaved>} : vector<32xbf16> -> vector<16xf32>
      %unpack3A_471 = tpu.unpack_subelements %get3A_469, 1 {pack_format = #tpu.pack_format<interleaved>} : vector<32xbf16> -> vector<16xf32>
      %get3A_472 = arith.index_cast %add3A_466 : i32 to index
      %get3A_473 = arith.constant 0 : index
      %get3A_474 = tpu.vector_load %arg12[%get3A_472, %get3A_473] {strides = array<i32>} : memref<512x64xbf16, #tpu.memory_space<vmem>>, vector<32xbf16>,
      %unpack3A_475 = tpu.unpack_subelements %get3A_474, 0 {pack_format = #tpu.pack_format<interleaved>} : vector<32xbf16> -> vector<16xf32>
      %unpack3A_476 = tpu.unpack_subelements %get3A_474, 1 {pack_format = #tpu.pack_format<interleaved>} : vector<32xbf16> -> vector<16xf32>
      %get3A_477 = arith.index_cast %add3A_466 : i32 to index
      %get3A_478 = arith.constant 32 : index
      %get3A_479 = tpu.vector_load %arg11[%get3A_477, %get3A_478] {strides = array<i32>} : memref<512x64xbf16, #tpu.memory_space<vmem>>, vector<32xbf16>,
      %unpack3A_480 = tpu.unpack_subelements %get3A_479, 0 {pack_format = #tpu.pack_format<interleaved>} : vector<32xbf16> -> vector<16xf32>
      %unpack3A_481 = tpu.unpack_subelements %get3A_479, 1 {pack_format = #tpu.pack_format<interleaved>} : vector<32xbf16> -> vector<16xf32>
      %get3A_482 = arith.index_cast %add3A_466 : i32 to index
      %get3A_483 = arith.constant 32 : index
      %get3A_484 = tpu.vector_load %arg12[%get3A_482, %get3A_483] {strides = array<i32>} : memref<512x64xbf16, #tpu.memory_space<vmem>>, vector<32xbf16>,
      %unpack3A_485 = tpu.unpack_subelements %get3A_484, 0 {pack_format = #tpu.pack_format<interleaved>} : vector<32xbf16> -> vector<16xf32>
      %unpack3A_486 = tpu.unpack_subelements %get3A_484, 1 {pack_format = #tpu.pack_format<interleaved>} : vector<32xbf16> -> vector<16xf32>
      %mul3A_487 = arith.mulf %unpack3A_470, %unpack3A_475 : vector<16xf32>
      %mul3A_488 = arith.mulf %unpack3A_471, %unpack3A_476 : vector<16xf32>
      %add3A_489 = arith.addf %mul3A_487, %mul3A_488 : vector<16xf32>
      %mul3A_490 = arith.mulf %unpack3A_480, %unpack3A_485 : vector<16xf32>
      %mul3A_491 = arith.mulf %unpack3A_481, %unpack3A_486 : vector<16xf32>
      %add3A_492 = arith.addf %mul3A_490, %mul3A_491 : vector<16xf32>
      %add3A_493 = arith.addf %add3A_489, %add3A_492 : vector<16xf32>
      %add3A_494 = arith.constant 11 : i32
      %add3A_495 = arith.addi %add3A_176, %add3A_494 : i32
      %get3A_496 = arith.index_cast %add3A_495 : i32 to index
      %get3A_497 = arith.constant 0 : index
      %get3A_498 = tpu.vector_load %arg11[%get3A_496, %get3A_497] {strides = array<i32>} : memref<512x64xbf16, #tpu.memory_space<vmem>>, vector<32xbf16>,
      %unpack3A_499 = tpu.unpack_subelements %get3A_498, 0 {pack_format = #tpu.pack_format<interleaved>} : vector<32xbf16> -> vector<16xf32>
      %unpack3A_500 = tpu.unpack_subelements %get3A_498, 1 {pack_format = #tpu.pack_format<interleaved>} : vector<32xbf16> -> vector<16xf32>
      %get3A_501 = arith.index_cast %add3A_495 : i32 to index
      %get3A_502 = arith.constant 0 : index
      %get3A_503 = tpu.vector_load %arg12[%get3A_501, %get3A_502] {strides = array<i32>} : memref<512x64xbf16, #tpu.memory_space<vmem>>, vector<32xbf16>,
      %unpack3A_504 = tpu.unpack_subelements %get3A_503, 0 {pack_format = #tpu.pack_format<interleaved>} : vector<32xbf16> -> vector<16xf32>
      %unpack3A_505 = tpu.unpack_subelements %get3A_503, 1 {pack_format = #tpu.pack_format<interleaved>} : vector<32xbf16> -> vector<16xf32>
      %get3A_506 = arith.index_cast %add3A_495 : i32 to index
      %get3A_507 = arith.constant 32 : index
      %get3A_508 = tpu.vector_load %arg11[%get3A_506, %get3A_507] {strides = array<i32>} : memref<512x64xbf16, #tpu.memory_space<vmem>>, vector<32xbf16>,
      %unpack3A_509 = tpu.unpack_subelements %get3A_508, 0 {pack_format = #tpu.pack_format<interleaved>} : vector<32xbf16> -> vector<16xf32>
      %unpack3A_510 = tpu.unpack_subelements %get3A_508, 1 {pack_format = #tpu.pack_format<interleaved>} : vector<32xbf16> -> vector<16xf32>
      %get3A_511 = arith.index_cast %add3A_495 : i32 to index
      %get3A_512 = arith.constant 32 : index
      %get3A_513 = tpu.vector_load %arg12[%get3A_511, %get3A_512] {strides = array<i32>} : memref<512x64xbf16, #tpu.memory_space<vmem>>, vector<32xbf16>,
      %unpack3A_514 = tpu.unpack_subelements %get3A_513, 0 {pack_format = #tpu.pack_format<interleaved>} : vector<32xbf16> -> vector<16xf32>
      %unpack3A_515 = tpu.unpack_subelements %get3A_513, 1 {pack_format = #tpu.pack_format<interleaved>} : vector<32xbf16> -> vector<16xf32>
      %mul3A_516 = arith.mulf %unpack3A_499, %unpack3A_504 : vector<16xf32>
      %mul3A_517 = arith.mulf %unpack3A_500, %unpack3A_505 : vector<16xf32>
      %add3A_518 = arith.addf %mul3A_516, %mul3A_517 : vector<16xf32>
      %mul3A_519 = arith.mulf %unpack3A_509, %unpack3A_514 : vector<16xf32>
      %mul3A_520 = arith.mulf %unpack3A_510, %unpack3A_515 : vector<16xf32>
      %add3A_521 = arith.addf %mul3A_519, %mul3A_520 : vector<16xf32>
      %add3A_522 = arith.addf %add3A_518, %add3A_521 : vector<16xf32>
      %add3A_523 = arith.constant 12 : i32
      %add3A_524 = arith.addi %add3A_176, %add3A_523 : i32
      %get3A_525 = arith.index_cast %add3A_524 : i32 to index
      %get3A_526 = arith.constant 0 : index
      %get3A_527 = tpu.vector_load %arg11[%get3A_525, %get3A_526] {strides = array<i32>} : memref<512x64xbf16, #tpu.memory_space<vmem>>, vector<32xbf16>,
      %unpack3A_528 = tpu.unpack_subelements %get3A_527, 0 {pack_format = #tpu.pack_format<interleaved>} : vector<32xbf16> -> vector<16xf32>
      %unpack3A_529 = tpu.unpack_subelements %get3A_527, 1 {pack_format = #tpu.pack_format<interleaved>} : vector<32xbf16> -> vector<16xf32>
      %get3A_530 = arith.index_cast %add3A_524 : i32 to index
      %get3A_531 = arith.constant 0 : index
      %get3A_532 = tpu.vector_load %arg12[%get3A_530, %get3A_531] {strides = array<i32>} : memref<512x64xbf16, #tpu.memory_space<vmem>>, vector<32xbf16>,
      %unpack3A_533 = tpu.unpack_subelements %get3A_532, 0 {pack_format = #tpu.pack_format<interleaved>} : vector<32xbf16> -> vector<16xf32>
      %unpack3A_534 = tpu.unpack_subelements %get3A_532, 1 {pack_format = #tpu.pack_format<interleaved>} : vector<32xbf16> -> vector<16xf32>
      %get3A_535 = arith.index_cast %add3A_524 : i32 to index
      %get3A_536 = arith.constant 32 : index
      %get3A_537 = tpu.vector_load %arg11[%get3A_535, %get3A_536] {strides = array<i32>} : memref<512x64xbf16, #tpu.memory_space<vmem>>, vector<32xbf16>,
      %unpack3A_538 = tpu.unpack_subelements %get3A_537, 0 {pack_format = #tpu.pack_format<interleaved>} : vector<32xbf16> -> vector<16xf32>
      %unpack3A_539 = tpu.unpack_subelements %get3A_537, 1 {pack_format = #tpu.pack_format<interleaved>} : vector<32xbf16> -> vector<16xf32>
      %get3A_540 = arith.index_cast %add3A_524 : i32 to index
      %get3A_541 = arith.constant 32 : index
      %get3A_542 = tpu.vector_load %arg12[%get3A_540, %get3A_541] {strides = array<i32>} : memref<512x64xbf16, #tpu.memory_space<vmem>>, vector<32xbf16>,
      %unpack3A_543 = tpu.unpack_subelements %get3A_542, 0 {pack_format = #tpu.pack_format<interleaved>} : vector<32xbf16> -> vector<16xf32>
      %unpack3A_544 = tpu.unpack_subelements %get3A_542, 1 {pack_format = #tpu.pack_format<interleaved>} : vector<32xbf16> -> vector<16xf32>
      %mul3A_545 = arith.mulf %unpack3A_528, %unpack3A_533 : vector<16xf32>
      %mul3A_546 = arith.mulf %unpack3A_529, %unpack3A_534 : vector<16xf32>
      %add3A_547 = arith.addf %mul3A_545, %mul3A_546 : vector<16xf32>
      %mul3A_548 = arith.mulf %unpack3A_538, %unpack3A_543 : vector<16xf32>
      %mul3A_549 = arith.mulf %unpack3A_539, %unpack3A_544 : vector<16xf32>
      %add3A_550 = arith.addf %mul3A_548, %mul3A_549 : vector<16xf32>
      %add3A_551 = arith.addf %add3A_547, %add3A_550 : vector<16xf32>
      %add3A_552 = arith.constant 13 : i32
      %add3A_553 = arith.addi %add3A_176, %add3A_552 : i32
      %get3A_554 = arith.index_cast %add3A_553 : i32 to index
      %get3A_555 = arith.constant 0 : index
      %get3A_556 = tpu.vector_load %arg11[%get3A_554, %get3A_555] {strides = array<i32>} : memref<512x64xbf16, #tpu.memory_space<vmem>>, vector<32xbf16>,
      %unpack3A_557 = tpu.unpack_subelements %get3A_556, 0 {pack_format = #tpu.pack_format<interleaved>} : vector<32xbf16> -> vector<16xf32>
      %unpack3A_558 = tpu.unpack_subelements %get3A_556, 1 {pack_format = #tpu.pack_format<interleaved>} : vector<32xbf16> -> vector<16xf32>
      %get3A_559 = arith.index_cast %add3A_553 : i32 to index
      %get3A_560 = arith.constant 0 : index
      %get3A_561 = tpu.vector_load %arg12[%get3A_559, %get3A_560] {strides = array<i32>} : memref<512x64xbf16, #tpu.memory_space<vmem>>, vector<32xbf16>,
      %unpack3A_562 = tpu.unpack_subelements %get3A_561, 0 {pack_format = #tpu.pack_format<interleaved>} : vector<32xbf16> -> vector<16xf32>
      %unpack3A_563 = tpu.unpack_subelements %get3A_561, 1 {pack_format = #tpu.pack_format<interleaved>} : vector<32xbf16> -> vector<16xf32>
      %get3A_564 = arith.index_cast %add3A_553 : i32 to index
      %get3A_565 = arith.constant 32 : index
      %get3A_566 = tpu.vector_load %arg11[%get3A_564, %get3A_565] {strides = array<i32>} : memref<512x64xbf16, #tpu.memory_space<vmem>>, vector<32xbf16>,
      %unpack3A_567 = tpu.unpack_subelements %get3A_566, 0 {pack_format = #tpu.pack_format<interleaved>} : vector<32xbf16> -> vector<16xf32>
      %unpack3A_568 = tpu.unpack_subelements %get3A_566, 1 {pack_format = #tpu.pack_format<interleaved>} : vector<32xbf16> -> vector<16xf32>
      %get3A_569 = arith.index_cast %add3A_553 : i32 to index
      %get3A_570 = arith.constant 32 : index
      %get3A_571 = tpu.vector_load %arg12[%get3A_569, %get3A_570] {strides = array<i32>} : memref<512x64xbf16, #tpu.memory_space<vmem>>, vector<32xbf16>,
      %unpack3A_572 = tpu.unpack_subelements %get3A_571, 0 {pack_format = #tpu.pack_format<interleaved>} : vector<32xbf16> -> vector<16xf32>
      %unpack3A_573 = tpu.unpack_subelements %get3A_571, 1 {pack_format = #tpu.pack_format<interleaved>} : vector<32xbf16> -> vector<16xf32>
      %mul3A_574 = arith.mulf %unpack3A_557, %unpack3A_562 : vector<16xf32>
      %mul3A_575 = arith.mulf %unpack3A_558, %unpack3A_563 : vector<16xf32>
      %add3A_576 = arith.addf %mul3A_574, %mul3A_575 : vector<16xf32>
      %mul3A_577 = arith.mulf %unpack3A_567, %unpack3A_572 : vector<16xf32>
      %mul3A_578 = arith.mulf %unpack3A_568, %unpack3A_573 : vector<16xf32>
      %add3A_579 = arith.addf %mul3A_577, %mul3A_578 : vector<16xf32>
      %add3A_580 = arith.addf %add3A_576, %add3A_579 : vector<16xf32>
      %add3A_581 = arith.constant 14 : i32
      %add3A_582 = arith.addi %add3A_176, %add3A_581 : i32
      %get3A_583 = arith.index_cast %add3A_582 : i32 to index
      %get3A_584 = arith.constant 0 : index
      %get3A_585 = tpu.vector_load %arg11[%get3A_583, %get3A_584] {strides = array<i32>} : memref<512x64xbf16, #tpu.memory_space<vmem>>, vector<32xbf16>,
      %unpack3A_586 = tpu.unpack_subelements %get3A_585, 0 {pack_format = #tpu.pack_format<interleaved>} : vector<32xbf16> -> vector<16xf32>
      %unpack3A_587 = tpu.unpack_subelements %get3A_585, 1 {pack_format = #tpu.pack_format<interleaved>} : vector<32xbf16> -> vector<16xf32>
      %get3A_588 = arith.index_cast %add3A_582 : i32 to index
      %get3A_589 = arith.constant 0 : index
      %get3A_590 = tpu.vector_load %arg12[%get3A_588, %get3A_589] {strides = array<i32>} : memref<512x64xbf16, #tpu.memory_space<vmem>>, vector<32xbf16>,
      %unpack3A_591 = tpu.unpack_subelements %get3A_590, 0 {pack_format = #tpu.pack_format<interleaved>} : vector<32xbf16> -> vector<16xf32>
      %unpack3A_592 = tpu.unpack_subelements %get3A_590, 1 {pack_format = #tpu.pack_format<interleaved>} : vector<32xbf16> -> vector<16xf32>
      %get3A_593 = arith.index_cast %add3A_582 : i32 to index
      %get3A_594 = arith.constant 32 : index
      %get3A_595 = tpu.vector_load %arg11[%get3A_593, %get3A_594] {strides = array<i32>} : memref<512x64xbf16, #tpu.memory_space<vmem>>, vector<32xbf16>,
      %unpack3A_596 = tpu.unpack_subelements %get3A_595, 0 {pack_format = #tpu.pack_format<interleaved>} : vector<32xbf16> -> vector<16xf32>
      %unpack3A_597 = tpu.unpack_subelements %get3A_595, 1 {pack_format = #tpu.pack_format<interleaved>} : vector<32xbf16> -> vector<16xf32>
      %get3A_598 = arith.index_cast %add3A_582 : i32 to index
      %get3A_599 = arith.constant 32 : index
      %get3A_600 = tpu.vector_load %arg12[%get3A_598, %get3A_599] {strides = array<i32>} : memref<512x64xbf16, #tpu.memory_space<vmem>>, vector<32xbf16>,
      %unpack3A_601 = tpu.unpack_subelements %get3A_600, 0 {pack_format = #tpu.pack_format<interleaved>} : vector<32xbf16> -> vector<16xf32>
      %unpack3A_602 = tpu.unpack_subelements %get3A_600, 1 {pack_format = #tpu.pack_format<interleaved>} : vector<32xbf16> -> vector<16xf32>
      %mul3A_603 = arith.mulf %unpack3A_586, %unpack3A_591 : vector<16xf32>
      %mul3A_604 = arith.mulf %unpack3A_587, %unpack3A_592 : vector<16xf32>
      %add3A_605 = arith.addf %mul3A_603, %mul3A_604 : vector<16xf32>
      %mul3A_606 = arith.mulf %unpack3A_596, %unpack3A_601 : vector<16xf32>
      %mul3A_607 = arith.mulf %unpack3A_597, %unpack3A_602 : vector<16xf32>
      %add3A_608 = arith.addf %mul3A_606, %mul3A_607 : vector<16xf32>
      %add3A_609 = arith.addf %add3A_605, %add3A_608 : vector<16xf32>
      %add3A_610 = arith.constant 15 : i32
      %add3A_611 = arith.addi %add3A_176, %add3A_610 : i32
      %get3A_612 = arith.index_cast %add3A_611 : i32 to index
      %get3A_613 = arith.constant 0 : index
      %get3A_614 = tpu.vector_load %arg11[%get3A_612, %get3A_613] {strides = array<i32>} : memref<512x64xbf16, #tpu.memory_space<vmem>>, vector<32xbf16>,
      %unpack3A_615 = tpu.unpack_subelements %get3A_614, 0 {pack_format = #tpu.pack_format<interleaved>} : vector<32xbf16> -> vector<16xf32>
      %unpack3A_616 = tpu.unpack_subelements %get3A_614, 1 {pack_format = #tpu.pack_format<interleaved>} : vector<32xbf16> -> vector<16xf32>
      %get3A_617 = arith.index_cast %add3A_611 : i32 to index
      %get3A_618 = arith.constant 0 : index
      %get3A_619 = tpu.vector_load %arg12[%get3A_617, %get3A_618] {strides = array<i32>} : memref<512x64xbf16, #tpu.memory_space<vmem>>, vector<32xbf16>,
      %unpack3A_620 = tpu.unpack_subelements %get3A_619, 0 {pack_format = #tpu.pack_format<interleaved>} : vector<32xbf16> -> vector<16xf32>
      %unpack3A_621 = tpu.unpack_subelements %get3A_619, 1 {pack_format = #tpu.pack_format<interleaved>} : vector<32xbf16> -> vector<16xf32>
      %get3A_622 = arith.index_cast %add3A_611 : i32 to index
      %get3A_623 = arith.constant 32 : index
      %get3A_624 = tpu.vector_load %arg11[%get3A_622, %get3A_623] {strides = array<i32>} : memref<512x64xbf16, #tpu.memory_space<vmem>>, vector<32xbf16>,
      %unpack3A_625 = tpu.unpack_subelements %get3A_624, 0 {pack_format = #tpu.pack_format<interleaved>} : vector<32xbf16> -> vector<16xf32>
      %unpack3A_626 = tpu.unpack_subelements %get3A_624, 1 {pack_format = #tpu.pack_format<interleaved>} : vector<32xbf16> -> vector<16xf32>
      %get3A_627 = arith.index_cast %add3A_611 : i32 to index
      %get3A_628 = arith.constant 32 : index
      %get3A_629 = tpu.vector_load %arg12[%get3A_627, %get3A_628] {strides = array<i32>} : memref<512x64xbf16, #tpu.memory_space<vmem>>, vector<32xbf16>,
      %unpack3A_630 = tpu.unpack_subelements %get3A_629, 0 {pack_format = #tpu.pack_format<interleaved>} : vector<32xbf16> -> vector<16xf32>
      %unpack3A_631 = tpu.unpack_subelements %get3A_629, 1 {pack_format = #tpu.pack_format<interleaved>} : vector<32xbf16> -> vector<16xf32>
      %mul3A_632 = arith.mulf %unpack3A_615, %unpack3A_620 : vector<16xf32>
      %mul3A_633 = arith.mulf %unpack3A_616, %unpack3A_621 : vector<16xf32>
      %add3A_634 = arith.addf %mul3A_632, %mul3A_633 : vector<16xf32>
      %mul3A_635 = arith.mulf %unpack3A_625, %unpack3A_630 : vector<16xf32>
      %mul3A_636 = arith.mulf %unpack3A_626, %unpack3A_631 : vector<16xf32>
      %add3A_637 = arith.addf %mul3A_635, %mul3A_636 : vector<16xf32>
      %add3A_638 = arith.addf %add3A_634, %add3A_637 : vector<16xf32>
      %swap3A = arith.constant 0 : i32
      %swap3A_639 = arith.index_cast %swap3A : i32 to index
      %swap3A_640 = arith.constant 0 : index
      %swap3A_641 = tpu.vector_load %arg17[%swap3A_639, %swap3A_640] {strides = array<i32>} : memref<16x17xf32, #tpu.memory_space<vmem>>, vector<16xf32>,
      tpu.vector_store %arg17[%swap3A_639, %swap3A_640], %add3A_203 {strides = array<i32>} : memref<16x17xf32, #tpu.memory_space<vmem>>, vector<16xf32>,
      %swap3A_642 = arith.constant 1 : i32
      %swap3A_643 = arith.index_cast %swap3A_642 : i32 to index
      %swap3A_644 = arith.constant 0 : index
      %swap3A_645 = tpu.vector_load %arg17[%swap3A_643, %swap3A_644] {strides = array<i32>} : memref<16x17xf32, #tpu.memory_space<vmem>>, vector<16xf32>,
      tpu.vector_store %arg17[%swap3A_643, %swap3A_644], %add3A_232 {strides = array<i32>} : memref<16x17xf32, #tpu.memory_space<vmem>>, vector<16xf32>,
      %swap3A_646 = arith.constant 2 : i32
      %swap3A_647 = arith.index_cast %swap3A_646 : i32 to index
      %swap3A_648 = arith.constant 0 : index
      %swap3A_649 = tpu.vector_load %arg17[%swap3A_647, %swap3A_648] {strides = array<i32>} : memref<16x17xf32, #tpu.memory_space<vmem>>, vector<16xf32>,
      tpu.vector_store %arg17[%swap3A_647, %swap3A_648], %add3A_261 {strides = array<i32>} : memref<16x17xf32, #tpu.memory_space<vmem>>, vector<16xf32>,
      %swap3A_650 = arith.constant 3 : i32
      %swap3A_651 = arith.index_cast %swap3A_650 : i32 to index
      %swap3A_652 = arith.constant 0 : index
      %swap3A_653 = tpu.vector_load %arg17[%swap3A_651, %swap3A_652] {strides = array<i32>} : memref<16x17xf32, #tpu.memory_space<vmem>>, vector<16xf32>,
      tpu.vector_store %arg17[%swap3A_651, %swap3A_652], %add3A_290 {strides = array<i32>} : memref<16x17xf32, #tpu.memory_space<vmem>>, vector<16xf32>,
      %swap3A_654 = arith.constant 4 : i32
      %swap3A_655 = arith.index_cast %swap3A_654 : i32 to index
      %swap3A_656 = arith.constant 0 : index
      %swap3A_657 = tpu.vector_load %arg17[%swap3A_655, %swap3A_656] {strides = array<i32>} : memref<16x17xf32, #tpu.memory_space<vmem>>, vector<16xf32>,
      tpu.vector_store %arg17[%swap3A_655, %swap3A_656], %add3A_319 {strides = array<i32>} : memref<16x17xf32, #tpu.memory_space<vmem>>, vector<16xf32>,
      %swap3A_658 = arith.constant 5 : i32
      %swap3A_659 = arith.index_cast %swap3A_658 : i32 to index
      %swap3A_660 = arith.constant 0 : index
      %swap3A_661 = tpu.vector_load %arg17[%swap3A_659, %swap3A_660] {strides = array<i32>} : memref<16x17xf32, #tpu.memory_space<vmem>>, vector<16xf32>,
      tpu.vector_store %arg17[%swap3A_659, %swap3A_660], %add3A_348 {strides = array<i32>} : memref<16x17xf32, #tpu.memory_space<vmem>>, vector<16xf32>,
      %swap3A_662 = arith.constant 6 : i32
      %swap3A_663 = arith.index_cast %swap3A_662 : i32 to index
      %swap3A_664 = arith.constant 0 : index
      %swap3A_665 = tpu.vector_load %arg17[%swap3A_663, %swap3A_664] {strides = array<i32>} : memref<16x17xf32, #tpu.memory_space<vmem>>, vector<16xf32>,
      tpu.vector_store %arg17[%swap3A_663, %swap3A_664], %add3A_377 {strides = array<i32>} : memref<16x17xf32, #tpu.memory_space<vmem>>, vector<16xf32>,
      %swap3A_666 = arith.constant 7 : i32
      %swap3A_667 = arith.index_cast %swap3A_666 : i32 to index
      %swap3A_668 = arith.constant 0 : index
      %swap3A_669 = tpu.vector_load %arg17[%swap3A_667, %swap3A_668] {strides = array<i32>} : memref<16x17xf32, #tpu.memory_space<vmem>>, vector<16xf32>,
      tpu.vector_store %arg17[%swap3A_667, %swap3A_668], %add3A_406 {strides = array<i32>} : memref<16x17xf32, #tpu.memory_space<vmem>>, vector<16xf32>,
      %swap3A_670 = arith.constant 8 : i32
      %swap3A_671 = arith.index_cast %swap3A_670 : i32 to index
      %swap3A_672 = arith.constant 0 : index
      %swap3A_673 = tpu.vector_load %arg17[%swap3A_671, %swap3A_672] {strides = array<i32>} : memref<16x17xf32, #tpu.memory_space<vmem>>, vector<16xf32>,
      tpu.vector_store %arg17[%swap3A_671, %swap3A_672], %add3A_435 {strides = array<i32>} : memref<16x17xf32, #tpu.memory_space<vmem>>, vector<16xf32>,
      %swap3A_674 = arith.constant 9 : i32
      %swap3A_675 = arith.index_cast %swap3A_674 : i32 to index
      %swap3A_676 = arith.constant 0 : index
      %swap3A_677 = tpu.vector_load %arg17[%swap3A_675, %swap3A_676] {strides = array<i32>} : memref<16x17xf32, #tpu.memory_space<vmem>>, vector<16xf32>,
      tpu.vector_store %arg17[%swap3A_675, %swap3A_676], %add3A_464 {strides = array<i32>} : memref<16x17xf32, #tpu.memory_space<vmem>>, vector<16xf32>,
      %swap3A_678 = arith.constant 10 : i32
      %swap3A_679 = arith.index_cast %swap3A_678 : i32 to index
      %swap3A_680 = arith.constant 0 : index
      %swap3A_681 = tpu.vector_load %arg17[%swap3A_679, %swap3A_680] {strides = array<i32>} : memref<16x17xf32, #tpu.memory_space<vmem>>, vector<16xf32>,
      tpu.vector_store %arg17[%swap3A_679, %swap3A_680], %add3A_493 {strides = array<i32>} : memref<16x17xf32, #tpu.memory_space<vmem>>, vector<16xf32>,
      %swap3A_682 = arith.constant 11 : i32
      %swap3A_683 = arith.index_cast %swap3A_682 : i32 to index
      %swap3A_684 = arith.constant 0 : index
      %swap3A_685 = tpu.vector_load %arg17[%swap3A_683, %swap3A_684] {strides = array<i32>} : memref<16x17xf32, #tpu.memory_space<vmem>>, vector<16xf32>,
      tpu.vector_store %arg17[%swap3A_683, %swap3A_684], %add3A_522 {strides = array<i32>} : memref<16x17xf32, #tpu.memory_space<vmem>>, vector<16xf32>,
      %swap3A_686 = arith.constant 12 : i32
      %swap3A_687 = arith.index_cast %swap3A_686 : i32 to index
      %swap3A_688 = arith.constant 0 : index
      %swap3A_689 = tpu.vector_load %arg17[%swap3A_687, %swap3A_688] {strides = array<i32>} : memref<16x17xf32, #tpu.memory_space<vmem>>, vector<16xf32>,
      tpu.vector_store %arg17[%swap3A_687, %swap3A_688], %add3A_551 {strides = array<i32>} : memref<16x17xf32, #tpu.memory_space<vmem>>, vector<16xf32>,
      %swap3A_690 = arith.constant 13 : i32
      %swap3A_691 = arith.index_cast %swap3A_690 : i32 to index
      %swap3A_692 = arith.constant 0 : index
      %swap3A_693 = tpu.vector_load %arg17[%swap3A_691, %swap3A_692] {strides = array<i32>} : memref<16x17xf32, #tpu.memory_space<vmem>>, vector<16xf32>,
      tpu.vector_store %arg17[%swap3A_691, %swap3A_692], %add3A_580 {strides = array<i32>} : memref<16x17xf32, #tpu.memory_space<vmem>>, vector<16xf32>,
      %swap3A_694 = arith.constant 14 : i32
      %swap3A_695 = arith.index_cast %swap3A_694 : i32 to index
      %swap3A_696 = arith.constant 0 : index
      %swap3A_697 = tpu.vector_load %arg17[%swap3A_695, %swap3A_696] {strides = array<i32>} : memref<16x17xf32, #tpu.memory_space<vmem>>, vector<16xf32>,
      tpu.vector_store %arg17[%swap3A_695, %swap3A_696], %add3A_609 {strides = array<i32>} : memref<16x17xf32, #tpu.memory_space<vmem>>, vector<16xf32>,
      %swap3A_698 = arith.constant 15 : i32
      %swap3A_699 = arith.index_cast %swap3A_698 : i32 to index
      %swap3A_700 = arith.constant 0 : index
      %swap3A_701 = tpu.vector_load %arg17[%swap3A_699, %swap3A_700] {strides = array<i32>} : memref<16x17xf32, #tpu.memory_space<vmem>>, vector<16xf32>,
      tpu.vector_store %arg17[%swap3A_699, %swap3A_700], %add3A_638 {strides = array<i32>} : memref<16x17xf32, #tpu.memory_space<vmem>>, vector<16xf32>,
      %get3A_702 = arith.index_cast %add3A_176 : i32 to index
      %get3A_703 = tpu.vector_load %arg9[%get3A_702] {strides = array<i32>} : memref<512xi32, #tpu.memory_space<vmem>>, vector<16xi32>,
      %get3A_704 = arith.index_cast %add3A_176 : i32 to index
      %get3A_705 = tpu.vector_load %arg10[%get3A_704] {strides = array<i32>} : memref<512xi32, #tpu.memory_space<vmem>>, vector<16xi32>,
      %gather3A = tpu.vector_load_idx %arg15[%get3A_703, %broadcast_in_dim3A_84] : memref<1000x1xf32, #tpu.memory_space<vmem>>[vector<16xi32>, vector<16xi32>], vector<16xf32>,
      %gather3A_706 = tpu.vector_load_idx %arg16[%get3A_705, %broadcast_in_dim3A_84] : memref<1000x1xf32, #tpu.memory_space<vmem>>[vector<16xi32>, vector<16xi32>], vector<16xf32>,
      %add3A_707 = arith.addf %gather3A, %gather3A_706 : vector<16xf32>
      %broadcast_in_dim3A_708 = arith.constant 0 : i32
      %broadcast_in_dim3A_709 = vector.broadcast %broadcast_in_dim3A_708 : i32 to vector<16xi32>
      %gather3A_710 = tpu.vector_load_idx %arg17[%iota3A, %broadcast_in_dim3A_709] : memref<16x17xf32, #tpu.memory_space<vmem>>[vector<16xi32>, vector<16xi32>], vector<16xf32>,
      %add3A_711 = arith.addf %add3A_707, %gather3A_710 : vector<16xf32>
      %broadcast_in_dim3A_712 = arith.constant 1 : i32
      %broadcast_in_dim3A_713 = vector.broadcast %broadcast_in_dim3A_712 : i32 to vector<16xi32>
      %gather3A_714 = tpu.vector_load_idx %arg17[%iota3A, %broadcast_in_dim3A_713] : memref<16x17xf32, #tpu.memory_space<vmem>>[vector<16xi32>, vector<16xi32>], vector<16xf32>,
      %add3A_715 = arith.addf %add3A_711, %gather3A_714 : vector<16xf32>
      %broadcast_in_dim3A_716 = arith.constant 2 : i32
      %broadcast_in_dim3A_717 = vector.broadcast %broadcast_in_dim3A_716 : i32 to vector<16xi32>
      %gather3A_718 = tpu.vector_load_idx %arg17[%iota3A, %broadcast_in_dim3A_717] : memref<16x17xf32, #tpu.memory_space<vmem>>[vector<16xi32>, vector<16xi32>], vector<16xf32>,
      %add3A_719 = arith.addf %add3A_715, %gather3A_718 : vector<16xf32>
      %broadcast_in_dim3A_720 = arith.constant 3 : i32
      %broadcast_in_dim3A_721 = vector.broadcast %broadcast_in_dim3A_720 : i32 to vector<16xi32>
      %gather3A_722 = tpu.vector_load_idx %arg17[%iota3A, %broadcast_in_dim3A_721] : memref<16x17xf32, #tpu.memory_space<vmem>>[vector<16xi32>, vector<16xi32>], vector<16xf32>,
      %add3A_723 = arith.addf %add3A_719, %gather3A_722 : vector<16xf32>
      %broadcast_in_dim3A_724 = arith.constant 4 : i32
      %broadcast_in_dim3A_725 = vector.broadcast %broadcast_in_dim3A_724 : i32 to vector<16xi32>
      %gather3A_726 = tpu.vector_load_idx %arg17[%iota3A, %broadcast_in_dim3A_725] : memref<16x17xf32, #tpu.memory_space<vmem>>[vector<16xi32>, vector<16xi32>], vector<16xf32>,
      %add3A_727 = arith.addf %add3A_723, %gather3A_726 : vector<16xf32>
      %broadcast_in_dim3A_728 = arith.constant 5 : i32
      %broadcast_in_dim3A_729 = vector.broadcast %broadcast_in_dim3A_728 : i32 to vector<16xi32>
      %gather3A_730 = tpu.vector_load_idx %arg17[%iota3A, %broadcast_in_dim3A_729] : memref<16x17xf32, #tpu.memory_space<vmem>>[vector<16xi32>, vector<16xi32>], vector<16xf32>,
      %add3A_731 = arith.addf %add3A_727, %gather3A_730 : vector<16xf32>
      %broadcast_in_dim3A_732 = arith.constant 6 : i32
      %broadcast_in_dim3A_733 = vector.broadcast %broadcast_in_dim3A_732 : i32 to vector<16xi32>
      %gather3A_734 = tpu.vector_load_idx %arg17[%iota3A, %broadcast_in_dim3A_733] : memref<16x17xf32, #tpu.memory_space<vmem>>[vector<16xi32>, vector<16xi32>], vector<16xf32>,
      %add3A_735 = arith.addf %add3A_731, %gather3A_734 : vector<16xf32>
      %broadcast_in_dim3A_736 = arith.constant 7 : i32
      %broadcast_in_dim3A_737 = vector.broadcast %broadcast_in_dim3A_736 : i32 to vector<16xi32>
      %gather3A_738 = tpu.vector_load_idx %arg17[%iota3A, %broadcast_in_dim3A_737] : memref<16x17xf32, #tpu.memory_space<vmem>>[vector<16xi32>, vector<16xi32>], vector<16xf32>,
      %add3A_739 = arith.addf %add3A_735, %gather3A_738 : vector<16xf32>
      %broadcast_in_dim3A_740 = arith.constant 8 : i32
      %broadcast_in_dim3A_741 = vector.broadcast %broadcast_in_dim3A_740 : i32 to vector<16xi32>
      %gather3A_742 = tpu.vector_load_idx %arg17[%iota3A, %broadcast_in_dim3A_741] : memref<16x17xf32, #tpu.memory_space<vmem>>[vector<16xi32>, vector<16xi32>], vector<16xf32>,
      %add3A_743 = arith.addf %add3A_739, %gather3A_742 : vector<16xf32>
      %broadcast_in_dim3A_744 = arith.constant 9 : i32
      %broadcast_in_dim3A_745 = vector.broadcast %broadcast_in_dim3A_744 : i32 to vector<16xi32>
      %gather3A_746 = tpu.vector_load_idx %arg17[%iota3A, %broadcast_in_dim3A_745] : memref<16x17xf32, #tpu.memory_space<vmem>>[vector<16xi32>, vector<16xi32>], vector<16xf32>,
      %add3A_747 = arith.addf %add3A_743, %gather3A_746 : vector<16xf32>
      %broadcast_in_dim3A_748 = arith.constant 10 : i32
      %broadcast_in_dim3A_749 = vector.broadcast %broadcast_in_dim3A_748 : i32 to vector<16xi32>
      %gather3A_750 = tpu.vector_load_idx %arg17[%iota3A, %broadcast_in_dim3A_749] : memref<16x17xf32, #tpu.memory_space<vmem>>[vector<16xi32>, vector<16xi32>], vector<16xf32>,
      %add3A_751 = arith.addf %add3A_747, %gather3A_750 : vector<16xf32>
      %broadcast_in_dim3A_752 = arith.constant 11 : i32
      %broadcast_in_dim3A_753 = vector.broadcast %broadcast_in_dim3A_752 : i32 to vector<16xi32>
      %gather3A_754 = tpu.vector_load_idx %arg17[%iota3A, %broadcast_in_dim3A_753] : memref<16x17xf32, #tpu.memory_space<vmem>>[vector<16xi32>, vector<16xi32>], vector<16xf32>,
      %add3A_755 = arith.addf %add3A_751, %gather3A_754 : vector<16xf32>
      %broadcast_in_dim3A_756 = arith.constant 12 : i32
      %broadcast_in_dim3A_757 = vector.broadcast %broadcast_in_dim3A_756 : i32 to vector<16xi32>
      %gather3A_758 = tpu.vector_load_idx %arg17[%iota3A, %broadcast_in_dim3A_757] : memref<16x17xf32, #tpu.memory_space<vmem>>[vector<16xi32>, vector<16xi32>], vector<16xf32>,
      %add3A_759 = arith.addf %add3A_755, %gather3A_758 : vector<16xf32>
      %broadcast_in_dim3A_760 = arith.constant 13 : i32
      %broadcast_in_dim3A_761 = vector.broadcast %broadcast_in_dim3A_760 : i32 to vector<16xi32>
      %gather3A_762 = tpu.vector_load_idx %arg17[%iota3A, %broadcast_in_dim3A_761] : memref<16x17xf32, #tpu.memory_space<vmem>>[vector<16xi32>, vector<16xi32>], vector<16xf32>,
      %add3A_763 = arith.addf %add3A_759, %gather3A_762 : vector<16xf32>
      %broadcast_in_dim3A_764 = arith.constant 14 : i32
      %broadcast_in_dim3A_765 = vector.broadcast %broadcast_in_dim3A_764 : i32 to vector<16xi32>
      %gather3A_766 = tpu.vector_load_idx %arg17[%iota3A, %broadcast_in_dim3A_765] : memref<16x17xf32, #tpu.memory_space<vmem>>[vector<16xi32>, vector<16xi32>], vector<16xf32>,
      %add3A_767 = arith.addf %add3A_763, %gather3A_766 : vector<16xf32>
      %broadcast_in_dim3A_768 = arith.constant 15 : i32
      %broadcast_in_dim3A_769 = vector.broadcast %broadcast_in_dim3A_768 : i32 to vector<16xi32>
      %gather3A_770 = tpu.vector_load_idx %arg17[%iota3A, %broadcast_in_dim3A_769] : memref<16x17xf32, #tpu.memory_space<vmem>>[vector<16xi32>, vector<16xi32>], vector<16xf32>,
      %add3A_771 = arith.addf %add3A_767, %gather3A_770 : vector<16xf32>
      %swap3A_772 = arith.index_cast %add3A_176 : i32 to index
      %swap3A_773 = tpu.vector_load %arg18[%swap3A_772] {strides = array<i32>} : memref<512xf32, #tpu.memory_space<vmem>>, vector<16xf32>,
      tpu.vector_store %arg18[%swap3A_772], %add3A_771 {strides = array<i32>} : memref<512xf32, #tpu.memory_space<vmem>>, vector<16xf32>,
    }
    %scan3A_171 = arith.constant 8 : i32
    "tpu.region"() ({
      %run_scoped3A = tpu.sem_alloc : memref<!tpu.dma_semaphore, #tpu.memory_space<semaphore_mem>>
      %dma_start3A_172 = tpu.memref_slice %arg8[%mul3A_2] : memref<16384xf32, #tpu.memory_space<hbm>> -> memref<512xf32, #tpu.memory_space<hbm>>
      %dma_start3A_173 = tpu.memref_slice %arg8[%mul3A_2] : memref<16384xf32, #tpu.memory_space<hbm>> -> memref<512xf32, #tpu.memory_space<hbm>>
      tpu.enqueue_dma source(%arg18 : memref<512xf32, #tpu.memory_space<vmem>>) target(%dma_start3A_173 : memref<512xf32, #tpu.memory_space<hbm>>) target_semaphore(%run_scoped3A : memref<!tpu.dma_semaphore, #tpu.memory_space<semaphore_mem>>)
      %dma_wait3A_174 = tpu.memref_slice %arg8[%mul3A_2] : memref<16384xf32, #tpu.memory_space<hbm>> -> memref<512xf32, #tpu.memory_space<hbm>>
      %dma_wait3A_175 = tpu.memref_slice %arg8[%mul3A_2] : memref<16384xf32, #tpu.memory_space<hbm>> -> memref<512xf32, #tpu.memory_space<hbm>>
      tpu.wait_dma2 semaphore(%run_scoped3A : memref<!tpu.dma_semaphore, #tpu.memory_space<semaphore_mem>>) src(%arg18 : memref<512xf32, #tpu.memory_space<vmem>>) dst(%dma_wait3A_175 : memref<512xf32, #tpu.memory_space<hbm>>)
      tpu.yield
    }) : () -> ()
    return
  }
}

</mosaic_0001>

<sc_bundles>
// kernel: kernel.3.cloned.1.call-start
scs
__scs_entry_jumppad:
0x0: {  	(pc) =	sbr.rel $0x88, $3  }
0x1: {  	(tag) =	ssettag $0x0;
	lr =	simm.s32 $0x1  }
0x2: {  	[smem:$0x3F9B] =	sst lr;
	_ =	strace $0xD0000000  }
0x3: {  	_ = 	snop  }
0x4: {  	_ = 	snop  }
0x5: {  	_ = 	snop  }
0x6: {  	_ = 	snop  }
0x7: {  	_ = 	snop  }
__scs_overlays_trampoline_lowered:
0x8: {  	[smem:$0x3FAA] =	sst s0  }
0x9: {  	[smem:$0x3FAB] =	sst s1  }
0xa: {  	[smem:$0x3FAC] =	sst s2  }
0xb: {  	[smem:$0x3FAD] =	sst s3  }
0xc: {  	[smem:$0x3FAE] =	sst s4  }
0xd: {  	[smem:$0x3FAF] =	sst s5  }
0xe: {  	[smem:$0x3FB0] =	sst s6  }
0xf: {  	[smem:$0x3FB1] =	sst s7  }
0x10: {  	[smem:$0x3FB2] =	sst s8  }
0x11: {  	[smem:$0x3FB3] =	sst s9;
	s0 =	simm.s32 @!p0 $0x0  }
0x12: {  	s1 =	sld [smem:$0x3F99];
	s0 =	simm.s32 @p0 $0x1  }
0x13: {  	[smem:$0x3FB4] =	sst s0;
	s0 =	simm.s32 @!p1 $0x0  }
0x14: {  	s2 =	sld [smem:$0x3F98];
	s0 =	simm.s32 @p1 $0x1  }
0x15: {  	[smem:$0x3FB5] =	sst s0;
	s0 =	simm.s32 @!p2 $0x0  }
0x16: {  	s3 =	sld [smem:$0x3FDB];
	s0 =	simm.s32 @p2 $0x1  }
0x17: {  	s4 =	simm.s32 $0x1BF5;
	[smem:$0x3FB7] =	sst s0  }
0x18: {  	s0 =	sld [smem:$0x3F9A];
	_ =	swait.ge [sflag:s4], $0x0  }
0x19: {  	s7 =	sld [smem:$0x3F9B]  }
0x1a: {  	s8 =	sadd.s32 $0xFFFFE003, lr  }
0x1b: {  	s9 =	sadd.s32 $0xFFFFFEF7, lr;
	s5 =	simm.s32 $0xFFFFFFFF;
	p2 =	slt.u32 s8, $0xFFFFF086  }
0x1c: {  	p1 =	slt.u32 s9, $0xF7A;
	s5 =	simm.s32 @!p2 $0x0  }
0x1d: {  	s5 =	simm.s32 @p1 $0x1;
	p0 =	seq.s32 s7, s2  }
0x1e: {  	s7 =	smul.u32 @!p0 $0xF7A, s2;
	p2 =	seq.s32 @!p0 s5, $0x0  }
0x1f: {  	s9 =	smul.u32 $0xF7A, s1;
	s8 =	simm.s32 @!p0 $0x1BF5;
	p2 =	por !p2, p0  }
0x20: {  	[sflag:s8] =	ssyncset.s32 @!p0 $0xFFFFF086;
	s6 =	sadd.s32 @!p0 s3, s7;
	s7 =	simm.s32 @!p0 $0x108  }
0x21: {  	s3 =	sadd.s32 s3, s9;
	s6 =	sadd.s32 @!p0 $0x88, s6;
	s7 =	simm.s32 @p2 $0x1082  }
0x22: {  	[simem:s7], [sflag:s8] =	dma.local @!p0 [hbm:s6], $0xF7A  }
0x23: {  	s9 =	sor.u32 $0xD0000000, s2;
	s6 =	simm.s32 $0x108;
	_ =	swait.ge @!p0 [sflag:s8], $0x0  }
0x24: {  	s3 =	sadd.s32 $0x88, s3;
	s6 =	simm.s32 @!p1 $0x1082;
	[sflag:s4] =	ssyncset.s32 $0xFFFFF086  }
0x25: {  	[simem:s6], [sflag:s4] =	dma.local [hbm:s3], $0xF7A  }
0x26: {  	[smem:$0x3F9B] =	sst s1;
	(tag) =	ssettag s2;
	_ =	strace s9  }
0x27: {  	s1 =	sld [smem:$0x3FAB]  }
0x28: {  	s2 =	sld [smem:$0x3FAC]  }
0x29: {  	s4 =	sld [smem:$0x3FAE]  }
0x2a: {  	p0 =	seq.s32 s5, $0x0;
	s5 =	sld [smem:$0x3FAF]  }
0x2b: {  	s6 =	sld [smem:$0x3FB0]  }
0x2c: {  	s7 =	sld [smem:$0x3FB1]  }
0x2d: {  	s3 =	simm.s32 $0x108;
	s8 =	sld [smem:$0x3FB2]  }
0x2e: {  	s3 =	simm.s32 @!p0 $0x1082;
	s9 =	sld [smem:$0x3FB3]  }
0x2f: {  	lr =	sadd.s32 s0, s3;
	s0 =	sld [smem:$0x3FAA]  }
0x30: {  	s3 =	sld [smem:$0x3FAD]  }
0x31: {  	[smem:$0x3FB6] =	sst s10  }
0x32: {  	s10 =	sld [smem:$0x3FB4];
	_ =	sdelay $0x3  }
0x33: {  	p0 =	seq.s32 s10, $0x1;
	s10 =	sld [smem:$0x3FB6];
	_ =	sdelay $0x3  }
0x34: {  	[smem:$0x3FB6] =	sst s10  }
0x35: {  	s10 =	sld [smem:$0x3FB5];
	_ =	sdelay $0x3  }
0x36: {  	p1 =	seq.s32 s10, $0x1;
	s10 =	sld [smem:$0x3FB6];
	_ =	sdelay $0x3  }
0x37: {  	[smem:$0x3FB6] =	sst s10  }
0x38: {  	s10 =	sld [smem:$0x3FB7]  }
0x39: {  	_ = 	snop;
	(pc) =	sbr.ind lr, $3  }
0x3a: {  	_ = 	snop  }
0x3b: {  	_ = 	snop  }
0x3c: {  	p2 =	seq.s32 s10, $0x1;
	s10 =	sld [smem:$0x3FB6]  }
0x3d: {  	_ =	shalt  }
0x3e: {  	_ =	shalt  }
0x3f: {  	_ =	shalt  }
0x40: {  	_ =	shalt  }
0x41: {  	_ =	shalt  }
0x42: {  	_ =	shalt  }
0x43: {  	_ =	shalt  }
0x44: {  	_ =	shalt  }
0x45: {  	_ =	shalt  }
0x46: {  	_ =	shalt  }
0x47: {  	_ =	shalt  }
0x48: {  	_ =	shalt  }
0x49: {  	_ =	shalt  }
0x4a: {  	_ =	shalt  }
0x4b: {  	_ =	shalt  }
0x4c: {  	_ =	shalt  }
0x4d: {  	_ =	shalt  }
0x4e: {  	_ =	shalt  }
0x4f: {  	_ =	shalt  }
0x50: {  	_ =	shalt  }
0x51: {  	_ =	shalt  }
0x52: {  	_ =	shalt  }
0x53: {  	_ =	shalt  }
0x54: {  	_ =	shalt  }
0x55: {  	_ =	shalt  }
0x56: {  	_ =	shalt  }
0x57: {  	_ =	shalt  }
0x58: {  	_ =	shalt  }
0x59: {  	_ =	shalt  }
0x5a: {  	_ =	shalt  }
0x5b: {  	_ =	shalt  }
0x5c: {  	_ =	shalt  }
0x5d: {  	_ =	shalt  }
0x5e: {  	_ =	shalt  }
0x5f: {  	_ =	shalt  }
0x60: {  	_ =	shalt  }
0x61: {  	_ =	shalt  }
0x62: {  	_ =	shalt  }
0x63: {  	_ =	shalt  }
0x64: {  	_ =	shalt  }
0x65: {  	_ =	shalt  }
0x66: {  	_ =	shalt  }
0x67: {  	_ =	shalt  }
0x68: {  	_ =	shalt  }
0x69: {  	_ =	shalt  }
0x6a: {  	_ =	shalt  }
0x6b: {  	_ =	shalt  }
0x6c: {  	_ =	shalt  }
0x6d: {  	_ =	shalt  }
0x6e: {  	_ =	shalt  }
0x6f: {  	_ =	shalt  }
0x70: {  	_ =	shalt  }
0x71: {  	_ =	shalt  }
0x72: {  	_ =	shalt  }
0x73: {  	_ =	shalt  }
0x74: {  	_ =	shalt  }
0x75: {  	_ =	shalt  }
0x76: {  	_ =	shalt  }
0x77: {  	_ =	shalt  }
0x78: {  	_ =	shalt  }
0x79: {  	_ =	shalt  }
0x7a: {  	_ =	shalt  }
0x7b: {  	_ =	shalt  }
0x7c: {  	_ =	shalt  }
0x7d: {  	_ =	shalt  }
0x7e: {  	_ =	shalt  }
0x7f: {  	_ =	shalt  }
0x80: {  	_ =	shalt  }
0x81: {  	_ =	shalt  }
0x82: {  	_ =	shalt  }
0x83: {  	_ =	shalt  }
0x84: {  	_ =	shalt  }
0x85: {  	_ =	shalt  }
0x86: {  	_ =	shalt  }
0x87: {  	_ =	shalt  }
.Lfunc_end0:
.L_simem_size_0:
called_computation_lowered:
.L_overlay_start_0:
0x88: {  	s2 =	sld [smem:$0x3FD9]  }
0x89: {  	s3 =	sld [smem:$0x3FFE];
	_ =	sdelay $0x1  }
0x8a: {  	s1 =	srdreg.scid  }
0x8b: {  	s0 =	sand.u32 $0x1, s1  }
0x8c: {  	s17 =	sshll.u32 s0, $0xA;
	s2 =	sadd.s32 s3, s2  }
0x8d: {  	s2 =	sadd.s32 s2, s17  }
0x8e: {  	[smem:$0x3FC2] =	sst s2  }
0x8f: {  	_ = 	snop  }
0x90: {  	s2 =	sld [smem:$0x3FC9]  }
0x91: {  	s18 =	sld [smem:$0x3FC8]  }
0x92: {  	s4 =	sld [smem:$0x3FD0];
	(tm) =	ssettm $0x1  }
0x93: {  	s5 =	sld [smem:$0x3FFB];
	_ =	sdelay $0x3  }
0x94: {  	_ =	strace s5  }
0x95: {  	s5 =	sld [smem:$0x3FFC];
	_ =	sdelay $0x3  }
0x96: {  	_ =	strace s5  }
0x97: {  	s5 =	sld [smem:$0x3FFD];
	_ =	sdelay $0x3  }
0x98: {  	_ =	strace s5  }
0x99: {  	_ =	strace $0x8FFFFFFF  }
0x9a: {  	s19 =	sld [smem:$0x3FDB];
	_ =	sdelay $0x1  }
0x9b: {  	s6 =	simm.s32 $_scs_section_size  }
0x9c: {  	s7 =	simm.s32 $_size__tile_overlayer_lowered;
	s8 =	simm.s32 $_tile_overlayer_lowered  }
0x9d: {  	s22 =	simm.s32 $0x1BFF;
	s21 =	sshll.u32 s8, $0x1;
	s5 =	sadd.s32 s6, s19  }
0x9e: {  	s9 =	simm.s32 $0x0;
	s20 =	sshll.u32 s7, $0x1;
	s7 =	sadd.s32 s21, s5  }
0x9f: {  	[timem:s9], [sflag:s22] =	dma.local [hbm:s7], s20  }
0xa0: {  	_ =	swait.ge [sflag:s22], s20  }
0xa1: {  	s6 =	ssub.s32 $0x0, s20;
	[sflag:s22] =	ssyncset.done $0x0  }
0xa2: {  	[sflag:s22] =	ssyncadd.s32 s6;
	_ =	sdelay $0x1  }
0xa3: {  	s23 =	simm.s32 $0x1B8B  }
0xa4: {  	_ =	swait.ge [sflag:s23], $0x1  }
0xa5: {  	[sflag:s23] =	ssyncset.done $0x0  }
0xa6: {  	s25 =	simm.s32 $0x1B8E;
	s24 =	sld [smem:$0x3FFE];
	[sflag:s23] =	ssyncadd.s32 $0xFFFFFFFF  }
0xa7: {  	s26 =	simm.s32 $execute0_lowered;
	[smem:$0x3FD2] =	sst s25  }
0xa8: {  	s7 =	sshll.u32 s26, $0x1;
	_ =	strace $0x80000046;
	[dreg:$0x1] =	wrdreg $0xFFFFFFFF  }
0xa9: {  	s28 =	simm.s32 $_size_execute0_lowered;
	s5 =	sadd.s32 s5, s7;
	[dreg:$0x0] =	wrdreg $0x0  }
0xaa: {  	s7 =	sshll.u32 s28, $0x1;
	[dreg:$0x2] =	wrdreg s5  }
0xab: {  	[dreg:$0x3] =	wrdreg s7  }
0xac: {  	[dreg:$0x4] =	wrdreg $0xC0  }
0xad: {  	_ =	task [dreg:s9], $0x5FFFF  }
0xae: {  	[dreg:$0x1] =	wrdreg $0xFFFFFFFF  }
0xaf: {  	[dreg:$0x0] =	wrdreg $0x60  }
0xb0: {  	[dreg:$0x2] =	wrdreg s2  }
0xb1: {  	[dreg:$0x3] =	wrdreg s18  }
0xb2: {  	[dreg:$0x4] =	wrdreg s24  }
0xb3: {  	[dreg:$0x5] =	wrdreg s4  }
0xb4: {  	[dreg:$0x6] =	wrdreg $0x84000  }
0xb5: {  	[dreg:$0x7] =	wrdreg $0x8BD00  }
0xb6: {  	[dreg:$0x8] =	wrdreg $0x9  }
0xb7: {  	_ =	task.clear_ibuf [dreg:s9], $0x9FFFF;
	_ =	strace $0x90000046  }
0xb8: {  	s29 =	simm.s32 $0x9;
	_ =	strace $0x80000048  }
0xb9: {  	_ =	swait.ge [sflag:s29], $0x1  }
0xba: {  	[sflag:s29] =	ssyncadd.s32 $0xFFFFFFFF  }
0xbb: {  	_ =	strace $0x90000048  }
0xbc: {  	_ =	sfence  }
0xbd: {  	s30 =	sld [smem:$0x0];
	_ =	sdelay $0x2  }
0xbe: {  	s31 =	sshll.u32 s1, $0xD;
	s1 =	sshrl.u32 s1, $0x2  }
0xbf: {  	s3 =	sand.u32 $0x4000, s31;
	s1 =	sadd.s32 s1, s30  }
0xc0: {  	s0 =	sor.u32 s3, s0;
	s1 =	sshll.u32 s1, $0x11  }
0xc1: {  	s0 =	sor.u32 s1, s0  }
0xc2: {  	s0 =	sadd.s32 $0x8F2B, s0  }
0xc3: {  	[sflag:s0] =	ssyncadd.remote.s32 $0x1  }
0xc4: {  	_ =	sfence.sel $0xFFFF  }
0xc5: {  	[dreg:$0x0] =	wrdreg $0xFFFFFFFF;
	(pc) =	sbr.abs _section_cstart, $3  }
0xc6: {  	[dreg:$0x1] =	wrdreg $0xFFFFFFFF  }
0xc7: {  	_ =	task.clear_ibuf [dreg:s9], $0x2FFFF;
	_ =	strace $0x9FFFFFFF  }
0xc8: {  	(tm) =	ssettm $0x7FFFFFFF  }
0xc9: {  	_ =	shalt  }
tec
execute0_lowered:
.L_overlay_start_1:
0x0: {  	(tag) =	ssettag $0x1  }
0x1: {  	s0 =	rddreg [dreg:$0x0]  }
0x2: {  	s1 =	rddreg [dreg:$0x1]  }
0x3: {  	s6 =	rddreg [dreg:$0x2]  }
0x4: {  	s12 =	rddreg [dreg:$0x3]  }
0x5: {  	s2 =	rddreg [dreg:$0x4]  }
0x6: {  	s3 =	rddreg [dreg:$0x5];
	s16 =	stileid.u32;
	s4 =	simm.s32 $0x0  }
0x7: {  	s8 =	srdreg.scid;
	s17 =	simm.s32 $0xB2E0;
	s18 =	simm.s32 $0x4  }
0x8: {  	s19 =	simm.s32 $0x200;
	s20 =	simm.s32 $0x3;
	s21 =	simm.s32 $0x80  }
0x9: {  	s22 =	simm.s32 $0x380;
	s23 =	simm.s32 $0x7400;
	s24 =	simm.s32 $0x1  }
0xa: {  	s25 =	simm.s32 $0x2;
	s28 =	simm.s32 $0xD3A0;
	s29 =	simm.s32 $0x0  }
0xb: {  	s5 =	smul.u32 $0x3F, s16;
	[smem:$0x7FF] =	sst s4;
	s8 =	sand.u32 $0x1, s8  }
0xc: {  	s13 =	sshll.u32 s16, $0x7;
	s30 =	sshll.u32 s16, $0x6;
	s16 =	simm.s32 $0x93A0  }
0xd: {  	v0 =	vlaneseq.u32;
	_ =	strace $0x80000047;
	s10 =	ssub.s32 $0x2, s8;
	s8 =	sshll.u32 s8, $0x6  }
0xe: {  	v0 =	vmul.u32 $0x18, v0;
	s7 =	smin.u32 s5, $0x3A9;
	s5 =	sadd.s32 $0xE00, s6;
	s11 =	sshrl.u32 s10, $0x1  }
0xf: {  	s13 =	sor.u32 s8, s13;
	s8 =	sor.u32 $0x1C03, s30;
	s9 =	sshll.u32 s7, $0x2  }
0x10: {  	v1 =	vor.u32 $0x1, v0;
	v2 =	vor.u32 $0x2, v0;
	v3 =	vor.u32 $0x3, v0;
	s14 =	ssub.s32 s10, s11;
	s26 =	sshll.u32 s7, $0x5;
	s10 =	sadd.s32 s0, s13  }
0x11: {  	v4 =	vor.u32 $0x4, v0;
	v5 =	vor.u32 $0x5, v0;
	v6 =	vor.u32 $0x6, v0;
	s11 =	sadd.s32 s1, s13;
	s12 =	sadd.s32 s12, s13;
	s9 =	sadd.s32 s9, s6  }
0x12: {  	v7 =	vor.u32 $0x7, v0;
	v8 =	vadd.s32 $0x8, v0;
	v9 =	vadd.s32 $0x9, v0;
	s6 =	sadd.s32 $0xA00, s6;
	s15 =	sadd.s32 s26, s2;
	s31 =	sadd.s32 s26, s3  }
0x13: {  	v10 =	vadd.s32 $0xA, v0;
	v11 =	vadd.s32 $0xB, v0;
	v12 =	vadd.s32 $0xC, v0;
	s13 =	smax.u32 s14, $0x1;
	s26 =	simm.s32 $0xD220;
	s7 =	sadd.s32 $0x2200, s9  }
0x14: {  	v13 =	vadd.s32 $0xD, v0;
	v14 =	vadd.s32 $0xE, v0;
	v15 =	vadd.s32 $0xF, v0;
	s9 =	sadd.s32 $0x1200, s9;
	s14 =	sshrl.u32 s15, $0x3;
	s15 =	sshrl.u32 s31, $0x3  }
.LBB2_1:
0x15: {  	[spmem:s14], [sflag:s8] =	dma.local [hbm:s7], $0xFC  }
0x16: {  	[spmem:s15], [sflag:s8] =	dma.local [hbm:s9], $0xFC  }
0x17: {  	[tilespmem:s16], [sflag:$0x3] =	stream.linear.gather [hbm4b:s5+s4], $0x1F40, $0x38;
	[tilespmem:$0xD5A0] =	vst v63  }
0x18: {  	_ = 	snop  }
0x19: {  	[tilespmem:s17], [sflag:$0x3] =	stream.linear.gather [hbm4b:s6+s4], $0x1F40, $0x38;
	[tilespmem:$0xD5A0] =	vst v63  }
0x1a: {  	_ = 	snop  }
0x1b: {  	[tilespmem:s4], [sflag:$0x4] =	stream.linear.gather [hbm4b:s10+s4], $0x200, $0x38;
	[tilespmem:$0xD5A0] =	vst v63  }
0x1c: {  	_ =	swait.ge [sflag:s18], $0x200  }
0x1d: {  	[sflag:s18] =	ssyncset.done $0x0  }
0x1e: {  	[sflag:s18] =	ssyncadd.s32 $0xFFFFFE00  }
0x1f: {  	[tilespmem:s19], [sflag:$0x4] =	stream.linear.gather [hbm4b:s11+s4], $0x200, $0x38;
	[tilespmem:$0xD5A0] =	vst v63  }
0x20: {  	_ =	swait.ge [sflag:s18], $0x200  }
0x21: {  	[sflag:s18] =	ssyncset.done $0x0  }
0x22: {  	[sflag:s18] =	ssyncadd.s32 $0xFFFFFE00  }
0x23: {  	_ =	swait.ge [sflag:s20], $0xFC  }
0x24: {  	[sflag:s20] =	ssyncset.done $0x0  }
0x25: {  	[sflag:s20] =	ssyncadd.s32 $0xFFFFFF04  }
0x26: {  	_ =	swait.ge [sflag:s20], $0xFC  }
0x27: {  	[sflag:s20] =	ssyncset.done $0x0  }
0x28: {  	[sflag:s20] =	ssyncadd.s32 $0xFFFFFF04  }
0x29: {  	_ =	swait.ge [sflag:s20], $0x1F40  }
0x2a: {  	[sflag:s20] =	ssyncset.done $0x0  }
0x2b: {  	[sflag:s20] =	ssyncadd.s32 $0xFFFFE0C0  }
0x2c: {  	_ =	swait.ge [sflag:s20], $0x1F40  }
0x2d: {  	[sflag:s20] =	ssyncset.done $0x0  }
0x2e: {  	[sflag:s20] =	ssyncadd.s32 $0xFFFFE0C0  }
0x2f: {  	s0 =	simm.s32 $0x400;
	[bflag:$0x0] =	sbarrier.arrive $0xFFFF  }
0x30: {  	[tilespmem:s0], [sflag:$0x1] =	stream.indirect.gather [spmem:s2], $0x20, s4, s21, $0xb8;
	[tilespmem:$0xD5A0] =	vst v63  }
0x31: {  	s1 =	simm.s32 $0x4400  }
0x32: {  	[tilespmem:s1], [sflag:$0x2] =	stream.indirect.gather [spmem:s3], $0x20, s19, s21, $0xb8;
	[tilespmem:$0xD5A0] =	vst v63  }
0x33: {  	s1 =	simm.s32 $0x1400  }
0x34: {  	[tilespmem:s1], [sflag:$0x1] =	stream.indirect.gather [spmem:s2], $0x20, s21, s21, $0xb8;
	[tilespmem:$0xD5A0] =	vst v63  }
0x35: {  	s0 =	simm.s32 $0x280;
	s1 =	simm.s32 $0x5400  }
0x36: {  	[tilespmem:s1], [sflag:$0x2] =	stream.indirect.gather [spmem:s3], $0x20, s0, s21, $0xb8;
	[tilespmem:$0xD5A0] =	vst v63  }
0x37: {  	s0 =	simm.s32 $0x100;
	s1 =	simm.s32 $0x2400  }
0x38: {  	[tilespmem:s1], [sflag:$0x1] =	stream.indirect.gather [spmem:s2], $0x20, s0, s21, $0xb8;
	[tilespmem:$0xD5A0] =	vst v63  }
0x39: {  	s0 =	simm.s32 $0x300;
	s1 =	simm.s32 $0x6400  }
0x3a: {  	[tilespmem:s1], [sflag:$0x2] =	stream.indirect.gather [spmem:s3], $0x20, s0, s21, $0xb8;
	[tilespmem:$0xD5A0] =	vst v63  }
0x3b: {  	s0 =	simm.s32 $0x180;
	s1 =	simm.s32 $0x3400  }
0x3c: {  	[tilespmem:s1], [sflag:$0x1] =	stream.indirect.gather [spmem:s2], $0x20, s0, s21, $0xb8;
	[tilespmem:$0xD5A0] =	vst v63  }
0x3d: {  	_ = 	snop  }
0x3e: {  	[tilespmem:s23], [sflag:$0x2] =	stream.indirect.gather [spmem:s3], $0x20, s22, s21, $0xb8;
	[tilespmem:$0xD5A0] =	vst v63  }
0x3f: {  	_ =	swait.ge [sflag:s24], $0x1000  }
0x40: {  	[sflag:s24] =	ssyncset.done $0x0  }
0x41: {  	[sflag:s24] =	ssyncadd.s32 $0xFFFFF000  }
0x42: {  	_ =	swait.ge [sflag:s25], $0x1000  }
0x43: {  	s30 =	simm.s32 $0x500;
	[sflag:s25] =	ssyncset.done $0x0  }
0x44: {  	s31 =	simm.s32 $0x4500;
	s0 =	simm.s32 $0x0;
	[sflag:s25] =	ssyncadd.s32 $0xFFFFF000  }
.LBB2_2:
0x45: {  	v16 =	vld [tilespmem:s30+$0xFFFFFF00]  }
0x46: {  	v17 =	vld [tilespmem:s31+$0xFFFFFF00]  }
0x47: {  	v18 =	vld [tilespmem:s30+$0xFFFFFF10]  }
0x48: {  	v19 =	vld [tilespmem:s31+$0xFFFFFF10]  }
0x49: {  	v21 =	vld [tilespmem:s30+$0xFFFFFF20]  }
0x4a: {  	v23 =	vld [tilespmem:s31+$0xFFFFFF20]  }
0x4b: {  	v26 =	vld [tilespmem:s30+$0xFFFFFF30]  }
0x4c: {  	v59 =	vld [tilespmem:s31+$0xFFFFFF30]  }
0x4d: {  	v62 =	vld [tilespmem:s30+$0xFFFFFF40]  }
0x4e: {  	v32 =	vld [tilespmem:s31+$0xFFFFFF40]  }
0x4f: {  	v28 =	vld [tilespmem:s30+$0xFFFFFF50]  }
0x50: {  	v34 =	vld [tilespmem:s31+$0xFFFFFF50]  }
0x51: {  	v36 =	vld [tilespmem:s30+$0xFFFFFF60]  }
0x52: {  	v38 =	vld [tilespmem:s30+$0xFFFFFF70];
	v20 =	vunpack.i.u.bf16.f32 v16;
	v16 =	vunpack.i.l.bf16.f32 v16;
	v22 =	vunpack.i.u.bf16.f32 v17  }
0x53: {  	v40 =	vld [tilespmem:s31+$0xFFFFFF70];
	v17 =	vunpack.i.l.bf16.f32 v17;
	v24 =	vunpack.i.u.bf16.f32 v18;
	v18 =	vunpack.i.l.bf16.f32 v18  }
0x54: {  	v44 =	vld [tilespmem:s30+$0xFFFFFF80];
	v25 =	vunpack.i.u.bf16.f32 v19;
	v19 =	vunpack.i.l.bf16.f32 v19;
	v61 =	vunpack.i.u.bf16.f32 v21  }
0x55: {  	v21 =	vunpack.i.l.bf16.f32 v21;
	v63 =	vunpack.i.u.bf16.f32 v23;
	v23 =	vunpack.i.l.bf16.f32 v23  }
0x56: {  	v33 =	vunpack.i.u.bf16.f32 v26;
	v26 =	vunpack.i.l.bf16.f32 v26;
	v27 =	vunpack.i.u.bf16.f32 v59  }
0x57: {  	v37 =	vunpack.i.u.bf16.f32 v62;
	v39 =	vunpack.i.u.bf16.f32 v32;
	v29 =	vunpack.i.u.bf16.f32 v28  }
0x58: {  	v28 =	vunpack.i.l.bf16.f32 v28;
	v30 =	vunpack.i.u.bf16.f32 v34;
	v42 =	vunpack.i.u.bf16.f32 v36  }
0x59: {  	v46 =	vld [tilespmem:s30+$0xFFFFFF90];
	v45 =	vunpack.i.u.bf16.f32 v38;
	v31 =	vunpack.i.u.bf16.f32 v40;
	v53 =	vunpack.i.u.bf16.f32 v44  }
0x5a: {  	v49 =	vld [tilespmem:s31+$0xFFFFFF90];
	v55 =	vunpack.i.l.bf16.f32 v44;
	v16 =	vmul.f32 v17, v16;
	v17 =	vmul.f32 v22, v20  }
0x5b: {  	v51 =	vld [tilespmem:s30+$0xFFFFFFA0];
	v18 =	vmul.f32 v19, v18;
	v60 =	vmul.f32 v25, v24;
	v20 =	vunpack.i.l.bf16.f32 v59  }
0x5c: {  	v54 =	vld [tilespmem:s31+$0xFFFFFFA0];
	v21 =	vmul.f32 v23, v21;
	v35 =	vmul.f32 v27, v33;
	v19 =	vunpack.i.l.bf16.f32 v62  }
0x5d: {  	v58 =	vld [tilespmem:s30+$0xFFFFFFB0];
	v24 =	vunpack.i.l.bf16.f32 v32;
	v22 =	vunpack.i.l.bf16.f32 v34;
	v41 =	vmul.f32 v30, v29  }
0x5e: {  	v25 =	vunpack.i.l.bf16.f32 v36;
	v23 =	vunpack.i.l.bf16.f32 v38;
	v32 =	vld [tilespmem:s31+$0xFFFFFF80];
	v27 =	vunpack.i.l.bf16.f32 v40  }
0x5f: {  	v48 =	vmul.f32 v31, v45;
	v62 =	vunpack.i.l.bf16.f32 v46;
	v36 =	vunpack.i.u.bf16.f32 v49;
	v45 =	vld [tilespmem:s30+$0xFFFFFFE0]  }
0x60: {  	v38 =	vunpack.i.u.bf16.f32 v51;
	v47 =	vmul.f32 v27, v23;
	v23 =	vunpack.i.l.bf16.f32 v49;
	v49 =	vld [tilespmem:s31+$0xFFFFFFF0]  }
0x61: {  	v22 =	vmul.f32 v22, v28;
	v16 =	vadd.f32 v16, v17;
	v17 =	vadd.f32 v18, v60;
	v60 =	vld [tilespmem:s31+$0xFFFFFFB0]  }
0x62: {  	v40 =	vunpack.i.u.bf16.f32 v54;
	v33 =	vunpack.i.u.bf16.f32 v58;
	v18 =	vmul.f32 v63, v61;
	v63 =	vld [tilespmem:s30+$0xFFFFFFC0]  }
0x63: {  	v31 =	vunpack.i.l.bf16.f32 v58;
	v20 =	vmul.f32 v20, v26;
	v50 =	vadd.f32 v22, v41;
	v41 =	vld [tilespmem:s31+$0xFFFFFFD0]  }
0x64: {  	v19 =	vmul.f32 v24, v19;
	v24 =	vmul.f32 v40, v38;
	v16 =	vadd.f32 v17, v16;
	v17 =	vld [tilespmem:s31+$0xFFFFFF60]  }
0x65: {  	v61 =	vunpack.i.u.bf16.f32 v46;
	v18 =	vadd.f32 v21, v18;
	v21 =	vmul.f32 v39, v37;
	v37 =	vld [tilespmem:s31+$0xFFFFFFC0]  }
0x66: {  	v23 =	vmul.f32 v23, v62;
	v20 =	vadd.f32 v20, v35;
	v22 =	vunpack.i.l.bf16.f32 v51;
	v39 =	vld [tilespmem:s30+$0xFFFFFFD0]  }
0x67: {  	v56 =	vunpack.i.u.bf16.f32 v32;
	v57 =	vunpack.i.l.bf16.f32 v32;
	v19 =	vadd.f32 v19, v21  }
0x68: {  	v59 =	vmul.f32 v57, v55;
	v55 =	vunpack.i.l.bf16.f32 v45;
	v30 =	vunpack.i.l.bf16.f32 v49  }
0x69: {  	v58 =	vld [tilespmem:s31+$0x0];
	v34 =	vunpack.i.u.bf16.f32 v60;
	v27 =	vunpack.i.l.bf16.f32 v60;
	v44 =	vunpack.i.u.bf16.f32 v63  }
0x6a: {  	v40 =	vld [tilespmem:s30+$0x20];
	v28 =	vunpack.i.l.bf16.f32 v63;
	v32 =	vunpack.i.l.bf16.f32 v41;
	v43 =	vunpack.i.u.bf16.f32 v17  }
0x6b: {  	v17 =	vunpack.i.l.bf16.f32 v17;
	v46 =	vunpack.i.u.bf16.f32 v37;
	v35 =	vunpack.i.u.bf16.f32 v39  }
0x6c: {  	v63 =	vld [tilespmem:s31+$0x10];
	v29 =	vunpack.i.l.bf16.f32 v39;
	v25 =	vmul.f32 v17, v25;
	v26 =	vmul.f32 v43, v42  }
0x6d: {  	v17 =	vadd.f32 v20, v18;
	v20 =	vadd.f32 v47, v48;
	v42 =	vmul.f32 v27, v31  }
0x6e: {  	v18 =	vadd.f32 v50, v19;
	v43 =	vmul.f32 v34, v33;
	v48 =	vmul.f32 v46, v44  }
0x6f: {  	v62 =	vld [tilespmem:s30+$0x10];
	v50 =	vmul.f32 v32, v29;
	v46 =	vunpack.i.u.bf16.f32 v58;
	v33 =	vunpack.i.l.bf16.f32 v40  }
0x70: {  	v47 =	vld [tilespmem:s31+$0xFFFFFFE0];
	v52 =	vadd.f32 v25, v26;
	v25 =	vmul.f32 v56, v53;
	v26 =	vunpack.i.l.bf16.f32 v54  }
0x71: {  	v53 =	vunpack.i.u.bf16.f32 v45;
	v29 =	vunpack.i.l.bf16.f32 v63;
	v22 =	vmul.f32 v26, v22  }
0x72: {  	v19 =	vadd.f32 v20, v52;
	v21 =	vadd.f32 v59, v25;
	v20 =	vmul.f32 v36, v61  }
0x73: {  	v25 =	vunpack.i.l.bf16.f32 v37;
	v36 =	vunpack.i.u.bf16.f32 v41;
	v52 =	vadd.f32 v42, v43  }
0x74: {  	v54 =	vld [tilespmem:s30+$0x0];
	v61 =	vunpack.i.u.bf16.f32 v49;
	v49 =	vunpack.i.u.bf16.f32 v62;
	v25 =	vmul.f32 v25, v28  }
0x75: {  	v45 =	vld [tilespmem:s30+$0x30];
	v51 =	vmul.f32 v36, v35;
	v22 =	vadd.f32 v22, v24;
	v56 =	vunpack.i.u.bf16.f32 v47  }
0x76: {  	v38 =	vld [tilespmem:s31+$0x40];
	v57 =	vunpack.i.l.bf16.f32 v47;
	v47 =	vunpack.i.l.bf16.f32 v58;
	v20 =	vadd.f32 v23, v20  }
0x77: {  	v37 =	vld [tilespmem:s30+$0xFFFFFFF0];
	v28 =	vmul.f32 v57, v55;
	v26 =	vmul.f32 v56, v53;
	v25 =	vadd.f32 v25, v48  }
0x78: {  	v41 =	vld [tilespmem:s31+$0x20];
	v53 =	vunpack.i.u.bf16.f32 v40;
	v23 =	vadd.f32 v50, v51;
	v22 =	vadd.f32 v52, v22  }
0x79: {  	v58 =	vld [tilespmem:s30+$0x50];
	v44 =	vunpack.i.u.bf16.f32 v54;
	v27 =	vunpack.i.l.bf16.f32 v54;
	v50 =	vunpack.i.l.bf16.f32 v62  }
0x7a: {  	v55 =	vld [tilespmem:s30+$0x40];
	v51 =	vunpack.i.u.bf16.f32 v63;
	v56 =	vunpack.i.u.bf16.f32 v45;
	v21 =	vadd.f32 v20, v21  }
0x7b: {  	v48 =	vld [tilespmem:s31+$0x30];
	v42 =	vadd.f32 v28, v26;
	v27 =	vmul.f32 v47, v27;
	v26 =	vmul.f32 v46, v44  }
0x7c: {  	v63 =	vld [tilespmem:s30+$0x60];
	v29 =	vmul.f32 v29, v50;
	v52 =	vmul.f32 v51, v49;
	v28 =	vunpack.i.l.bf16.f32 v45  }
0x7d: {  	v44 =	vunpack.i.l.bf16.f32 v38;
	v45 =	vld [tilespmem:s30+$0x70];
	v59 =	vunpack.i.u.bf16.f32 v37;
	v60 =	vunpack.i.l.bf16.f32 v37  }
0x7e: {  	v47 =	vld [tilespmem:s31+$0x70];
	v20 =	vadd.f32 v23, v25;
	v23 =	vunpack.i.l.bf16.f32 v41;
	v30 =	vmul.f32 v30, v60  }
0x7f: {  	v49 =	vld [tilespmem:s30+$0x80];
	v54 =	vunpack.i.u.bf16.f32 v41;
	v39 =	vmul.f32 v61, v59;
	v23 =	vmul.f32 v23, v33  }
0x80: {  	v51 =	vld [tilespmem:s31+$0x80];
	v31 =	vmul.f32 v54, v53;
	v26 =	vadd.f32 v27, v26;
	v62 =	vadd.f32 v29, v52  }
0x81: {  	v41 =	vld [tilespmem:s31+$0x60];
	v33 =	vunpack.i.l.bf16.f32 v58;
	v40 =	vunpack.i.u.bf16.f32 v55;
	v43 =	vadd.f32 v30, v39  }
0x82: {  	v61 =	vld [tilespmem:s31+$0x50];
	v57 =	vunpack.i.u.bf16.f32 v48;
	v32 =	vunpack.i.l.bf16.f32 v48;
	v23 =	vadd.f32 v23, v31  }
0x83: {  	v53 =	vld [tilespmem:s30+$0x90];
	v26 =	vadd.f32 v62, v26;
	v48 =	vunpack.i.u.bf16.f32 v58;
	v52 =	vunpack.i.u.bf16.f32 v63  }
0x84: {  	v29 =	vunpack.i.l.bf16.f32 v63;
	v63 =	vld [tilespmem:s30+$0xC0];
	v59 =	vmul.f32 v32, v28;
	v60 =	vmul.f32 v57, v56  }
0x85: {  	v39 =	vunpack.i.u.bf16.f32 v45;
	v36 =	vunpack.i.l.bf16.f32 v45;
	v31 =	vunpack.i.l.bf16.f32 v47;
	v57 =	vld [tilespmem:s30+$0xA0]  }
0x86: {  	v34 =	vunpack.i.l.bf16.f32 v49;
	v24 =	vadd.f32 v43, v42;
	v42 =	vunpack.i.l.bf16.f32 v55;
	v55 =	vld [tilespmem:s31+$0x90]  }
0x87: {  	v43 =	vunpack.i.u.bf16.f32 v38;
	v54 =	vunpack.i.u.bf16.f32 v41;
	v30 =	vunpack.i.l.bf16.f32 v41;
	v41 =	vld [tilespmem:s30+$0xB0]  }
0x88: {  	v31 =	vmul.f32 v31, v36;
	v25 =	vadd.f32 v59, v60;
	v46 =	vmul.f32 v44, v42;
	v60 =	vld [tilespmem:s31+$0xA0]  }
0x89: {  	v28 =	vmul.f32 v43, v40;
	v50 =	vunpack.i.u.bf16.f32 v61;
	v32 =	vunpack.i.l.bf16.f32 v61;
	v44 =	vld [tilespmem:s31+$0xB0]  }
0x8a: {  	v40 =	vunpack.i.u.bf16.f32 v47;
	v29 =	vmul.f32 v30, v29;
	v56 =	vmul.f32 v54, v52;
	v52 =	vld [tilespmem:s31+$0xD0]  }
0x8b: {  	v59 =	vunpack.i.u.bf16.f32 v49;
	v61 =	vunpack.i.u.bf16.f32 v51;
	v42 =	vunpack.i.u.bf16.f32 v53;
	v54 =	vld [tilespmem:s30+$0xE0]  }
0x8c: {  	v35 =	vunpack.i.l.bf16.f32 v53;
	v32 =	vmul.f32 v32, v33;
	v62 =	vmul.f32 v61, v59;
	v61 =	vld [tilespmem:s31+$0xF0]  }
0x8d: {  	v58 =	vmul.f32 v40, v39;
	v23 =	vadd.f32 v25, v23;
	v25 =	vmul.f32 v50, v48;
	v48 =	vld [tilespmem:s31+$0xC0]  }
0x8e: {  	v27 =	vadd.f32 v46, v28;
	v28 =	vunpack.i.l.bf16.f32 v51;
	v29 =	vadd.f32 v29, v56;
	v50 =	vld [tilespmem:s30+$0xD0]  }
0x8f: {  	v56 =	vld [tilespmem:s31+$0xE0];
	v28 =	vmul.f32 v28, v34;
	v49 =	vadd.f32 v31, v58;
	v51 =	vunpack.i.u.bf16.f32 v57  }
0x90: {  	v33 =	vunpack.i.l.bf16.f32 v57;
	v58 =	vld [tilespmem:s30+$0xF0];
	[tilespmem:$0xD238] =	vst v17;
	v17 =	vunpack.i.l.bf16.f32 v63;
	v43 =	vunpack.i.u.bf16.f32 v55  }
0x91: {  	v38 =	vunpack.i.l.bf16.f32 v55;
	v25 =	vadd.f32 v32, v25;
	v55 =	vunpack.i.u.bf16.f32 v41  }
0x92: {  	v41 =	vunpack.i.l.bf16.f32 v41;
	v46 =	vmul.f32 v38, v35;
	v47 =	vmul.f32 v43, v42  }
0x93: {  	v28 =	vadd.f32 v28, v62;
	v53 =	vunpack.i.u.bf16.f32 v60;
	v39 =	vunpack.i.l.bf16.f32 v60  }
0x94: {  	v57 =	vunpack.i.u.bf16.f32 v44;
	v44 =	vunpack.i.l.bf16.f32 v44;
	v29 =	vadd.f32 v49, v29  }
0x95: {  	v62 =	vunpack.i.u.bf16.f32 v63;
	v43 =	vunpack.i.l.bf16.f32 v52;
	v45 =	vunpack.i.u.bf16.f32 v54  }
0x96: {  	v33 =	vmul.f32 v39, v33;
	v34 =	vmul.f32 v53, v51;
	v25 =	vadd.f32 v25, v27  }
0x97: {  	[tilespmem:$0xD220] =	vst v16;
	v59 =	vmul.f32 v44, v41;
	v60 =	vmul.f32 v57, v55;
	v41 =	vunpack.i.u.bf16.f32 v52  }
0x98: {  	[tilespmem:$0xD250] =	vst v18;
	v51 =	vunpack.i.u.bf16.f32 v61;
	v52 =	vunpack.i.l.bf16.f32 v61;
	v32 =	vadd.f32 v46, v47  }
0x99: {  	[tilespmem:$0xD268] =	vst v19;
	v63 =	vunpack.i.u.bf16.f32 v48;
	v37 =	vunpack.i.l.bf16.f32 v48;
	v38 =	vunpack.i.u.bf16.f32 v50  }
0x9a: {  	[tilespmem:$0xD280] =	vst v21;
	v31 =	vunpack.i.l.bf16.f32 v50;
	v46 =	vunpack.i.l.bf16.f32 v54;
	v47 =	vunpack.i.u.bf16.f32 v56  }
0x9b: {  	[tilespmem:$0xD298] =	vst v22;
	v48 =	vunpack.i.l.bf16.f32 v56;
	v16 =	vadd.f32 v33, v34;
	v17 =	vmul.f32 v37, v17  }
0x9c: {  	[tilespmem:$0xD2B0] =	vst v20;
	v27 =	vadd.f32 v59, v60;
	v30 =	vmul.f32 v63, v62;
	v44 =	vmul.f32 v43, v31  }
0x9d: {  	[tilespmem:$0xD2C8] =	vst v24;
	v18 =	vmul.f32 v41, v38;
	v49 =	vunpack.i.u.bf16.f32 v58;
	v50 =	vunpack.i.l.bf16.f32 v58  }
0x9e: {  	[tilespmem:$0xD2E0] =	vst v26;
	v22 =	vmul.f32 v48, v46;
	v19 =	vmul.f32 v47, v45;
	v28 =	vadd.f32 v32, v28  }
0x9f: {  	[tilespmem:$0xD2F8] =	vst v23;
	v24 =	vmul.f32 v52, v50;
	v20 =	vmul.f32 v51, v49;
	v16 =	vadd.f32 v27, v16  }
0xa0: {  	[tilespmem:$0xD328] =	vst v29;
	v17 =	vadd.f32 v17, v30;
	v18 =	vadd.f32 v44, v18  }
0xa1: {  	[tilespmem:$0xD310] =	vst v25;
	v19 =	vadd.f32 v22, v19;
	v20 =	vadd.f32 v24, v20  }
0xa2: {  	[tilespmem:$0xD340] =	vst v28;
	v17 =	vadd.f32 v18, v17  }
0xa3: {  	[tilespmem:$0xD358] =	vst v16;
	v53 =	vadd.f32 v20, v19  }
0xa4: {  	[tilespmem:$0xD370] =	vst v17  }
0xa5: {  	s1 =	sshra.s32 s0, $0x2;
	[tilespmem:$0xD388] =	vst v53  }
0xa6: {  	v16 =	vld [tilespmem:s1+$0x0]  }
0xa7: {  	v17 =	vld [tilespmem:s1+$0x200];
	_ =	sdelay $0x3  }
0xa8: {  	v16 =	vshll.u32 v16, $0x3  }
0xa9: {  	v17 =	vshll.u32 v17, $0x3;
	_ =	sdelay $0x3  }
0xaa: {  	v16 =	vld.idx.msk [tilespmem:v16+s16+$0x0], $0xffff  }
0xab: {  	v17 =	vld.idx.msk [tilespmem:v17+s17+$0x0], $0xffff;
	_ =	sdelay $0x1  }
0xac: {  	v18 =	vld.idx.msk [tilespmem:v0+s26+$0x0], $0xffff;
	_ =	sdelay $0x1  }
0xad: {  	v54 =	vld.idx.msk [tilespmem:v1+s26+$0x0], $0xffff  }
0xae: {  	v16 =	vadd.f32 v17, v16  }
0xaf: {  	v17 =	vld.idx.msk [tilespmem:v2+s26+$0x0], $0xffff  }
0xb0: {  	v16 =	vadd.f32 v18, v16  }
0xb1: {  	v55 =	vld.idx.msk [tilespmem:v3+s26+$0x0], $0xffff  }
0xb2: {  	v16 =	vadd.f32 v54, v16  }
0xb3: {  	v56 =	vld.idx.msk [tilespmem:v4+s26+$0x0], $0xffff  }
0xb4: {  	v16 =	vadd.f32 v17, v16  }
0xb5: {  	v17 =	vld.idx.msk [tilespmem:v5+s26+$0x0], $0xffff  }
0xb6: {  	v16 =	vadd.f32 v55, v16  }
0xb7: {  	v57 =	vld.idx.msk [tilespmem:v6+s26+$0x0], $0xffff  }
0xb8: {  	v16 =	vadd.f32 v56, v16  }
0xb9: {  	v58 =	vld.idx.msk [tilespmem:v7+s26+$0x0], $0xffff  }
0xba: {  	v16 =	vadd.f32 v17, v16  }
0xbb: {  	v17 =	vld.idx.msk [tilespmem:v8+s26+$0x0], $0xffff  }
0xbc: {  	v16 =	vadd.f32 v57, v16  }
0xbd: {  	v59 =	vld.idx.msk [tilespmem:v9+s26+$0x0], $0xffff  }
0xbe: {  	v16 =	vadd.f32 v58, v16  }
0xbf: {  	v60 =	vld.idx.msk [tilespmem:v10+s26+$0x0], $0xffff  }
0xc0: {  	v16 =	vadd.f32 v17, v16  }
0xc1: {  	v17 =	vld.idx.msk [tilespmem:v11+s26+$0x0], $0xffff  }
0xc2: {  	v16 =	vadd.f32 v59, v16  }
0xc3: {  	v61 =	vld.idx.msk [tilespmem:v12+s26+$0x0], $0xffff  }
0xc4: {  	v16 =	vadd.f32 v60, v16  }
0xc5: {  	v62 =	vld.idx.msk [tilespmem:v13+s26+$0x0], $0xffff  }
0xc6: {  	v16 =	vadd.f32 v17, v16  }
0xc7: {  	v17 =	vld.idx.msk [tilespmem:v14+s26+$0x0], $0xffff  }
0xc8: {  	v16 =	vadd.f32 v61, v16  }
0xc9: {  	v63 =	vld.idx.msk [tilespmem:v15+s26+$0x0], $0xffff  }
0xca: {  	v16 =	vadd.f32 v62, v16  }
0xcb: {  	p0 =	sne.s32 s0, $0x1C0  }
.Ltmp0:
0xcc: {  	v16 =	vadd.f32 v17, v16;
	(pc) =	sbr.rel @p0 .LBB2_2-.Ltmp0, $3  }
0xcd: {  	_ = 	snop  }
0xce: {  	v16 =	vadd.f32 v63, v16;
	_ =	sdelay $0x1  }
0xcf: {  	s0 =	sadd.s32 $0x40, s0;
	s31 =	sadd.s32 $0x200, s31;
	s30 =	sadd.s32 $0x200, s30;
	[tilespmem:s1+$0xD3A0] =	vst v16  }
0xd0: {  	_ =	swait.ge [sflag:s24], $0x1000  }
0xd1: {  	[sflag:s24] =	ssyncset.done $0x0  }
0xd2: {  	[sflag:s24] =	ssyncadd.s32 $0xFFFFF000  }
0xd3: {  	_ =	swait.ge [sflag:s25], $0x1000  }
0xd4: {  	s30 =	simm.s32 $0x0;
	[sflag:s25] =	ssyncset.done $0x0  }
0xd5: {  	s31 =	simm.s32 $0x15F0;
	s0 =	simm.s32 $0x55F0;
	[sflag:s25] =	ssyncadd.s32 $0xFFFFF000  }
.LBB2_4:
0xd6: {  	v16 =	vld [tilespmem:s31+$0xFFFFFE10]  }
0xd7: {  	v17 =	vld [tilespmem:s0+$0xFFFFFE10]  }
0xd8: {  	v18 =	vld [tilespmem:s31+$0xFFFFFE20]  }
0xd9: {  	v19 =	vld [tilespmem:s0+$0xFFFFFE20]  }
0xda: {  	v21 =	vld [tilespmem:s31+$0xFFFFFE30]  }
0xdb: {  	v23 =	vld [tilespmem:s0+$0xFFFFFE30]  }
0xdc: {  	v26 =	vld [tilespmem:s31+$0xFFFFFE40]  }
0xdd: {  	v59 =	vld [tilespmem:s0+$0xFFFFFE40]  }
0xde: {  	v62 =	vld [tilespmem:s31+$0xFFFFFE50]  }
0xdf: {  	v32 =	vld [tilespmem:s0+$0xFFFFFE50]  }
0xe0: {  	v28 =	vld [tilespmem:s31+$0xFFFFFE60]  }
0xe1: {  	v34 =	vld [tilespmem:s0+$0xFFFFFE60]  }
0xe2: {  	v36 =	vld [tilespmem:s31+$0xFFFFFE70]  }
0xe3: {  	v38 =	vld [tilespmem:s31+$0xFFFFFE80];
	v20 =	vunpack.i.u.bf16.f32 v16;
	v16 =	vunpack.i.l.bf16.f32 v16;
	v22 =	vunpack.i.u.bf16.f32 v17  }
0xe4: {  	v40 =	vld [tilespmem:s0+$0xFFFFFE80];
	v17 =	vunpack.i.l.bf16.f32 v17;
	v24 =	vunpack.i.u.bf16.f32 v18;
	v18 =	vunpack.i.l.bf16.f32 v18  }
0xe5: {  	v44 =	vld [tilespmem:s31+$0xFFFFFE90];
	v25 =	vunpack.i.u.bf16.f32 v19;
	v19 =	vunpack.i.l.bf16.f32 v19;
	v61 =	vunpack.i.u.bf16.f32 v21  }
0xe6: {  	v21 =	vunpack.i.l.bf16.f32 v21;
	v63 =	vunpack.i.u.bf16.f32 v23;
	v23 =	vunpack.i.l.bf16.f32 v23  }
0xe7: {  	v33 =	vunpack.i.u.bf16.f32 v26;
	v26 =	vunpack.i.l.bf16.f32 v26;
	v27 =	vunpack.i.u.bf16.f32 v59  }
0xe8: {  	v37 =	vunpack.i.u.bf16.f32 v62;
	v39 =	vunpack.i.u.bf16.f32 v32;
	v29 =	vunpack.i.u.bf16.f32 v28  }
0xe9: {  	v28 =	vunpack.i.l.bf16.f32 v28;
	v30 =	vunpack.i.u.bf16.f32 v34;
	v42 =	vunpack.i.u.bf16.f32 v36  }
0xea: {  	v46 =	vld [tilespmem:s31+$0xFFFFFEA0];
	v45 =	vunpack.i.u.bf16.f32 v38;
	v31 =	vunpack.i.u.bf16.f32 v40;
	v53 =	vunpack.i.u.bf16.f32 v44  }
0xeb: {  	v49 =	vld [tilespmem:s0+$0xFFFFFEA0];
	v55 =	vunpack.i.l.bf16.f32 v44;
	v16 =	vmul.f32 v17, v16;
	v17 =	vmul.f32 v22, v20  }
0xec: {  	v51 =	vld [tilespmem:s31+$0xFFFFFEB0];
	v18 =	vmul.f32 v19, v18;
	v60 =	vmul.f32 v25, v24;
	v20 =	vunpack.i.l.bf16.f32 v59  }
0xed: {  	v54 =	vld [tilespmem:s0+$0xFFFFFEB0];
	v21 =	vmul.f32 v23, v21;
	v35 =	vmul.f32 v27, v33;
	v19 =	vunpack.i.l.bf16.f32 v62  }
0xee: {  	v58 =	vld [tilespmem:s31+$0xFFFFFEC0];
	v24 =	vunpack.i.l.bf16.f32 v32;
	v22 =	vunpack.i.l.bf16.f32 v34;
	v41 =	vmul.f32 v30, v29  }
0xef: {  	v25 =	vunpack.i.l.bf16.f32 v36;
	v23 =	vunpack.i.l.bf16.f32 v38;
	v32 =	vld [tilespmem:s0+$0xFFFFFE90];
	v27 =	vunpack.i.l.bf16.f32 v40  }
0xf0: {  	v48 =	vmul.f32 v31, v45;
	v62 =	vunpack.i.l.bf16.f32 v46;
	v36 =	vunpack.i.u.bf16.f32 v49;
	v45 =	vld [tilespmem:s31+$0xFFFFFEF0]  }
0xf1: {  	v38 =	vunpack.i.u.bf16.f32 v51;
	v47 =	vmul.f32 v27, v23;
	v23 =	vunpack.i.l.bf16.f32 v49;
	v49 =	vld [tilespmem:s0+$0xFFFFFF00]  }
0xf2: {  	v22 =	vmul.f32 v22, v28;
	v16 =	vadd.f32 v16, v17;
	v17 =	vadd.f32 v18, v60;
	v60 =	vld [tilespmem:s0+$0xFFFFFEC0]  }
0xf3: {  	v40 =	vunpack.i.u.bf16.f32 v54;
	v33 =	vunpack.i.u.bf16.f32 v58;
	v18 =	vmul.f32 v63, v61;
	v63 =	vld [tilespmem:s31+$0xFFFFFED0]  }
0xf4: {  	v31 =	vunpack.i.l.bf16.f32 v58;
	v20 =	vmul.f32 v20, v26;
	v50 =	vadd.f32 v22, v41;
	v41 =	vld [tilespmem:s0+$0xFFFFFEE0]  }
0xf5: {  	v19 =	vmul.f32 v24, v19;
	v24 =	vmul.f32 v40, v38;
	v16 =	vadd.f32 v17, v16;
	v17 =	vld [tilespmem:s0+$0xFFFFFE70]  }
0xf6: {  	v61 =	vunpack.i.u.bf16.f32 v46;
	v18 =	vadd.f32 v21, v18;
	v21 =	vmul.f32 v39, v37;
	v37 =	vld [tilespmem:s0+$0xFFFFFED0]  }
0xf7: {  	v23 =	vmul.f32 v23, v62;
	v20 =	vadd.f32 v20, v35;
	v22 =	vunpack.i.l.bf16.f32 v51;
	v39 =	vld [tilespmem:s31+$0xFFFFFEE0]  }
0xf8: {  	v56 =	vunpack.i.u.bf16.f32 v32;
	v57 =	vunpack.i.l.bf16.f32 v32;
	v19 =	vadd.f32 v19, v21  }
0xf9: {  	v59 =	vmul.f32 v57, v55;
	v55 =	vunpack.i.l.bf16.f32 v45;
	v30 =	vunpack.i.l.bf16.f32 v49  }
0xfa: {  	v58 =	vld [tilespmem:s0+$0xFFFFFF10];
	v34 =	vunpack.i.u.bf16.f32 v60;
	v27 =	vunpack.i.l.bf16.f32 v60;
	v44 =	vunpack.i.u.bf16.f32 v63  }
0xfb: {  	v40 =	vld [tilespmem:s31+$0xFFFFFF30];
	v28 =	vunpack.i.l.bf16.f32 v63;
	v32 =	vunpack.i.l.bf16.f32 v41;
	v43 =	vunpack.i.u.bf16.f32 v17  }
0xfc: {  	v17 =	vunpack.i.l.bf16.f32 v17;
	v46 =	vunpack.i.u.bf16.f32 v37;
	v35 =	vunpack.i.u.bf16.f32 v39  }
0xfd: {  	v63 =	vld [tilespmem:s0+$0xFFFFFF20];
	v29 =	vunpack.i.l.bf16.f32 v39;
	v25 =	vmul.f32 v17, v25;
	v26 =	vmul.f32 v43, v42  }
0xfe: {  	v17 =	vadd.f32 v20, v18;
	v20 =	vadd.f32 v47, v48;
	v42 =	vmul.f32 v27, v31  }
0xff: {  	v18 =	vadd.f32 v50, v19;
	v43 =	vmul.f32 v34, v33;
	v48 =	vmul.f32 v46, v44  }
0x100: {  	v62 =	vld [tilespmem:s31+$0xFFFFFF20];
	v50 =	vmul.f32 v32, v29;
	v46 =	vunpack.i.u.bf16.f32 v58;
	v33 =	vunpack.i.l.bf16.f32 v40  }
0x101: {  	v47 =	vld [tilespmem:s0+$0xFFFFFEF0];
	v52 =	vadd.f32 v25, v26;
	v25 =	vmul.f32 v56, v53;
	v26 =	vunpack.i.l.bf16.f32 v54  }
0x102: {  	v53 =	vunpack.i.u.bf16.f32 v45;
	v29 =	vunpack.i.l.bf16.f32 v63;
	v22 =	vmul.f32 v26, v22  }
0x103: {  	v19 =	vadd.f32 v20, v52;
	v21 =	vadd.f32 v59, v25;
	v20 =	vmul.f32 v36, v61  }
0x104: {  	v25 =	vunpack.i.l.bf16.f32 v37;
	v36 =	vunpack.i.u.bf16.f32 v41;
	v52 =	vadd.f32 v42, v43  }
0x105: {  	v54 =	vld [tilespmem:s31+$0xFFFFFF10];
	v61 =	vunpack.i.u.bf16.f32 v49;
	v49 =	vunpack.i.u.bf16.f32 v62;
	v25 =	vmul.f32 v25, v28  }
0x106: {  	v45 =	vld [tilespmem:s31+$0xFFFFFF40];
	v51 =	vmul.f32 v36, v35;
	v22 =	vadd.f32 v22, v24;
	v56 =	vunpack.i.u.bf16.f32 v47  }
0x107: {  	v38 =	vld [tilespmem:s0+$0xFFFFFF50];
	v57 =	vunpack.i.l.bf16.f32 v47;
	v47 =	vunpack.i.l.bf16.f32 v58;
	v20 =	vadd.f32 v23, v20  }
0x108: {  	v37 =	vld [tilespmem:s31+$0xFFFFFF00];
	v28 =	vmul.f32 v57, v55;
	v26 =	vmul.f32 v56, v53;
	v25 =	vadd.f32 v25, v48  }
0x109: {  	v41 =	vld [tilespmem:s0+$0xFFFFFF30];
	v53 =	vunpack.i.u.bf16.f32 v40;
	v23 =	vadd.f32 v50, v51;
	v22 =	vadd.f32 v52, v22  }
0x10a: {  	v58 =	vld [tilespmem:s31+$0xFFFFFF60];
	v44 =	vunpack.i.u.bf16.f32 v54;
	v27 =	vunpack.i.l.bf16.f32 v54;
	v50 =	vunpack.i.l.bf16.f32 v62  }
0x10b: {  	v55 =	vld [tilespmem:s31+$0xFFFFFF50];
	v51 =	vunpack.i.u.bf16.f32 v63;
	v56 =	vunpack.i.u.bf16.f32 v45;
	v21 =	vadd.f32 v20, v21  }
0x10c: {  	v48 =	vld [tilespmem:s0+$0xFFFFFF40];
	v42 =	vadd.f32 v28, v26;
	v27 =	vmul.f32 v47, v27;
	v26 =	vmul.f32 v46, v44  }
0x10d: {  	v63 =	vld [tilespmem:s31+$0xFFFFFF70];
	v29 =	vmul.f32 v29, v50;
	v52 =	vmul.f32 v51, v49;
	v28 =	vunpack.i.l.bf16.f32 v45  }
0x10e: {  	v44 =	vunpack.i.l.bf16.f32 v38;
	v45 =	vld [tilespmem:s31+$0xFFFFFF80];
	v59 =	vunpack.i.u.bf16.f32 v37;
	v60 =	vunpack.i.l.bf16.f32 v37  }
0x10f: {  	v47 =	vld [tilespmem:s0+$0xFFFFFF80];
	v20 =	vadd.f32 v23, v25;
	v23 =	vunpack.i.l.bf16.f32 v41;
	v30 =	vmul.f32 v30, v60  }
0x110: {  	v49 =	vld [tilespmem:s31+$0xFFFFFF90];
	v54 =	vunpack.i.u.bf16.f32 v41;
	v39 =	vmul.f32 v61, v59;
	v23 =	vmul.f32 v23, v33  }
0x111: {  	v51 =	vld [tilespmem:s0+$0xFFFFFF90];
	v31 =	vmul.f32 v54, v53;
	v26 =	vadd.f32 v27, v26;
	v62 =	vadd.f32 v29, v52  }
0x112: {  	v41 =	vld [tilespmem:s0+$0xFFFFFF70];
	v33 =	vunpack.i.l.bf16.f32 v58;
	v40 =	vunpack.i.u.bf16.f32 v55;
	v43 =	vadd.f32 v30, v39  }
0x113: {  	v61 =	vld [tilespmem:s0+$0xFFFFFF60];
	v57 =	vunpack.i.u.bf16.f32 v48;
	v32 =	vunpack.i.l.bf16.f32 v48;
	v23 =	vadd.f32 v23, v31  }
0x114: {  	v53 =	vld [tilespmem:s31+$0xFFFFFFA0];
	v26 =	vadd.f32 v62, v26;
	v48 =	vunpack.i.u.bf16.f32 v58;
	v52 =	vunpack.i.u.bf16.f32 v63  }
0x115: {  	v29 =	vunpack.i.l.bf16.f32 v63;
	v63 =	vld [tilespmem:s31+$0xFFFFFFD0];
	v59 =	vmul.f32 v32, v28;
	v60 =	vmul.f32 v57, v56  }
0x116: {  	v39 =	vunpack.i.u.bf16.f32 v45;
	v36 =	vunpack.i.l.bf16.f32 v45;
	v31 =	vunpack.i.l.bf16.f32 v47;
	v57 =	vld [tilespmem:s31+$0xFFFFFFB0]  }
0x117: {  	v34 =	vunpack.i.l.bf16.f32 v49;
	v24 =	vadd.f32 v43, v42;
	v42 =	vunpack.i.l.bf16.f32 v55;
	v55 =	vld [tilespmem:s0+$0xFFFFFFA0]  }
0x118: {  	v43 =	vunpack.i.u.bf16.f32 v38;
	v54 =	vunpack.i.u.bf16.f32 v41;
	v30 =	vunpack.i.l.bf16.f32 v41;
	v41 =	vld [tilespmem:s31+$0xFFFFFFC0]  }
0x119: {  	v31 =	vmul.f32 v31, v36;
	v25 =	vadd.f32 v59, v60;
	v46 =	vmul.f32 v44, v42;
	v60 =	vld [tilespmem:s0+$0xFFFFFFB0]  }
0x11a: {  	v28 =	vmul.f32 v43, v40;
	v50 =	vunpack.i.u.bf16.f32 v61;
	v32 =	vunpack.i.l.bf16.f32 v61;
	v44 =	vld [tilespmem:s0+$0xFFFFFFC0]  }
0x11b: {  	v40 =	vunpack.i.u.bf16.f32 v47;
	v29 =	vmul.f32 v30, v29;
	v56 =	vmul.f32 v54, v52;
	v52 =	vld [tilespmem:s0+$0xFFFFFFE0]  }
0x11c: {  	v59 =	vunpack.i.u.bf16.f32 v49;
	v61 =	vunpack.i.u.bf16.f32 v51;
	v42 =	vunpack.i.u.bf16.f32 v53;
	v54 =	vld [tilespmem:s31+$0xFFFFFFF0]  }
0x11d: {  	v35 =	vunpack.i.l.bf16.f32 v53;
	v32 =	vmul.f32 v32, v33;
	v62 =	vmul.f32 v61, v59;
	v61 =	vld [tilespmem:s0+$0x0]  }
0x11e: {  	v58 =	vmul.f32 v40, v39;
	v23 =	vadd.f32 v25, v23;
	v25 =	vmul.f32 v50, v48;
	v48 =	vld [tilespmem:s0+$0xFFFFFFD0]  }
0x11f: {  	v27 =	vadd.f32 v46, v28;
	v28 =	vunpack.i.l.bf16.f32 v51;
	v29 =	vadd.f32 v29, v56;
	v50 =	vld [tilespmem:s31+$0xFFFFFFE0]  }
0x120: {  	v56 =	vld [tilespmem:s0+$0xFFFFFFF0];
	v28 =	vmul.f32 v28, v34;
	v49 =	vadd.f32 v31, v58;
	v51 =	vunpack.i.u.bf16.f32 v57  }
0x121: {  	v33 =	vunpack.i.l.bf16.f32 v57;
	v58 =	vld [tilespmem:s31+$0x0];
	[tilespmem:$0xD238] =	vst v17;
	v17 =	vunpack.i.l.bf16.f32 v63;
	v43 =	vunpack.i.u.bf16.f32 v55  }
0x122: {  	v38 =	vunpack.i.l.bf16.f32 v55;
	v25 =	vadd.f32 v32, v25;
	v55 =	vunpack.i.u.bf16.f32 v41  }
0x123: {  	v41 =	vunpack.i.l.bf16.f32 v41;
	v46 =	vmul.f32 v38, v35;
	v47 =	vmul.f32 v43, v42  }
0x124: {  	v28 =	vadd.f32 v28, v62;
	v53 =	vunpack.i.u.bf16.f32 v60;
	v39 =	vunpack.i.l.bf16.f32 v60  }
0x125: {  	v57 =	vunpack.i.u.bf16.f32 v44;
	v44 =	vunpack.i.l.bf16.f32 v44;
	v29 =	vadd.f32 v49, v29  }
0x126: {  	v62 =	vunpack.i.u.bf16.f32 v63;
	v43 =	vunpack.i.l.bf16.f32 v52;
	v45 =	vunpack.i.u.bf16.f32 v54  }
0x127: {  	v33 =	vmul.f32 v39, v33;
	v34 =	vmul.f32 v53, v51;
	v25 =	vadd.f32 v25, v27  }
0x128: {  	[tilespmem:$0xD220] =	vst v16;
	v59 =	vmul.f32 v44, v41;
	v60 =	vmul.f32 v57, v55;
	v41 =	vunpack.i.u.bf16.f32 v52  }
0x129: {  	[tilespmem:$0xD250] =	vst v18;
	v51 =	vunpack.i.u.bf16.f32 v61;
	v52 =	vunpack.i.l.bf16.f32 v61;
	v32 =	vadd.f32 v46, v47  }
0x12a: {  	[tilespmem:$0xD268] =	vst v19;
	v63 =	vunpack.i.u.bf16.f32 v48;
	v37 =	vunpack.i.l.bf16.f32 v48;
	v38 =	vunpack.i.u.bf16.f32 v50  }
0x12b: {  	[tilespmem:$0xD280] =	vst v21;
	v31 =	vunpack.i.l.bf16.f32 v50;
	v46 =	vunpack.i.l.bf16.f32 v54;
	v47 =	vunpack.i.u.bf16.f32 v56  }
0x12c: {  	[tilespmem:$0xD298] =	vst v22;
	v48 =	vunpack.i.l.bf16.f32 v56;
	v16 =	vadd.f32 v33, v34;
	v17 =	vmul.f32 v37, v17  }
0x12d: {  	[tilespmem:$0xD2B0] =	vst v20;
	v27 =	vadd.f32 v59, v60;
	v30 =	vmul.f32 v63, v62;
	v44 =	vmul.f32 v43, v31  }
0x12e: {  	[tilespmem:$0xD2C8] =	vst v24;
	v18 =	vmul.f32 v41, v38;
	v49 =	vunpack.i.u.bf16.f32 v58;
	v50 =	vunpack.i.l.bf16.f32 v58  }
0x12f: {  	[tilespmem:$0xD2E0] =	vst v26;
	v22 =	vmul.f32 v48, v46;
	v19 =	vmul.f32 v47, v45;
	v28 =	vadd.f32 v32, v28  }
0x130: {  	[tilespmem:$0xD2F8] =	vst v23;
	v24 =	vmul.f32 v52, v50;
	v20 =	vmul.f32 v51, v49;
	v16 =	vadd.f32 v27, v16  }
0x131: {  	[tilespmem:$0xD328] =	vst v29;
	v17 =	vadd.f32 v17, v30;
	v18 =	vadd.f32 v44, v18  }
0x132: {  	[tilespmem:$0xD310] =	vst v25;
	v19 =	vadd.f32 v22, v19;
	v20 =	vadd.f32 v24, v20  }
0x133: {  	[tilespmem:$0xD340] =	vst v28;
	v17 =	vadd.f32 v18, v17  }
0x134: {  	[tilespmem:$0xD358] =	vst v16;
	v53 =	vadd.f32 v20, v19  }
0x135: {  	[tilespmem:$0xD370] =	vst v17  }
0x136: {  	s1 =	sshra.s32 s30, $0x2;
	[tilespmem:$0xD388] =	vst v53  }
0x137: {  	v16 =	vld [tilespmem:s1+$0x80]  }
0x138: {  	v17 =	vld [tilespmem:s1+$0x280];
	_ =	sdelay $0x3  }
0x139: {  	v16 =	vshll.u32 v16, $0x3  }
0x13a: {  	v17 =	vshll.u32 v17, $0x3;
	_ =	sdelay $0x3  }
0x13b: {  	v16 =	vld.idx.msk [tilespmem:v16+s16+$0x0], $0xffff  }
0x13c: {  	v17 =	vld.idx.msk [tilespmem:v17+s17+$0x0], $0xffff;
	_ =	sdelay $0x1  }
0x13d: {  	v18 =	vld.idx.msk [tilespmem:v0+s26+$0x0], $0xffff;
	_ =	sdelay $0x1  }
0x13e: {  	v54 =	vld.idx.msk [tilespmem:v1+s26+$0x0], $0xffff  }
0x13f: {  	v16 =	vadd.f32 v17, v16  }
0x140: {  	v17 =	vld.idx.msk [tilespmem:v2+s26+$0x0], $0xffff  }
0x141: {  	v16 =	vadd.f32 v18, v16  }
0x142: {  	v55 =	vld.idx.msk [tilespmem:v3+s26+$0x0], $0xffff  }
0x143: {  	v16 =	vadd.f32 v54, v16  }
0x144: {  	v56 =	vld.idx.msk [tilespmem:v4+s26+$0x0], $0xffff  }
0x145: {  	v16 =	vadd.f32 v17, v16  }
0x146: {  	v17 =	vld.idx.msk [tilespmem:v5+s26+$0x0], $0xffff  }
0x147: {  	v16 =	vadd.f32 v55, v16  }
0x148: {  	v57 =	vld.idx.msk [tilespmem:v6+s26+$0x0], $0xffff  }
0x149: {  	v16 =	vadd.f32 v56, v16  }
0x14a: {  	v58 =	vld.idx.msk [tilespmem:v7+s26+$0x0], $0xffff  }
0x14b: {  	v16 =	vadd.f32 v17, v16  }
0x14c: {  	v17 =	vld.idx.msk [tilespmem:v8+s26+$0x0], $0xffff  }
0x14d: {  	v16 =	vadd.f32 v57, v16  }
0x14e: {  	v59 =	vld.idx.msk [tilespmem:v9+s26+$0x0], $0xffff  }
0x14f: {  	v16 =	vadd.f32 v58, v16  }
0x150: {  	v60 =	vld.idx.msk [tilespmem:v10+s26+$0x0], $0xffff  }
0x151: {  	v16 =	vadd.f32 v17, v16  }
0x152: {  	v17 =	vld.idx.msk [tilespmem:v11+s26+$0x0], $0xffff  }
0x153: {  	v16 =	vadd.f32 v59, v16  }
0x154: {  	v61 =	vld.idx.msk [tilespmem:v12+s26+$0x0], $0xffff  }
0x155: {  	v16 =	vadd.f32 v60, v16  }
0x156: {  	v62 =	vld.idx.msk [tilespmem:v13+s26+$0x0], $0xffff  }
0x157: {  	v16 =	vadd.f32 v17, v16  }
0x158: {  	v17 =	vld.idx.msk [tilespmem:v14+s26+$0x0], $0xffff  }
0x159: {  	v16 =	vadd.f32 v61, v16  }
0x15a: {  	v63 =	vld.idx.msk [tilespmem:v15+s26+$0x0], $0xffff  }
0x15b: {  	v16 =	vadd.f32 v62, v16  }
0x15c: {  	p0 =	sne.s32 s30, $0x1C0  }
.Ltmp1:
0x15d: {  	v16 =	vadd.f32 v17, v16;
	(pc) =	sbr.rel @p0 .LBB2_4-.Ltmp1, $3  }
0x15e: {  	_ = 	snop  }
0x15f: {  	v16 =	vadd.f32 v63, v16;
	_ =	sdelay $0x1  }
0x160: {  	s30 =	sadd.s32 $0x40, s30;
	s0 =	sadd.s32 $0x200, s0;
	s31 =	sadd.s32 $0x200, s31;
	[tilespmem:s1+$0xD420] =	vst v16  }
0x161: {  	_ =	swait.ge [sflag:s24], $0x1000  }
0x162: {  	[sflag:s24] =	ssyncset.done $0x0  }
0x163: {  	[sflag:s24] =	ssyncadd.s32 $0xFFFFF000  }
0x164: {  	_ =	swait.ge [sflag:s25], $0x1000  }
0x165: {  	s30 =	simm.s32 $0x0;
	[sflag:s25] =	ssyncset.done $0x0  }
0x166: {  	s31 =	simm.s32 $0x25F0;
	s0 =	simm.s32 $0x65F0;
	[sflag:s25] =	ssyncadd.s32 $0xFFFFF000  }
.LBB2_6:
0x167: {  	v16 =	vld [tilespmem:s31+$0xFFFFFE10]  }
0x168: {  	v17 =	vld [tilespmem:s0+$0xFFFFFE10]  }
0x169: {  	v18 =	vld [tilespmem:s31+$0xFFFFFE20]  }
0x16a: {  	v19 =	vld [tilespmem:s0+$0xFFFFFE20]  }
0x16b: {  	v21 =	vld [tilespmem:s31+$0xFFFFFE30]  }
0x16c: {  	v23 =	vld [tilespmem:s0+$0xFFFFFE30]  }
0x16d: {  	v26 =	vld [tilespmem:s31+$0xFFFFFE40]  }
0x16e: {  	v59 =	vld [tilespmem:s0+$0xFFFFFE40]  }
0x16f: {  	v62 =	vld [tilespmem:s31+$0xFFFFFE50]  }
0x170: {  	v32 =	vld [tilespmem:s0+$0xFFFFFE50]  }
0x171: {  	v28 =	vld [tilespmem:s31+$0xFFFFFE60]  }
0x172: {  	v34 =	vld [tilespmem:s0+$0xFFFFFE60]  }
0x173: {  	v36 =	vld [tilespmem:s31+$0xFFFFFE70]  }
0x174: {  	v38 =	vld [tilespmem:s31+$0xFFFFFE80];
	v20 =	vunpack.i.u.bf16.f32 v16;
	v16 =	vunpack.i.l.bf16.f32 v16;
	v22 =	vunpack.i.u.bf16.f32 v17  }
0x175: {  	v40 =	vld [tilespmem:s0+$0xFFFFFE80];
	v17 =	vunpack.i.l.bf16.f32 v17;
	v24 =	vunpack.i.u.bf16.f32 v18;
	v18 =	vunpack.i.l.bf16.f32 v18  }
0x176: {  	v44 =	vld [tilespmem:s31+$0xFFFFFE90];
	v25 =	vunpack.i.u.bf16.f32 v19;
	v19 =	vunpack.i.l.bf16.f32 v19;
	v61 =	vunpack.i.u.bf16.f32 v21  }
0x177: {  	v21 =	vunpack.i.l.bf16.f32 v21;
	v63 =	vunpack.i.u.bf16.f32 v23;
	v23 =	vunpack.i.l.bf16.f32 v23  }
0x178: {  	v33 =	vunpack.i.u.bf16.f32 v26;
	v26 =	vunpack.i.l.bf16.f32 v26;
	v27 =	vunpack.i.u.bf16.f32 v59  }
0x179: {  	v37 =	vunpack.i.u.bf16.f32 v62;
	v39 =	vunpack.i.u.bf16.f32 v32;
	v29 =	vunpack.i.u.bf16.f32 v28  }
0x17a: {  	v28 =	vunpack.i.l.bf16.f32 v28;
	v30 =	vunpack.i.u.bf16.f32 v34;
	v42 =	vunpack.i.u.bf16.f32 v36  }
0x17b: {  	v46 =	vld [tilespmem:s31+$0xFFFFFEA0];
	v45 =	vunpack.i.u.bf16.f32 v38;
	v31 =	vunpack.i.u.bf16.f32 v40;
	v53 =	vunpack.i.u.bf16.f32 v44  }
0x17c: {  	v49 =	vld [tilespmem:s0+$0xFFFFFEA0];
	v55 =	vunpack.i.l.bf16.f32 v44;
	v16 =	vmul.f32 v17, v16;
	v17 =	vmul.f32 v22, v20  }
0x17d: {  	v51 =	vld [tilespmem:s31+$0xFFFFFEB0];
	v18 =	vmul.f32 v19, v18;
	v60 =	vmul.f32 v25, v24;
	v20 =	vunpack.i.l.bf16.f32 v59  }
0x17e: {  	v54 =	vld [tilespmem:s0+$0xFFFFFEB0];
	v21 =	vmul.f32 v23, v21;
	v35 =	vmul.f32 v27, v33;
	v19 =	vunpack.i.l.bf16.f32 v62  }
0x17f: {  	v58 =	vld [tilespmem:s31+$0xFFFFFEC0];
	v24 =	vunpack.i.l.bf16.f32 v32;
	v22 =	vunpack.i.l.bf16.f32 v34;
	v41 =	vmul.f32 v30, v29  }
0x180: {  	v25 =	vunpack.i.l.bf16.f32 v36;
	v23 =	vunpack.i.l.bf16.f32 v38;
	v32 =	vld [tilespmem:s0+$0xFFFFFE90];
	v27 =	vunpack.i.l.bf16.f32 v40  }
0x181: {  	v48 =	vmul.f32 v31, v45;
	v62 =	vunpack.i.l.bf16.f32 v46;
	v36 =	vunpack.i.u.bf16.f32 v49;
	v45 =	vld [tilespmem:s31+$0xFFFFFEF0]  }
0x182: {  	v38 =	vunpack.i.u.bf16.f32 v51;
	v47 =	vmul.f32 v27, v23;
	v23 =	vunpack.i.l.bf16.f32 v49;
	v49 =	vld [tilespmem:s0+$0xFFFFFF00]  }
0x183: {  	v22 =	vmul.f32 v22, v28;
	v16 =	vadd.f32 v16, v17;
	v17 =	vadd.f32 v18, v60;
	v60 =	vld [tilespmem:s0+$0xFFFFFEC0]  }
0x184: {  	v40 =	vunpack.i.u.bf16.f32 v54;
	v33 =	vunpack.i.u.bf16.f32 v58;
	v18 =	vmul.f32 v63, v61;
	v63 =	vld [tilespmem:s31+$0xFFFFFED0]  }
0x185: {  	v31 =	vunpack.i.l.bf16.f32 v58;
	v20 =	vmul.f32 v20, v26;
	v50 =	vadd.f32 v22, v41;
	v41 =	vld [tilespmem:s0+$0xFFFFFEE0]  }
0x186: {  	v19 =	vmul.f32 v24, v19;
	v24 =	vmul.f32 v40, v38;
	v16 =	vadd.f32 v17, v16;
	v17 =	vld [tilespmem:s0+$0xFFFFFE70]  }
0x187: {  	v61 =	vunpack.i.u.bf16.f32 v46;
	v18 =	vadd.f32 v21, v18;
	v21 =	vmul.f32 v39, v37;
	v37 =	vld [tilespmem:s0+$0xFFFFFED0]  }
0x188: {  	v23 =	vmul.f32 v23, v62;
	v20 =	vadd.f32 v20, v35;
	v22 =	vunpack.i.l.bf16.f32 v51;
	v39 =	vld [tilespmem:s31+$0xFFFFFEE0]  }
0x189: {  	v56 =	vunpack.i.u.bf16.f32 v32;
	v57 =	vunpack.i.l.bf16.f32 v32;
	v19 =	vadd.f32 v19, v21  }
0x18a: {  	v59 =	vmul.f32 v57, v55;
	v55 =	vunpack.i.l.bf16.f32 v45;
	v30 =	vunpack.i.l.bf16.f32 v49  }
0x18b: {  	v58 =	vld [tilespmem:s0+$0xFFFFFF10];
	v34 =	vunpack.i.u.bf16.f32 v60;
	v27 =	vunpack.i.l.bf16.f32 v60;
	v44 =	vunpack.i.u.bf16.f32 v63  }
0x18c: {  	v40 =	vld [tilespmem:s31+$0xFFFFFF30];
	v28 =	vunpack.i.l.bf16.f32 v63;
	v32 =	vunpack.i.l.bf16.f32 v41;
	v43 =	vunpack.i.u.bf16.f32 v17  }
0x18d: {  	v17 =	vunpack.i.l.bf16.f32 v17;
	v46 =	vunpack.i.u.bf16.f32 v37;
	v35 =	vunpack.i.u.bf16.f32 v39  }
0x18e: {  	v63 =	vld [tilespmem:s0+$0xFFFFFF20];
	v29 =	vunpack.i.l.bf16.f32 v39;
	v25 =	vmul.f32 v17, v25;
	v26 =	vmul.f32 v43, v42  }
0x18f: {  	v17 =	vadd.f32 v20, v18;
	v20 =	vadd.f32 v47, v48;
	v42 =	vmul.f32 v27, v31  }
0x190: {  	v18 =	vadd.f32 v50, v19;
	v43 =	vmul.f32 v34, v33;
	v48 =	vmul.f32 v46, v44  }
0x191: {  	v62 =	vld [tilespmem:s31+$0xFFFFFF20];
	v50 =	vmul.f32 v32, v29;
	v46 =	vunpack.i.u.bf16.f32 v58;
	v33 =	vunpack.i.l.bf16.f32 v40  }
0x192: {  	v47 =	vld [tilespmem:s0+$0xFFFFFEF0];
	v52 =	vadd.f32 v25, v26;
	v25 =	vmul.f32 v56, v53;
	v26 =	vunpack.i.l.bf16.f32 v54  }
0x193: {  	v53 =	vunpack.i.u.bf16.f32 v45;
	v29 =	vunpack.i.l.bf16.f32 v63;
	v22 =	vmul.f32 v26, v22  }
0x194: {  	v19 =	vadd.f32 v20, v52;
	v21 =	vadd.f32 v59, v25;
	v20 =	vmul.f32 v36, v61  }
0x195: {  	v25 =	vunpack.i.l.bf16.f32 v37;
	v36 =	vunpack.i.u.bf16.f32 v41;
	v52 =	vadd.f32 v42, v43  }
0x196: {  	v54 =	vld [tilespmem:s31+$0xFFFFFF10];
	v61 =	vunpack.i.u.bf16.f32 v49;
	v49 =	vunpack.i.u.bf16.f32 v62;
	v25 =	vmul.f32 v25, v28  }
0x197: {  	v45 =	vld [tilespmem:s31+$0xFFFFFF40];
	v51 =	vmul.f32 v36, v35;
	v22 =	vadd.f32 v22, v24;
	v56 =	vunpack.i.u.bf16.f32 v47  }
0x198: {  	v38 =	vld [tilespmem:s0+$0xFFFFFF50];
	v57 =	vunpack.i.l.bf16.f32 v47;
	v47 =	vunpack.i.l.bf16.f32 v58;
	v20 =	vadd.f32 v23, v20  }
0x199: {  	v37 =	vld [tilespmem:s31+$0xFFFFFF00];
	v28 =	vmul.f32 v57, v55;
	v26 =	vmul.f32 v56, v53;
	v25 =	vadd.f32 v25, v48  }
0x19a: {  	v41 =	vld [tilespmem:s0+$0xFFFFFF30];
	v53 =	vunpack.i.u.bf16.f32 v40;
	v23 =	vadd.f32 v50, v51;
	v22 =	vadd.f32 v52, v22  }
0x19b: {  	v58 =	vld [tilespmem:s31+$0xFFFFFF60];
	v44 =	vunpack.i.u.bf16.f32 v54;
	v27 =	vunpack.i.l.bf16.f32 v54;
	v50 =	vunpack.i.l.bf16.f32 v62  }
0x19c: {  	v55 =	vld [tilespmem:s31+$0xFFFFFF50];
	v51 =	vunpack.i.u.bf16.f32 v63;
	v56 =	vunpack.i.u.bf16.f32 v45;
	v21 =	vadd.f32 v20, v21  }
0x19d: {  	v48 =	vld [tilespmem:s0+$0xFFFFFF40];
	v42 =	vadd.f32 v28, v26;
	v27 =	vmul.f32 v47, v27;
	v26 =	vmul.f32 v46, v44  }
0x19e: {  	v63 =	vld [tilespmem:s31+$0xFFFFFF70];
	v29 =	vmul.f32 v29, v50;
	v52 =	vmul.f32 v51, v49;
	v28 =	vunpack.i.l.bf16.f32 v45  }
0x19f: {  	v44 =	vunpack.i.l.bf16.f32 v38;
	v45 =	vld [tilespmem:s31+$0xFFFFFF80];
	v59 =	vunpack.i.u.bf16.f32 v37;
	v60 =	vunpack.i.l.bf16.f32 v37  }
0x1a0: {  	v47 =	vld [tilespmem:s0+$0xFFFFFF80];
	v20 =	vadd.f32 v23, v25;
	v23 =	vunpack.i.l.bf16.f32 v41;
	v30 =	vmul.f32 v30, v60  }
0x1a1: {  	v49 =	vld [tilespmem:s31+$0xFFFFFF90];
	v54 =	vunpack.i.u.bf16.f32 v41;
	v39 =	vmul.f32 v61, v59;
	v23 =	vmul.f32 v23, v33  }
0x1a2: {  	v51 =	vld [tilespmem:s0+$0xFFFFFF90];
	v31 =	vmul.f32 v54, v53;
	v26 =	vadd.f32 v27, v26;
	v62 =	vadd.f32 v29, v52  }
0x1a3: {  	v41 =	vld [tilespmem:s0+$0xFFFFFF70];
	v33 =	vunpack.i.l.bf16.f32 v58;
	v40 =	vunpack.i.u.bf16.f32 v55;
	v43 =	vadd.f32 v30, v39  }
0x1a4: {  	v61 =	vld [tilespmem:s0+$0xFFFFFF60];
	v57 =	vunpack.i.u.bf16.f32 v48;
	v32 =	vunpack.i.l.bf16.f32 v48;
	v23 =	vadd.f32 v23, v31  }
0x1a5: {  	v53 =	vld [tilespmem:s31+$0xFFFFFFA0];
	v26 =	vadd.f32 v62, v26;
	v48 =	vunpack.i.u.bf16.f32 v58;
	v52 =	vunpack.i.u.bf16.f32 v63  }
0x1a6: {  	v29 =	vunpack.i.l.bf16.f32 v63;
	v63 =	vld [tilespmem:s31+$0xFFFFFFD0];
	v59 =	vmul.f32 v32, v28;
	v60 =	vmul.f32 v57, v56  }
0x1a7: {  	v39 =	vunpack.i.u.bf16.f32 v45;
	v36 =	vunpack.i.l.bf16.f32 v45;
	v31 =	vunpack.i.l.bf16.f32 v47;
	v57 =	vld [tilespmem:s31+$0xFFFFFFB0]  }
0x1a8: {  	v34 =	vunpack.i.l.bf16.f32 v49;
	v24 =	vadd.f32 v43, v42;
	v42 =	vunpack.i.l.bf16.f32 v55;
	v55 =	vld [tilespmem:s0+$0xFFFFFFA0]  }
0x1a9: {  	v43 =	vunpack.i.u.bf16.f32 v38;
	v54 =	vunpack.i.u.bf16.f32 v41;
	v30 =	vunpack.i.l.bf16.f32 v41;
	v41 =	vld [tilespmem:s31+$0xFFFFFFC0]  }
0x1aa: {  	v31 =	vmul.f32 v31, v36;
	v25 =	vadd.f32 v59, v60;
	v46 =	vmul.f32 v44, v42;
	v60 =	vld [tilespmem:s0+$0xFFFFFFB0]  }
0x1ab: {  	v28 =	vmul.f32 v43, v40;
	v50 =	vunpack.i.u.bf16.f32 v61;
	v32 =	vunpack.i.l.bf16.f32 v61;
	v44 =	vld [tilespmem:s0+$0xFFFFFFC0]  }
0x1ac: {  	v40 =	vunpack.i.u.bf16.f32 v47;
	v29 =	vmul.f32 v30, v29;
	v56 =	vmul.f32 v54, v52;
	v52 =	vld [tilespmem:s0+$0xFFFFFFE0]  }
0x1ad: {  	v59 =	vunpack.i.u.bf16.f32 v49;
	v61 =	vunpack.i.u.bf16.f32 v51;
	v42 =	vunpack.i.u.bf16.f32 v53;
	v54 =	vld [tilespmem:s31+$0xFFFFFFF0]  }
0x1ae: {  	v35 =	vunpack.i.l.bf16.f32 v53;
	v32 =	vmul.f32 v32, v33;
	v62 =	vmul.f32 v61, v59;
	v61 =	vld [tilespmem:s0+$0x0]  }
0x1af: {  	v58 =	vmul.f32 v40, v39;
	v23 =	vadd.f32 v25, v23;
	v25 =	vmul.f32 v50, v48;
	v48 =	vld [tilespmem:s0+$0xFFFFFFD0]  }
0x1b0: {  	v27 =	vadd.f32 v46, v28;
	v28 =	vunpack.i.l.bf16.f32 v51;
	v29 =	vadd.f32 v29, v56;
	v50 =	vld [tilespmem:s31+$0xFFFFFFE0]  }
0x1b1: {  	v56 =	vld [tilespmem:s0+$0xFFFFFFF0];
	v28 =	vmul.f32 v28, v34;
	v49 =	vadd.f32 v31, v58;
	v51 =	vunpack.i.u.bf16.f32 v57  }
0x1b2: {  	v33 =	vunpack.i.l.bf16.f32 v57;
	v58 =	vld [tilespmem:s31+$0x0];
	[tilespmem:$0xD238] =	vst v17;
	v17 =	vunpack.i.l.bf16.f32 v63;
	v43 =	vunpack.i.u.bf16.f32 v55  }
0x1b3: {  	v38 =	vunpack.i.l.bf16.f32 v55;
	v25 =	vadd.f32 v32, v25;
	v55 =	vunpack.i.u.bf16.f32 v41  }
0x1b4: {  	v41 =	vunpack.i.l.bf16.f32 v41;
	v46 =	vmul.f32 v38, v35;
	v47 =	vmul.f32 v43, v42  }
0x1b5: {  	v28 =	vadd.f32 v28, v62;
	v53 =	vunpack.i.u.bf16.f32 v60;
	v39 =	vunpack.i.l.bf16.f32 v60  }
0x1b6: {  	v57 =	vunpack.i.u.bf16.f32 v44;
	v44 =	vunpack.i.l.bf16.f32 v44;
	v29 =	vadd.f32 v49, v29  }
0x1b7: {  	v62 =	vunpack.i.u.bf16.f32 v63;
	v43 =	vunpack.i.l.bf16.f32 v52;
	v45 =	vunpack.i.u.bf16.f32 v54  }
0x1b8: {  	v33 =	vmul.f32 v39, v33;
	v34 =	vmul.f32 v53, v51;
	v25 =	vadd.f32 v25, v27  }
0x1b9: {  	[tilespmem:$0xD220] =	vst v16;
	v59 =	vmul.f32 v44, v41;
	v60 =	vmul.f32 v57, v55;
	v41 =	vunpack.i.u.bf16.f32 v52  }
0x1ba: {  	[tilespmem:$0xD250] =	vst v18;
	v51 =	vunpack.i.u.bf16.f32 v61;
	v52 =	vunpack.i.l.bf16.f32 v61;
	v32 =	vadd.f32 v46, v47  }
0x1bb: {  	[tilespmem:$0xD268] =	vst v19;
	v63 =	vunpack.i.u.bf16.f32 v48;
	v37 =	vunpack.i.l.bf16.f32 v48;
	v38 =	vunpack.i.u.bf16.f32 v50  }
0x1bc: {  	[tilespmem:$0xD280] =	vst v21;
	v31 =	vunpack.i.l.bf16.f32 v50;
	v46 =	vunpack.i.l.bf16.f32 v54;
	v47 =	vunpack.i.u.bf16.f32 v56  }
0x1bd: {  	[tilespmem:$0xD298] =	vst v22;
	v48 =	vunpack.i.l.bf16.f32 v56;
	v16 =	vadd.f32 v33, v34;
	v17 =	vmul.f32 v37, v17  }
0x1be: {  	[tilespmem:$0xD2B0] =	vst v20;
	v27 =	vadd.f32 v59, v60;
	v30 =	vmul.f32 v63, v62;
	v44 =	vmul.f32 v43, v31  }
0x1bf: {  	[tilespmem:$0xD2C8] =	vst v24;
	v18 =	vmul.f32 v41, v38;
	v49 =	vunpack.i.u.bf16.f32 v58;
	v50 =	vunpack.i.l.bf16.f32 v58  }
0x1c0: {  	[tilespmem:$0xD2E0] =	vst v26;
	v22 =	vmul.f32 v48, v46;
	v19 =	vmul.f32 v47, v45;
	v28 =	vadd.f32 v32, v28  }
0x1c1: {  	[tilespmem:$0xD2F8] =	vst v23;
	v24 =	vmul.f32 v52, v50;
	v20 =	vmul.f32 v51, v49;
	v16 =	vadd.f32 v27, v16  }
0x1c2: {  	[tilespmem:$0xD328] =	vst v29;
	v17 =	vadd.f32 v17, v30;
	v18 =	vadd.f32 v44, v18  }
0x1c3: {  	[tilespmem:$0xD310] =	vst v25;
	v19 =	vadd.f32 v22, v19;
	v20 =	vadd.f32 v24, v20  }
0x1c4: {  	[tilespmem:$0xD340] =	vst v28;
	v17 =	vadd.f32 v18, v17  }
0x1c5: {  	[tilespmem:$0xD358] =	vst v16;
	v53 =	vadd.f32 v20, v19  }
0x1c6: {  	[tilespmem:$0xD370] =	vst v17  }
0x1c7: {  	s1 =	sshra.s32 s30, $0x2;
	[tilespmem:$0xD388] =	vst v53  }
0x1c8: {  	v16 =	vld [tilespmem:s1+$0x100]  }
0x1c9: {  	v17 =	vld [tilespmem:s1+$0x300];
	_ =	sdelay $0x3  }
0x1ca: {  	v16 =	vshll.u32 v16, $0x3  }
0x1cb: {  	v17 =	vshll.u32 v17, $0x3;
	_ =	sdelay $0x3  }
0x1cc: {  	v16 =	vld.idx.msk [tilespmem:v16+s16+$0x0], $0xffff  }
0x1cd: {  	v17 =	vld.idx.msk [tilespmem:v17+s17+$0x0], $0xffff;
	_ =	sdelay $0x1  }
0x1ce: {  	v18 =	vld.idx.msk [tilespmem:v0+s26+$0x0], $0xffff;
	_ =	sdelay $0x1  }
0x1cf: {  	v54 =	vld.idx.msk [tilespmem:v1+s26+$0x0], $0xffff  }
0x1d0: {  	v16 =	vadd.f32 v17, v16  }
0x1d1: {  	v17 =	vld.idx.msk [tilespmem:v2+s26+$0x0], $0xffff  }
0x1d2: {  	v16 =	vadd.f32 v18, v16  }
0x1d3: {  	v55 =	vld.idx.msk [tilespmem:v3+s26+$0x0], $0xffff  }
0x1d4: {  	v16 =	vadd.f32 v54, v16  }
0x1d5: {  	v56 =	vld.idx.msk [tilespmem:v4+s26+$0x0], $0xffff  }
0x1d6: {  	v16 =	vadd.f32 v17, v16  }
0x1d7: {  	v17 =	vld.idx.msk [tilespmem:v5+s26+$0x0], $0xffff  }
0x1d8: {  	v16 =	vadd.f32 v55, v16  }
0x1d9: {  	v57 =	vld.idx.msk [tilespmem:v6+s26+$0x0], $0xffff  }
0x1da: {  	v16 =	vadd.f32 v56, v16  }
0x1db: {  	v58 =	vld.idx.msk [tilespmem:v7+s26+$0x0], $0xffff  }
0x1dc: {  	v16 =	vadd.f32 v17, v16  }
0x1dd: {  	v17 =	vld.idx.msk [tilespmem:v8+s26+$0x0], $0xffff  }
0x1de: {  	v16 =	vadd.f32 v57, v16  }
0x1df: {  	v59 =	vld.idx.msk [tilespmem:v9+s26+$0x0], $0xffff  }
0x1e0: {  	v16 =	vadd.f32 v58, v16  }
0x1e1: {  	v60 =	vld.idx.msk [tilespmem:v10+s26+$0x0], $0xffff  }
0x1e2: {  	v16 =	vadd.f32 v17, v16  }
0x1e3: {  	v17 =	vld.idx.msk [tilespmem:v11+s26+$0x0], $0xffff  }
0x1e4: {  	v16 =	vadd.f32 v59, v16  }
0x1e5: {  	v61 =	vld.idx.msk [tilespmem:v12+s26+$0x0], $0xffff  }
0x1e6: {  	v16 =	vadd.f32 v60, v16  }
0x1e7: {  	v62 =	vld.idx.msk [tilespmem:v13+s26+$0x0], $0xffff  }
0x1e8: {  	v16 =	vadd.f32 v17, v16  }
0x1e9: {  	v17 =	vld.idx.msk [tilespmem:v14+s26+$0x0], $0xffff  }
0x1ea: {  	v16 =	vadd.f32 v61, v16  }
0x1eb: {  	v63 =	vld.idx.msk [tilespmem:v15+s26+$0x0], $0xffff  }
0x1ec: {  	v16 =	vadd.f32 v62, v16  }
0x1ed: {  	p0 =	sne.s32 s30, $0x1C0  }
.Ltmp2:
0x1ee: {  	v16 =	vadd.f32 v17, v16;
	(pc) =	sbr.rel @p0 .LBB2_6-.Ltmp2, $3  }
0x1ef: {  	_ = 	snop  }
0x1f0: {  	v16 =	vadd.f32 v63, v16;
	_ =	sdelay $0x1  }
0x1f1: {  	s30 =	sadd.s32 $0x40, s30;
	s0 =	sadd.s32 $0x200, s0;
	s31 =	sadd.s32 $0x200, s31;
	[tilespmem:s1+$0xD4A0] =	vst v16  }
0x1f2: {  	_ =	swait.ge [sflag:s24], $0x1000  }
0x1f3: {  	[sflag:s24] =	ssyncset.done $0x0  }
0x1f4: {  	[sflag:s24] =	ssyncadd.s32 $0xFFFFF000  }
0x1f5: {  	_ =	swait.ge [sflag:s25], $0x1000  }
0x1f6: {  	s30 =	simm.s32 $0x0;
	[sflag:s25] =	ssyncset.done $0x0  }
0x1f7: {  	s31 =	simm.s32 $0x35F0;
	s0 =	simm.s32 $0x75F0;
	[sflag:s25] =	ssyncadd.s32 $0xFFFFF000  }
.LBB2_8:
0x1f8: {  	v16 =	vld [tilespmem:s31+$0xFFFFFE10]  }
0x1f9: {  	v17 =	vld [tilespmem:s0+$0xFFFFFE10]  }
0x1fa: {  	v18 =	vld [tilespmem:s31+$0xFFFFFE20]  }
0x1fb: {  	v19 =	vld [tilespmem:s0+$0xFFFFFE20]  }
0x1fc: {  	v21 =	vld [tilespmem:s31+$0xFFFFFE30]  }
0x1fd: {  	v23 =	vld [tilespmem:s0+$0xFFFFFE30]  }
0x1fe: {  	v26 =	vld [tilespmem:s31+$0xFFFFFE40]  }
0x1ff: {  	v59 =	vld [tilespmem:s0+$0xFFFFFE40]  }
0x200: {  	v62 =	vld [tilespmem:s31+$0xFFFFFE50]  }
0x201: {  	v32 =	vld [tilespmem:s0+$0xFFFFFE50]  }
0x202: {  	v28 =	vld [tilespmem:s31+$0xFFFFFE60]  }
0x203: {  	v34 =	vld [tilespmem:s0+$0xFFFFFE60]  }
0x204: {  	v36 =	vld [tilespmem:s31+$0xFFFFFE70]  }
0x205: {  	v38 =	vld [tilespmem:s31+$0xFFFFFE80];
	v20 =	vunpack.i.u.bf16.f32 v16;
	v16 =	vunpack.i.l.bf16.f32 v16;
	v22 =	vunpack.i.u.bf16.f32 v17  }
0x206: {  	v40 =	vld [tilespmem:s0+$0xFFFFFE80];
	v17 =	vunpack.i.l.bf16.f32 v17;
	v24 =	vunpack.i.u.bf16.f32 v18;
	v18 =	vunpack.i.l.bf16.f32 v18  }
0x207: {  	v44 =	vld [tilespmem:s31+$0xFFFFFE90];
	v25 =	vunpack.i.u.bf16.f32 v19;
	v19 =	vunpack.i.l.bf16.f32 v19;
	v61 =	vunpack.i.u.bf16.f32 v21  }
0x208: {  	v21 =	vunpack.i.l.bf16.f32 v21;
	v63 =	vunpack.i.u.bf16.f32 v23;
	v23 =	vunpack.i.l.bf16.f32 v23  }
0x209: {  	v33 =	vunpack.i.u.bf16.f32 v26;
	v26 =	vunpack.i.l.bf16.f32 v26;
	v27 =	vunpack.i.u.bf16.f32 v59  }
0x20a: {  	v37 =	vunpack.i.u.bf16.f32 v62;
	v39 =	vunpack.i.u.bf16.f32 v32;
	v29 =	vunpack.i.u.bf16.f32 v28  }
0x20b: {  	v28 =	vunpack.i.l.bf16.f32 v28;
	v30 =	vunpack.i.u.bf16.f32 v34;
	v42 =	vunpack.i.u.bf16.f32 v36  }
0x20c: {  	v46 =	vld [tilespmem:s31+$0xFFFFFEA0];
	v45 =	vunpack.i.u.bf16.f32 v38;
	v31 =	vunpack.i.u.bf16.f32 v40;
	v53 =	vunpack.i.u.bf16.f32 v44  }
0x20d: {  	v49 =	vld [tilespmem:s0+$0xFFFFFEA0];
	v55 =	vunpack.i.l.bf16.f32 v44;
	v16 =	vmul.f32 v17, v16;
	v17 =	vmul.f32 v22, v20  }
0x20e: {  	v51 =	vld [tilespmem:s31+$0xFFFFFEB0];
	v18 =	vmul.f32 v19, v18;
	v60 =	vmul.f32 v25, v24;
	v20 =	vunpack.i.l.bf16.f32 v59  }
0x20f: {  	v54 =	vld [tilespmem:s0+$0xFFFFFEB0];
	v21 =	vmul.f32 v23, v21;
	v35 =	vmul.f32 v27, v33;
	v19 =	vunpack.i.l.bf16.f32 v62  }
0x210: {  	v58 =	vld [tilespmem:s31+$0xFFFFFEC0];
	v24 =	vunpack.i.l.bf16.f32 v32;
	v22 =	vunpack.i.l.bf16.f32 v34;
	v41 =	vmul.f32 v30, v29  }
0x211: {  	v25 =	vunpack.i.l.bf16.f32 v36;
	v23 =	vunpack.i.l.bf16.f32 v38;
	v32 =	vld [tilespmem:s0+$0xFFFFFE90];
	v27 =	vunpack.i.l.bf16.f32 v40  }
0x212: {  	v48 =	vmul.f32 v31, v45;
	v62 =	vunpack.i.l.bf16.f32 v46;
	v36 =	vunpack.i.u.bf16.f32 v49;
	v45 =	vld [tilespmem:s31+$0xFFFFFEF0]  }
0x213: {  	v38 =	vunpack.i.u.bf16.f32 v51;
	v47 =	vmul.f32 v27, v23;
	v23 =	vunpack.i.l.bf16.f32 v49;
	v49 =	vld [tilespmem:s0+$0xFFFFFF00]  }
0x214: {  	v22 =	vmul.f32 v22, v28;
	v16 =	vadd.f32 v16, v17;
	v17 =	vadd.f32 v18, v60;
	v60 =	vld [tilespmem:s0+$0xFFFFFEC0]  }
0x215: {  	v40 =	vunpack.i.u.bf16.f32 v54;
	v33 =	vunpack.i.u.bf16.f32 v58;
	v18 =	vmul.f32 v63, v61;
	v63 =	vld [tilespmem:s31+$0xFFFFFED0]  }
0x216: {  	v31 =	vunpack.i.l.bf16.f32 v58;
	v20 =	vmul.f32 v20, v26;
	v50 =	vadd.f32 v22, v41;
	v41 =	vld [tilespmem:s0+$0xFFFFFEE0]  }
0x217: {  	v19 =	vmul.f32 v24, v19;
	v24 =	vmul.f32 v40, v38;
	v16 =	vadd.f32 v17, v16;
	v17 =	vld [tilespmem:s0+$0xFFFFFE70]  }
0x218: {  	v61 =	vunpack.i.u.bf16.f32 v46;
	v18 =	vadd.f32 v21, v18;
	v21 =	vmul.f32 v39, v37;
	v37 =	vld [tilespmem:s0+$0xFFFFFED0]  }
0x219: {  	v23 =	vmul.f32 v23, v62;
	v20 =	vadd.f32 v20, v35;
	v22 =	vunpack.i.l.bf16.f32 v51;
	v39 =	vld [tilespmem:s31+$0xFFFFFEE0]  }
0x21a: {  	v56 =	vunpack.i.u.bf16.f32 v32;
	v57 =	vunpack.i.l.bf16.f32 v32;
	v19 =	vadd.f32 v19, v21  }
0x21b: {  	v59 =	vmul.f32 v57, v55;
	v55 =	vunpack.i.l.bf16.f32 v45;
	v30 =	vunpack.i.l.bf16.f32 v49  }
0x21c: {  	v58 =	vld [tilespmem:s0+$0xFFFFFF10];
	v34 =	vunpack.i.u.bf16.f32 v60;
	v27 =	vunpack.i.l.bf16.f32 v60;
	v44 =	vunpack.i.u.bf16.f32 v63  }
0x21d: {  	v40 =	vld [tilespmem:s31+$0xFFFFFF30];
	v28 =	vunpack.i.l.bf16.f32 v63;
	v32 =	vunpack.i.l.bf16.f32 v41;
	v43 =	vunpack.i.u.bf16.f32 v17  }
0x21e: {  	v17 =	vunpack.i.l.bf16.f32 v17;
	v46 =	vunpack.i.u.bf16.f32 v37;
	v35 =	vunpack.i.u.bf16.f32 v39  }
0x21f: {  	v63 =	vld [tilespmem:s0+$0xFFFFFF20];
	v29 =	vunpack.i.l.bf16.f32 v39;
	v25 =	vmul.f32 v17, v25;
	v26 =	vmul.f32 v43, v42  }
0x220: {  	v17 =	vadd.f32 v20, v18;
	v20 =	vadd.f32 v47, v48;
	v42 =	vmul.f32 v27, v31  }
0x221: {  	v18 =	vadd.f32 v50, v19;
	v43 =	vmul.f32 v34, v33;
	v48 =	vmul.f32 v46, v44  }
0x222: {  	v62 =	vld [tilespmem:s31+$0xFFFFFF20];
	v50 =	vmul.f32 v32, v29;
	v46 =	vunpack.i.u.bf16.f32 v58;
	v33 =	vunpack.i.l.bf16.f32 v40  }
0x223: {  	v47 =	vld [tilespmem:s0+$0xFFFFFEF0];
	v52 =	vadd.f32 v25, v26;
	v25 =	vmul.f32 v56, v53;
	v26 =	vunpack.i.l.bf16.f32 v54  }
0x224: {  	v53 =	vunpack.i.u.bf16.f32 v45;
	v29 =	vunpack.i.l.bf16.f32 v63;
	v22 =	vmul.f32 v26, v22  }
0x225: {  	v19 =	vadd.f32 v20, v52;
	v21 =	vadd.f32 v59, v25;
	v20 =	vmul.f32 v36, v61  }
0x226: {  	v25 =	vunpack.i.l.bf16.f32 v37;
	v36 =	vunpack.i.u.bf16.f32 v41;
	v52 =	vadd.f32 v42, v43  }
0x227: {  	v54 =	vld [tilespmem:s31+$0xFFFFFF10];
	v61 =	vunpack.i.u.bf16.f32 v49;
	v49 =	vunpack.i.u.bf16.f32 v62;
	v25 =	vmul.f32 v25, v28  }
0x228: {  	v45 =	vld [tilespmem:s31+$0xFFFFFF40];
	v51 =	vmul.f32 v36, v35;
	v22 =	vadd.f32 v22, v24;
	v56 =	vunpack.i.u.bf16.f32 v47  }
0x229: {  	v38 =	vld [tilespmem:s0+$0xFFFFFF50];
	v57 =	vunpack.i.l.bf16.f32 v47;
	v47 =	vunpack.i.l.bf16.f32 v58;
	v20 =	vadd.f32 v23, v20  }
0x22a: {  	v37 =	vld [tilespmem:s31+$0xFFFFFF00];
	v28 =	vmul.f32 v57, v55;
	v26 =	vmul.f32 v56, v53;
	v25 =	vadd.f32 v25, v48  }
0x22b: {  	v41 =	vld [tilespmem:s0+$0xFFFFFF30];
	v53 =	vunpack.i.u.bf16.f32 v40;
	v23 =	vadd.f32 v50, v51;
	v22 =	vadd.f32 v52, v22  }
0x22c: {  	v58 =	vld [tilespmem:s31+$0xFFFFFF60];
	v44 =	vunpack.i.u.bf16.f32 v54;
	v27 =	vunpack.i.l.bf16.f32 v54;
	v50 =	vunpack.i.l.bf16.f32 v62  }
0x22d: {  	v55 =	vld [tilespmem:s31+$0xFFFFFF50];
	v51 =	vunpack.i.u.bf16.f32 v63;
	v56 =	vunpack.i.u.bf16.f32 v45;
	v21 =	vadd.f32 v20, v21  }
0x22e: {  	v48 =	vld [tilespmem:s0+$0xFFFFFF40];
	v42 =	vadd.f32 v28, v26;
	v27 =	vmul.f32 v47, v27;
	v26 =	vmul.f32 v46, v44  }
0x22f: {  	v63 =	vld [tilespmem:s31+$0xFFFFFF70];
	v29 =	vmul.f32 v29, v50;
	v52 =	vmul.f32 v51, v49;
	v28 =	vunpack.i.l.bf16.f32 v45  }
0x230: {  	v44 =	vunpack.i.l.bf16.f32 v38;
	v45 =	vld [tilespmem:s31+$0xFFFFFF80];
	v59 =	vunpack.i.u.bf16.f32 v37;
	v60 =	vunpack.i.l.bf16.f32 v37  }
0x231: {  	v47 =	vld [tilespmem:s0+$0xFFFFFF80];
	v20 =	vadd.f32 v23, v25;
	v23 =	vunpack.i.l.bf16.f32 v41;
	v30 =	vmul.f32 v30, v60  }
0x232: {  	v49 =	vld [tilespmem:s31+$0xFFFFFF90];
	v54 =	vunpack.i.u.bf16.f32 v41;
	v39 =	vmul.f32 v61, v59;
	v23 =	vmul.f32 v23, v33  }
0x233: {  	v51 =	vld [tilespmem:s0+$0xFFFFFF90];
	v31 =	vmul.f32 v54, v53;
	v26 =	vadd.f32 v27, v26;
	v62 =	vadd.f32 v29, v52  }
0x234: {  	v41 =	vld [tilespmem:s0+$0xFFFFFF70];
	v33 =	vunpack.i.l.bf16.f32 v58;
	v40 =	vunpack.i.u.bf16.f32 v55;
	v43 =	vadd.f32 v30, v39  }
0x235: {  	v61 =	vld [tilespmem:s0+$0xFFFFFF60];
	v57 =	vunpack.i.u.bf16.f32 v48;
	v32 =	vunpack.i.l.bf16.f32 v48;
	v23 =	vadd.f32 v23, v31  }
0x236: {  	v53 =	vld [tilespmem:s31+$0xFFFFFFA0];
	v26 =	vadd.f32 v62, v26;
	v48 =	vunpack.i.u.bf16.f32 v58;
	v52 =	vunpack.i.u.bf16.f32 v63  }
0x237: {  	v29 =	vunpack.i.l.bf16.f32 v63;
	v63 =	vld [tilespmem:s31+$0xFFFFFFD0];
	v59 =	vmul.f32 v32, v28;
	v60 =	vmul.f32 v57, v56  }
0x238: {  	v39 =	vunpack.i.u.bf16.f32 v45;
	v36 =	vunpack.i.l.bf16.f32 v45;
	v31 =	vunpack.i.l.bf16.f32 v47;
	v57 =	vld [tilespmem:s31+$0xFFFFFFB0]  }
0x239: {  	v34 =	vunpack.i.l.bf16.f32 v49;
	v24 =	vadd.f32 v43, v42;
	v42 =	vunpack.i.l.bf16.f32 v55;
	v55 =	vld [tilespmem:s0+$0xFFFFFFA0]  }
0x23a: {  	v43 =	vunpack.i.u.bf16.f32 v38;
	v54 =	vunpack.i.u.bf16.f32 v41;
	v30 =	vunpack.i.l.bf16.f32 v41;
	v41 =	vld [tilespmem:s31+$0xFFFFFFC0]  }
0x23b: {  	v31 =	vmul.f32 v31, v36;
	v25 =	vadd.f32 v59, v60;
	v46 =	vmul.f32 v44, v42;
	v60 =	vld [tilespmem:s0+$0xFFFFFFB0]  }
0x23c: {  	v28 =	vmul.f32 v43, v40;
	v50 =	vunpack.i.u.bf16.f32 v61;
	v32 =	vunpack.i.l.bf16.f32 v61;
	v44 =	vld [tilespmem:s0+$0xFFFFFFC0]  }
0x23d: {  	v40 =	vunpack.i.u.bf16.f32 v47;
	v29 =	vmul.f32 v30, v29;
	v56 =	vmul.f32 v54, v52;
	v52 =	vld [tilespmem:s0+$0xFFFFFFE0]  }
0x23e: {  	v59 =	vunpack.i.u.bf16.f32 v49;
	v61 =	vunpack.i.u.bf16.f32 v51;
	v42 =	vunpack.i.u.bf16.f32 v53;
	v54 =	vld [tilespmem:s31+$0xFFFFFFF0]  }
0x23f: {  	v35 =	vunpack.i.l.bf16.f32 v53;
	v32 =	vmul.f32 v32, v33;
	v62 =	vmul.f32 v61, v59;
	v61 =	vld [tilespmem:s0+$0x0]  }
0x240: {  	v58 =	vmul.f32 v40, v39;
	v23 =	vadd.f32 v25, v23;
	v25 =	vmul.f32 v50, v48;
	v48 =	vld [tilespmem:s0+$0xFFFFFFD0]  }
0x241: {  	v27 =	vadd.f32 v46, v28;
	v28 =	vunpack.i.l.bf16.f32 v51;
	v29 =	vadd.f32 v29, v56;
	v50 =	vld [tilespmem:s31+$0xFFFFFFE0]  }
0x242: {  	v56 =	vld [tilespmem:s0+$0xFFFFFFF0];
	v28 =	vmul.f32 v28, v34;
	v49 =	vadd.f32 v31, v58;
	v51 =	vunpack.i.u.bf16.f32 v57  }
0x243: {  	v33 =	vunpack.i.l.bf16.f32 v57;
	v58 =	vld [tilespmem:s31+$0x0];
	[tilespmem:$0xD238] =	vst v17;
	v17 =	vunpack.i.l.bf16.f32 v63;
	v43 =	vunpack.i.u.bf16.f32 v55  }
0x244: {  	v38 =	vunpack.i.l.bf16.f32 v55;
	v25 =	vadd.f32 v32, v25;
	v55 =	vunpack.i.u.bf16.f32 v41  }
0x245: {  	v41 =	vunpack.i.l.bf16.f32 v41;
	v46 =	vmul.f32 v38, v35;
	v47 =	vmul.f32 v43, v42  }
0x246: {  	v28 =	vadd.f32 v28, v62;
	v53 =	vunpack.i.u.bf16.f32 v60;
	v39 =	vunpack.i.l.bf16.f32 v60  }
0x247: {  	v57 =	vunpack.i.u.bf16.f32 v44;
	v44 =	vunpack.i.l.bf16.f32 v44;
	v29 =	vadd.f32 v49, v29  }
0x248: {  	v62 =	vunpack.i.u.bf16.f32 v63;
	v43 =	vunpack.i.l.bf16.f32 v52;
	v45 =	vunpack.i.u.bf16.f32 v54  }
0x249: {  	v33 =	vmul.f32 v39, v33;
	v34 =	vmul.f32 v53, v51;
	v25 =	vadd.f32 v25, v27  }
0x24a: {  	[tilespmem:$0xD220] =	vst v16;
	v59 =	vmul.f32 v44, v41;
	v60 =	vmul.f32 v57, v55;
	v41 =	vunpack.i.u.bf16.f32 v52  }
0x24b: {  	[tilespmem:$0xD250] =	vst v18;
	v51 =	vunpack.i.u.bf16.f32 v61;
	v52 =	vunpack.i.l.bf16.f32 v61;
	v32 =	vadd.f32 v46, v47  }
0x24c: {  	[tilespmem:$0xD268] =	vst v19;
	v63 =	vunpack.i.u.bf16.f32 v48;
	v37 =	vunpack.i.l.bf16.f32 v48;
	v38 =	vunpack.i.u.bf16.f32 v50  }
0x24d: {  	[tilespmem:$0xD280] =	vst v21;
	v31 =	vunpack.i.l.bf16.f32 v50;
	v46 =	vunpack.i.l.bf16.f32 v54;
	v47 =	vunpack.i.u.bf16.f32 v56  }
0x24e: {  	[tilespmem:$0xD298] =	vst v22;
	v48 =	vunpack.i.l.bf16.f32 v56;
	v16 =	vadd.f32 v33, v34;
	v17 =	vmul.f32 v37, v17  }
0x24f: {  	[tilespmem:$0xD2B0] =	vst v20;
	v27 =	vadd.f32 v59, v60;
	v30 =	vmul.f32 v63, v62;
	v44 =	vmul.f32 v43, v31  }
0x250: {  	[tilespmem:$0xD2C8] =	vst v24;
	v18 =	vmul.f32 v41, v38;
	v49 =	vunpack.i.u.bf16.f32 v58;
	v50 =	vunpack.i.l.bf16.f32 v58  }
0x251: {  	[tilespmem:$0xD2E0] =	vst v26;
	v22 =	vmul.f32 v48, v46;
	v19 =	vmul.f32 v47, v45;
	v28 =	vadd.f32 v32, v28  }
0x252: {  	[tilespmem:$0xD2F8] =	vst v23;
	v24 =	vmul.f32 v52, v50;
	v20 =	vmul.f32 v51, v49;
	v16 =	vadd.f32 v27, v16  }
0x253: {  	[tilespmem:$0xD328] =	vst v29;
	v17 =	vadd.f32 v17, v30;
	v18 =	vadd.f32 v44, v18  }
0x254: {  	[tilespmem:$0xD310] =	vst v25;
	v19 =	vadd.f32 v22, v19;
	v20 =	vadd.f32 v24, v20  }
0x255: {  	[tilespmem:$0xD340] =	vst v28;
	v17 =	vadd.f32 v18, v17  }
0x256: {  	[tilespmem:$0xD358] =	vst v16;
	v53 =	vadd.f32 v20, v19  }
0x257: {  	[tilespmem:$0xD370] =	vst v17  }
0x258: {  	s1 =	sshra.s32 s30, $0x2;
	[tilespmem:$0xD388] =	vst v53  }
0x259: {  	v16 =	vld [tilespmem:s1+$0x180]  }
0x25a: {  	v17 =	vld [tilespmem:s1+$0x380];
	_ =	sdelay $0x3  }
0x25b: {  	v16 =	vshll.u32 v16, $0x3  }
0x25c: {  	v17 =	vshll.u32 v17, $0x3;
	_ =	sdelay $0x3  }
0x25d: {  	v16 =	vld.idx.msk [tilespmem:v16+s16+$0x0], $0xffff  }
0x25e: {  	v17 =	vld.idx.msk [tilespmem:v17+s17+$0x0], $0xffff;
	_ =	sdelay $0x1  }
0x25f: {  	v18 =	vld.idx.msk [tilespmem:v0+s26+$0x0], $0xffff;
	_ =	sdelay $0x1  }
0x260: {  	v54 =	vld.idx.msk [tilespmem:v1+s26+$0x0], $0xffff  }
0x261: {  	v16 =	vadd.f32 v17, v16  }
0x262: {  	v17 =	vld.idx.msk [tilespmem:v2+s26+$0x0], $0xffff  }
0x263: {  	v16 =	vadd.f32 v18, v16  }
0x264: {  	v55 =	vld.idx.msk [tilespmem:v3+s26+$0x0], $0xffff  }
0x265: {  	v16 =	vadd.f32 v54, v16  }
0x266: {  	v56 =	vld.idx.msk [tilespmem:v4+s26+$0x0], $0xffff  }
0x267: {  	v16 =	vadd.f32 v17, v16  }
0x268: {  	v17 =	vld.idx.msk [tilespmem:v5+s26+$0x0], $0xffff  }
0x269: {  	v16 =	vadd.f32 v55, v16  }
0x26a: {  	v57 =	vld.idx.msk [tilespmem:v6+s26+$0x0], $0xffff  }
0x26b: {  	v16 =	vadd.f32 v56, v16  }
0x26c: {  	v58 =	vld.idx.msk [tilespmem:v7+s26+$0x0], $0xffff  }
0x26d: {  	v16 =	vadd.f32 v17, v16  }
0x26e: {  	v17 =	vld.idx.msk [tilespmem:v8+s26+$0x0], $0xffff  }
0x26f: {  	v16 =	vadd.f32 v57, v16  }
0x270: {  	v59 =	vld.idx.msk [tilespmem:v9+s26+$0x0], $0xffff  }
0x271: {  	v16 =	vadd.f32 v58, v16  }
0x272: {  	v60 =	vld.idx.msk [tilespmem:v10+s26+$0x0], $0xffff  }
0x273: {  	v16 =	vadd.f32 v17, v16  }
0x274: {  	v17 =	vld.idx.msk [tilespmem:v11+s26+$0x0], $0xffff  }
0x275: {  	v16 =	vadd.f32 v59, v16  }
0x276: {  	v61 =	vld.idx.msk [tilespmem:v12+s26+$0x0], $0xffff  }
0x277: {  	v16 =	vadd.f32 v60, v16  }
0x278: {  	v62 =	vld.idx.msk [tilespmem:v13+s26+$0x0], $0xffff  }
0x279: {  	v16 =	vadd.f32 v17, v16  }
0x27a: {  	v17 =	vld.idx.msk [tilespmem:v14+s26+$0x0], $0xffff  }
0x27b: {  	v16 =	vadd.f32 v61, v16  }
0x27c: {  	v63 =	vld.idx.msk [tilespmem:v15+s26+$0x0], $0xffff  }
0x27d: {  	v16 =	vadd.f32 v62, v16  }
0x27e: {  	p0 =	sne.s32 s30, $0x1C0  }
.Ltmp3:
0x27f: {  	v16 =	vadd.f32 v17, v16;
	(pc) =	sbr.rel @p0 .LBB2_8-.Ltmp3, $3  }
0x280: {  	_ = 	snop  }
0x281: {  	v16 =	vadd.f32 v63, v16;
	_ =	sdelay $0x1  }
0x282: {  	s30 =	sadd.s32 $0x40, s30;
	s0 =	sadd.s32 $0x200, s0;
	s31 =	sadd.s32 $0x200, s31;
	[tilespmem:s1+$0xD520] =	vst v16  }
0x283: {  	s29 =	sadd.s32 $0x1, s29  }
0x284: {  	p0 =	sne.s32 s29, s13  }
.Ltmp4:
0x285: {  	_ = 	snop;
	(pc) =	sbr.rel @p0 .LBB2_1-.Ltmp4, $4  }
0x286: {  	[hbm4b:s12+s4] =	stream.linear.scatter [tilespmem:s28], [sflag:$0x4], $0x200, $0x38;
	[tilespmem:$0xD5A0] =	vst v63  }
0x287: {  	_ =	swait.ge [sflag:s18], $0x200  }
0x288: {  	[sflag:s18] =	ssyncset.done $0x0  }
0x289: {  	[sflag:s18] =	ssyncadd.s32 $0xFFFFFE00  }
0x28a: {  	_ =	sfence.sel $0x180000  }
0x28b: {  	[bflag:$0x0] =	sbarrier.arrive $0xFFFF  }
0x28c: {  	_ =	strace $0x90000047  }
0x28d: {  	s0 =	stileid.u32;
	[bflag:$0x2] =	sbarrier.arrive $0xFFFF  }
0x28e: {  	p0 =	sne.s32 s0, $0x0;
	s0 =	rddreg [dreg:$0x6]  }
0x28f: {  	s0 =	sadd.s32 @!p0 $0x100000, s0  }
0x290: {  	[sflag:s0] =	ssyncadd.tile.s32 @!p0 $0x1;
	_ =	shalt  }
.Lfunc_end2:
_tile_overlayer_lowered:
.L_overlay_start_2:
0x291: {  	(tag) =	ssettag $0x2  }
0x292: {  	s0 =	rddreg [dreg:$0x0];
	s2 =	stileid.u32  }
0x293: {  	s1 =	rddreg [dreg:$0x1];
	p0 =	sne.s32 s2, $0x0  }
0x294: {  	s3 =	rddreg [dreg:$0x2];
	[bflag:$0x3] =	sbarrier.arrive $0xFFFF;
	s2 =	simm.s32 @!p0 $0x1C04  }
0x295: {  	[timem:s3], [sflag:s2] =	dma.local @!p0 [hbm:s0], s1  }
0x296: {  	s0 =	simm.s32 @!p0 $0x4  }
0x297: {  	_ =	swait.ge @!p0 [sflag:s0], s1  }
0x298: {  	s1 =	ssub.s32 @!p0 $0x0, s1;
	[sflag:s0] =	ssyncset.done @!p0 $0x0  }
0x299: {  	[sflag:s0] =	ssyncadd.s32 @!p0 s1  }
0x29a: {  	[bflag:$0x3] =	sbarrier.arrive $0xFFFF  }
0x29b: {  	_ =	shalt  }

</sc_bundles>
